<compile_context>
chip_gen: v7x
topology: tpu7x:2x2x1
jax: 0.10.2.dev20260603
libtpu: 0.0.44.dev20260713+nightly
codegen_flags: <defaults>
</compile_context>

<pallas_src>
import functools

import numpy as np

import jax
import jax.numpy as jnp
from jax import lax
from jax.experimental import pallas as pl
from jax.experimental.pallas import tpu as pltpu
from jax.experimental.pallas import tpu_sc as plsc

N, C, H, W = 2, 256, 100, 152
R = 512
PH = PW = 7
SR = 2
SCALE = 0.125

NC, NS, L = 2, 16, 16
NW = NC * NS
OUT_ROWS = R * PH * PW
G = 16
GROUPS_PER_W = OUT_ROWS // (NW * G)
SLOTS = SR * SR * 4
GR = SLOTS * G

NB = 3
NI = 4
NO = 2

def _mesh():
    return plsc.VectorSubcoreMesh(
        core_axis_name="c", subcore_axis_name="s", num_cores=NC, num_subcores=NS
    )


@functools.partial(
    pl.kernel,
    out_type=jax.ShapeDtypeStruct((OUT_ROWS, C), jnp.float32),
    mesh=_mesh(),
    compiler_params=pltpu.CompilerParams(needs_layout_passes=False),
    scratch_types=[
        pltpu.VMEM((R * 5,), jnp.float32),
        pltpu.VMEM((NI * GR,), jnp.int32),
        pltpu.VMEM((NI * GR,), jnp.float32),
        pltpu.VMEM((NB * GR, C // 2), jnp.int32),
        pltpu.VMEM((NO * G, C), jnp.float32),
        pltpu.VMEM((NO, L), jnp.int32),
        pltpu.SemaphoreType.DMA,
        pltpu.SemaphoreType.DMA,
    ],
)
def _roi_pool_sc(feat_hbm, rois_hbm, out_hbm, rois_v, idx_v, w_v, buf_v,
                 ostage_v, oidx_v, sem_g, sem_o):
    wid = lax.axis_index("s") * NC + lax.axis_index("c")
    pltpu.sync_copy(rois_hbm, rois_v)

    def emit(g):
        si = lax.rem(g, NI) * GR
        sb = lax.rem(g, NB) * GR
        base = wid * (GROUPS_PER_W * G) + g * G
        orv = base + lax.iota(jnp.int32, L)
        r = lax.div(orv, PH * PW)
        rem = lax.rem(orv, PH * PW)
        ph = lax.div(rem, PW)
        pw = lax.rem(rem, PW)

        r5 = r * 5
        col = lambda c: plsc.load_gather(rois_v, [r5 + c])
        b_i = col(0).astype(jnp.int32)
        x1 = col(1) * SCALE - 0.5
        y1 = col(2) * SCALE - 0.5
        x2 = col(3) * SCALE - 0.5
        y2 = col(4) * SCALE - 0.5
        bw = jnp.maximum(x2 - x1, 1.0) * (1.0 / PW)
        bh = jnp.maximum(y2 - y1, 1.0) * (1.0 / PH)
        base_row = b_i * (H * W)
        ph_f = ph.astype(jnp.float32)
        pw_f = pw.astype(jnp.float32)

        wy, ry = [], []
        for s in range(SR):
            ys = y1 + (ph_f + (0.5 + s) / SR) * bh
            vy = jnp.where((ys > -1.0) & (ys < float(H)), 0.5, 0.0)
            yc = jnp.clip(ys, 0.0, float(H - 1))
            y0i = yc.astype(jnp.int32)
            ly = yc - y0i.astype(jnp.float32)
            wy.append([(1.0 - ly) * vy, ly * vy])
            ry.append([y0i * W, jnp.minimum(y0i + 1, H - 1) * W])
        wx, rx = [], []
        for t in range(SR):
            xs = x1 + (pw_f + (0.5 + t) / SR) * bw
            vx = jnp.where((xs > -1.0) & (xs < float(W)), 0.5, 0.0)
            xc = jnp.clip(xs, 0.0, float(W - 1))
            x0i = xc.astype(jnp.int32)
            lx = xc - x0i.astype(jnp.float32)
            wx.append([(1.0 - lx) * vx, lx * vx])
            rx.append([x0i, jnp.minimum(x0i + 1, W - 1)])

        k = 0
        for s in range(SR):
            for t in range(SR):
                for i in range(2):
                    for j in range(2):
                        idx_v[pl.ds(si + k * L, L)] = (
                            base_row + ry[s][i] + rx[t][j])
                        w_v[pl.ds(si + k * L, L)] = wy[s][i] * wx[t][j]
                        k += 1

        h = GR // 2
        pltpu.async_copy(feat_hbm.at[idx_v.at[pl.ds(si, h)]],
                         buf_v.at[pl.ds(sb, h)], sem_g)
        pltpu.async_copy(feat_hbm.at[idx_v.at[pl.ds(si + h, h)]],
                         buf_v.at[pl.ds(sb + h, h)], sem_g)

    for g0 in range(NB):
        emit(g0)

    def group_body(g, _):
        si = lax.rem(g, NI) * GR
        sb = lax.rem(g, NB) * GR
        soslot = lax.rem(g, NO)
        so = soslot * G
        base = wid * (GROUPS_PER_W * G) + g * G

        pltpu.make_async_copy(feat_hbm.at[pl.ds(0, GR)],
                              buf_v.at[pl.ds(sb, GR)], sem_g).wait()

        @pl.when(g >= NO)
        def _():
            pltpu.make_async_copy(out_hbm.at[pl.ds(0, G)],
                                  ostage_v.at[pl.ds(so, G)], sem_o).wait()

        def o_body(o, _):
            accs = [jnp.zeros((L,), jnp.float32) for _ in range(C // L)]
            for kk in range(SLOTS):
                m = kk * L + o
                wv = plsc.load_gather(w_v, [lax.broadcast(si + m, (L,))])
                for j in range(C // 32):
                    a, b = plsc.unpack(
                        plsc.bitcast(buf_v[sb + m, pl.ds(j * L, L)],
                                     jnp.bfloat16),
                        format=plsc.PackFormat.INTERLEAVED,
                        preferred_element_type=jnp.float32,
                    )
                    accs[j] = accs[j] + wv * a
                    accs[j + C // 32] = accs[j + C // 32] + wv * b
            for j in range(C // 32):
                ostage_v[so + o, pl.ds(L * j, L)] = accs[j]
                ostage_v[so + o, pl.ds(C // 2 + L * j, L)] = (
                    accs[j + C // 32])
            return 0

        lax.fori_loop(0, G, o_body, 0)
        orv = base + lax.iota(jnp.int32, L)
        r = lax.div(orv, PH * PW)
        oidx_v[soslot] = lax.rem(orv, PH * PW) * R + r
        pltpu.async_copy(ostage_v.at[pl.ds(so, G)],
                         out_hbm.at[oidx_v.at[soslot]], sem_o)

        @pl.when(g + NB < GROUPS_PER_W)
        def _():
            emit(g + NB)

        return 0

    lax.fori_loop(0, GROUPS_PER_W, group_body, 0)
    for _ in range(NO):
        pltpu.make_async_copy(out_hbm.at[pl.ds(0, G)],
                              ostage_v.at[pl.ds(0, G)], sem_o).wait()


def kernel(input, rois):
    xb = input.astype(jnp.bfloat16)
    lo = lax.bitcast_convert_type(xb[:, :C // 2], jnp.uint16).astype(jnp.uint32)
    hi = lax.bitcast_convert_type(xb[:, C // 2:], jnp.uint16).astype(jnp.uint32)
    w = lo | (hi << 16)
    feat_i32 = lax.bitcast_convert_type(
        jnp.transpose(w, (0, 2, 3, 1)).reshape(N * H * W, C // 2), jnp.int32)
    out_rows = _roi_pool_sc(feat_i32, rois.reshape(-1))
    return out_rows.reshape(PH, PW, R, C).transpose(2, 3, 0, 1)

# --- scband reference (transcript-rebuilt; emitter-appended) ---
"""Pipeline reference for scband-general-deform-ro-ipool-13469017440351 (READ-ONLY COPY).

The authoritative reference and input builder live on the scoring server;
editing this copy changes nothing except your own understanding.
"""

import jax, jax.numpy as jnp
import numpy as np

OUT = (7, 7)
SCALE = 0.125
SR = 2  # sampling_ratio


def setup_inputs(seed: int = 0) -> dict:
    key = jax.random.key(seed)
    k1, k2, k3, k4 = jax.random.split(key, 4)
    N, C, H, W = 2, 256, 100, 152
    x = jax.random.normal(k1, (N, C, H, W), dtype=jnp.float32)
    R = 512
    b = jax.random.randint(k2, (R,), 0, N).astype(jnp.float32)
    # RoIs in input-image coordinates (feature map is at spatial_scale=1/8)
    cx = jax.random.uniform(k3, (R, 2), dtype=jnp.float32) * (W / SCALE)
    cy = jax.random.uniform(k4, (R, 2), dtype=jnp.float32) * (H / SCALE)
    x1 = jnp.min(cx, axis=1)
    x2 = jnp.max(cx, axis=1)
    y1 = jnp.min(cy, axis=1)
    y2 = jnp.max(cy, axis=1)
    rois = jnp.stack([b, x1, y1, x2, y2], axis=1).astype(jnp.float32)
    return {"input": x, "rois": rois}


def reference(input, rois):
    # GeneralDeformRoIPool with rescale=None, offset=None reduces to
    # deformable RoI pooling with zero offsets == RoI-Align-style average pooling
    # (aligned, -0.5 pixel shift, roi size clamped to >= 1).
    N, C, H, W = input.shape
    PH, PW = OUT
    R = rois.shape[0]
    bidx = rois[:, 0].astype(jnp.int32)
    x1 = rois[:, 1] * SCALE - 0.5
    y1 = rois[:, 2] * SCALE - 0.5
    x2 = rois[:, 3] * SCALE - 0.5
    y2 = rois[:, 4] * SCALE - 0.5
    roi_w = jnp.maximum(x2 - x1, 1.0)
    roi_h = jnp.maximum(y2 - y1, 1.0)
    bw = roi_w / PW
    bh = roi_h / PH
    frac = (jnp.arange(SR, dtype=jnp.float32) + 0.5) / SR
    ph = jnp.arange(PH, dtype=jnp.float32)
    pw = jnp.arange(PW, dtype=jnp.float32)
    ys = y1[:, None, None] + (ph[None, :, None] + frac[None, None, :]) * bh[:, None, None]  # [R,PH,SR]
    xs = x1[:, None, None] + (pw[None, :, None] + frac[None, None, :]) * bw[:, None, None]  # [R,PW,SR]
    Y = jnp.broadcast_to(ys[:, :, None, :, None], (R, PH, PW, SR, SR)).reshape(-1)
    X = jnp.broadcast_to(xs[:, None, :, None, :], (R, PH, PW, SR, SR)).reshape(-1)
    B = jnp.broadcast_to(bidx[:, None, None, None, None], (R, PH, PW, SR, SR)).reshape(-1)
    feat2 = jnp.transpose(input, (0, 2, 3, 1)).reshape(N * H * W, C)
    valid = (Y > -1.0) & (Y < H) & (X > -1.0) & (X < W)
    yc = jnp.clip(Y, 0.0, H - 1.0)
    xc = jnp.clip(X, 0.0, W - 1.0)
    y0 = jnp.floor(yc).astype(jnp.int32)
    x0 = jnp.floor(xc).astype(jnp.int32)
    y1i = jnp.minimum(y0 + 1, H - 1)
    x1i = jnp.minimum(x0 + 1, W - 1)
    ly = yc - y0.astype(jnp.float32)
    lx = xc - x0.astype(jnp.float32)
    hy = 1.0 - ly
    hx = 1.0 - lx
    base = B * (H * W)

    def g(yi, xi):
        return jnp.take(feat2, base + yi * W + xi, axis=0)

    v = ((hy * hx)[:, None] * g(y0, x0)
         + (hy * lx)[:, None] * g(y0, x1i)
         + (ly * hx)[:, None] * g(y1i, x0)
         + (ly * lx)[:, None] * g(y1i, x1i))
    v = v * valid[:, None].astype(v.dtype)
    v = v.reshape(R, PH, PW, SR * SR, C).mean(axis=3)  # average over sampling grid
    out = jnp.transpose(v, (0, 3, 1, 2))  # [R, C, PH, PW]
    return out

if __name__ == "__main__":
    import jax
    _d = setup_inputs()
    print(jax.jit(kernel)(*tuple(_d.values())))

</pallas_src>

<mosaic_0001>
#map = affine_map<(d0, d1) -> (0, 0)>
#map1 = affine_map<(d0, d1) -> (0)>
module attributes {stable_mosaic.version = 14 : i64} {
  func.func @_roi_pool_sc(%arg0: i32, %arg1: i32, %arg2: memref<30400x128xi32, #tpu.memory_space<hbm>>, %arg3: memref<2560xf32, #tpu.memory_space<hbm>>, %arg4: memref<25088x256xf32, #tpu.memory_space<hbm>>, %arg5: memref<2560xf32, #tpu.memory_space<vmem>>, %arg6: memref<1024xi32, #tpu.memory_space<vmem>>, %arg7: memref<1024xf32, #tpu.memory_space<vmem>>, %arg8: memref<768x128xi32, #tpu.memory_space<vmem>>, %arg9: memref<32x256xf32, #tpu.memory_space<vmem>>, %arg10: memref<2x16xi32, #tpu.memory_space<vmem>>, %arg11: memref<!tpu.dma_semaphore, #tpu.memory_space<semaphore_mem>>, %arg12: memref<!tpu.dma_semaphore, #tpu.memory_space<semaphore_mem>>) attributes {dimension_semantics = [#tpu.dimension_semantics<core_parallel>, #tpu.dimension_semantics<subcore_parallel>], iteration_bounds = array<i64: 2, 16>, scalar_prefetch = 0 : i64, scratch_operands = 8 : i64, tpu.core_type = #tpu.core_type<sc_vector_subcore>, window_params = [{transform_indices = #map}, {transform_indices = #map1}, {transform_indices = #map}]} {
    %mul3A = arith.constant 2 : i32
    %mul3A_0 = arith.muli %arg1, %mul3A : i32
    %add3A = arith.addi %mul3A_0, %arg0 : i32
    "tpu.region"() ({
      %run_scoped3A = tpu.sem_alloc : memref<!tpu.dma_semaphore, #tpu.memory_space<semaphore_mem>>
      tpu.enqueue_dma source(%arg3 : memref<2560xf32, #tpu.memory_space<hbm>>) target(%arg5 : memref<2560xf32, #tpu.memory_space<vmem>>) target_semaphore(%run_scoped3A : memref<!tpu.dma_semaphore, #tpu.memory_space<semaphore_mem>>)
      tpu.wait_dma2 semaphore(%run_scoped3A : memref<!tpu.dma_semaphore, #tpu.memory_space<semaphore_mem>>) src(%arg3 : memref<2560xf32, #tpu.memory_space<hbm>>) dst(%arg5 : memref<2560xf32, #tpu.memory_space<vmem>>)
      tpu.yield
    }) : () -> ()
    %rem3A = arith.constant 0 : i32
    %rem3A_1 = arith.constant 4 : i32
    %rem3A_2 = arith.remsi %rem3A, %rem3A_1 : i32
    %mul3A_3 = arith.constant 256 : i32
    %mul3A_4 = arith.muli %rem3A_2, %mul3A_3 : i32
    %rem3A_5 = arith.constant 0 : i32
    %rem3A_6 = arith.constant 3 : i32
    %rem3A_7 = arith.remsi %rem3A_5, %rem3A_6 : i32
    %mul3A_8 = arith.constant 256 : i32
    %mul3A_9 = arith.muli %rem3A_7, %mul3A_8 : i32
    %mul3A_10 = arith.constant 784 : i32
    %mul3A_11 = arith.muli %add3A, %mul3A_10 : i32
    %add3A_12 = arith.constant 0 : i32
    %add3A_13 = arith.addi %mul3A_11, %add3A_12 : i32
    %iota3A = tpu.iota {dimensions = array<i32: 0>} : vector<16xi32>
    %add3A_14 = vector.broadcast %add3A_13 : i32 to vector<16xi32>
    %add3A_15 = arith.addi %add3A_14, %iota3A : vector<16xi32>
    %div3A = arith.constant 49 : i32
    %div3A_16 = vector.broadcast %div3A : i32 to vector<16xi32>
    %div3A_17 = arith.divsi %add3A_15, %div3A_16 : vector<16xi32>
    %rem3A_18 = arith.constant 49 : i32
    %rem3A_19 = vector.broadcast %rem3A_18 : i32 to vector<16xi32>
    %rem3A_20 = arith.remsi %add3A_15, %rem3A_19 : vector<16xi32>
    %div3A_21 = arith.constant 7 : i32
    %div3A_22 = vector.broadcast %div3A_21 : i32 to vector<16xi32>
    %div3A_23 = arith.divsi %rem3A_20, %div3A_22 : vector<16xi32>
    %rem3A_24 = arith.constant 7 : i32
    %rem3A_25 = vector.broadcast %rem3A_24 : i32 to vector<16xi32>
    %rem3A_26 = arith.remsi %rem3A_20, %rem3A_25 : vector<16xi32>
    %mul3A_27 = arith.constant 5 : i32
    %mul3A_28 = vector.broadcast %mul3A_27 : i32 to vector<16xi32>
    %mul3A_29 = arith.muli %div3A_17, %mul3A_28 : vector<16xi32>
    %add3A_30 = arith.constant 0 : i32
    %add3A_31 = vector.broadcast %add3A_30 : i32 to vector<16xi32>
    %add3A_32 = arith.addi %mul3A_29, %add3A_31 : vector<16xi32>
    %gather3A = tpu.vector_load_idx %arg5[%add3A_32] : memref<2560xf32, #tpu.memory_space<vmem>>[vector<16xi32>], vector<16xf32>,
    %convert_element_type3A = arith.fptosi %gather3A : vector<16xf32> to vector<16xi32>
    %add3A_33 = arith.constant 1 : i32
    %add3A_34 = vector.broadcast %add3A_33 : i32 to vector<16xi32>
    %add3A_35 = arith.addi %mul3A_29, %add3A_34 : vector<16xi32>
    %gather3A_36 = tpu.vector_load_idx %arg5[%add3A_35] : memref<2560xf32, #tpu.memory_space<vmem>>[vector<16xi32>], vector<16xf32>,
    %mul3A_37 = arith.constant 1.250000e-01 : f32
    %mul3A_38 = vector.broadcast %mul3A_37 : f32 to vector<16xf32>
    %mul3A_39 = arith.mulf %gather3A_36, %mul3A_38 : vector<16xf32>
    %sub3A = arith.constant 5.000000e-01 : f32
    %sub3A_40 = vector.broadcast %sub3A : f32 to vector<16xf32>
    %sub3A_41 = arith.subf %mul3A_39, %sub3A_40 : vector<16xf32>
    %add3A_42 = arith.constant 2 : i32
    %add3A_43 = vector.broadcast %add3A_42 : i32 to vector<16xi32>
    %add3A_44 = arith.addi %mul3A_29, %add3A_43 : vector<16xi32>
    %gather3A_45 = tpu.vector_load_idx %arg5[%add3A_44] : memref<2560xf32, #tpu.memory_space<vmem>>[vector<16xi32>], vector<16xf32>,
    %mul3A_46 = arith.constant 1.250000e-01 : f32
    %mul3A_47 = vector.broadcast %mul3A_46 : f32 to vector<16xf32>
    %mul3A_48 = arith.mulf %gather3A_45, %mul3A_47 : vector<16xf32>
    %sub3A_49 = arith.constant 5.000000e-01 : f32
    %sub3A_50 = vector.broadcast %sub3A_49 : f32 to vector<16xf32>
    %sub3A_51 = arith.subf %mul3A_48, %sub3A_50 : vector<16xf32>
    %add3A_52 = arith.constant 3 : i32
    %add3A_53 = vector.broadcast %add3A_52 : i32 to vector<16xi32>
    %add3A_54 = arith.addi %mul3A_29, %add3A_53 : vector<16xi32>
    %gather3A_55 = tpu.vector_load_idx %arg5[%add3A_54] : memref<2560xf32, #tpu.memory_space<vmem>>[vector<16xi32>], vector<16xf32>,
    %mul3A_56 = arith.constant 1.250000e-01 : f32
    %mul3A_57 = vector.broadcast %mul3A_56 : f32 to vector<16xf32>
    %mul3A_58 = arith.mulf %gather3A_55, %mul3A_57 : vector<16xf32>
    %sub3A_59 = arith.constant 5.000000e-01 : f32
    %sub3A_60 = vector.broadcast %sub3A_59 : f32 to vector<16xf32>
    %sub3A_61 = arith.subf %mul3A_58, %sub3A_60 : vector<16xf32>
    %add3A_62 = arith.constant 4 : i32
    %add3A_63 = vector.broadcast %add3A_62 : i32 to vector<16xi32>
    %add3A_64 = arith.addi %mul3A_29, %add3A_63 : vector<16xi32>
    %gather3A_65 = tpu.vector_load_idx %arg5[%add3A_64] : memref<2560xf32, #tpu.memory_space<vmem>>[vector<16xi32>], vector<16xf32>,
    %mul3A_66 = arith.constant 1.250000e-01 : f32
    %mul3A_67 = vector.broadcast %mul3A_66 : f32 to vector<16xf32>
    %mul3A_68 = arith.mulf %gather3A_65, %mul3A_67 : vector<16xf32>
    %sub3A_69 = arith.constant 5.000000e-01 : f32
    %sub3A_70 = vector.broadcast %sub3A_69 : f32 to vector<16xf32>
    %sub3A_71 = arith.subf %mul3A_68, %sub3A_70 : vector<16xf32>
    %sub3A_72 = arith.subf %sub3A_61, %sub3A_41 : vector<16xf32>
    %max3A = arith.constant 1.000000e+00 : f32
    %max3A_73 = vector.broadcast %max3A : f32 to vector<16xf32>
    %max3A_74 = arith.maximumf %sub3A_72, %max3A_73 : vector<16xf32>
    %mul3A_75 = arith.constant 0.142857149 : f32
    %mul3A_76 = vector.broadcast %mul3A_75 : f32 to vector<16xf32>
    %mul3A_77 = arith.mulf %max3A_74, %mul3A_76 : vector<16xf32>
    %sub3A_78 = arith.subf %sub3A_71, %sub3A_51 : vector<16xf32>
    %max3A_79 = arith.constant 1.000000e+00 : f32
    %max3A_80 = vector.broadcast %max3A_79 : f32 to vector<16xf32>
    %max3A_81 = arith.maximumf %sub3A_78, %max3A_80 : vector<16xf32>
    %mul3A_82 = arith.constant 0.142857149 : f32
    %mul3A_83 = vector.broadcast %mul3A_82 : f32 to vector<16xf32>
    %mul3A_84 = arith.mulf %max3A_81, %mul3A_83 : vector<16xf32>
    %mul3A_85 = arith.constant 15200 : i32
    %mul3A_86 = vector.broadcast %mul3A_85 : i32 to vector<16xi32>
    %mul3A_87 = arith.muli %convert_element_type3A, %mul3A_86 : vector<16xi32>
    %convert_element_type3A_88 = arith.sitofp %div3A_23 : vector<16xi32> to vector<16xf32>
    %convert_element_type3A_89 = arith.sitofp %rem3A_26 : vector<16xi32> to vector<16xf32>
    %add3A_90 = arith.constant 2.500000e-01 : f32
    %add3A_91 = vector.broadcast %add3A_90 : f32 to vector<16xf32>
    %add3A_92 = arith.addf %convert_element_type3A_88, %add3A_91 : vector<16xf32>
    %mul3A_93 = arith.mulf %add3A_92, %mul3A_84 : vector<16xf32>
    %add3A_94 = arith.addf %sub3A_51, %mul3A_93 : vector<16xf32>
    %gt3A = arith.constant -1.000000e+00 : f32
    %gt3A_95 = vector.broadcast %gt3A : f32 to vector<16xf32>
    %gt3A_96 = arith.cmpf ogt, %add3A_94, %gt3A_95 : vector<16xf32>
    %lt3A = arith.constant 1.000000e+02 : f32
    %lt3A_97 = vector.broadcast %lt3A : f32 to vector<16xf32>
    %lt3A_98 = arith.cmpf olt, %add3A_94, %lt3A_97 : vector<16xf32>
    %and3A = arith.andi %gt3A_96, %lt3A_98 : vector<16xi1>
    %jit3A = arith.constant 5.000000e-01 : f32
    %jit3A_99 = arith.constant 0.000000e+00 : f32
    %broadcast_in_dim3A = vector.broadcast %jit3A : f32 to vector<16xf32>
    %broadcast_in_dim3A_100 = vector.broadcast %jit3A_99 : f32 to vector<16xf32>
    %select_n3A = arith.select %and3A, %broadcast_in_dim3A, %broadcast_in_dim3A_100 : vector<16xi1>, vector<16xf32>
    %jit3A_101 = arith.constant 0.000000e+00 : f32
    %jit3A_102 = arith.constant 9.900000e+01 : f32
    %max3A_103 = vector.broadcast %jit3A_101 : f32 to vector<16xf32>
    %max3A_104 = arith.maximumf %max3A_103, %add3A_94 : vector<16xf32>
    %min3A = vector.broadcast %jit3A_102 : f32 to vector<16xf32>
    %min3A_105 = arith.minimumf %min3A, %max3A_104 : vector<16xf32>
    %convert_element_type3A_106 = arith.fptosi %min3A_105 : vector<16xf32> to vector<16xi32>
    %convert_element_type3A_107 = arith.sitofp %convert_element_type3A_106 : vector<16xi32> to vector<16xf32>
    %sub3A_108 = arith.subf %min3A_105, %convert_element_type3A_107 : vector<16xf32>
    %sub3A_109 = arith.constant 1.000000e+00 : f32
    %sub3A_110 = vector.broadcast %sub3A_109 : f32 to vector<16xf32>
    %sub3A_111 = arith.subf %sub3A_110, %sub3A_108 : vector<16xf32>
    %mul3A_112 = arith.mulf %sub3A_111, %select_n3A : vector<16xf32>
    %mul3A_113 = arith.mulf %sub3A_108, %select_n3A : vector<16xf32>
    %mul3A_114 = arith.constant 152 : i32
    %mul3A_115 = vector.broadcast %mul3A_114 : i32 to vector<16xi32>
    %mul3A_116 = arith.muli %convert_element_type3A_106, %mul3A_115 : vector<16xi32>
    %add3A_117 = arith.constant 1 : i32
    %add3A_118 = vector.broadcast %add3A_117 : i32 to vector<16xi32>
    %add3A_119 = arith.addi %convert_element_type3A_106, %add3A_118 : vector<16xi32>
    %min3A_120 = arith.constant 99 : i32
    %min3A_121 = vector.broadcast %min3A_120 : i32 to vector<16xi32>
    %min3A_122 = arith.minsi %add3A_119, %min3A_121 : vector<16xi32>
    %mul3A_123 = arith.constant 152 : i32
    %mul3A_124 = vector.broadcast %mul3A_123 : i32 to vector<16xi32>
    %mul3A_125 = arith.muli %min3A_122, %mul3A_124 : vector<16xi32>
    %add3A_126 = arith.constant 7.500000e-01 : f32
    %add3A_127 = vector.broadcast %add3A_126 : f32 to vector<16xf32>
    %add3A_128 = arith.addf %convert_element_type3A_88, %add3A_127 : vector<16xf32>
    %mul3A_129 = arith.mulf %add3A_128, %mul3A_84 : vector<16xf32>
    %add3A_130 = arith.addf %sub3A_51, %mul3A_129 : vector<16xf32>
    %gt3A_131 = arith.constant -1.000000e+00 : f32
    %gt3A_132 = vector.broadcast %gt3A_131 : f32 to vector<16xf32>
    %gt3A_133 = arith.cmpf ogt, %add3A_130, %gt3A_132 : vector<16xf32>
    %lt3A_134 = arith.constant 1.000000e+02 : f32
    %lt3A_135 = vector.broadcast %lt3A_134 : f32 to vector<16xf32>
    %lt3A_136 = arith.cmpf olt, %add3A_130, %lt3A_135 : vector<16xf32>
    %and3A_137 = arith.andi %gt3A_133, %lt3A_136 : vector<16xi1>
    %jit3A_138 = arith.constant 5.000000e-01 : f32
    %jit3A_139 = arith.constant 0.000000e+00 : f32
    %broadcast_in_dim3A_140 = vector.broadcast %jit3A_138 : f32 to vector<16xf32>
    %broadcast_in_dim3A_141 = vector.broadcast %jit3A_139 : f32 to vector<16xf32>
    %select_n3A_142 = arith.select %and3A_137, %broadcast_in_dim3A_140, %broadcast_in_dim3A_141 : vector<16xi1>, vector<16xf32>
    %jit3A_143 = arith.constant 0.000000e+00 : f32
    %jit3A_144 = arith.constant 9.900000e+01 : f32
    %max3A_145 = vector.broadcast %jit3A_143 : f32 to vector<16xf32>
    %max3A_146 = arith.maximumf %max3A_145, %add3A_130 : vector<16xf32>
    %min3A_147 = vector.broadcast %jit3A_144 : f32 to vector<16xf32>
    %min3A_148 = arith.minimumf %min3A_147, %max3A_146 : vector<16xf32>
    %convert_element_type3A_149 = arith.fptosi %min3A_148 : vector<16xf32> to vector<16xi32>
    %convert_element_type3A_150 = arith.sitofp %convert_element_type3A_149 : vector<16xi32> to vector<16xf32>
    %sub3A_151 = arith.subf %min3A_148, %convert_element_type3A_150 : vector<16xf32>
    %sub3A_152 = arith.constant 1.000000e+00 : f32
    %sub3A_153 = vector.broadcast %sub3A_152 : f32 to vector<16xf32>
    %sub3A_154 = arith.subf %sub3A_153, %sub3A_151 : vector<16xf32>
    %mul3A_155 = arith.mulf %sub3A_154, %select_n3A_142 : vector<16xf32>
    %mul3A_156 = arith.mulf %sub3A_151, %select_n3A_142 : vector<16xf32>
    %mul3A_157 = arith.constant 152 : i32
    %mul3A_158 = vector.broadcast %mul3A_157 : i32 to vector<16xi32>
    %mul3A_159 = arith.muli %convert_element_type3A_149, %mul3A_158 : vector<16xi32>
    %add3A_160 = arith.constant 1 : i32
    %add3A_161 = vector.broadcast %add3A_160 : i32 to vector<16xi32>
    %add3A_162 = arith.addi %convert_element_type3A_149, %add3A_161 : vector<16xi32>
    %min3A_163 = arith.constant 99 : i32
    %min3A_164 = vector.broadcast %min3A_163 : i32 to vector<16xi32>
    %min3A_165 = arith.minsi %add3A_162, %min3A_164 : vector<16xi32>
    %mul3A_166 = arith.constant 152 : i32
    %mul3A_167 = vector.broadcast %mul3A_166 : i32 to vector<16xi32>
    %mul3A_168 = arith.muli %min3A_165, %mul3A_167 : vector<16xi32>
    %add3A_169 = arith.constant 2.500000e-01 : f32
    %add3A_170 = vector.broadcast %add3A_169 : f32 to vector<16xf32>
    %add3A_171 = arith.addf %convert_element_type3A_89, %add3A_170 : vector<16xf32>
    %mul3A_172 = arith.mulf %add3A_171, %mul3A_77 : vector<16xf32>
    %add3A_173 = arith.addf %sub3A_41, %mul3A_172 : vector<16xf32>
    %gt3A_174 = arith.constant -1.000000e+00 : f32
    %gt3A_175 = vector.broadcast %gt3A_174 : f32 to vector<16xf32>
    %gt3A_176 = arith.cmpf ogt, %add3A_173, %gt3A_175 : vector<16xf32>
    %lt3A_177 = arith.constant 1.520000e+02 : f32
    %lt3A_178 = vector.broadcast %lt3A_177 : f32 to vector<16xf32>
    %lt3A_179 = arith.cmpf olt, %add3A_173, %lt3A_178 : vector<16xf32>
    %and3A_180 = arith.andi %gt3A_176, %lt3A_179 : vector<16xi1>
    %jit3A_181 = arith.constant 5.000000e-01 : f32
    %jit3A_182 = arith.constant 0.000000e+00 : f32
    %broadcast_in_dim3A_183 = vector.broadcast %jit3A_181 : f32 to vector<16xf32>
    %broadcast_in_dim3A_184 = vector.broadcast %jit3A_182 : f32 to vector<16xf32>
    %select_n3A_185 = arith.select %and3A_180, %broadcast_in_dim3A_183, %broadcast_in_dim3A_184 : vector<16xi1>, vector<16xf32>
    %jit3A_186 = arith.constant 0.000000e+00 : f32
    %jit3A_187 = arith.constant 1.510000e+02 : f32
    %max3A_188 = vector.broadcast %jit3A_186 : f32 to vector<16xf32>
    %max3A_189 = arith.maximumf %max3A_188, %add3A_173 : vector<16xf32>
    %min3A_190 = vector.broadcast %jit3A_187 : f32 to vector<16xf32>
    %min3A_191 = arith.minimumf %min3A_190, %max3A_189 : vector<16xf32>
    %convert_element_type3A_192 = arith.fptosi %min3A_191 : vector<16xf32> to vector<16xi32>
    %convert_element_type3A_193 = arith.sitofp %convert_element_type3A_192 : vector<16xi32> to vector<16xf32>
    %sub3A_194 = arith.subf %min3A_191, %convert_element_type3A_193 : vector<16xf32>
    %sub3A_195 = arith.constant 1.000000e+00 : f32
    %sub3A_196 = vector.broadcast %sub3A_195 : f32 to vector<16xf32>
    %sub3A_197 = arith.subf %sub3A_196, %sub3A_194 : vector<16xf32>
    %mul3A_198 = arith.mulf %sub3A_197, %select_n3A_185 : vector<16xf32>
    %mul3A_199 = arith.mulf %sub3A_194, %select_n3A_185 : vector<16xf32>
    %add3A_200 = arith.constant 1 : i32
    %add3A_201 = vector.broadcast %add3A_200 : i32 to vector<16xi32>
    %add3A_202 = arith.addi %convert_element_type3A_192, %add3A_201 : vector<16xi32>
    %min3A_203 = arith.constant 151 : i32
    %min3A_204 = vector.broadcast %min3A_203 : i32 to vector<16xi32>
    %min3A_205 = arith.minsi %add3A_202, %min3A_204 : vector<16xi32>
    %add3A_206 = arith.constant 7.500000e-01 : f32
    %add3A_207 = vector.broadcast %add3A_206 : f32 to vector<16xf32>
    %add3A_208 = arith.addf %convert_element_type3A_89, %add3A_207 : vector<16xf32>
    %mul3A_209 = arith.mulf %add3A_208, %mul3A_77 : vector<16xf32>
    %add3A_210 = arith.addf %sub3A_41, %mul3A_209 : vector<16xf32>
    %gt3A_211 = arith.constant -1.000000e+00 : f32
    %gt3A_212 = vector.broadcast %gt3A_211 : f32 to vector<16xf32>
    %gt3A_213 = arith.cmpf ogt, %add3A_210, %gt3A_212 : vector<16xf32>
    %lt3A_214 = arith.constant 1.520000e+02 : f32
    %lt3A_215 = vector.broadcast %lt3A_214 : f32 to vector<16xf32>
    %lt3A_216 = arith.cmpf olt, %add3A_210, %lt3A_215 : vector<16xf32>
    %and3A_217 = arith.andi %gt3A_213, %lt3A_216 : vector<16xi1>
    %jit3A_218 = arith.constant 5.000000e-01 : f32
    %jit3A_219 = arith.constant 0.000000e+00 : f32
    %broadcast_in_dim3A_220 = vector.broadcast %jit3A_218 : f32 to vector<16xf32>
    %broadcast_in_dim3A_221 = vector.broadcast %jit3A_219 : f32 to vector<16xf32>
    %select_n3A_222 = arith.select %and3A_217, %broadcast_in_dim3A_220, %broadcast_in_dim3A_221 : vector<16xi1>, vector<16xf32>
    %jit3A_223 = arith.constant 0.000000e+00 : f32
    %jit3A_224 = arith.constant 1.510000e+02 : f32
    %max3A_225 = vector.broadcast %jit3A_223 : f32 to vector<16xf32>
    %max3A_226 = arith.maximumf %max3A_225, %add3A_210 : vector<16xf32>
    %min3A_227 = vector.broadcast %jit3A_224 : f32 to vector<16xf32>
    %min3A_228 = arith.minimumf %min3A_227, %max3A_226 : vector<16xf32>
    %convert_element_type3A_229 = arith.fptosi %min3A_228 : vector<16xf32> to vector<16xi32>
    %convert_element_type3A_230 = arith.sitofp %convert_element_type3A_229 : vector<16xi32> to vector<16xf32>
    %sub3A_231 = arith.subf %min3A_228, %convert_element_type3A_230 : vector<16xf32>
    %sub3A_232 = arith.constant 1.000000e+00 : f32
    %sub3A_233 = vector.broadcast %sub3A_232 : f32 to vector<16xf32>
    %sub3A_234 = arith.subf %sub3A_233, %sub3A_231 : vector<16xf32>
    %mul3A_235 = arith.mulf %sub3A_234, %select_n3A_222 : vector<16xf32>
    %mul3A_236 = arith.mulf %sub3A_231, %select_n3A_222 : vector<16xf32>
    %add3A_237 = arith.constant 1 : i32
    %add3A_238 = vector.broadcast %add3A_237 : i32 to vector<16xi32>
    %add3A_239 = arith.addi %convert_element_type3A_229, %add3A_238 : vector<16xi32>
    %min3A_240 = arith.constant 151 : i32
    %min3A_241 = vector.broadcast %min3A_240 : i32 to vector<16xi32>
    %min3A_242 = arith.minsi %add3A_239, %min3A_241 : vector<16xi32>
    %add3A_243 = arith.addi %mul3A_87, %mul3A_116 : vector<16xi32>
    %add3A_244 = arith.addi %add3A_243, %convert_element_type3A_192 : vector<16xi32>
    %add3A_245 = arith.constant 0 : i32
    %add3A_246 = arith.addi %mul3A_4, %add3A_245 : i32
    %swap3A = arith.index_cast %add3A_246 : i32 to index
    %swap3A_247 = tpu.vector_load %arg6[%swap3A] {strides = array<i32>} : memref<1024xi32, #tpu.memory_space<vmem>>, vector<16xi32>,
    tpu.vector_store %arg6[%swap3A], %add3A_244 {strides = array<i32>} : memref<1024xi32, #tpu.memory_space<vmem>>, vector<16xi32>,
    %mul3A_248 = arith.mulf %mul3A_112, %mul3A_198 : vector<16xf32>
    %add3A_249 = arith.constant 0 : i32
    %add3A_250 = arith.addi %mul3A_4, %add3A_249 : i32
    %swap3A_251 = arith.index_cast %add3A_250 : i32 to index
    %swap3A_252 = tpu.vector_load %arg7[%swap3A_251] {strides = array<i32>} : memref<1024xf32, #tpu.memory_space<vmem>>, vector<16xf32>,
    tpu.vector_store %arg7[%swap3A_251], %mul3A_248 {strides = array<i32>} : memref<1024xf32, #tpu.memory_space<vmem>>, vector<16xf32>,
    %add3A_253 = arith.addi %mul3A_87, %mul3A_116 : vector<16xi32>
    %add3A_254 = arith.addi %add3A_253, %min3A_205 : vector<16xi32>
    %add3A_255 = arith.constant 16 : i32
    %add3A_256 = arith.addi %mul3A_4, %add3A_255 : i32
    %swap3A_257 = arith.index_cast %add3A_256 : i32 to index
    %swap3A_258 = tpu.vector_load %arg6[%swap3A_257] {strides = array<i32>} : memref<1024xi32, #tpu.memory_space<vmem>>, vector<16xi32>,
    tpu.vector_store %arg6[%swap3A_257], %add3A_254 {strides = array<i32>} : memref<1024xi32, #tpu.memory_space<vmem>>, vector<16xi32>,
    %mul3A_259 = arith.mulf %mul3A_112, %mul3A_199 : vector<16xf32>
    %add3A_260 = arith.constant 16 : i32
    %add3A_261 = arith.addi %mul3A_4, %add3A_260 : i32
    %swap3A_262 = arith.index_cast %add3A_261 : i32 to index
    %swap3A_263 = tpu.vector_load %arg7[%swap3A_262] {strides = array<i32>} : memref<1024xf32, #tpu.memory_space<vmem>>, vector<16xf32>,
    tpu.vector_store %arg7[%swap3A_262], %mul3A_259 {strides = array<i32>} : memref<1024xf32, #tpu.memory_space<vmem>>, vector<16xf32>,
    %add3A_264 = arith.addi %mul3A_87, %mul3A_125 : vector<16xi32>
    %add3A_265 = arith.addi %add3A_264, %convert_element_type3A_192 : vector<16xi32>
    %add3A_266 = arith.constant 32 : i32
    %add3A_267 = arith.addi %mul3A_4, %add3A_266 : i32
    %swap3A_268 = arith.index_cast %add3A_267 : i32 to index
    %swap3A_269 = tpu.vector_load %arg6[%swap3A_268] {strides = array<i32>} : memref<1024xi32, #tpu.memory_space<vmem>>, vector<16xi32>,
    tpu.vector_store %arg6[%swap3A_268], %add3A_265 {strides = array<i32>} : memref<1024xi32, #tpu.memory_space<vmem>>, vector<16xi32>,
    %mul3A_270 = arith.mulf %mul3A_113, %mul3A_198 : vector<16xf32>
    %add3A_271 = arith.constant 32 : i32
    %add3A_272 = arith.addi %mul3A_4, %add3A_271 : i32
    %swap3A_273 = arith.index_cast %add3A_272 : i32 to index
    %swap3A_274 = tpu.vector_load %arg7[%swap3A_273] {strides = array<i32>} : memref<1024xf32, #tpu.memory_space<vmem>>, vector<16xf32>,
    tpu.vector_store %arg7[%swap3A_273], %mul3A_270 {strides = array<i32>} : memref<1024xf32, #tpu.memory_space<vmem>>, vector<16xf32>,
    %add3A_275 = arith.addi %mul3A_87, %mul3A_125 : vector<16xi32>
    %add3A_276 = arith.addi %add3A_275, %min3A_205 : vector<16xi32>
    %add3A_277 = arith.constant 48 : i32
    %add3A_278 = arith.addi %mul3A_4, %add3A_277 : i32
    %swap3A_279 = arith.index_cast %add3A_278 : i32 to index
    %swap3A_280 = tpu.vector_load %arg6[%swap3A_279] {strides = array<i32>} : memref<1024xi32, #tpu.memory_space<vmem>>, vector<16xi32>,
    tpu.vector_store %arg6[%swap3A_279], %add3A_276 {strides = array<i32>} : memref<1024xi32, #tpu.memory_space<vmem>>, vector<16xi32>,
    %mul3A_281 = arith.mulf %mul3A_113, %mul3A_199 : vector<16xf32>
    %add3A_282 = arith.constant 48 : i32
    %add3A_283 = arith.addi %mul3A_4, %add3A_282 : i32
    %swap3A_284 = arith.index_cast %add3A_283 : i32 to index
    %swap3A_285 = tpu.vector_load %arg7[%swap3A_284] {strides = array<i32>} : memref<1024xf32, #tpu.memory_space<vmem>>, vector<16xf32>,
    tpu.vector_store %arg7[%swap3A_284], %mul3A_281 {strides = array<i32>} : memref<1024xf32, #tpu.memory_space<vmem>>, vector<16xf32>,
    %add3A_286 = arith.addi %mul3A_87, %mul3A_116 : vector<16xi32>
    %add3A_287 = arith.addi %add3A_286, %convert_element_type3A_229 : vector<16xi32>
    %add3A_288 = arith.constant 64 : i32
    %add3A_289 = arith.addi %mul3A_4, %add3A_288 : i32
    %swap3A_290 = arith.index_cast %add3A_289 : i32 to index
    %swap3A_291 = tpu.vector_load %arg6[%swap3A_290] {strides = array<i32>} : memref<1024xi32, #tpu.memory_space<vmem>>, vector<16xi32>,
    tpu.vector_store %arg6[%swap3A_290], %add3A_287 {strides = array<i32>} : memref<1024xi32, #tpu.memory_space<vmem>>, vector<16xi32>,
    %mul3A_292 = arith.mulf %mul3A_112, %mul3A_235 : vector<16xf32>
    %add3A_293 = arith.constant 64 : i32
    %add3A_294 = arith.addi %mul3A_4, %add3A_293 : i32
    %swap3A_295 = arith.index_cast %add3A_294 : i32 to index
    %swap3A_296 = tpu.vector_load %arg7[%swap3A_295] {strides = array<i32>} : memref<1024xf32, #tpu.memory_space<vmem>>, vector<16xf32>,
    tpu.vector_store %arg7[%swap3A_295], %mul3A_292 {strides = array<i32>} : memref<1024xf32, #tpu.memory_space<vmem>>, vector<16xf32>,
    %add3A_297 = arith.addi %mul3A_87, %mul3A_116 : vector<16xi32>
    %add3A_298 = arith.addi %add3A_297, %min3A_242 : vector<16xi32>
    %add3A_299 = arith.constant 80 : i32
    %add3A_300 = arith.addi %mul3A_4, %add3A_299 : i32
    %swap3A_301 = arith.index_cast %add3A_300 : i32 to index
    %swap3A_302 = tpu.vector_load %arg6[%swap3A_301] {strides = array<i32>} : memref<1024xi32, #tpu.memory_space<vmem>>, vector<16xi32>,
    tpu.vector_store %arg6[%swap3A_301], %add3A_298 {strides = array<i32>} : memref<1024xi32, #tpu.memory_space<vmem>>, vector<16xi32>,
    %mul3A_303 = arith.mulf %mul3A_112, %mul3A_236 : vector<16xf32>
    %add3A_304 = arith.constant 80 : i32
    %add3A_305 = arith.addi %mul3A_4, %add3A_304 : i32
    %swap3A_306 = arith.index_cast %add3A_305 : i32 to index
    %swap3A_307 = tpu.vector_load %arg7[%swap3A_306] {strides = array<i32>} : memref<1024xf32, #tpu.memory_space<vmem>>, vector<16xf32>,
    tpu.vector_store %arg7[%swap3A_306], %mul3A_303 {strides = array<i32>} : memref<1024xf32, #tpu.memory_space<vmem>>, vector<16xf32>,
    %add3A_308 = arith.addi %mul3A_87, %mul3A_125 : vector<16xi32>
    %add3A_309 = arith.addi %add3A_308, %convert_element_type3A_229 : vector<16xi32>
    %add3A_310 = arith.constant 96 : i32
    %add3A_311 = arith.addi %mul3A_4, %add3A_310 : i32
    %swap3A_312 = arith.index_cast %add3A_311 : i32 to index
    %swap3A_313 = tpu.vector_load %arg6[%swap3A_312] {strides = array<i32>} : memref<1024xi32, #tpu.memory_space<vmem>>, vector<16xi32>,
    tpu.vector_store %arg6[%swap3A_312], %add3A_309 {strides = array<i32>} : memref<1024xi32, #tpu.memory_space<vmem>>, vector<16xi32>,
    %mul3A_314 = arith.mulf %mul3A_113, %mul3A_235 : vector<16xf32>
    %add3A_315 = arith.constant 96 : i32
    %add3A_316 = arith.addi %mul3A_4, %add3A_315 : i32
    %swap3A_317 = arith.index_cast %add3A_316 : i32 to index
    %swap3A_318 = tpu.vector_load %arg7[%swap3A_317] {strides = array<i32>} : memref<1024xf32, #tpu.memory_space<vmem>>, vector<16xf32>,
    tpu.vector_store %arg7[%swap3A_317], %mul3A_314 {strides = array<i32>} : memref<1024xf32, #tpu.memory_space<vmem>>, vector<16xf32>,
    %add3A_319 = arith.addi %mul3A_87, %mul3A_125 : vector<16xi32>
    %add3A_320 = arith.addi %add3A_319, %min3A_242 : vector<16xi32>
    %add3A_321 = arith.constant 112 : i32
    %add3A_322 = arith.addi %mul3A_4, %add3A_321 : i32
    %swap3A_323 = arith.index_cast %add3A_322 : i32 to index
    %swap3A_324 = tpu.vector_load %arg6[%swap3A_323] {strides = array<i32>} : memref<1024xi32, #tpu.memory_space<vmem>>, vector<16xi32>,
    tpu.vector_store %arg6[%swap3A_323], %add3A_320 {strides = array<i32>} : memref<1024xi32, #tpu.memory_space<vmem>>, vector<16xi32>,
    %mul3A_325 = arith.mulf %mul3A_113, %mul3A_236 : vector<16xf32>
    %add3A_326 = arith.constant 112 : i32
    %add3A_327 = arith.addi %mul3A_4, %add3A_326 : i32
    %swap3A_328 = arith.index_cast %add3A_327 : i32 to index
    %swap3A_329 = tpu.vector_load %arg7[%swap3A_328] {strides = array<i32>} : memref<1024xf32, #tpu.memory_space<vmem>>, vector<16xf32>,
    tpu.vector_store %arg7[%swap3A_328], %mul3A_325 {strides = array<i32>} : memref<1024xf32, #tpu.memory_space<vmem>>, vector<16xf32>,
    %add3A_330 = arith.addi %mul3A_87, %mul3A_159 : vector<16xi32>
    %add3A_331 = arith.addi %add3A_330, %convert_element_type3A_192 : vector<16xi32>
    %add3A_332 = arith.constant 128 : i32
    %add3A_333 = arith.addi %mul3A_4, %add3A_332 : i32
    %swap3A_334 = arith.index_cast %add3A_333 : i32 to index
    %swap3A_335 = tpu.vector_load %arg6[%swap3A_334] {strides = array<i32>} : memref<1024xi32, #tpu.memory_space<vmem>>, vector<16xi32>,
    tpu.vector_store %arg6[%swap3A_334], %add3A_331 {strides = array<i32>} : memref<1024xi32, #tpu.memory_space<vmem>>, vector<16xi32>,
    %mul3A_336 = arith.mulf %mul3A_155, %mul3A_198 : vector<16xf32>
    %add3A_337 = arith.constant 128 : i32
    %add3A_338 = arith.addi %mul3A_4, %add3A_337 : i32
    %swap3A_339 = arith.index_cast %add3A_338 : i32 to index
    %swap3A_340 = tpu.vector_load %arg7[%swap3A_339] {strides = array<i32>} : memref<1024xf32, #tpu.memory_space<vmem>>, vector<16xf32>,
    tpu.vector_store %arg7[%swap3A_339], %mul3A_336 {strides = array<i32>} : memref<1024xf32, #tpu.memory_space<vmem>>, vector<16xf32>,
    %add3A_341 = arith.addi %mul3A_87, %mul3A_159 : vector<16xi32>
    %add3A_342 = arith.addi %add3A_341, %min3A_205 : vector<16xi32>
    %add3A_343 = arith.constant 144 : i32
    %add3A_344 = arith.addi %mul3A_4, %add3A_343 : i32
    %swap3A_345 = arith.index_cast %add3A_344 : i32 to index
    %swap3A_346 = tpu.vector_load %arg6[%swap3A_345] {strides = array<i32>} : memref<1024xi32, #tpu.memory_space<vmem>>, vector<16xi32>,
    tpu.vector_store %arg6[%swap3A_345], %add3A_342 {strides = array<i32>} : memref<1024xi32, #tpu.memory_space<vmem>>, vector<16xi32>,
    %mul3A_347 = arith.mulf %mul3A_155, %mul3A_199 : vector<16xf32>
    %add3A_348 = arith.constant 144 : i32
    %add3A_349 = arith.addi %mul3A_4, %add3A_348 : i32
    %swap3A_350 = arith.index_cast %add3A_349 : i32 to index
    %swap3A_351 = tpu.vector_load %arg7[%swap3A_350] {strides = array<i32>} : memref<1024xf32, #tpu.memory_space<vmem>>, vector<16xf32>,
    tpu.vector_store %arg7[%swap3A_350], %mul3A_347 {strides = array<i32>} : memref<1024xf32, #tpu.memory_space<vmem>>, vector<16xf32>,
    %add3A_352 = arith.addi %mul3A_87, %mul3A_168 : vector<16xi32>
    %add3A_353 = arith.addi %add3A_352, %convert_element_type3A_192 : vector<16xi32>
    %add3A_354 = arith.constant 160 : i32
    %add3A_355 = arith.addi %mul3A_4, %add3A_354 : i32
    %swap3A_356 = arith.index_cast %add3A_355 : i32 to index
    %swap3A_357 = tpu.vector_load %arg6[%swap3A_356] {strides = array<i32>} : memref<1024xi32, #tpu.memory_space<vmem>>, vector<16xi32>,
    tpu.vector_store %arg6[%swap3A_356], %add3A_353 {strides = array<i32>} : memref<1024xi32, #tpu.memory_space<vmem>>, vector<16xi32>,
    %mul3A_358 = arith.mulf %mul3A_156, %mul3A_198 : vector<16xf32>
    %add3A_359 = arith.constant 160 : i32
    %add3A_360 = arith.addi %mul3A_4, %add3A_359 : i32
    %swap3A_361 = arith.index_cast %add3A_360 : i32 to index
    %swap3A_362 = tpu.vector_load %arg7[%swap3A_361] {strides = array<i32>} : memref<1024xf32, #tpu.memory_space<vmem>>, vector<16xf32>,
    tpu.vector_store %arg7[%swap3A_361], %mul3A_358 {strides = array<i32>} : memref<1024xf32, #tpu.memory_space<vmem>>, vector<16xf32>,
    %add3A_363 = arith.addi %mul3A_87, %mul3A_168 : vector<16xi32>
    %add3A_364 = arith.addi %add3A_363, %min3A_205 : vector<16xi32>
    %add3A_365 = arith.constant 176 : i32
    %add3A_366 = arith.addi %mul3A_4, %add3A_365 : i32
    %swap3A_367 = arith.index_cast %add3A_366 : i32 to index
    %swap3A_368 = tpu.vector_load %arg6[%swap3A_367] {strides = array<i32>} : memref<1024xi32, #tpu.memory_space<vmem>>, vector<16xi32>,
    tpu.vector_store %arg6[%swap3A_367], %add3A_364 {strides = array<i32>} : memref<1024xi32, #tpu.memory_space<vmem>>, vector<16xi32>,
    %mul3A_369 = arith.mulf %mul3A_156, %mul3A_199 : vector<16xf32>
    %add3A_370 = arith.constant 176 : i32
    %add3A_371 = arith.addi %mul3A_4, %add3A_370 : i32
    %swap3A_372 = arith.index_cast %add3A_371 : i32 to index
    %swap3A_373 = tpu.vector_load %arg7[%swap3A_372] {strides = array<i32>} : memref<1024xf32, #tpu.memory_space<vmem>>, vector<16xf32>,
    tpu.vector_store %arg7[%swap3A_372], %mul3A_369 {strides = array<i32>} : memref<1024xf32, #tpu.memory_space<vmem>>, vector<16xf32>,
    %add3A_374 = arith.addi %mul3A_87, %mul3A_159 : vector<16xi32>
    %add3A_375 = arith.addi %add3A_374, %convert_element_type3A_229 : vector<16xi32>
    %add3A_376 = arith.constant 192 : i32
    %add3A_377 = arith.addi %mul3A_4, %add3A_376 : i32
    %swap3A_378 = arith.index_cast %add3A_377 : i32 to index
    %swap3A_379 = tpu.vector_load %arg6[%swap3A_378] {strides = array<i32>} : memref<1024xi32, #tpu.memory_space<vmem>>, vector<16xi32>,
    tpu.vector_store %arg6[%swap3A_378], %add3A_375 {strides = array<i32>} : memref<1024xi32, #tpu.memory_space<vmem>>, vector<16xi32>,
    %mul3A_380 = arith.mulf %mul3A_155, %mul3A_235 : vector<16xf32>
    %add3A_381 = arith.constant 192 : i32
    %add3A_382 = arith.addi %mul3A_4, %add3A_381 : i32
    %swap3A_383 = arith.index_cast %add3A_382 : i32 to index
    %swap3A_384 = tpu.vector_load %arg7[%swap3A_383] {strides = array<i32>} : memref<1024xf32, #tpu.memory_space<vmem>>, vector<16xf32>,
    tpu.vector_store %arg7[%swap3A_383], %mul3A_380 {strides = array<i32>} : memref<1024xf32, #tpu.memory_space<vmem>>, vector<16xf32>,
    %add3A_385 = arith.addi %mul3A_87, %mul3A_159 : vector<16xi32>
    %add3A_386 = arith.addi %add3A_385, %min3A_242 : vector<16xi32>
    %add3A_387 = arith.constant 208 : i32
    %add3A_388 = arith.addi %mul3A_4, %add3A_387 : i32
    %swap3A_389 = arith.index_cast %add3A_388 : i32 to index
    %swap3A_390 = tpu.vector_load %arg6[%swap3A_389] {strides = array<i32>} : memref<1024xi32, #tpu.memory_space<vmem>>, vector<16xi32>,
    tpu.vector_store %arg6[%swap3A_389], %add3A_386 {strides = array<i32>} : memref<1024xi32, #tpu.memory_space<vmem>>, vector<16xi32>,
    %mul3A_391 = arith.mulf %mul3A_155, %mul3A_236 : vector<16xf32>
    %add3A_392 = arith.constant 208 : i32
    %add3A_393 = arith.addi %mul3A_4, %add3A_392 : i32
    %swap3A_394 = arith.index_cast %add3A_393 : i32 to index
    %swap3A_395 = tpu.vector_load %arg7[%swap3A_394] {strides = array<i32>} : memref<1024xf32, #tpu.memory_space<vmem>>, vector<16xf32>,
    tpu.vector_store %arg7[%swap3A_394], %mul3A_391 {strides = array<i32>} : memref<1024xf32, #tpu.memory_space<vmem>>, vector<16xf32>,
    %add3A_396 = arith.addi %mul3A_87, %mul3A_168 : vector<16xi32>
    %add3A_397 = arith.addi %add3A_396, %convert_element_type3A_229 : vector<16xi32>
    %add3A_398 = arith.constant 224 : i32
    %add3A_399 = arith.addi %mul3A_4, %add3A_398 : i32
    %swap3A_400 = arith.index_cast %add3A_399 : i32 to index
    %swap3A_401 = tpu.vector_load %arg6[%swap3A_400] {strides = array<i32>} : memref<1024xi32, #tpu.memory_space<vmem>>, vector<16xi32>,
    tpu.vector_store %arg6[%swap3A_400], %add3A_397 {strides = array<i32>} : memref<1024xi32, #tpu.memory_space<vmem>>, vector<16xi32>,
    %mul3A_402 = arith.mulf %mul3A_156, %mul3A_235 : vector<16xf32>
    %add3A_403 = arith.constant 224 : i32
    %add3A_404 = arith.addi %mul3A_4, %add3A_403 : i32
    %swap3A_405 = arith.index_cast %add3A_404 : i32 to index
    %swap3A_406 = tpu.vector_load %arg7[%swap3A_405] {strides = array<i32>} : memref<1024xf32, #tpu.memory_space<vmem>>, vector<16xf32>,
    tpu.vector_store %arg7[%swap3A_405], %mul3A_402 {strides = array<i32>} : memref<1024xf32, #tpu.memory_space<vmem>>, vector<16xf32>,
    %add3A_407 = arith.addi %mul3A_87, %mul3A_168 : vector<16xi32>
    %add3A_408 = arith.addi %add3A_407, %min3A_242 : vector<16xi32>
    %add3A_409 = arith.constant 240 : i32
    %add3A_410 = arith.addi %mul3A_4, %add3A_409 : i32
    %swap3A_411 = arith.index_cast %add3A_410 : i32 to index
    %swap3A_412 = tpu.vector_load %arg6[%swap3A_411] {strides = array<i32>} : memref<1024xi32, #tpu.memory_space<vmem>>, vector<16xi32>,
    tpu.vector_store %arg6[%swap3A_411], %add3A_408 {strides = array<i32>} : memref<1024xi32, #tpu.memory_space<vmem>>, vector<16xi32>,
    %mul3A_413 = arith.mulf %mul3A_156, %mul3A_236 : vector<16xf32>
    %add3A_414 = arith.constant 240 : i32
    %add3A_415 = arith.addi %mul3A_4, %add3A_414 : i32
    %swap3A_416 = arith.index_cast %add3A_415 : i32 to index
    %swap3A_417 = tpu.vector_load %arg7[%swap3A_416] {strides = array<i32>} : memref<1024xf32, #tpu.memory_space<vmem>>, vector<16xf32>,
    tpu.vector_store %arg7[%swap3A_416], %mul3A_413 {strides = array<i32>} : memref<1024xf32, #tpu.memory_space<vmem>>, vector<16xf32>,
    %dma_start3A = arith.constant 0 : i32
    %dma_start3A_418 = tpu.memref_slice %arg8[%mul3A_9, %dma_start3A] : memref<768x128xi32, #tpu.memory_space<vmem>> -> memref<128x128xi32, #tpu.memory_space<vmem>>
    %dma_start3A_419 = tpu.memref_slice %arg6[%mul3A_4] : memref<1024xi32, #tpu.memory_space<vmem>> -> memref<128xi32, #tpu.memory_space<vmem>>
    %dma_start3A_420 = arith.constant 0 : i32
    %dma_start3A_421 = arith.constant 0 : i32
    %dma_start3A_422 = tpu.memref_slice %arg2[%dma_start3A_420, %dma_start3A_421] : memref<30400x128xi32, #tpu.memory_space<hbm>> -> memref<30400x128xi32, #tpu.memory_space<hbm>>
    tpu.enqueue_indirect_dma source(%dma_start3A_422 : memref<30400x128xi32, #tpu.memory_space<hbm>>) target(%dma_start3A_418 : memref<128x128xi32, #tpu.memory_space<vmem>>) offsets(%dma_start3A_419 : memref<128xi32, #tpu.memory_space<vmem>>) semaphore(%arg11 : memref<!tpu.dma_semaphore, #tpu.memory_space<semaphore_mem>>)
    %add3A_423 = arith.constant 128 : i32
    %add3A_424 = arith.addi %mul3A_4, %add3A_423 : i32
    %add3A_425 = arith.constant 128 : i32
    %add3A_426 = arith.addi %mul3A_9, %add3A_425 : i32
    %dma_start3A_427 = arith.constant 0 : i32
    %dma_start3A_428 = tpu.memref_slice %arg8[%add3A_426, %dma_start3A_427] : memref<768x128xi32, #tpu.memory_space<vmem>> -> memref<128x128xi32, #tpu.memory_space<vmem>>
    %dma_start3A_429 = tpu.memref_slice %arg6[%add3A_424] : memref<1024xi32, #tpu.memory_space<vmem>> -> memref<128xi32, #tpu.memory_space<vmem>>
    %dma_start3A_430 = arith.constant 0 : i32
    %dma_start3A_431 = arith.constant 0 : i32
    %dma_start3A_432 = tpu.memref_slice %arg2[%dma_start3A_430, %dma_start3A_431] : memref<30400x128xi32, #tpu.memory_space<hbm>> -> memref<30400x128xi32, #tpu.memory_space<hbm>>
    tpu.enqueue_indirect_dma source(%dma_start3A_432 : memref<30400x128xi32, #tpu.memory_space<hbm>>) target(%dma_start3A_428 : memref<128x128xi32, #tpu.memory_space<vmem>>) offsets(%dma_start3A_429 : memref<128xi32, #tpu.memory_space<vmem>>) semaphore(%arg11 : memref<!tpu.dma_semaphore, #tpu.memory_space<semaphore_mem>>)
    %rem3A_433 = arith.constant 1 : i32
    %rem3A_434 = arith.constant 4 : i32
    %rem3A_435 = arith.remsi %rem3A_433, %rem3A_434 : i32
    %mul3A_436 = arith.constant 256 : i32
    %mul3A_437 = arith.muli %rem3A_435, %mul3A_436 : i32
    %rem3A_438 = arith.constant 1 : i32
    %rem3A_439 = arith.constant 3 : i32
    %rem3A_440 = arith.remsi %rem3A_438, %rem3A_439 : i32
    %mul3A_441 = arith.constant 256 : i32
    %mul3A_442 = arith.muli %rem3A_440, %mul3A_441 : i32
    %mul3A_443 = arith.constant 784 : i32
    %mul3A_444 = arith.muli %add3A, %mul3A_443 : i32
    %add3A_445 = arith.constant 16 : i32
    %add3A_446 = arith.addi %mul3A_444, %add3A_445 : i32
    %iota3A_447 = tpu.iota {dimensions = array<i32: 0>} : vector<16xi32>
    %add3A_448 = vector.broadcast %add3A_446 : i32 to vector<16xi32>
    %add3A_449 = arith.addi %add3A_448, %iota3A_447 : vector<16xi32>
    %div3A_450 = arith.constant 49 : i32
    %div3A_451 = vector.broadcast %div3A_450 : i32 to vector<16xi32>
    %div3A_452 = arith.divsi %add3A_449, %div3A_451 : vector<16xi32>
    %rem3A_453 = arith.constant 49 : i32
    %rem3A_454 = vector.broadcast %rem3A_453 : i32 to vector<16xi32>
    %rem3A_455 = arith.remsi %add3A_449, %rem3A_454 : vector<16xi32>
    %div3A_456 = arith.constant 7 : i32
    %div3A_457 = vector.broadcast %div3A_456 : i32 to vector<16xi32>
    %div3A_458 = arith.divsi %rem3A_455, %div3A_457 : vector<16xi32>
    %rem3A_459 = arith.constant 7 : i32
    %rem3A_460 = vector.broadcast %rem3A_459 : i32 to vector<16xi32>
    %rem3A_461 = arith.remsi %rem3A_455, %rem3A_460 : vector<16xi32>
    %mul3A_462 = arith.constant 5 : i32
    %mul3A_463 = vector.broadcast %mul3A_462 : i32 to vector<16xi32>
    %mul3A_464 = arith.muli %div3A_452, %mul3A_463 : vector<16xi32>
    %add3A_465 = arith.constant 0 : i32
    %add3A_466 = vector.broadcast %add3A_465 : i32 to vector<16xi32>
    %add3A_467 = arith.addi %mul3A_464, %add3A_466 : vector<16xi32>
    %gather3A_468 = tpu.vector_load_idx %arg5[%add3A_467] : memref<2560xf32, #tpu.memory_space<vmem>>[vector<16xi32>], vector<16xf32>,
    %convert_element_type3A_469 = arith.fptosi %gather3A_468 : vector<16xf32> to vector<16xi32>
    %add3A_470 = arith.constant 1 : i32
    %add3A_471 = vector.broadcast %add3A_470 : i32 to vector<16xi32>
    %add3A_472 = arith.addi %mul3A_464, %add3A_471 : vector<16xi32>
    %gather3A_473 = tpu.vector_load_idx %arg5[%add3A_472] : memref<2560xf32, #tpu.memory_space<vmem>>[vector<16xi32>], vector<16xf32>,
    %mul3A_474 = arith.constant 1.250000e-01 : f32
    %mul3A_475 = vector.broadcast %mul3A_474 : f32 to vector<16xf32>
    %mul3A_476 = arith.mulf %gather3A_473, %mul3A_475 : vector<16xf32>
    %sub3A_477 = arith.constant 5.000000e-01 : f32
    %sub3A_478 = vector.broadcast %sub3A_477 : f32 to vector<16xf32>
    %sub3A_479 = arith.subf %mul3A_476, %sub3A_478 : vector<16xf32>
    %add3A_480 = arith.constant 2 : i32
    %add3A_481 = vector.broadcast %add3A_480 : i32 to vector<16xi32>
    %add3A_482 = arith.addi %mul3A_464, %add3A_481 : vector<16xi32>
    %gather3A_483 = tpu.vector_load_idx %arg5[%add3A_482] : memref<2560xf32, #tpu.memory_space<vmem>>[vector<16xi32>], vector<16xf32>,
    %mul3A_484 = arith.constant 1.250000e-01 : f32
    %mul3A_485 = vector.broadcast %mul3A_484 : f32 to vector<16xf32>
    %mul3A_486 = arith.mulf %gather3A_483, %mul3A_485 : vector<16xf32>
    %sub3A_487 = arith.constant 5.000000e-01 : f32
    %sub3A_488 = vector.broadcast %sub3A_487 : f32 to vector<16xf32>
    %sub3A_489 = arith.subf %mul3A_486, %sub3A_488 : vector<16xf32>
    %add3A_490 = arith.constant 3 : i32
    %add3A_491 = vector.broadcast %add3A_490 : i32 to vector<16xi32>
    %add3A_492 = arith.addi %mul3A_464, %add3A_491 : vector<16xi32>
    %gather3A_493 = tpu.vector_load_idx %arg5[%add3A_492] : memref<2560xf32, #tpu.memory_space<vmem>>[vector<16xi32>], vector<16xf32>,
    %mul3A_494 = arith.constant 1.250000e-01 : f32
    %mul3A_495 = vector.broadcast %mul3A_494 : f32 to vector<16xf32>
    %mul3A_496 = arith.mulf %gather3A_493, %mul3A_495 : vector<16xf32>
    %sub3A_497 = arith.constant 5.000000e-01 : f32
    %sub3A_498 = vector.broadcast %sub3A_497 : f32 to vector<16xf32>
    %sub3A_499 = arith.subf %mul3A_496, %sub3A_498 : vector<16xf32>
    %add3A_500 = arith.constant 4 : i32
    %add3A_501 = vector.broadcast %add3A_500 : i32 to vector<16xi32>
    %add3A_502 = arith.addi %mul3A_464, %add3A_501 : vector<16xi32>
    %gather3A_503 = tpu.vector_load_idx %arg5[%add3A_502] : memref<2560xf32, #tpu.memory_space<vmem>>[vector<16xi32>], vector<16xf32>,
    %mul3A_504 = arith.constant 1.250000e-01 : f32
    %mul3A_505 = vector.broadcast %mul3A_504 : f32 to vector<16xf32>
    %mul3A_506 = arith.mulf %gather3A_503, %mul3A_505 : vector<16xf32>
    %sub3A_507 = arith.constant 5.000000e-01 : f32
    %sub3A_508 = vector.broadcast %sub3A_507 : f32 to vector<16xf32>
    %sub3A_509 = arith.subf %mul3A_506, %sub3A_508 : vector<16xf32>
    %sub3A_510 = arith.subf %sub3A_499, %sub3A_479 : vector<16xf32>
    %max3A_511 = arith.constant 1.000000e+00 : f32
    %max3A_512 = vector.broadcast %max3A_511 : f32 to vector<16xf32>
    %max3A_513 = arith.maximumf %sub3A_510, %max3A_512 : vector<16xf32>
    %mul3A_514 = arith.constant 0.142857149 : f32
    %mul3A_515 = vector.broadcast %mul3A_514 : f32 to vector<16xf32>
    %mul3A_516 = arith.mulf %max3A_513, %mul3A_515 : vector<16xf32>
    %sub3A_517 = arith.subf %sub3A_509, %sub3A_489 : vector<16xf32>
    %max3A_518 = arith.constant 1.000000e+00 : f32
    %max3A_519 = vector.broadcast %max3A_518 : f32 to vector<16xf32>
    %max3A_520 = arith.maximumf %sub3A_517, %max3A_519 : vector<16xf32>
    %mul3A_521 = arith.constant 0.142857149 : f32
    %mul3A_522 = vector.broadcast %mul3A_521 : f32 to vector<16xf32>
    %mul3A_523 = arith.mulf %max3A_520, %mul3A_522 : vector<16xf32>
    %mul3A_524 = arith.constant 15200 : i32
    %mul3A_525 = vector.broadcast %mul3A_524 : i32 to vector<16xi32>
    %mul3A_526 = arith.muli %convert_element_type3A_469, %mul3A_525 : vector<16xi32>
    %convert_element_type3A_527 = arith.sitofp %div3A_458 : vector<16xi32> to vector<16xf32>
    %convert_element_type3A_528 = arith.sitofp %rem3A_461 : vector<16xi32> to vector<16xf32>
    %add3A_529 = arith.constant 2.500000e-01 : f32
    %add3A_530 = vector.broadcast %add3A_529 : f32 to vector<16xf32>
    %add3A_531 = arith.addf %convert_element_type3A_527, %add3A_530 : vector<16xf32>
    %mul3A_532 = arith.mulf %add3A_531, %mul3A_523 : vector<16xf32>
    %add3A_533 = arith.addf %sub3A_489, %mul3A_532 : vector<16xf32>
    %gt3A_534 = arith.constant -1.000000e+00 : f32
    %gt3A_535 = vector.broadcast %gt3A_534 : f32 to vector<16xf32>
    %gt3A_536 = arith.cmpf ogt, %add3A_533, %gt3A_535 : vector<16xf32>
    %lt3A_537 = arith.constant 1.000000e+02 : f32
    %lt3A_538 = vector.broadcast %lt3A_537 : f32 to vector<16xf32>
    %lt3A_539 = arith.cmpf olt, %add3A_533, %lt3A_538 : vector<16xf32>
    %and3A_540 = arith.andi %gt3A_536, %lt3A_539 : vector<16xi1>
    %jit3A_541 = arith.constant 5.000000e-01 : f32
    %jit3A_542 = arith.constant 0.000000e+00 : f32
    %broadcast_in_dim3A_543 = vector.broadcast %jit3A_541 : f32 to vector<16xf32>
    %broadcast_in_dim3A_544 = vector.broadcast %jit3A_542 : f32 to vector<16xf32>
    %select_n3A_545 = arith.select %and3A_540, %broadcast_in_dim3A_543, %broadcast_in_dim3A_544 : vector<16xi1>, vector<16xf32>
    %jit3A_546 = arith.constant 0.000000e+00 : f32
    %jit3A_547 = arith.constant 9.900000e+01 : f32
    %max3A_548 = vector.broadcast %jit3A_546 : f32 to vector<16xf32>
    %max3A_549 = arith.maximumf %max3A_548, %add3A_533 : vector<16xf32>
    %min3A_550 = vector.broadcast %jit3A_547 : f32 to vector<16xf32>
    %min3A_551 = arith.minimumf %min3A_550, %max3A_549 : vector<16xf32>
    %convert_element_type3A_552 = arith.fptosi %min3A_551 : vector<16xf32> to vector<16xi32>
    %convert_element_type3A_553 = arith.sitofp %convert_element_type3A_552 : vector<16xi32> to vector<16xf32>
    %sub3A_554 = arith.subf %min3A_551, %convert_element_type3A_553 : vector<16xf32>
    %sub3A_555 = arith.constant 1.000000e+00 : f32
    %sub3A_556 = vector.broadcast %sub3A_555 : f32 to vector<16xf32>
    %sub3A_557 = arith.subf %sub3A_556, %sub3A_554 : vector<16xf32>
    %mul3A_558 = arith.mulf %sub3A_557, %select_n3A_545 : vector<16xf32>
    %mul3A_559 = arith.mulf %sub3A_554, %select_n3A_545 : vector<16xf32>
    %mul3A_560 = arith.constant 152 : i32
    %mul3A_561 = vector.broadcast %mul3A_560 : i32 to vector<16xi32>
    %mul3A_562 = arith.muli %convert_element_type3A_552, %mul3A_561 : vector<16xi32>
    %add3A_563 = arith.constant 1 : i32
    %add3A_564 = vector.broadcast %add3A_563 : i32 to vector<16xi32>
    %add3A_565 = arith.addi %convert_element_type3A_552, %add3A_564 : vector<16xi32>
    %min3A_566 = arith.constant 99 : i32
    %min3A_567 = vector.broadcast %min3A_566 : i32 to vector<16xi32>
    %min3A_568 = arith.minsi %add3A_565, %min3A_567 : vector<16xi32>
    %mul3A_569 = arith.constant 152 : i32
    %mul3A_570 = vector.broadcast %mul3A_569 : i32 to vector<16xi32>
    %mul3A_571 = arith.muli %min3A_568, %mul3A_570 : vector<16xi32>
    %add3A_572 = arith.constant 7.500000e-01 : f32
    %add3A_573 = vector.broadcast %add3A_572 : f32 to vector<16xf32>
    %add3A_574 = arith.addf %convert_element_type3A_527, %add3A_573 : vector<16xf32>
    %mul3A_575 = arith.mulf %add3A_574, %mul3A_523 : vector<16xf32>
    %add3A_576 = arith.addf %sub3A_489, %mul3A_575 : vector<16xf32>
    %gt3A_577 = arith.constant -1.000000e+00 : f32
    %gt3A_578 = vector.broadcast %gt3A_577 : f32 to vector<16xf32>
    %gt3A_579 = arith.cmpf ogt, %add3A_576, %gt3A_578 : vector<16xf32>
    %lt3A_580 = arith.constant 1.000000e+02 : f32
    %lt3A_581 = vector.broadcast %lt3A_580 : f32 to vector<16xf32>
    %lt3A_582 = arith.cmpf olt, %add3A_576, %lt3A_581 : vector<16xf32>
    %and3A_583 = arith.andi %gt3A_579, %lt3A_582 : vector<16xi1>
    %jit3A_584 = arith.constant 5.000000e-01 : f32
    %jit3A_585 = arith.constant 0.000000e+00 : f32
    %broadcast_in_dim3A_586 = vector.broadcast %jit3A_584 : f32 to vector<16xf32>
    %broadcast_in_dim3A_587 = vector.broadcast %jit3A_585 : f32 to vector<16xf32>
    %select_n3A_588 = arith.select %and3A_583, %broadcast_in_dim3A_586, %broadcast_in_dim3A_587 : vector<16xi1>, vector<16xf32>
    %jit3A_589 = arith.constant 0.000000e+00 : f32
    %jit3A_590 = arith.constant 9.900000e+01 : f32
    %max3A_591 = vector.broadcast %jit3A_589 : f32 to vector<16xf32>
    %max3A_592 = arith.maximumf %max3A_591, %add3A_576 : vector<16xf32>
    %min3A_593 = vector.broadcast %jit3A_590 : f32 to vector<16xf32>
    %min3A_594 = arith.minimumf %min3A_593, %max3A_592 : vector<16xf32>
    %convert_element_type3A_595 = arith.fptosi %min3A_594 : vector<16xf32> to vector<16xi32>
    %convert_element_type3A_596 = arith.sitofp %convert_element_type3A_595 : vector<16xi32> to vector<16xf32>
    %sub3A_597 = arith.subf %min3A_594, %convert_element_type3A_596 : vector<16xf32>
    %sub3A_598 = arith.constant 1.000000e+00 : f32
    %sub3A_599 = vector.broadcast %sub3A_598 : f32 to vector<16xf32>
    %sub3A_600 = arith.subf %sub3A_599, %sub3A_597 : vector<16xf32>
    %mul3A_601 = arith.mulf %sub3A_600, %select_n3A_588 : vector<16xf32>
    %mul3A_602 = arith.mulf %sub3A_597, %select_n3A_588 : vector<16xf32>
    %mul3A_603 = arith.constant 152 : i32
    %mul3A_604 = vector.broadcast %mul3A_603 : i32 to vector<16xi32>
    %mul3A_605 = arith.muli %convert_element_type3A_595, %mul3A_604 : vector<16xi32>
    %add3A_606 = arith.constant 1 : i32
    %add3A_607 = vector.broadcast %add3A_606 : i32 to vector<16xi32>
    %add3A_608 = arith.addi %convert_element_type3A_595, %add3A_607 : vector<16xi32>
    %min3A_609 = arith.constant 99 : i32
    %min3A_610 = vector.broadcast %min3A_609 : i32 to vector<16xi32>
    %min3A_611 = arith.minsi %add3A_608, %min3A_610 : vector<16xi32>
    %mul3A_612 = arith.constant 152 : i32
    %mul3A_613 = vector.broadcast %mul3A_612 : i32 to vector<16xi32>
    %mul3A_614 = arith.muli %min3A_611, %mul3A_613 : vector<16xi32>
    %add3A_615 = arith.constant 2.500000e-01 : f32
    %add3A_616 = vector.broadcast %add3A_615 : f32 to vector<16xf32>
    %add3A_617 = arith.addf %convert_element_type3A_528, %add3A_616 : vector<16xf32>
    %mul3A_618 = arith.mulf %add3A_617, %mul3A_516 : vector<16xf32>
    %add3A_619 = arith.addf %sub3A_479, %mul3A_618 : vector<16xf32>
    %gt3A_620 = arith.constant -1.000000e+00 : f32
    %gt3A_621 = vector.broadcast %gt3A_620 : f32 to vector<16xf32>
    %gt3A_622 = arith.cmpf ogt, %add3A_619, %gt3A_621 : vector<16xf32>
    %lt3A_623 = arith.constant 1.520000e+02 : f32
    %lt3A_624 = vector.broadcast %lt3A_623 : f32 to vector<16xf32>
    %lt3A_625 = arith.cmpf olt, %add3A_619, %lt3A_624 : vector<16xf32>
    %and3A_626 = arith.andi %gt3A_622, %lt3A_625 : vector<16xi1>
    %jit3A_627 = arith.constant 5.000000e-01 : f32
    %jit3A_628 = arith.constant 0.000000e+00 : f32
    %broadcast_in_dim3A_629 = vector.broadcast %jit3A_627 : f32 to vector<16xf32>
    %broadcast_in_dim3A_630 = vector.broadcast %jit3A_628 : f32 to vector<16xf32>
    %select_n3A_631 = arith.select %and3A_626, %broadcast_in_dim3A_629, %broadcast_in_dim3A_630 : vector<16xi1>, vector<16xf32>
    %jit3A_632 = arith.constant 0.000000e+00 : f32
    %jit3A_633 = arith.constant 1.510000e+02 : f32
    %max3A_634 = vector.broadcast %jit3A_632 : f32 to vector<16xf32>
    %max3A_635 = arith.maximumf %max3A_634, %add3A_619 : vector<16xf32>
    %min3A_636 = vector.broadcast %jit3A_633 : f32 to vector<16xf32>
    %min3A_637 = arith.minimumf %min3A_636, %max3A_635 : vector<16xf32>
    %convert_element_type3A_638 = arith.fptosi %min3A_637 : vector<16xf32> to vector<16xi32>
    %convert_element_type3A_639 = arith.sitofp %convert_element_type3A_638 : vector<16xi32> to vector<16xf32>
    %sub3A_640 = arith.subf %min3A_637, %convert_element_type3A_639 : vector<16xf32>
    %sub3A_641 = arith.constant 1.000000e+00 : f32
    %sub3A_642 = vector.broadcast %sub3A_641 : f32 to vector<16xf32>
    %sub3A_643 = arith.subf %sub3A_642, %sub3A_640 : vector<16xf32>
    %mul3A_644 = arith.mulf %sub3A_643, %select_n3A_631 : vector<16xf32>
    %mul3A_645 = arith.mulf %sub3A_640, %select_n3A_631 : vector<16xf32>
    %add3A_646 = arith.constant 1 : i32
    %add3A_647 = vector.broadcast %add3A_646 : i32 to vector<16xi32>
    %add3A_648 = arith.addi %convert_element_type3A_638, %add3A_647 : vector<16xi32>
    %min3A_649 = arith.constant 151 : i32
    %min3A_650 = vector.broadcast %min3A_649 : i32 to vector<16xi32>
    %min3A_651 = arith.minsi %add3A_648, %min3A_650 : vector<16xi32>
    %add3A_652 = arith.constant 7.500000e-01 : f32
    %add3A_653 = vector.broadcast %add3A_652 : f32 to vector<16xf32>
    %add3A_654 = arith.addf %convert_element_type3A_528, %add3A_653 : vector<16xf32>
    %mul3A_655 = arith.mulf %add3A_654, %mul3A_516 : vector<16xf32>
    %add3A_656 = arith.addf %sub3A_479, %mul3A_655 : vector<16xf32>
    %gt3A_657 = arith.constant -1.000000e+00 : f32
    %gt3A_658 = vector.broadcast %gt3A_657 : f32 to vector<16xf32>
    %gt3A_659 = arith.cmpf ogt, %add3A_656, %gt3A_658 : vector<16xf32>
    %lt3A_660 = arith.constant 1.520000e+02 : f32
    %lt3A_661 = vector.broadcast %lt3A_660 : f32 to vector<16xf32>
    %lt3A_662 = arith.cmpf olt, %add3A_656, %lt3A_661 : vector<16xf32>
    %and3A_663 = arith.andi %gt3A_659, %lt3A_662 : vector<16xi1>
    %jit3A_664 = arith.constant 5.000000e-01 : f32
    %jit3A_665 = arith.constant 0.000000e+00 : f32
    %broadcast_in_dim3A_666 = vector.broadcast %jit3A_664 : f32 to vector<16xf32>
    %broadcast_in_dim3A_667 = vector.broadcast %jit3A_665 : f32 to vector<16xf32>
    %select_n3A_668 = arith.select %and3A_663, %broadcast_in_dim3A_666, %broadcast_in_dim3A_667 : vector<16xi1>, vector<16xf32>
    %jit3A_669 = arith.constant 0.000000e+00 : f32
    %jit3A_670 = arith.constant 1.510000e+02 : f32
    %max3A_671 = vector.broadcast %jit3A_669 : f32 to vector<16xf32>
    %max3A_672 = arith.maximumf %max3A_671, %add3A_656 : vector<16xf32>
    %min3A_673 = vector.broadcast %jit3A_670 : f32 to vector<16xf32>
    %min3A_674 = arith.minimumf %min3A_673, %max3A_672 : vector<16xf32>
    %convert_element_type3A_675 = arith.fptosi %min3A_674 : vector<16xf32> to vector<16xi32>
    %convert_element_type3A_676 = arith.sitofp %convert_element_type3A_675 : vector<16xi32> to vector<16xf32>
    %sub3A_677 = arith.subf %min3A_674, %convert_element_type3A_676 : vector<16xf32>
    %sub3A_678 = arith.constant 1.000000e+00 : f32
    %sub3A_679 = vector.broadcast %sub3A_678 : f32 to vector<16xf32>
    %sub3A_680 = arith.subf %sub3A_679, %sub3A_677 : vector<16xf32>
    %mul3A_681 = arith.mulf %sub3A_680, %select_n3A_668 : vector<16xf32>
    %mul3A_682 = arith.mulf %sub3A_677, %select_n3A_668 : vector<16xf32>
    %add3A_683 = arith.constant 1 : i32
    %add3A_684 = vector.broadcast %add3A_683 : i32 to vector<16xi32>
    %add3A_685 = arith.addi %convert_element_type3A_675, %add3A_684 : vector<16xi32>
    %min3A_686 = arith.constant 151 : i32
    %min3A_687 = vector.broadcast %min3A_686 : i32 to vector<16xi32>
    %min3A_688 = arith.minsi %add3A_685, %min3A_687 : vector<16xi32>
    %add3A_689 = arith.addi %mul3A_526, %mul3A_562 : vector<16xi32>
    %add3A_690 = arith.addi %add3A_689, %convert_element_type3A_638 : vector<16xi32>
    %add3A_691 = arith.constant 0 : i32
    %add3A_692 = arith.addi %mul3A_437, %add3A_691 : i32
    %swap3A_693 = arith.index_cast %add3A_692 : i32 to index
    %swap3A_694 = tpu.vector_load %arg6[%swap3A_693] {strides = array<i32>} : memref<1024xi32, #tpu.memory_space<vmem>>, vector<16xi32>,
    tpu.vector_store %arg6[%swap3A_693], %add3A_690 {strides = array<i32>} : memref<1024xi32, #tpu.memory_space<vmem>>, vector<16xi32>,
    %mul3A_695 = arith.mulf %mul3A_558, %mul3A_644 : vector<16xf32>
    %add3A_696 = arith.constant 0 : i32
    %add3A_697 = arith.addi %mul3A_437, %add3A_696 : i32
    %swap3A_698 = arith.index_cast %add3A_697 : i32 to index
    %swap3A_699 = tpu.vector_load %arg7[%swap3A_698] {strides = array<i32>} : memref<1024xf32, #tpu.memory_space<vmem>>, vector<16xf32>,
    tpu.vector_store %arg7[%swap3A_698], %mul3A_695 {strides = array<i32>} : memref<1024xf32, #tpu.memory_space<vmem>>, vector<16xf32>,
    %add3A_700 = arith.addi %mul3A_526, %mul3A_562 : vector<16xi32>
    %add3A_701 = arith.addi %add3A_700, %min3A_651 : vector<16xi32>
    %add3A_702 = arith.constant 16 : i32
    %add3A_703 = arith.addi %mul3A_437, %add3A_702 : i32
    %swap3A_704 = arith.index_cast %add3A_703 : i32 to index
    %swap3A_705 = tpu.vector_load %arg6[%swap3A_704] {strides = array<i32>} : memref<1024xi32, #tpu.memory_space<vmem>>, vector<16xi32>,
    tpu.vector_store %arg6[%swap3A_704], %add3A_701 {strides = array<i32>} : memref<1024xi32, #tpu.memory_space<vmem>>, vector<16xi32>,
    %mul3A_706 = arith.mulf %mul3A_558, %mul3A_645 : vector<16xf32>
    %add3A_707 = arith.constant 16 : i32
    %add3A_708 = arith.addi %mul3A_437, %add3A_707 : i32
    %swap3A_709 = arith.index_cast %add3A_708 : i32 to index
    %swap3A_710 = tpu.vector_load %arg7[%swap3A_709] {strides = array<i32>} : memref<1024xf32, #tpu.memory_space<vmem>>, vector<16xf32>,
    tpu.vector_store %arg7[%swap3A_709], %mul3A_706 {strides = array<i32>} : memref<1024xf32, #tpu.memory_space<vmem>>, vector<16xf32>,
    %add3A_711 = arith.addi %mul3A_526, %mul3A_571 : vector<16xi32>
    %add3A_712 = arith.addi %add3A_711, %convert_element_type3A_638 : vector<16xi32>
    %add3A_713 = arith.constant 32 : i32
    %add3A_714 = arith.addi %mul3A_437, %add3A_713 : i32
    %swap3A_715 = arith.index_cast %add3A_714 : i32 to index
    %swap3A_716 = tpu.vector_load %arg6[%swap3A_715] {strides = array<i32>} : memref<1024xi32, #tpu.memory_space<vmem>>, vector<16xi32>,
    tpu.vector_store %arg6[%swap3A_715], %add3A_712 {strides = array<i32>} : memref<1024xi32, #tpu.memory_space<vmem>>, vector<16xi32>,
    %mul3A_717 = arith.mulf %mul3A_559, %mul3A_644 : vector<16xf32>
    %add3A_718 = arith.constant 32 : i32
    %add3A_719 = arith.addi %mul3A_437, %add3A_718 : i32
    %swap3A_720 = arith.index_cast %add3A_719 : i32 to index
    %swap3A_721 = tpu.vector_load %arg7[%swap3A_720] {strides = array<i32>} : memref<1024xf32, #tpu.memory_space<vmem>>, vector<16xf32>,
    tpu.vector_store %arg7[%swap3A_720], %mul3A_717 {strides = array<i32>} : memref<1024xf32, #tpu.memory_space<vmem>>, vector<16xf32>,
    %add3A_722 = arith.addi %mul3A_526, %mul3A_571 : vector<16xi32>
    %add3A_723 = arith.addi %add3A_722, %min3A_651 : vector<16xi32>
    %add3A_724 = arith.constant 48 : i32
    %add3A_725 = arith.addi %mul3A_437, %add3A_724 : i32
    %swap3A_726 = arith.index_cast %add3A_725 : i32 to index
    %swap3A_727 = tpu.vector_load %arg6[%swap3A_726] {strides = array<i32>} : memref<1024xi32, #tpu.memory_space<vmem>>, vector<16xi32>,
    tpu.vector_store %arg6[%swap3A_726], %add3A_723 {strides = array<i32>} : memref<1024xi32, #tpu.memory_space<vmem>>, vector<16xi32>,
    %mul3A_728 = arith.mulf %mul3A_559, %mul3A_645 : vector<16xf32>
    %add3A_729 = arith.constant 48 : i32
    %add3A_730 = arith.addi %mul3A_437, %add3A_729 : i32
    %swap3A_731 = arith.index_cast %add3A_730 : i32 to index
    %swap3A_732 = tpu.vector_load %arg7[%swap3A_731] {strides = array<i32>} : memref<1024xf32, #tpu.memory_space<vmem>>, vector<16xf32>,
    tpu.vector_store %arg7[%swap3A_731], %mul3A_728 {strides = array<i32>} : memref<1024xf32, #tpu.memory_space<vmem>>, vector<16xf32>,
    %add3A_733 = arith.addi %mul3A_526, %mul3A_562 : vector<16xi32>
    %add3A_734 = arith.addi %add3A_733, %convert_element_type3A_675 : vector<16xi32>
    %add3A_735 = arith.constant 64 : i32
    %add3A_736 = arith.addi %mul3A_437, %add3A_735 : i32
    %swap3A_737 = arith.index_cast %add3A_736 : i32 to index
    %swap3A_738 = tpu.vector_load %arg6[%swap3A_737] {strides = array<i32>} : memref<1024xi32, #tpu.memory_space<vmem>>, vector<16xi32>,
    tpu.vector_store %arg6[%swap3A_737], %add3A_734 {strides = array<i32>} : memref<1024xi32, #tpu.memory_space<vmem>>, vector<16xi32>,
    %mul3A_739 = arith.mulf %mul3A_558, %mul3A_681 : vector<16xf32>
    %add3A_740 = arith.constant 64 : i32
    %add3A_741 = arith.addi %mul3A_437, %add3A_740 : i32
    %swap3A_742 = arith.index_cast %add3A_741 : i32 to index
    %swap3A_743 = tpu.vector_load %arg7[%swap3A_742] {strides = array<i32>} : memref<1024xf32, #tpu.memory_space<vmem>>, vector<16xf32>,
    tpu.vector_store %arg7[%swap3A_742], %mul3A_739 {strides = array<i32>} : memref<1024xf32, #tpu.memory_space<vmem>>, vector<16xf32>,
    %add3A_744 = arith.addi %mul3A_526, %mul3A_562 : vector<16xi32>
    %add3A_745 = arith.addi %add3A_744, %min3A_688 : vector<16xi32>
    %add3A_746 = arith.constant 80 : i32
    %add3A_747 = arith.addi %mul3A_437, %add3A_746 : i32
    %swap3A_748 = arith.index_cast %add3A_747 : i32 to index
    %swap3A_749 = tpu.vector_load %arg6[%swap3A_748] {strides = array<i32>} : memref<1024xi32, #tpu.memory_space<vmem>>, vector<16xi32>,
    tpu.vector_store %arg6[%swap3A_748], %add3A_745 {strides = array<i32>} : memref<1024xi32, #tpu.memory_space<vmem>>, vector<16xi32>,
    %mul3A_750 = arith.mulf %mul3A_558, %mul3A_682 : vector<16xf32>
    %add3A_751 = arith.constant 80 : i32
    %add3A_752 = arith.addi %mul3A_437, %add3A_751 : i32
    %swap3A_753 = arith.index_cast %add3A_752 : i32 to index
    %swap3A_754 = tpu.vector_load %arg7[%swap3A_753] {strides = array<i32>} : memref<1024xf32, #tpu.memory_space<vmem>>, vector<16xf32>,
    tpu.vector_store %arg7[%swap3A_753], %mul3A_750 {strides = array<i32>} : memref<1024xf32, #tpu.memory_space<vmem>>, vector<16xf32>,
    %add3A_755 = arith.addi %mul3A_526, %mul3A_571 : vector<16xi32>
    %add3A_756 = arith.addi %add3A_755, %convert_element_type3A_675 : vector<16xi32>
    %add3A_757 = arith.constant 96 : i32
    %add3A_758 = arith.addi %mul3A_437, %add3A_757 : i32
    %swap3A_759 = arith.index_cast %add3A_758 : i32 to index
    %swap3A_760 = tpu.vector_load %arg6[%swap3A_759] {strides = array<i32>} : memref<1024xi32, #tpu.memory_space<vmem>>, vector<16xi32>,
    tpu.vector_store %arg6[%swap3A_759], %add3A_756 {strides = array<i32>} : memref<1024xi32, #tpu.memory_space<vmem>>, vector<16xi32>,
    %mul3A_761 = arith.mulf %mul3A_559, %mul3A_681 : vector<16xf32>
    %add3A_762 = arith.constant 96 : i32
    %add3A_763 = arith.addi %mul3A_437, %add3A_762 : i32
    %swap3A_764 = arith.index_cast %add3A_763 : i32 to index
    %swap3A_765 = tpu.vector_load %arg7[%swap3A_764] {strides = array<i32>} : memref<1024xf32, #tpu.memory_space<vmem>>, vector<16xf32>,
    tpu.vector_store %arg7[%swap3A_764], %mul3A_761 {strides = array<i32>} : memref<1024xf32, #tpu.memory_space<vmem>>, vector<16xf32>,
    %add3A_766 = arith.addi %mul3A_526, %mul3A_571 : vector<16xi32>
    %add3A_767 = arith.addi %add3A_766, %min3A_688 : vector<16xi32>
    %add3A_768 = arith.constant 112 : i32
    %add3A_769 = arith.addi %mul3A_437, %add3A_768 : i32
    %swap3A_770 = arith.index_cast %add3A_769 : i32 to index
    %swap3A_771 = tpu.vector_load %arg6[%swap3A_770] {strides = array<i32>} : memref<1024xi32, #tpu.memory_space<vmem>>, vector<16xi32>,
    tpu.vector_store %arg6[%swap3A_770], %add3A_767 {strides = array<i32>} : memref<1024xi32, #tpu.memory_space<vmem>>, vector<16xi32>,
    %mul3A_772 = arith.mulf %mul3A_559, %mul3A_682 : vector<16xf32>
    %add3A_773 = arith.constant 112 : i32
    %add3A_774 = arith.addi %mul3A_437, %add3A_773 : i32
    %swap3A_775 = arith.index_cast %add3A_774 : i32 to index
    %swap3A_776 = tpu.vector_load %arg7[%swap3A_775] {strides = array<i32>} : memref<1024xf32, #tpu.memory_space<vmem>>, vector<16xf32>,
    tpu.vector_store %arg7[%swap3A_775], %mul3A_772 {strides = array<i32>} : memref<1024xf32, #tpu.memory_space<vmem>>, vector<16xf32>,
    %add3A_777 = arith.addi %mul3A_526, %mul3A_605 : vector<16xi32>
    %add3A_778 = arith.addi %add3A_777, %convert_element_type3A_638 : vector<16xi32>
    %add3A_779 = arith.constant 128 : i32
    %add3A_780 = arith.addi %mul3A_437, %add3A_779 : i32
    %swap3A_781 = arith.index_cast %add3A_780 : i32 to index
    %swap3A_782 = tpu.vector_load %arg6[%swap3A_781] {strides = array<i32>} : memref<1024xi32, #tpu.memory_space<vmem>>, vector<16xi32>,
    tpu.vector_store %arg6[%swap3A_781], %add3A_778 {strides = array<i32>} : memref<1024xi32, #tpu.memory_space<vmem>>, vector<16xi32>,
    %mul3A_783 = arith.mulf %mul3A_601, %mul3A_644 : vector<16xf32>
    %add3A_784 = arith.constant 128 : i32
    %add3A_785 = arith.addi %mul3A_437, %add3A_784 : i32
    %swap3A_786 = arith.index_cast %add3A_785 : i32 to index
    %swap3A_787 = tpu.vector_load %arg7[%swap3A_786] {strides = array<i32>} : memref<1024xf32, #tpu.memory_space<vmem>>, vector<16xf32>,
    tpu.vector_store %arg7[%swap3A_786], %mul3A_783 {strides = array<i32>} : memref<1024xf32, #tpu.memory_space<vmem>>, vector<16xf32>,
    %add3A_788 = arith.addi %mul3A_526, %mul3A_605 : vector<16xi32>
    %add3A_789 = arith.addi %add3A_788, %min3A_651 : vector<16xi32>
    %add3A_790 = arith.constant 144 : i32
    %add3A_791 = arith.addi %mul3A_437, %add3A_790 : i32
    %swap3A_792 = arith.index_cast %add3A_791 : i32 to index
    %swap3A_793 = tpu.vector_load %arg6[%swap3A_792] {strides = array<i32>} : memref<1024xi32, #tpu.memory_space<vmem>>, vector<16xi32>,
    tpu.vector_store %arg6[%swap3A_792], %add3A_789 {strides = array<i32>} : memref<1024xi32, #tpu.memory_space<vmem>>, vector<16xi32>,
    %mul3A_794 = arith.mulf %mul3A_601, %mul3A_645 : vector<16xf32>
    %add3A_795 = arith.constant 144 : i32
    %add3A_796 = arith.addi %mul3A_437, %add3A_795 : i32
    %swap3A_797 = arith.index_cast %add3A_796 : i32 to index
    %swap3A_798 = tpu.vector_load %arg7[%swap3A_797] {strides = array<i32>} : memref<1024xf32, #tpu.memory_space<vmem>>, vector<16xf32>,
    tpu.vector_store %arg7[%swap3A_797], %mul3A_794 {strides = array<i32>} : memref<1024xf32, #tpu.memory_space<vmem>>, vector<16xf32>,
    %add3A_799 = arith.addi %mul3A_526, %mul3A_614 : vector<16xi32>
    %add3A_800 = arith.addi %add3A_799, %convert_element_type3A_638 : vector<16xi32>
    %add3A_801 = arith.constant 160 : i32
    %add3A_802 = arith.addi %mul3A_437, %add3A_801 : i32
    %swap3A_803 = arith.index_cast %add3A_802 : i32 to index
    %swap3A_804 = tpu.vector_load %arg6[%swap3A_803] {strides = array<i32>} : memref<1024xi32, #tpu.memory_space<vmem>>, vector<16xi32>,
    tpu.vector_store %arg6[%swap3A_803], %add3A_800 {strides = array<i32>} : memref<1024xi32, #tpu.memory_space<vmem>>, vector<16xi32>,
    %mul3A_805 = arith.mulf %mul3A_602, %mul3A_644 : vector<16xf32>
    %add3A_806 = arith.constant 160 : i32
    %add3A_807 = arith.addi %mul3A_437, %add3A_806 : i32
    %swap3A_808 = arith.index_cast %add3A_807 : i32 to index
    %swap3A_809 = tpu.vector_load %arg7[%swap3A_808] {strides = array<i32>} : memref<1024xf32, #tpu.memory_space<vmem>>, vector<16xf32>,
    tpu.vector_store %arg7[%swap3A_808], %mul3A_805 {strides = array<i32>} : memref<1024xf32, #tpu.memory_space<vmem>>, vector<16xf32>,
    %add3A_810 = arith.addi %mul3A_526, %mul3A_614 : vector<16xi32>
    %add3A_811 = arith.addi %add3A_810, %min3A_651 : vector<16xi32>
    %add3A_812 = arith.constant 176 : i32
    %add3A_813 = arith.addi %mul3A_437, %add3A_812 : i32
    %swap3A_814 = arith.index_cast %add3A_813 : i32 to index
    %swap3A_815 = tpu.vector_load %arg6[%swap3A_814] {strides = array<i32>} : memref<1024xi32, #tpu.memory_space<vmem>>, vector<16xi32>,
    tpu.vector_store %arg6[%swap3A_814], %add3A_811 {strides = array<i32>} : memref<1024xi32, #tpu.memory_space<vmem>>, vector<16xi32>,
    %mul3A_816 = arith.mulf %mul3A_602, %mul3A_645 : vector<16xf32>
    %add3A_817 = arith.constant 176 : i32
    %add3A_818 = arith.addi %mul3A_437, %add3A_817 : i32
    %swap3A_819 = arith.index_cast %add3A_818 : i32 to index
    %swap3A_820 = tpu.vector_load %arg7[%swap3A_819] {strides = array<i32>} : memref<1024xf32, #tpu.memory_space<vmem>>, vector<16xf32>,
    tpu.vector_store %arg7[%swap3A_819], %mul3A_816 {strides = array<i32>} : memref<1024xf32, #tpu.memory_space<vmem>>, vector<16xf32>,
    %add3A_821 = arith.addi %mul3A_526, %mul3A_605 : vector<16xi32>
    %add3A_822 = arith.addi %add3A_821, %convert_element_type3A_675 : vector<16xi32>
    %add3A_823 = arith.constant 192 : i32
    %add3A_824 = arith.addi %mul3A_437, %add3A_823 : i32
    %swap3A_825 = arith.index_cast %add3A_824 : i32 to index
    %swap3A_826 = tpu.vector_load %arg6[%swap3A_825] {strides = array<i32>} : memref<1024xi32, #tpu.memory_space<vmem>>, vector<16xi32>,
    tpu.vector_store %arg6[%swap3A_825], %add3A_822 {strides = array<i32>} : memref<1024xi32, #tpu.memory_space<vmem>>, vector<16xi32>,
    %mul3A_827 = arith.mulf %mul3A_601, %mul3A_681 : vector<16xf32>
    %add3A_828 = arith.constant 192 : i32
    %add3A_829 = arith.addi %mul3A_437, %add3A_828 : i32
    %swap3A_830 = arith.index_cast %add3A_829 : i32 to index
    %swap3A_831 = tpu.vector_load %arg7[%swap3A_830] {strides = array<i32>} : memref<1024xf32, #tpu.memory_space<vmem>>, vector<16xf32>,
    tpu.vector_store %arg7[%swap3A_830], %mul3A_827 {strides = array<i32>} : memref<1024xf32, #tpu.memory_space<vmem>>, vector<16xf32>,
    %add3A_832 = arith.addi %mul3A_526, %mul3A_605 : vector<16xi32>
    %add3A_833 = arith.addi %add3A_832, %min3A_688 : vector<16xi32>
    %add3A_834 = arith.constant 208 : i32
    %add3A_835 = arith.addi %mul3A_437, %add3A_834 : i32
    %swap3A_836 = arith.index_cast %add3A_835 : i32 to index
    %swap3A_837 = tpu.vector_load %arg6[%swap3A_836] {strides = array<i32>} : memref<1024xi32, #tpu.memory_space<vmem>>, vector<16xi32>,
    tpu.vector_store %arg6[%swap3A_836], %add3A_833 {strides = array<i32>} : memref<1024xi32, #tpu.memory_space<vmem>>, vector<16xi32>,
    %mul3A_838 = arith.mulf %mul3A_601, %mul3A_682 : vector<16xf32>
    %add3A_839 = arith.constant 208 : i32
    %add3A_840 = arith.addi %mul3A_437, %add3A_839 : i32
    %swap3A_841 = arith.index_cast %add3A_840 : i32 to index
    %swap3A_842 = tpu.vector_load %arg7[%swap3A_841] {strides = array<i32>} : memref<1024xf32, #tpu.memory_space<vmem>>, vector<16xf32>,
    tpu.vector_store %arg7[%swap3A_841], %mul3A_838 {strides = array<i32>} : memref<1024xf32, #tpu.memory_space<vmem>>, vector<16xf32>,
    %add3A_843 = arith.addi %mul3A_526, %mul3A_614 : vector<16xi32>
    %add3A_844 = arith.addi %add3A_843, %convert_element_type3A_675 : vector<16xi32>
    %add3A_845 = arith.constant 224 : i32
    %add3A_846 = arith.addi %mul3A_437, %add3A_845 : i32
    %swap3A_847 = arith.index_cast %add3A_846 : i32 to index
    %swap3A_848 = tpu.vector_load %arg6[%swap3A_847] {strides = array<i32>} : memref<1024xi32, #tpu.memory_space<vmem>>, vector<16xi32>,
    tpu.vector_store %arg6[%swap3A_847], %add3A_844 {strides = array<i32>} : memref<1024xi32, #tpu.memory_space<vmem>>, vector<16xi32>,
    %mul3A_849 = arith.mulf %mul3A_602, %mul3A_681 : vector<16xf32>
    %add3A_850 = arith.constant 224 : i32
    %add3A_851 = arith.addi %mul3A_437, %add3A_850 : i32
    %swap3A_852 = arith.index_cast %add3A_851 : i32 to index
    %swap3A_853 = tpu.vector_load %arg7[%swap3A_852] {strides = array<i32>} : memref<1024xf32, #tpu.memory_space<vmem>>, vector<16xf32>,
    tpu.vector_store %arg7[%swap3A_852], %mul3A_849 {strides = array<i32>} : memref<1024xf32, #tpu.memory_space<vmem>>, vector<16xf32>,
    %add3A_854 = arith.addi %mul3A_526, %mul3A_614 : vector<16xi32>
    %add3A_855 = arith.addi %add3A_854, %min3A_688 : vector<16xi32>
    %add3A_856 = arith.constant 240 : i32
    %add3A_857 = arith.addi %mul3A_437, %add3A_856 : i32
    %swap3A_858 = arith.index_cast %add3A_857 : i32 to index
    %swap3A_859 = tpu.vector_load %arg6[%swap3A_858] {strides = array<i32>} : memref<1024xi32, #tpu.memory_space<vmem>>, vector<16xi32>,
    tpu.vector_store %arg6[%swap3A_858], %add3A_855 {strides = array<i32>} : memref<1024xi32, #tpu.memory_space<vmem>>, vector<16xi32>,
    %mul3A_860 = arith.mulf %mul3A_602, %mul3A_682 : vector<16xf32>
    %add3A_861 = arith.constant 240 : i32
    %add3A_862 = arith.addi %mul3A_437, %add3A_861 : i32
    %swap3A_863 = arith.index_cast %add3A_862 : i32 to index
    %swap3A_864 = tpu.vector_load %arg7[%swap3A_863] {strides = array<i32>} : memref<1024xf32, #tpu.memory_space<vmem>>, vector<16xf32>,
    tpu.vector_store %arg7[%swap3A_863], %mul3A_860 {strides = array<i32>} : memref<1024xf32, #tpu.memory_space<vmem>>, vector<16xf32>,
    %dma_start3A_865 = arith.constant 0 : i32
    %dma_start3A_866 = tpu.memref_slice %arg8[%mul3A_442, %dma_start3A_865] : memref<768x128xi32, #tpu.memory_space<vmem>> -> memref<128x128xi32, #tpu.memory_space<vmem>>
    %dma_start3A_867 = tpu.memref_slice %arg6[%mul3A_437] : memref<1024xi32, #tpu.memory_space<vmem>> -> memref<128xi32, #tpu.memory_space<vmem>>
    %dma_start3A_868 = arith.constant 0 : i32
    %dma_start3A_869 = arith.constant 0 : i32
    %dma_start3A_870 = tpu.memref_slice %arg2[%dma_start3A_868, %dma_start3A_869] : memref<30400x128xi32, #tpu.memory_space<hbm>> -> memref<30400x128xi32, #tpu.memory_space<hbm>>
    tpu.enqueue_indirect_dma source(%dma_start3A_870 : memref<30400x128xi32, #tpu.memory_space<hbm>>) target(%dma_start3A_866 : memref<128x128xi32, #tpu.memory_space<vmem>>) offsets(%dma_start3A_867 : memref<128xi32, #tpu.memory_space<vmem>>) semaphore(%arg11 : memref<!tpu.dma_semaphore, #tpu.memory_space<semaphore_mem>>)
    %add3A_871 = arith.constant 128 : i32
    %add3A_872 = arith.addi %mul3A_437, %add3A_871 : i32
    %add3A_873 = arith.constant 128 : i32
    %add3A_874 = arith.addi %mul3A_442, %add3A_873 : i32
    %dma_start3A_875 = arith.constant 0 : i32
    %dma_start3A_876 = tpu.memref_slice %arg8[%add3A_874, %dma_start3A_875] : memref<768x128xi32, #tpu.memory_space<vmem>> -> memref<128x128xi32, #tpu.memory_space<vmem>>
    %dma_start3A_877 = tpu.memref_slice %arg6[%add3A_872] : memref<1024xi32, #tpu.memory_space<vmem>> -> memref<128xi32, #tpu.memory_space<vmem>>
    %dma_start3A_878 = arith.constant 0 : i32
    %dma_start3A_879 = arith.constant 0 : i32
    %dma_start3A_880 = tpu.memref_slice %arg2[%dma_start3A_878, %dma_start3A_879] : memref<30400x128xi32, #tpu.memory_space<hbm>> -> memref<30400x128xi32, #tpu.memory_space<hbm>>
    tpu.enqueue_indirect_dma source(%dma_start3A_880 : memref<30400x128xi32, #tpu.memory_space<hbm>>) target(%dma_start3A_876 : memref<128x128xi32, #tpu.memory_space<vmem>>) offsets(%dma_start3A_877 : memref<128xi32, #tpu.memory_space<vmem>>) semaphore(%arg11 : memref<!tpu.dma_semaphore, #tpu.memory_space<semaphore_mem>>)
    %rem3A_881 = arith.constant 2 : i32
    %rem3A_882 = arith.constant 4 : i32
    %rem3A_883 = arith.remsi %rem3A_881, %rem3A_882 : i32
    %mul3A_884 = arith.constant 256 : i32
    %mul3A_885 = arith.muli %rem3A_883, %mul3A_884 : i32
    %rem3A_886 = arith.constant 2 : i32
    %rem3A_887 = arith.constant 3 : i32
    %rem3A_888 = arith.remsi %rem3A_886, %rem3A_887 : i32
    %mul3A_889 = arith.constant 256 : i32
    %mul3A_890 = arith.muli %rem3A_888, %mul3A_889 : i32
    %mul3A_891 = arith.constant 784 : i32
    %mul3A_892 = arith.muli %add3A, %mul3A_891 : i32
    %add3A_893 = arith.constant 32 : i32
    %add3A_894 = arith.addi %mul3A_892, %add3A_893 : i32
    %iota3A_895 = tpu.iota {dimensions = array<i32: 0>} : vector<16xi32>
    %add3A_896 = vector.broadcast %add3A_894 : i32 to vector<16xi32>
    %add3A_897 = arith.addi %add3A_896, %iota3A_895 : vector<16xi32>
    %div3A_898 = arith.constant 49 : i32
    %div3A_899 = vector.broadcast %div3A_898 : i32 to vector<16xi32>
    %div3A_900 = arith.divsi %add3A_897, %div3A_899 : vector<16xi32>
    %rem3A_901 = arith.constant 49 : i32
    %rem3A_902 = vector.broadcast %rem3A_901 : i32 to vector<16xi32>
    %rem3A_903 = arith.remsi %add3A_897, %rem3A_902 : vector<16xi32>
    %div3A_904 = arith.constant 7 : i32
    %div3A_905 = vector.broadcast %div3A_904 : i32 to vector<16xi32>
    %div3A_906 = arith.divsi %rem3A_903, %div3A_905 : vector<16xi32>
    %rem3A_907 = arith.constant 7 : i32
    %rem3A_908 = vector.broadcast %rem3A_907 : i32 to vector<16xi32>
    %rem3A_909 = arith.remsi %rem3A_903, %rem3A_908 : vector<16xi32>
    %mul3A_910 = arith.constant 5 : i32
    %mul3A_911 = vector.broadcast %mul3A_910 : i32 to vector<16xi32>
    %mul3A_912 = arith.muli %div3A_900, %mul3A_911 : vector<16xi32>
    %add3A_913 = arith.constant 0 : i32
    %add3A_914 = vector.broadcast %add3A_913 : i32 to vector<16xi32>
    %add3A_915 = arith.addi %mul3A_912, %add3A_914 : vector<16xi32>
    %gather3A_916 = tpu.vector_load_idx %arg5[%add3A_915] : memref<2560xf32, #tpu.memory_space<vmem>>[vector<16xi32>], vector<16xf32>,
    %convert_element_type3A_917 = arith.fptosi %gather3A_916 : vector<16xf32> to vector<16xi32>
    %add3A_918 = arith.constant 1 : i32
    %add3A_919 = vector.broadcast %add3A_918 : i32 to vector<16xi32>
    %add3A_920 = arith.addi %mul3A_912, %add3A_919 : vector<16xi32>
    %gather3A_921 = tpu.vector_load_idx %arg5[%add3A_920] : memref<2560xf32, #tpu.memory_space<vmem>>[vector<16xi32>], vector<16xf32>,
    %mul3A_922 = arith.constant 1.250000e-01 : f32
    %mul3A_923 = vector.broadcast %mul3A_922 : f32 to vector<16xf32>
    %mul3A_924 = arith.mulf %gather3A_921, %mul3A_923 : vector<16xf32>
    %sub3A_925 = arith.constant 5.000000e-01 : f32
    %sub3A_926 = vector.broadcast %sub3A_925 : f32 to vector<16xf32>
    %sub3A_927 = arith.subf %mul3A_924, %sub3A_926 : vector<16xf32>
    %add3A_928 = arith.constant 2 : i32
    %add3A_929 = vector.broadcast %add3A_928 : i32 to vector<16xi32>
    %add3A_930 = arith.addi %mul3A_912, %add3A_929 : vector<16xi32>
    %gather3A_931 = tpu.vector_load_idx %arg5[%add3A_930] : memref<2560xf32, #tpu.memory_space<vmem>>[vector<16xi32>], vector<16xf32>,
    %mul3A_932 = arith.constant 1.250000e-01 : f32
    %mul3A_933 = vector.broadcast %mul3A_932 : f32 to vector<16xf32>
    %mul3A_934 = arith.mulf %gather3A_931, %mul3A_933 : vector<16xf32>
    %sub3A_935 = arith.constant 5.000000e-01 : f32
    %sub3A_936 = vector.broadcast %sub3A_935 : f32 to vector<16xf32>
    %sub3A_937 = arith.subf %mul3A_934, %sub3A_936 : vector<16xf32>
    %add3A_938 = arith.constant 3 : i32
    %add3A_939 = vector.broadcast %add3A_938 : i32 to vector<16xi32>
    %add3A_940 = arith.addi %mul3A_912, %add3A_939 : vector<16xi32>
    %gather3A_941 = tpu.vector_load_idx %arg5[%add3A_940] : memref<2560xf32, #tpu.memory_space<vmem>>[vector<16xi32>], vector<16xf32>,
    %mul3A_942 = arith.constant 1.250000e-01 : f32
    %mul3A_943 = vector.broadcast %mul3A_942 : f32 to vector<16xf32>
    %mul3A_944 = arith.mulf %gather3A_941, %mul3A_943 : vector<16xf32>
    %sub3A_945 = arith.constant 5.000000e-01 : f32
    %sub3A_946 = vector.broadcast %sub3A_945 : f32 to vector<16xf32>
    %sub3A_947 = arith.subf %mul3A_944, %sub3A_946 : vector<16xf32>
    %add3A_948 = arith.constant 4 : i32
    %add3A_949 = vector.broadcast %add3A_948 : i32 to vector<16xi32>
    %add3A_950 = arith.addi %mul3A_912, %add3A_949 : vector<16xi32>
    %gather3A_951 = tpu.vector_load_idx %arg5[%add3A_950] : memref<2560xf32, #tpu.memory_space<vmem>>[vector<16xi32>], vector<16xf32>,
    %mul3A_952 = arith.constant 1.250000e-01 : f32
    %mul3A_953 = vector.broadcast %mul3A_952 : f32 to vector<16xf32>
    %mul3A_954 = arith.mulf %gather3A_951, %mul3A_953 : vector<16xf32>
    %sub3A_955 = arith.constant 5.000000e-01 : f32
    %sub3A_956 = vector.broadcast %sub3A_955 : f32 to vector<16xf32>
    %sub3A_957 = arith.subf %mul3A_954, %sub3A_956 : vector<16xf32>
    %sub3A_958 = arith.subf %sub3A_947, %sub3A_927 : vector<16xf32>
    %max3A_959 = arith.constant 1.000000e+00 : f32
    %max3A_960 = vector.broadcast %max3A_959 : f32 to vector<16xf32>
    %max3A_961 = arith.maximumf %sub3A_958, %max3A_960 : vector<16xf32>
    %mul3A_962 = arith.constant 0.142857149 : f32
    %mul3A_963 = vector.broadcast %mul3A_962 : f32 to vector<16xf32>
    %mul3A_964 = arith.mulf %max3A_961, %mul3A_963 : vector<16xf32>
    %sub3A_965 = arith.subf %sub3A_957, %sub3A_937 : vector<16xf32>
    %max3A_966 = arith.constant 1.000000e+00 : f32
    %max3A_967 = vector.broadcast %max3A_966 : f32 to vector<16xf32>
    %max3A_968 = arith.maximumf %sub3A_965, %max3A_967 : vector<16xf32>
    %mul3A_969 = arith.constant 0.142857149 : f32
    %mul3A_970 = vector.broadcast %mul3A_969 : f32 to vector<16xf32>
    %mul3A_971 = arith.mulf %max3A_968, %mul3A_970 : vector<16xf32>
    %mul3A_972 = arith.constant 15200 : i32
    %mul3A_973 = vector.broadcast %mul3A_972 : i32 to vector<16xi32>
    %mul3A_974 = arith.muli %convert_element_type3A_917, %mul3A_973 : vector<16xi32>
    %convert_element_type3A_975 = arith.sitofp %div3A_906 : vector<16xi32> to vector<16xf32>
    %convert_element_type3A_976 = arith.sitofp %rem3A_909 : vector<16xi32> to vector<16xf32>
    %add3A_977 = arith.constant 2.500000e-01 : f32
    %add3A_978 = vector.broadcast %add3A_977 : f32 to vector<16xf32>
    %add3A_979 = arith.addf %convert_element_type3A_975, %add3A_978 : vector<16xf32>
    %mul3A_980 = arith.mulf %add3A_979, %mul3A_971 : vector<16xf32>
    %add3A_981 = arith.addf %sub3A_937, %mul3A_980 : vector<16xf32>
    %gt3A_982 = arith.constant -1.000000e+00 : f32
    %gt3A_983 = vector.broadcast %gt3A_982 : f32 to vector<16xf32>
    %gt3A_984 = arith.cmpf ogt, %add3A_981, %gt3A_983 : vector<16xf32>
    %lt3A_985 = arith.constant 1.000000e+02 : f32
    %lt3A_986 = vector.broadcast %lt3A_985 : f32 to vector<16xf32>
    %lt3A_987 = arith.cmpf olt, %add3A_981, %lt3A_986 : vector<16xf32>
    %and3A_988 = arith.andi %gt3A_984, %lt3A_987 : vector<16xi1>
    %jit3A_989 = arith.constant 5.000000e-01 : f32
    %jit3A_990 = arith.constant 0.000000e+00 : f32
    %broadcast_in_dim3A_991 = vector.broadcast %jit3A_989 : f32 to vector<16xf32>
    %broadcast_in_dim3A_992 = vector.broadcast %jit3A_990 : f32 to vector<16xf32>
    %select_n3A_993 = arith.select %and3A_988, %broadcast_in_dim3A_991, %broadcast_in_dim3A_992 : vector<16xi1>, vector<16xf32>
    %jit3A_994 = arith.constant 0.000000e+00 : f32
    %jit3A_995 = arith.constant 9.900000e+01 : f32
    %max3A_996 = vector.broadcast %jit3A_994 : f32 to vector<16xf32>
    %max3A_997 = arith.maximumf %max3A_996, %add3A_981 : vector<16xf32>
    %min3A_998 = vector.broadcast %jit3A_995 : f32 to vector<16xf32>
    %min3A_999 = arith.minimumf %min3A_998, %max3A_997 : vector<16xf32>
    %convert_element_type3A_1000 = arith.fptosi %min3A_999 : vector<16xf32> to vector<16xi32>
    %convert_element_type3A_1001 = arith.sitofp %convert_element_type3A_1000 : vector<16xi32> to vector<16xf32>
    %sub3A_1002 = arith.subf %min3A_999, %convert_element_type3A_1001 : vector<16xf32>
    %sub3A_1003 = arith.constant 1.000000e+00 : f32
    %sub3A_1004 = vector.broadcast %sub3A_1003 : f32 to vector<16xf32>
    %sub3A_1005 = arith.subf %sub3A_1004, %sub3A_1002 : vector<16xf32>
    %mul3A_1006 = arith.mulf %sub3A_1005, %select_n3A_993 : vector<16xf32>
    %mul3A_1007 = arith.mulf %sub3A_1002, %select_n3A_993 : vector<16xf32>
    %mul3A_1008 = arith.constant 152 : i32
    %mul3A_1009 = vector.broadcast %mul3A_1008 : i32 to vector<16xi32>
    %mul3A_1010 = arith.muli %convert_element_type3A_1000, %mul3A_1009 : vector<16xi32>
    %add3A_1011 = arith.constant 1 : i32
    %add3A_1012 = vector.broadcast %add3A_1011 : i32 to vector<16xi32>
    %add3A_1013 = arith.addi %convert_element_type3A_1000, %add3A_1012 : vector<16xi32>
    %min3A_1014 = arith.constant 99 : i32
    %min3A_1015 = vector.broadcast %min3A_1014 : i32 to vector<16xi32>
    %min3A_1016 = arith.minsi %add3A_1013, %min3A_1015 : vector<16xi32>
    %mul3A_1017 = arith.constant 152 : i32
    %mul3A_1018 = vector.broadcast %mul3A_1017 : i32 to vector<16xi32>
    %mul3A_1019 = arith.muli %min3A_1016, %mul3A_1018 : vector<16xi32>
    %add3A_1020 = arith.constant 7.500000e-01 : f32
    %add3A_1021 = vector.broadcast %add3A_1020 : f32 to vector<16xf32>
    %add3A_1022 = arith.addf %convert_element_type3A_975, %add3A_1021 : vector<16xf32>
    %mul3A_1023 = arith.mulf %add3A_1022, %mul3A_971 : vector<16xf32>
    %add3A_1024 = arith.addf %sub3A_937, %mul3A_1023 : vector<16xf32>
    %gt3A_1025 = arith.constant -1.000000e+00 : f32
    %gt3A_1026 = vector.broadcast %gt3A_1025 : f32 to vector<16xf32>
    %gt3A_1027 = arith.cmpf ogt, %add3A_1024, %gt3A_1026 : vector<16xf32>
    %lt3A_1028 = arith.constant 1.000000e+02 : f32
    %lt3A_1029 = vector.broadcast %lt3A_1028 : f32 to vector<16xf32>
    %lt3A_1030 = arith.cmpf olt, %add3A_1024, %lt3A_1029 : vector<16xf32>
    %and3A_1031 = arith.andi %gt3A_1027, %lt3A_1030 : vector<16xi1>
    %jit3A_1032 = arith.constant 5.000000e-01 : f32
    %jit3A_1033 = arith.constant 0.000000e+00 : f32
    %broadcast_in_dim3A_1034 = vector.broadcast %jit3A_1032 : f32 to vector<16xf32>
    %broadcast_in_dim3A_1035 = vector.broadcast %jit3A_1033 : f32 to vector<16xf32>
    %select_n3A_1036 = arith.select %and3A_1031, %broadcast_in_dim3A_1034, %broadcast_in_dim3A_1035 : vector<16xi1>, vector<16xf32>
    %jit3A_1037 = arith.constant 0.000000e+00 : f32
    %jit3A_1038 = arith.constant 9.900000e+01 : f32
    %max3A_1039 = vector.broadcast %jit3A_1037 : f32 to vector<16xf32>
    %max3A_1040 = arith.maximumf %max3A_1039, %add3A_1024 : vector<16xf32>
    %min3A_1041 = vector.broadcast %jit3A_1038 : f32 to vector<16xf32>
    %min3A_1042 = arith.minimumf %min3A_1041, %max3A_1040 : vector<16xf32>
    %convert_element_type3A_1043 = arith.fptosi %min3A_1042 : vector<16xf32> to vector<16xi32>
    %convert_element_type3A_1044 = arith.sitofp %convert_element_type3A_1043 : vector<16xi32> to vector<16xf32>
    %sub3A_1045 = arith.subf %min3A_1042, %convert_element_type3A_1044 : vector<16xf32>
    %sub3A_1046 = arith.constant 1.000000e+00 : f32
    %sub3A_1047 = vector.broadcast %sub3A_1046 : f32 to vector<16xf32>
    %sub3A_1048 = arith.subf %sub3A_1047, %sub3A_1045 : vector<16xf32>
    %mul3A_1049 = arith.mulf %sub3A_1048, %select_n3A_1036 : vector<16xf32>
    %mul3A_1050 = arith.mulf %sub3A_1045, %select_n3A_1036 : vector<16xf32>
    %mul3A_1051 = arith.constant 152 : i32
    %mul3A_1052 = vector.broadcast %mul3A_1051 : i32 to vector<16xi32>
    %mul3A_1053 = arith.muli %convert_element_type3A_1043, %mul3A_1052 : vector<16xi32>
    %add3A_1054 = arith.constant 1 : i32
    %add3A_1055 = vector.broadcast %add3A_1054 : i32 to vector<16xi32>
    %add3A_1056 = arith.addi %convert_element_type3A_1043, %add3A_1055 : vector<16xi32>
    %min3A_1057 = arith.constant 99 : i32
    %min3A_1058 = vector.broadcast %min3A_1057 : i32 to vector<16xi32>
    %min3A_1059 = arith.minsi %add3A_1056, %min3A_1058 : vector<16xi32>
    %mul3A_1060 = arith.constant 152 : i32
    %mul3A_1061 = vector.broadcast %mul3A_1060 : i32 to vector<16xi32>
    %mul3A_1062 = arith.muli %min3A_1059, %mul3A_1061 : vector<16xi32>
    %add3A_1063 = arith.constant 2.500000e-01 : f32
    %add3A_1064 = vector.broadcast %add3A_1063 : f32 to vector<16xf32>
    %add3A_1065 = arith.addf %convert_element_type3A_976, %add3A_1064 : vector<16xf32>
    %mul3A_1066 = arith.mulf %add3A_1065, %mul3A_964 : vector<16xf32>
    %add3A_1067 = arith.addf %sub3A_927, %mul3A_1066 : vector<16xf32>
    %gt3A_1068 = arith.constant -1.000000e+00 : f32
    %gt3A_1069 = vector.broadcast %gt3A_1068 : f32 to vector<16xf32>
    %gt3A_1070 = arith.cmpf ogt, %add3A_1067, %gt3A_1069 : vector<16xf32>
    %lt3A_1071 = arith.constant 1.520000e+02 : f32
    %lt3A_1072 = vector.broadcast %lt3A_1071 : f32 to vector<16xf32>
    %lt3A_1073 = arith.cmpf olt, %add3A_1067, %lt3A_1072 : vector<16xf32>
    %and3A_1074 = arith.andi %gt3A_1070, %lt3A_1073 : vector<16xi1>
    %jit3A_1075 = arith.constant 5.000000e-01 : f32
    %jit3A_1076 = arith.constant 0.000000e+00 : f32
    %broadcast_in_dim3A_1077 = vector.broadcast %jit3A_1075 : f32 to vector<16xf32>
    %broadcast_in_dim3A_1078 = vector.broadcast %jit3A_1076 : f32 to vector<16xf32>
    %select_n3A_1079 = arith.select %and3A_1074, %broadcast_in_dim3A_1077, %broadcast_in_dim3A_1078 : vector<16xi1>, vector<16xf32>
    %jit3A_1080 = arith.constant 0.000000e+00 : f32
    %jit3A_1081 = arith.constant 1.510000e+02 : f32
    %max3A_1082 = vector.broadcast %jit3A_1080 : f32 to vector<16xf32>
    %max3A_1083 = arith.maximumf %max3A_1082, %add3A_1067 : vector<16xf32>
    %min3A_1084 = vector.broadcast %jit3A_1081 : f32 to vector<16xf32>
    %min3A_1085 = arith.minimumf %min3A_1084, %max3A_1083 : vector<16xf32>
    %convert_element_type3A_1086 = arith.fptosi %min3A_1085 : vector<16xf32> to vector<16xi32>
    %convert_element_type3A_1087 = arith.sitofp %convert_element_type3A_1086 : vector<16xi32> to vector<16xf32>
    %sub3A_1088 = arith.subf %min3A_1085, %convert_element_type3A_1087 : vector<16xf32>
    %sub3A_1089 = arith.constant 1.000000e+00 : f32
    %sub3A_1090 = vector.broadcast %sub3A_1089 : f32 to vector<16xf32>
    %sub3A_1091 = arith.subf %sub3A_1090, %sub3A_1088 : vector<16xf32>
    %mul3A_1092 = arith.mulf %sub3A_1091, %select_n3A_1079 : vector<16xf32>
    %mul3A_1093 = arith.mulf %sub3A_1088, %select_n3A_1079 : vector<16xf32>
    %add3A_1094 = arith.constant 1 : i32
    %add3A_1095 = vector.broadcast %add3A_1094 : i32 to vector<16xi32>
    %add3A_1096 = arith.addi %convert_element_type3A_1086, %add3A_1095 : vector<16xi32>
    %min3A_1097 = arith.constant 151 : i32
    %min3A_1098 = vector.broadcast %min3A_1097 : i32 to vector<16xi32>
    %min3A_1099 = arith.minsi %add3A_1096, %min3A_1098 : vector<16xi32>
    %add3A_1100 = arith.constant 7.500000e-01 : f32
    %add3A_1101 = vector.broadcast %add3A_1100 : f32 to vector<16xf32>
    %add3A_1102 = arith.addf %convert_element_type3A_976, %add3A_1101 : vector<16xf32>
    %mul3A_1103 = arith.mulf %add3A_1102, %mul3A_964 : vector<16xf32>
    %add3A_1104 = arith.addf %sub3A_927, %mul3A_1103 : vector<16xf32>
    %gt3A_1105 = arith.constant -1.000000e+00 : f32
    %gt3A_1106 = vector.broadcast %gt3A_1105 : f32 to vector<16xf32>
    %gt3A_1107 = arith.cmpf ogt, %add3A_1104, %gt3A_1106 : vector<16xf32>
    %lt3A_1108 = arith.constant 1.520000e+02 : f32
    %lt3A_1109 = vector.broadcast %lt3A_1108 : f32 to vector<16xf32>
    %lt3A_1110 = arith.cmpf olt, %add3A_1104, %lt3A_1109 : vector<16xf32>
    %and3A_1111 = arith.andi %gt3A_1107, %lt3A_1110 : vector<16xi1>
    %jit3A_1112 = arith.constant 5.000000e-01 : f32
    %jit3A_1113 = arith.constant 0.000000e+00 : f32
    %broadcast_in_dim3A_1114 = vector.broadcast %jit3A_1112 : f32 to vector<16xf32>
    %broadcast_in_dim3A_1115 = vector.broadcast %jit3A_1113 : f32 to vector<16xf32>
    %select_n3A_1116 = arith.select %and3A_1111, %broadcast_in_dim3A_1114, %broadcast_in_dim3A_1115 : vector<16xi1>, vector<16xf32>
    %jit3A_1117 = arith.constant 0.000000e+00 : f32
    %jit3A_1118 = arith.constant 1.510000e+02 : f32
    %max3A_1119 = vector.broadcast %jit3A_1117 : f32 to vector<16xf32>
    %max3A_1120 = arith.maximumf %max3A_1119, %add3A_1104 : vector<16xf32>
    %min3A_1121 = vector.broadcast %jit3A_1118 : f32 to vector<16xf32>
    %min3A_1122 = arith.minimumf %min3A_1121, %max3A_1120 : vector<16xf32>
    %convert_element_type3A_1123 = arith.fptosi %min3A_1122 : vector<16xf32> to vector<16xi32>
    %convert_element_type3A_1124 = arith.sitofp %convert_element_type3A_1123 : vector<16xi32> to vector<16xf32>
    %sub3A_1125 = arith.subf %min3A_1122, %convert_element_type3A_1124 : vector<16xf32>
    %sub3A_1126 = arith.constant 1.000000e+00 : f32
    %sub3A_1127 = vector.broadcast %sub3A_1126 : f32 to vector<16xf32>
    %sub3A_1128 = arith.subf %sub3A_1127, %sub3A_1125 : vector<16xf32>
    %mul3A_1129 = arith.mulf %sub3A_1128, %select_n3A_1116 : vector<16xf32>
    %mul3A_1130 = arith.mulf %sub3A_1125, %select_n3A_1116 : vector<16xf32>
    %add3A_1131 = arith.constant 1 : i32
    %add3A_1132 = vector.broadcast %add3A_1131 : i32 to vector<16xi32>
    %add3A_1133 = arith.addi %convert_element_type3A_1123, %add3A_1132 : vector<16xi32>
    %min3A_1134 = arith.constant 151 : i32
    %min3A_1135 = vector.broadcast %min3A_1134 : i32 to vector<16xi32>
    %min3A_1136 = arith.minsi %add3A_1133, %min3A_1135 : vector<16xi32>
    %add3A_1137 = arith.addi %mul3A_974, %mul3A_1010 : vector<16xi32>
    %add3A_1138 = arith.addi %add3A_1137, %convert_element_type3A_1086 : vector<16xi32>
    %add3A_1139 = arith.constant 0 : i32
    %add3A_1140 = arith.addi %mul3A_885, %add3A_1139 : i32
    %swap3A_1141 = arith.index_cast %add3A_1140 : i32 to index
    %swap3A_1142 = tpu.vector_load %arg6[%swap3A_1141] {strides = array<i32>} : memref<1024xi32, #tpu.memory_space<vmem>>, vector<16xi32>,
    tpu.vector_store %arg6[%swap3A_1141], %add3A_1138 {strides = array<i32>} : memref<1024xi32, #tpu.memory_space<vmem>>, vector<16xi32>,
    %mul3A_1143 = arith.mulf %mul3A_1006, %mul3A_1092 : vector<16xf32>
    %add3A_1144 = arith.constant 0 : i32
    %add3A_1145 = arith.addi %mul3A_885, %add3A_1144 : i32
    %swap3A_1146 = arith.index_cast %add3A_1145 : i32 to index
    %swap3A_1147 = tpu.vector_load %arg7[%swap3A_1146] {strides = array<i32>} : memref<1024xf32, #tpu.memory_space<vmem>>, vector<16xf32>,
    tpu.vector_store %arg7[%swap3A_1146], %mul3A_1143 {strides = array<i32>} : memref<1024xf32, #tpu.memory_space<vmem>>, vector<16xf32>,
    %add3A_1148 = arith.addi %mul3A_974, %mul3A_1010 : vector<16xi32>
    %add3A_1149 = arith.addi %add3A_1148, %min3A_1099 : vector<16xi32>
    %add3A_1150 = arith.constant 16 : i32
    %add3A_1151 = arith.addi %mul3A_885, %add3A_1150 : i32
    %swap3A_1152 = arith.index_cast %add3A_1151 : i32 to index
    %swap3A_1153 = tpu.vector_load %arg6[%swap3A_1152] {strides = array<i32>} : memref<1024xi32, #tpu.memory_space<vmem>>, vector<16xi32>,
    tpu.vector_store %arg6[%swap3A_1152], %add3A_1149 {strides = array<i32>} : memref<1024xi32, #tpu.memory_space<vmem>>, vector<16xi32>,
    %mul3A_1154 = arith.mulf %mul3A_1006, %mul3A_1093 : vector<16xf32>
    %add3A_1155 = arith.constant 16 : i32
    %add3A_1156 = arith.addi %mul3A_885, %add3A_1155 : i32
    %swap3A_1157 = arith.index_cast %add3A_1156 : i32 to index
    %swap3A_1158 = tpu.vector_load %arg7[%swap3A_1157] {strides = array<i32>} : memref<1024xf32, #tpu.memory_space<vmem>>, vector<16xf32>,
    tpu.vector_store %arg7[%swap3A_1157], %mul3A_1154 {strides = array<i32>} : memref<1024xf32, #tpu.memory_space<vmem>>, vector<16xf32>,
    %add3A_1159 = arith.addi %mul3A_974, %mul3A_1019 : vector<16xi32>
    %add3A_1160 = arith.addi %add3A_1159, %convert_element_type3A_1086 : vector<16xi32>
    %add3A_1161 = arith.constant 32 : i32
    %add3A_1162 = arith.addi %mul3A_885, %add3A_1161 : i32
    %swap3A_1163 = arith.index_cast %add3A_1162 : i32 to index
    %swap3A_1164 = tpu.vector_load %arg6[%swap3A_1163] {strides = array<i32>} : memref<1024xi32, #tpu.memory_space<vmem>>, vector<16xi32>,
    tpu.vector_store %arg6[%swap3A_1163], %add3A_1160 {strides = array<i32>} : memref<1024xi32, #tpu.memory_space<vmem>>, vector<16xi32>,
    %mul3A_1165 = arith.mulf %mul3A_1007, %mul3A_1092 : vector<16xf32>
    %add3A_1166 = arith.constant 32 : i32
    %add3A_1167 = arith.addi %mul3A_885, %add3A_1166 : i32
    %swap3A_1168 = arith.index_cast %add3A_1167 : i32 to index
    %swap3A_1169 = tpu.vector_load %arg7[%swap3A_1168] {strides = array<i32>} : memref<1024xf32, #tpu.memory_space<vmem>>, vector<16xf32>,
    tpu.vector_store %arg7[%swap3A_1168], %mul3A_1165 {strides = array<i32>} : memref<1024xf32, #tpu.memory_space<vmem>>, vector<16xf32>,
    %add3A_1170 = arith.addi %mul3A_974, %mul3A_1019 : vector<16xi32>
    %add3A_1171 = arith.addi %add3A_1170, %min3A_1099 : vector<16xi32>
    %add3A_1172 = arith.constant 48 : i32
    %add3A_1173 = arith.addi %mul3A_885, %add3A_1172 : i32
    %swap3A_1174 = arith.index_cast %add3A_1173 : i32 to index
    %swap3A_1175 = tpu.vector_load %arg6[%swap3A_1174] {strides = array<i32>} : memref<1024xi32, #tpu.memory_space<vmem>>, vector<16xi32>,
    tpu.vector_store %arg6[%swap3A_1174], %add3A_1171 {strides = array<i32>} : memref<1024xi32, #tpu.memory_space<vmem>>, vector<16xi32>,
    %mul3A_1176 = arith.mulf %mul3A_1007, %mul3A_1093 : vector<16xf32>
    %add3A_1177 = arith.constant 48 : i32
    %add3A_1178 = arith.addi %mul3A_885, %add3A_1177 : i32
    %swap3A_1179 = arith.index_cast %add3A_1178 : i32 to index
    %swap3A_1180 = tpu.vector_load %arg7[%swap3A_1179] {strides = array<i32>} : memref<1024xf32, #tpu.memory_space<vmem>>, vector<16xf32>,
    tpu.vector_store %arg7[%swap3A_1179], %mul3A_1176 {strides = array<i32>} : memref<1024xf32, #tpu.memory_space<vmem>>, vector<16xf32>,
    %add3A_1181 = arith.addi %mul3A_974, %mul3A_1010 : vector<16xi32>
    %add3A_1182 = arith.addi %add3A_1181, %convert_element_type3A_1123 : vector<16xi32>
    %add3A_1183 = arith.constant 64 : i32
    %add3A_1184 = arith.addi %mul3A_885, %add3A_1183 : i32
    %swap3A_1185 = arith.index_cast %add3A_1184 : i32 to index
    %swap3A_1186 = tpu.vector_load %arg6[%swap3A_1185] {strides = array<i32>} : memref<1024xi32, #tpu.memory_space<vmem>>, vector<16xi32>,
    tpu.vector_store %arg6[%swap3A_1185], %add3A_1182 {strides = array<i32>} : memref<1024xi32, #tpu.memory_space<vmem>>, vector<16xi32>,
    %mul3A_1187 = arith.mulf %mul3A_1006, %mul3A_1129 : vector<16xf32>
    %add3A_1188 = arith.constant 64 : i32
    %add3A_1189 = arith.addi %mul3A_885, %add3A_1188 : i32
    %swap3A_1190 = arith.index_cast %add3A_1189 : i32 to index
    %swap3A_1191 = tpu.vector_load %arg7[%swap3A_1190] {strides = array<i32>} : memref<1024xf32, #tpu.memory_space<vmem>>, vector<16xf32>,
    tpu.vector_store %arg7[%swap3A_1190], %mul3A_1187 {strides = array<i32>} : memref<1024xf32, #tpu.memory_space<vmem>>, vector<16xf32>,
    %add3A_1192 = arith.addi %mul3A_974, %mul3A_1010 : vector<16xi32>
    %add3A_1193 = arith.addi %add3A_1192, %min3A_1136 : vector<16xi32>
    %add3A_1194 = arith.constant 80 : i32
    %add3A_1195 = arith.addi %mul3A_885, %add3A_1194 : i32
    %swap3A_1196 = arith.index_cast %add3A_1195 : i32 to index
    %swap3A_1197 = tpu.vector_load %arg6[%swap3A_1196] {strides = array<i32>} : memref<1024xi32, #tpu.memory_space<vmem>>, vector<16xi32>,
    tpu.vector_store %arg6[%swap3A_1196], %add3A_1193 {strides = array<i32>} : memref<1024xi32, #tpu.memory_space<vmem>>, vector<16xi32>,
    %mul3A_1198 = arith.mulf %mul3A_1006, %mul3A_1130 : vector<16xf32>
    %add3A_1199 = arith.constant 80 : i32
    %add3A_1200 = arith.addi %mul3A_885, %add3A_1199 : i32
    %swap3A_1201 = arith.index_cast %add3A_1200 : i32 to index
    %swap3A_1202 = tpu.vector_load %arg7[%swap3A_1201] {strides = array<i32>} : memref<1024xf32, #tpu.memory_space<vmem>>, vector<16xf32>,
    tpu.vector_store %arg7[%swap3A_1201], %mul3A_1198 {strides = array<i32>} : memref<1024xf32, #tpu.memory_space<vmem>>, vector<16xf32>,
    %add3A_1203 = arith.addi %mul3A_974, %mul3A_1019 : vector<16xi32>
    %add3A_1204 = arith.addi %add3A_1203, %convert_element_type3A_1123 : vector<16xi32>
    %add3A_1205 = arith.constant 96 : i32
    %add3A_1206 = arith.addi %mul3A_885, %add3A_1205 : i32
    %swap3A_1207 = arith.index_cast %add3A_1206 : i32 to index
    %swap3A_1208 = tpu.vector_load %arg6[%swap3A_1207] {strides = array<i32>} : memref<1024xi32, #tpu.memory_space<vmem>>, vector<16xi32>,
    tpu.vector_store %arg6[%swap3A_1207], %add3A_1204 {strides = array<i32>} : memref<1024xi32, #tpu.memory_space<vmem>>, vector<16xi32>,
    %mul3A_1209 = arith.mulf %mul3A_1007, %mul3A_1129 : vector<16xf32>
    %add3A_1210 = arith.constant 96 : i32
    %add3A_1211 = arith.addi %mul3A_885, %add3A_1210 : i32
    %swap3A_1212 = arith.index_cast %add3A_1211 : i32 to index
    %swap3A_1213 = tpu.vector_load %arg7[%swap3A_1212] {strides = array<i32>} : memref<1024xf32, #tpu.memory_space<vmem>>, vector<16xf32>,
    tpu.vector_store %arg7[%swap3A_1212], %mul3A_1209 {strides = array<i32>} : memref<1024xf32, #tpu.memory_space<vmem>>, vector<16xf32>,
    %add3A_1214 = arith.addi %mul3A_974, %mul3A_1019 : vector<16xi32>
    %add3A_1215 = arith.addi %add3A_1214, %min3A_1136 : vector<16xi32>
    %add3A_1216 = arith.constant 112 : i32
    %add3A_1217 = arith.addi %mul3A_885, %add3A_1216 : i32
    %swap3A_1218 = arith.index_cast %add3A_1217 : i32 to index
    %swap3A_1219 = tpu.vector_load %arg6[%swap3A_1218] {strides = array<i32>} : memref<1024xi32, #tpu.memory_space<vmem>>, vector<16xi32>,
    tpu.vector_store %arg6[%swap3A_1218], %add3A_1215 {strides = array<i32>} : memref<1024xi32, #tpu.memory_space<vmem>>, vector<16xi32>,
    %mul3A_1220 = arith.mulf %mul3A_1007, %mul3A_1130 : vector<16xf32>
    %add3A_1221 = arith.constant 112 : i32
    %add3A_1222 = arith.addi %mul3A_885, %add3A_1221 : i32
    %swap3A_1223 = arith.index_cast %add3A_1222 : i32 to index
    %swap3A_1224 = tpu.vector_load %arg7[%swap3A_1223] {strides = array<i32>} : memref<1024xf32, #tpu.memory_space<vmem>>, vector<16xf32>,
    tpu.vector_store %arg7[%swap3A_1223], %mul3A_1220 {strides = array<i32>} : memref<1024xf32, #tpu.memory_space<vmem>>, vector<16xf32>,
    %add3A_1225 = arith.addi %mul3A_974, %mul3A_1053 : vector<16xi32>
    %add3A_1226 = arith.addi %add3A_1225, %convert_element_type3A_1086 : vector<16xi32>
    %add3A_1227 = arith.constant 128 : i32
    %add3A_1228 = arith.addi %mul3A_885, %add3A_1227 : i32
    %swap3A_1229 = arith.index_cast %add3A_1228 : i32 to index
    %swap3A_1230 = tpu.vector_load %arg6[%swap3A_1229] {strides = array<i32>} : memref<1024xi32, #tpu.memory_space<vmem>>, vector<16xi32>,
    tpu.vector_store %arg6[%swap3A_1229], %add3A_1226 {strides = array<i32>} : memref<1024xi32, #tpu.memory_space<vmem>>, vector<16xi32>,
    %mul3A_1231 = arith.mulf %mul3A_1049, %mul3A_1092 : vector<16xf32>
    %add3A_1232 = arith.constant 128 : i32
    %add3A_1233 = arith.addi %mul3A_885, %add3A_1232 : i32
    %swap3A_1234 = arith.index_cast %add3A_1233 : i32 to index
    %swap3A_1235 = tpu.vector_load %arg7[%swap3A_1234] {strides = array<i32>} : memref<1024xf32, #tpu.memory_space<vmem>>, vector<16xf32>,
    tpu.vector_store %arg7[%swap3A_1234], %mul3A_1231 {strides = array<i32>} : memref<1024xf32, #tpu.memory_space<vmem>>, vector<16xf32>,
    %add3A_1236 = arith.addi %mul3A_974, %mul3A_1053 : vector<16xi32>
    %add3A_1237 = arith.addi %add3A_1236, %min3A_1099 : vector<16xi32>
    %add3A_1238 = arith.constant 144 : i32
    %add3A_1239 = arith.addi %mul3A_885, %add3A_1238 : i32
    %swap3A_1240 = arith.index_cast %add3A_1239 : i32 to index
    %swap3A_1241 = tpu.vector_load %arg6[%swap3A_1240] {strides = array<i32>} : memref<1024xi32, #tpu.memory_space<vmem>>, vector<16xi32>,
    tpu.vector_store %arg6[%swap3A_1240], %add3A_1237 {strides = array<i32>} : memref<1024xi32, #tpu.memory_space<vmem>>, vector<16xi32>,
    %mul3A_1242 = arith.mulf %mul3A_1049, %mul3A_1093 : vector<16xf32>
    %add3A_1243 = arith.constant 144 : i32
    %add3A_1244 = arith.addi %mul3A_885, %add3A_1243 : i32
    %swap3A_1245 = arith.index_cast %add3A_1244 : i32 to index
    %swap3A_1246 = tpu.vector_load %arg7[%swap3A_1245] {strides = array<i32>} : memref<1024xf32, #tpu.memory_space<vmem>>, vector<16xf32>,
    tpu.vector_store %arg7[%swap3A_1245], %mul3A_1242 {strides = array<i32>} : memref<1024xf32, #tpu.memory_space<vmem>>, vector<16xf32>,
    %add3A_1247 = arith.addi %mul3A_974, %mul3A_1062 : vector<16xi32>
    %add3A_1248 = arith.addi %add3A_1247, %convert_element_type3A_1086 : vector<16xi32>
    %add3A_1249 = arith.constant 160 : i32
    %add3A_1250 = arith.addi %mul3A_885, %add3A_1249 : i32
    %swap3A_1251 = arith.index_cast %add3A_1250 : i32 to index
    %swap3A_1252 = tpu.vector_load %arg6[%swap3A_1251] {strides = array<i32>} : memref<1024xi32, #tpu.memory_space<vmem>>, vector<16xi32>,
    tpu.vector_store %arg6[%swap3A_1251], %add3A_1248 {strides = array<i32>} : memref<1024xi32, #tpu.memory_space<vmem>>, vector<16xi32>,
    %mul3A_1253 = arith.mulf %mul3A_1050, %mul3A_1092 : vector<16xf32>
    %add3A_1254 = arith.constant 160 : i32
    %add3A_1255 = arith.addi %mul3A_885, %add3A_1254 : i32
    %swap3A_1256 = arith.index_cast %add3A_1255 : i32 to index
    %swap3A_1257 = tpu.vector_load %arg7[%swap3A_1256] {strides = array<i32>} : memref<1024xf32, #tpu.memory_space<vmem>>, vector<16xf32>,
    tpu.vector_store %arg7[%swap3A_1256], %mul3A_1253 {strides = array<i32>} : memref<1024xf32, #tpu.memory_space<vmem>>, vector<16xf32>,
    %add3A_1258 = arith.addi %mul3A_974, %mul3A_1062 : vector<16xi32>
    %add3A_1259 = arith.addi %add3A_1258, %min3A_1099 : vector<16xi32>
    %add3A_1260 = arith.constant 176 : i32
    %add3A_1261 = arith.addi %mul3A_885, %add3A_1260 : i32
    %swap3A_1262 = arith.index_cast %add3A_1261 : i32 to index
    %swap3A_1263 = tpu.vector_load %arg6[%swap3A_1262] {strides = array<i32>} : memref<1024xi32, #tpu.memory_space<vmem>>, vector<16xi32>,
    tpu.vector_store %arg6[%swap3A_1262], %add3A_1259 {strides = array<i32>} : memref<1024xi32, #tpu.memory_space<vmem>>, vector<16xi32>,
    %mul3A_1264 = arith.mulf %mul3A_1050, %mul3A_1093 : vector<16xf32>
    %add3A_1265 = arith.constant 176 : i32
    %add3A_1266 = arith.addi %mul3A_885, %add3A_1265 : i32
    %swap3A_1267 = arith.index_cast %add3A_1266 : i32 to index
    %swap3A_1268 = tpu.vector_load %arg7[%swap3A_1267] {strides = array<i32>} : memref<1024xf32, #tpu.memory_space<vmem>>, vector<16xf32>,
    tpu.vector_store %arg7[%swap3A_1267], %mul3A_1264 {strides = array<i32>} : memref<1024xf32, #tpu.memory_space<vmem>>, vector<16xf32>,
    %add3A_1269 = arith.addi %mul3A_974, %mul3A_1053 : vector<16xi32>
    %add3A_1270 = arith.addi %add3A_1269, %convert_element_type3A_1123 : vector<16xi32>
    %add3A_1271 = arith.constant 192 : i32
    %add3A_1272 = arith.addi %mul3A_885, %add3A_1271 : i32
    %swap3A_1273 = arith.index_cast %add3A_1272 : i32 to index
    %swap3A_1274 = tpu.vector_load %arg6[%swap3A_1273] {strides = array<i32>} : memref<1024xi32, #tpu.memory_space<vmem>>, vector<16xi32>,
    tpu.vector_store %arg6[%swap3A_1273], %add3A_1270 {strides = array<i32>} : memref<1024xi32, #tpu.memory_space<vmem>>, vector<16xi32>,
    %mul3A_1275 = arith.mulf %mul3A_1049, %mul3A_1129 : vector<16xf32>
    %add3A_1276 = arith.constant 192 : i32
    %add3A_1277 = arith.addi %mul3A_885, %add3A_1276 : i32
    %swap3A_1278 = arith.index_cast %add3A_1277 : i32 to index
    %swap3A_1279 = tpu.vector_load %arg7[%swap3A_1278] {strides = array<i32>} : memref<1024xf32, #tpu.memory_space<vmem>>, vector<16xf32>,
    tpu.vector_store %arg7[%swap3A_1278], %mul3A_1275 {strides = array<i32>} : memref<1024xf32, #tpu.memory_space<vmem>>, vector<16xf32>,
    %add3A_1280 = arith.addi %mul3A_974, %mul3A_1053 : vector<16xi32>
    %add3A_1281 = arith.addi %add3A_1280, %min3A_1136 : vector<16xi32>
    %add3A_1282 = arith.constant 208 : i32
    %add3A_1283 = arith.addi %mul3A_885, %add3A_1282 : i32
    %swap3A_1284 = arith.index_cast %add3A_1283 : i32 to index
    %swap3A_1285 = tpu.vector_load %arg6[%swap3A_1284] {strides = array<i32>} : memref<1024xi32, #tpu.memory_space<vmem>>, vector<16xi32>,
    tpu.vector_store %arg6[%swap3A_1284], %add3A_1281 {strides = array<i32>} : memref<1024xi32, #tpu.memory_space<vmem>>, vector<16xi32>,
    %mul3A_1286 = arith.mulf %mul3A_1049, %mul3A_1130 : vector<16xf32>
    %add3A_1287 = arith.constant 208 : i32
    %add3A_1288 = arith.addi %mul3A_885, %add3A_1287 : i32
    %swap3A_1289 = arith.index_cast %add3A_1288 : i32 to index
    %swap3A_1290 = tpu.vector_load %arg7[%swap3A_1289] {strides = array<i32>} : memref<1024xf32, #tpu.memory_space<vmem>>, vector<16xf32>,
    tpu.vector_store %arg7[%swap3A_1289], %mul3A_1286 {strides = array<i32>} : memref<1024xf32, #tpu.memory_space<vmem>>, vector<16xf32>,
    %add3A_1291 = arith.addi %mul3A_974, %mul3A_1062 : vector<16xi32>
    %add3A_1292 = arith.addi %add3A_1291, %convert_element_type3A_1123 : vector<16xi32>
    %add3A_1293 = arith.constant 224 : i32
    %add3A_1294 = arith.addi %mul3A_885, %add3A_1293 : i32
    %swap3A_1295 = arith.index_cast %add3A_1294 : i32 to index
    %swap3A_1296 = tpu.vector_load %arg6[%swap3A_1295] {strides = array<i32>} : memref<1024xi32, #tpu.memory_space<vmem>>, vector<16xi32>,
    tpu.vector_store %arg6[%swap3A_1295], %add3A_1292 {strides = array<i32>} : memref<1024xi32, #tpu.memory_space<vmem>>, vector<16xi32>,
    %mul3A_1297 = arith.mulf %mul3A_1050, %mul3A_1129 : vector<16xf32>
    %add3A_1298 = arith.constant 224 : i32
    %add3A_1299 = arith.addi %mul3A_885, %add3A_1298 : i32
    %swap3A_1300 = arith.index_cast %add3A_1299 : i32 to index
    %swap3A_1301 = tpu.vector_load %arg7[%swap3A_1300] {strides = array<i32>} : memref<1024xf32, #tpu.memory_space<vmem>>, vector<16xf32>,
    tpu.vector_store %arg7[%swap3A_1300], %mul3A_1297 {strides = array<i32>} : memref<1024xf32, #tpu.memory_space<vmem>>, vector<16xf32>,
    %add3A_1302 = arith.addi %mul3A_974, %mul3A_1062 : vector<16xi32>
    %add3A_1303 = arith.addi %add3A_1302, %min3A_1136 : vector<16xi32>
    %add3A_1304 = arith.constant 240 : i32
    %add3A_1305 = arith.addi %mul3A_885, %add3A_1304 : i32
    %swap3A_1306 = arith.index_cast %add3A_1305 : i32 to index
    %swap3A_1307 = tpu.vector_load %arg6[%swap3A_1306] {strides = array<i32>} : memref<1024xi32, #tpu.memory_space<vmem>>, vector<16xi32>,
    tpu.vector_store %arg6[%swap3A_1306], %add3A_1303 {strides = array<i32>} : memref<1024xi32, #tpu.memory_space<vmem>>, vector<16xi32>,
    %mul3A_1308 = arith.mulf %mul3A_1050, %mul3A_1130 : vector<16xf32>
    %add3A_1309 = arith.constant 240 : i32
    %add3A_1310 = arith.addi %mul3A_885, %add3A_1309 : i32
    %swap3A_1311 = arith.index_cast %add3A_1310 : i32 to index
    %swap3A_1312 = tpu.vector_load %arg7[%swap3A_1311] {strides = array<i32>} : memref<1024xf32, #tpu.memory_space<vmem>>, vector<16xf32>,
    tpu.vector_store %arg7[%swap3A_1311], %mul3A_1308 {strides = array<i32>} : memref<1024xf32, #tpu.memory_space<vmem>>, vector<16xf32>,
    %dma_start3A_1313 = arith.constant 0 : i32
    %dma_start3A_1314 = tpu.memref_slice %arg8[%mul3A_890, %dma_start3A_1313] : memref<768x128xi32, #tpu.memory_space<vmem>> -> memref<128x128xi32, #tpu.memory_space<vmem>>
    %dma_start3A_1315 = tpu.memref_slice %arg6[%mul3A_885] : memref<1024xi32, #tpu.memory_space<vmem>> -> memref<128xi32, #tpu.memory_space<vmem>>
    %dma_start3A_1316 = arith.constant 0 : i32
    %dma_start3A_1317 = arith.constant 0 : i32
    %dma_start3A_1318 = tpu.memref_slice %arg2[%dma_start3A_1316, %dma_start3A_1317] : memref<30400x128xi32, #tpu.memory_space<hbm>> -> memref<30400x128xi32, #tpu.memory_space<hbm>>
    tpu.enqueue_indirect_dma source(%dma_start3A_1318 : memref<30400x128xi32, #tpu.memory_space<hbm>>) target(%dma_start3A_1314 : memref<128x128xi32, #tpu.memory_space<vmem>>) offsets(%dma_start3A_1315 : memref<128xi32, #tpu.memory_space<vmem>>) semaphore(%arg11 : memref<!tpu.dma_semaphore, #tpu.memory_space<semaphore_mem>>)
    %add3A_1319 = arith.constant 128 : i32
    %add3A_1320 = arith.addi %mul3A_885, %add3A_1319 : i32
    %add3A_1321 = arith.constant 128 : i32
    %add3A_1322 = arith.addi %mul3A_890, %add3A_1321 : i32
    %dma_start3A_1323 = arith.constant 0 : i32
    %dma_start3A_1324 = tpu.memref_slice %arg8[%add3A_1322, %dma_start3A_1323] : memref<768x128xi32, #tpu.memory_space<vmem>> -> memref<128x128xi32, #tpu.memory_space<vmem>>
    %dma_start3A_1325 = tpu.memref_slice %arg6[%add3A_1320] : memref<1024xi32, #tpu.memory_space<vmem>> -> memref<128xi32, #tpu.memory_space<vmem>>
    %dma_start3A_1326 = arith.constant 0 : i32
    %dma_start3A_1327 = arith.constant 0 : i32
    %dma_start3A_1328 = tpu.memref_slice %arg2[%dma_start3A_1326, %dma_start3A_1327] : memref<30400x128xi32, #tpu.memory_space<hbm>> -> memref<30400x128xi32, #tpu.memory_space<hbm>>
    tpu.enqueue_indirect_dma source(%dma_start3A_1328 : memref<30400x128xi32, #tpu.memory_space<hbm>>) target(%dma_start3A_1324 : memref<128x128xi32, #tpu.memory_space<vmem>>) offsets(%dma_start3A_1325 : memref<128xi32, #tpu.memory_space<vmem>>) semaphore(%arg11 : memref<!tpu.dma_semaphore, #tpu.memory_space<semaphore_mem>>)
    %scan3A = arith.constant 0 : i32
    %scan3A_1329 = arith.constant 0 : i32
    %scan3A_1330 = arith.constant 49 : i32
    %scan3A_1331 = arith.addi %scan3A_1329, %scan3A_1330 : i32
    %scan3A_1332 = arith.constant 1 : i32
    %scan3A_1333 = scf.for %scan3A_1358 = %scan3A_1329 to %scan3A_1331 step %scan3A_1332 iter_args(%scan3A_1359 = %scan3A) -> (i32)  : i32 {
      %rem3A_1360 = arith.constant 4 : i32
      %rem3A_1361 = arith.remsi %scan3A_1358, %rem3A_1360 : i32
      %mul3A_1362 = arith.constant 256 : i32
      %mul3A_1363 = arith.muli %rem3A_1361, %mul3A_1362 : i32
      %rem3A_1364 = arith.constant 3 : i32
      %rem3A_1365 = arith.remsi %scan3A_1358, %rem3A_1364 : i32
      %mul3A_1366 = arith.constant 256 : i32
      %mul3A_1367 = arith.muli %rem3A_1365, %mul3A_1366 : i32
      %rem3A_1368 = arith.constant 2 : i32
      %rem3A_1369 = arith.remsi %scan3A_1358, %rem3A_1368 : i32
      %mul3A_1370 = arith.constant 16 : i32
      %mul3A_1371 = arith.muli %rem3A_1369, %mul3A_1370 : i32
      %mul3A_1372 = arith.constant 784 : i32
      %mul3A_1373 = arith.muli %add3A, %mul3A_1372 : i32
      %mul3A_1374 = arith.constant 16 : i32
      %mul3A_1375 = arith.muli %scan3A_1358, %mul3A_1374 : i32
      %add3A_1376 = arith.addi %mul3A_1373, %mul3A_1375 : i32
      %dma_wait3A_1377 = arith.constant 0 : i32
      %dma_wait3A_1378 = tpu.memref_slice %arg8[%mul3A_1367, %dma_wait3A_1377] : memref<768x128xi32, #tpu.memory_space<vmem>> -> memref<256x128xi32, #tpu.memory_space<vmem>>
      %dma_wait3A_1379 = arith.constant 0 : i32
      %dma_wait3A_1380 = arith.constant 0 : i32
      %dma_wait3A_1381 = tpu.memref_slice %arg2[%dma_wait3A_1379, %dma_wait3A_1380] : memref<30400x128xi32, #tpu.memory_space<hbm>> -> memref<256x128xi32, #tpu.memory_space<hbm>>
      %dma_wait3A_1382 = arith.constant 0 : i32
      %dma_wait3A_1383 = tpu.memref_slice %arg8[%mul3A_1367, %dma_wait3A_1382] : memref<768x128xi32, #tpu.memory_space<vmem>> -> memref<256x128xi32, #tpu.memory_space<vmem>>
      %dma_wait3A_1384 = arith.constant 0 : i32
      %dma_wait3A_1385 = arith.constant 0 : i32
      %dma_wait3A_1386 = tpu.memref_slice %arg2[%dma_wait3A_1384, %dma_wait3A_1385] : memref<30400x128xi32, #tpu.memory_space<hbm>> -> memref<256x128xi32, #tpu.memory_space<hbm>>
      tpu.wait_dma2 semaphore(%arg11 : memref<!tpu.dma_semaphore, #tpu.memory_space<semaphore_mem>>) src(%dma_wait3A_1386 : memref<256x128xi32, #tpu.memory_space<hbm>>) dst(%dma_wait3A_1383 : memref<256x128xi32, #tpu.memory_space<vmem>>)
      %ge3A = arith.constant 2 : i32
      %ge3A_1387 = arith.cmpi sge, %scan3A_1358, %ge3A : i32
      %convert_element_type3A_1388 = arith.extui %ge3A_1387 : i1 to i32
      %cond3A = arith.constant 0 : i32
      %cond3A_1389 = arith.cmpi ne, %convert_element_type3A_1388, %cond3A : i32
      scf.if %cond3A_1389 {
        %dma_wait3A_1429 = arith.constant 0 : i32
        %dma_wait3A_1430 = tpu.memref_slice %arg9[%mul3A_1371, %dma_wait3A_1429] : memref<32x256xf32, #tpu.memory_space<vmem>> -> memref<16x256xf32, #tpu.memory_space<vmem>>
        %dma_wait3A_1431 = arith.constant 0 : i32
        %dma_wait3A_1432 = arith.constant 0 : i32
        %dma_wait3A_1433 = tpu.memref_slice %arg4[%dma_wait3A_1431, %dma_wait3A_1432] : memref<25088x256xf32, #tpu.memory_space<hbm>> -> memref<16x256xf32, #tpu.memory_space<hbm>>
        %dma_wait3A_1434 = arith.constant 0 : i32
        %dma_wait3A_1435 = tpu.memref_slice %arg9[%mul3A_1371, %dma_wait3A_1434] : memref<32x256xf32, #tpu.memory_space<vmem>> -> memref<16x256xf32, #tpu.memory_space<vmem>>
        %dma_wait3A_1436 = arith.constant 0 : i32
        %dma_wait3A_1437 = arith.constant 0 : i32
        %dma_wait3A_1438 = tpu.memref_slice %arg4[%dma_wait3A_1436, %dma_wait3A_1437] : memref<25088x256xf32, #tpu.memory_space<hbm>> -> memref<16x256xf32, #tpu.memory_space<hbm>>
        tpu.wait_dma2 semaphore(%arg12 : memref<!tpu.dma_semaphore, #tpu.memory_space<semaphore_mem>>) src(%dma_wait3A_1438 : memref<16x256xf32, #tpu.memory_space<hbm>>) dst(%dma_wait3A_1435 : memref<16x256xf32, #tpu.memory_space<vmem>>)
      } else {
      }
      %scan3A_1390 = arith.constant 0 : i32
      %scan3A_1391 = arith.constant 0 : i32
      %scan3A_1392 = arith.constant 16 : i32
      %scan3A_1393 = arith.addi %scan3A_1391, %scan3A_1392 : i32
      %scan3A_1394 = arith.constant 1 : i32
      %scan3A_1395 = scf.for %scan3A_1429 = %scan3A_1391 to %scan3A_1393 step %scan3A_1394 iter_args(%scan3A_1430 = %scan3A_1390) -> (i32)  : i32 {
        %broadcast_in_dim3A_1431 = arith.constant 0.000000e+00 : f32
        %broadcast_in_dim3A_1432 = vector.broadcast %broadcast_in_dim3A_1431 : f32 to vector<16xf32>
        %broadcast_in_dim3A_1433 = arith.constant 0.000000e+00 : f32
        %broadcast_in_dim3A_1434 = vector.broadcast %broadcast_in_dim3A_1433 : f32 to vector<16xf32>
        %broadcast_in_dim3A_1435 = arith.constant 0.000000e+00 : f32
        %broadcast_in_dim3A_1436 = vector.broadcast %broadcast_in_dim3A_1435 : f32 to vector<16xf32>
        %broadcast_in_dim3A_1437 = arith.constant 0.000000e+00 : f32
        %broadcast_in_dim3A_1438 = vector.broadcast %broadcast_in_dim3A_1437 : f32 to vector<16xf32>
        %broadcast_in_dim3A_1439 = arith.constant 0.000000e+00 : f32
        %broadcast_in_dim3A_1440 = vector.broadcast %broadcast_in_dim3A_1439 : f32 to vector<16xf32>
        %broadcast_in_dim3A_1441 = arith.constant 0.000000e+00 : f32
        %broadcast_in_dim3A_1442 = vector.broadcast %broadcast_in_dim3A_1441 : f32 to vector<16xf32>
        %broadcast_in_dim3A_1443 = arith.constant 0.000000e+00 : f32
        %broadcast_in_dim3A_1444 = vector.broadcast %broadcast_in_dim3A_1443 : f32 to vector<16xf32>
        %broadcast_in_dim3A_1445 = arith.constant 0.000000e+00 : f32
        %broadcast_in_dim3A_1446 = vector.broadcast %broadcast_in_dim3A_1445 : f32 to vector<16xf32>
        %broadcast_in_dim3A_1447 = arith.constant 0.000000e+00 : f32
        %broadcast_in_dim3A_1448 = vector.broadcast %broadcast_in_dim3A_1447 : f32 to vector<16xf32>
        %broadcast_in_dim3A_1449 = arith.constant 0.000000e+00 : f32
        %broadcast_in_dim3A_1450 = vector.broadcast %broadcast_in_dim3A_1449 : f32 to vector<16xf32>
        %broadcast_in_dim3A_1451 = arith.constant 0.000000e+00 : f32
        %broadcast_in_dim3A_1452 = vector.broadcast %broadcast_in_dim3A_1451 : f32 to vector<16xf32>
        %broadcast_in_dim3A_1453 = arith.constant 0.000000e+00 : f32
        %broadcast_in_dim3A_1454 = vector.broadcast %broadcast_in_dim3A_1453 : f32 to vector<16xf32>
        %broadcast_in_dim3A_1455 = arith.constant 0.000000e+00 : f32
        %broadcast_in_dim3A_1456 = vector.broadcast %broadcast_in_dim3A_1455 : f32 to vector<16xf32>
        %broadcast_in_dim3A_1457 = arith.constant 0.000000e+00 : f32
        %broadcast_in_dim3A_1458 = vector.broadcast %broadcast_in_dim3A_1457 : f32 to vector<16xf32>
        %broadcast_in_dim3A_1459 = arith.constant 0.000000e+00 : f32
        %broadcast_in_dim3A_1460 = vector.broadcast %broadcast_in_dim3A_1459 : f32 to vector<16xf32>
        %broadcast_in_dim3A_1461 = arith.constant 0.000000e+00 : f32
        %broadcast_in_dim3A_1462 = vector.broadcast %broadcast_in_dim3A_1461 : f32 to vector<16xf32>
        %add3A_1463 = arith.constant 0 : i32
        %add3A_1464 = arith.addi %add3A_1463, %scan3A_1429 : i32
        %add3A_1465 = arith.addi %mul3A_1363, %add3A_1464 : i32
        %broadcast_in_dim3A_1466 = vector.broadcast %add3A_1465 : i32 to vector<16xi32>
        %gather3A_1467 = tpu.vector_load_idx %arg7[%broadcast_in_dim3A_1466] : memref<1024xf32, #tpu.memory_space<vmem>>[vector<16xi32>], vector<16xf32>,
        %add3A_1468 = arith.addi %mul3A_1367, %add3A_1464 : i32
        %get3A = arith.index_cast %add3A_1468 : i32 to index
        %get3A_1469 = arith.constant 0 : index
        %get3A_1470 = tpu.vector_load %arg8[%get3A, %get3A_1469] {strides = array<i32>} : memref<768x128xi32, #tpu.memory_space<vmem>>, vector<16xi32>,
        %bitcast3A = vector.bitcast %get3A_1470 : vector<16xi32> to vector<32xbf16>
        %unpack3A = tpu.unpack_subelements %bitcast3A, 0 {pack_format = #tpu.pack_format<interleaved>} : vector<32xbf16> -> vector<16xf32>
        %unpack3A_1471 = tpu.unpack_subelements %bitcast3A, 1 {pack_format = #tpu.pack_format<interleaved>} : vector<32xbf16> -> vector<16xf32>
        %mul3A_1472 = arith.mulf %gather3A_1467, %unpack3A : vector<16xf32>
        %add3A_1473 = arith.addf %broadcast_in_dim3A_1432, %mul3A_1472 : vector<16xf32>
        %mul3A_1474 = arith.mulf %gather3A_1467, %unpack3A_1471 : vector<16xf32>
        %add3A_1475 = arith.addf %broadcast_in_dim3A_1448, %mul3A_1474 : vector<16xf32>
        %add3A_1476 = arith.addi %mul3A_1367, %add3A_1464 : i32
        %get3A_1477 = arith.index_cast %add3A_1476 : i32 to index
        %get3A_1478 = arith.constant 16 : index
        %get3A_1479 = tpu.vector_load %arg8[%get3A_1477, %get3A_1478] {strides = array<i32>} : memref<768x128xi32, #tpu.memory_space<vmem>>, vector<16xi32>,
        %bitcast3A_1480 = vector.bitcast %get3A_1479 : vector<16xi32> to vector<32xbf16>
        %unpack3A_1481 = tpu.unpack_subelements %bitcast3A_1480, 0 {pack_format = #tpu.pack_format<interleaved>} : vector<32xbf16> -> vector<16xf32>
        %unpack3A_1482 = tpu.unpack_subelements %bitcast3A_1480, 1 {pack_format = #tpu.pack_format<interleaved>} : vector<32xbf16> -> vector<16xf32>
        %mul3A_1483 = arith.mulf %gather3A_1467, %unpack3A_1481 : vector<16xf32>
        %add3A_1484 = arith.addf %broadcast_in_dim3A_1434, %mul3A_1483 : vector<16xf32>
        %mul3A_1485 = arith.mulf %gather3A_1467, %unpack3A_1482 : vector<16xf32>
        %add3A_1486 = arith.addf %broadcast_in_dim3A_1450, %mul3A_1485 : vector<16xf32>
        %add3A_1487 = arith.addi %mul3A_1367, %add3A_1464 : i32
        %get3A_1488 = arith.index_cast %add3A_1487 : i32 to index
        %get3A_1489 = arith.constant 32 : index
        %get3A_1490 = tpu.vector_load %arg8[%get3A_1488, %get3A_1489] {strides = array<i32>} : memref<768x128xi32, #tpu.memory_space<vmem>>, vector<16xi32>,
        %bitcast3A_1491 = vector.bitcast %get3A_1490 : vector<16xi32> to vector<32xbf16>
        %unpack3A_1492 = tpu.unpack_subelements %bitcast3A_1491, 0 {pack_format = #tpu.pack_format<interleaved>} : vector<32xbf16> -> vector<16xf32>
        %unpack3A_1493 = tpu.unpack_subelements %bitcast3A_1491, 1 {pack_format = #tpu.pack_format<interleaved>} : vector<32xbf16> -> vector<16xf32>
        %mul3A_1494 = arith.mulf %gather3A_1467, %unpack3A_1492 : vector<16xf32>
        %add3A_1495 = arith.addf %broadcast_in_dim3A_1436, %mul3A_1494 : vector<16xf32>
        %mul3A_1496 = arith.mulf %gather3A_1467, %unpack3A_1493 : vector<16xf32>
        %add3A_1497 = arith.addf %broadcast_in_dim3A_1452, %mul3A_1496 : vector<16xf32>
        %add3A_1498 = arith.addi %mul3A_1367, %add3A_1464 : i32
        %get3A_1499 = arith.index_cast %add3A_1498 : i32 to index
        %get3A_1500 = arith.constant 48 : index
        %get3A_1501 = tpu.vector_load %arg8[%get3A_1499, %get3A_1500] {strides = array<i32>} : memref<768x128xi32, #tpu.memory_space<vmem>>, vector<16xi32>,
        %bitcast3A_1502 = vector.bitcast %get3A_1501 : vector<16xi32> to vector<32xbf16>
        %unpack3A_1503 = tpu.unpack_subelements %bitcast3A_1502, 0 {pack_format = #tpu.pack_format<interleaved>} : vector<32xbf16> -> vector<16xf32>
        %unpack3A_1504 = tpu.unpack_subelements %bitcast3A_1502, 1 {pack_format = #tpu.pack_format<interleaved>} : vector<32xbf16> -> vector<16xf32>
        %mul3A_1505 = arith.mulf %gather3A_1467, %unpack3A_1503 : vector<16xf32>
        %add3A_1506 = arith.addf %broadcast_in_dim3A_1438, %mul3A_1505 : vector<16xf32>
        %mul3A_1507 = arith.mulf %gather3A_1467, %unpack3A_1504 : vector<16xf32>
        %add3A_1508 = arith.addf %broadcast_in_dim3A_1454, %mul3A_1507 : vector<16xf32>
        %add3A_1509 = arith.addi %mul3A_1367, %add3A_1464 : i32
        %get3A_1510 = arith.index_cast %add3A_1509 : i32 to index
        %get3A_1511 = arith.constant 64 : index
        %get3A_1512 = tpu.vector_load %arg8[%get3A_1510, %get3A_1511] {strides = array<i32>} : memref<768x128xi32, #tpu.memory_space<vmem>>, vector<16xi32>,
        %bitcast3A_1513 = vector.bitcast %get3A_1512 : vector<16xi32> to vector<32xbf16>
        %unpack3A_1514 = tpu.unpack_subelements %bitcast3A_1513, 0 {pack_format = #tpu.pack_format<interleaved>} : vector<32xbf16> -> vector<16xf32>
        %unpack3A_1515 = tpu.unpack_subelements %bitcast3A_1513, 1 {pack_format = #tpu.pack_format<interleaved>} : vector<32xbf16> -> vector<16xf32>
        %mul3A_1516 = arith.mulf %gather3A_1467, %unpack3A_1514 : vector<16xf32>
        %add3A_1517 = arith.addf %broadcast_in_dim3A_1440, %mul3A_1516 : vector<16xf32>
        %mul3A_1518 = arith.mulf %gather3A_1467, %unpack3A_1515 : vector<16xf32>
        %add3A_1519 = arith.addf %broadcast_in_dim3A_1456, %mul3A_1518 : vector<16xf32>
        %add3A_1520 = arith.addi %mul3A_1367, %add3A_1464 : i32
        %get3A_1521 = arith.index_cast %add3A_1520 : i32 to index
        %get3A_1522 = arith.constant 80 : index
        %get3A_1523 = tpu.vector_load %arg8[%get3A_1521, %get3A_1522] {strides = array<i32>} : memref<768x128xi32, #tpu.memory_space<vmem>>, vector<16xi32>,
        %bitcast3A_1524 = vector.bitcast %get3A_1523 : vector<16xi32> to vector<32xbf16>
        %unpack3A_1525 = tpu.unpack_subelements %bitcast3A_1524, 0 {pack_format = #tpu.pack_format<interleaved>} : vector<32xbf16> -> vector<16xf32>
        %unpack3A_1526 = tpu.unpack_subelements %bitcast3A_1524, 1 {pack_format = #tpu.pack_format<interleaved>} : vector<32xbf16> -> vector<16xf32>
        %mul3A_1527 = arith.mulf %gather3A_1467, %unpack3A_1525 : vector<16xf32>
        %add3A_1528 = arith.addf %broadcast_in_dim3A_1442, %mul3A_1527 : vector<16xf32>
        %mul3A_1529 = arith.mulf %gather3A_1467, %unpack3A_1526 : vector<16xf32>
        %add3A_1530 = arith.addf %broadcast_in_dim3A_1458, %mul3A_1529 : vector<16xf32>
        %add3A_1531 = arith.addi %mul3A_1367, %add3A_1464 : i32
        %get3A_1532 = arith.index_cast %add3A_1531 : i32 to index
        %get3A_1533 = arith.constant 96 : index
        %get3A_1534 = tpu.vector_load %arg8[%get3A_1532, %get3A_1533] {strides = array<i32>} : memref<768x128xi32, #tpu.memory_space<vmem>>, vector<16xi32>,
        %bitcast3A_1535 = vector.bitcast %get3A_1534 : vector<16xi32> to vector<32xbf16>
        %unpack3A_1536 = tpu.unpack_subelements %bitcast3A_1535, 0 {pack_format = #tpu.pack_format<interleaved>} : vector<32xbf16> -> vector<16xf32>
        %unpack3A_1537 = tpu.unpack_subelements %bitcast3A_1535, 1 {pack_format = #tpu.pack_format<interleaved>} : vector<32xbf16> -> vector<16xf32>
        %mul3A_1538 = arith.mulf %gather3A_1467, %unpack3A_1536 : vector<16xf32>
        %add3A_1539 = arith.addf %broadcast_in_dim3A_1444, %mul3A_1538 : vector<16xf32>
        %mul3A_1540 = arith.mulf %gather3A_1467, %unpack3A_1537 : vector<16xf32>
        %add3A_1541 = arith.addf %broadcast_in_dim3A_1460, %mul3A_1540 : vector<16xf32>
        %add3A_1542 = arith.addi %mul3A_1367, %add3A_1464 : i32
        %get3A_1543 = arith.index_cast %add3A_1542 : i32 to index
        %get3A_1544 = arith.constant 112 : index
        %get3A_1545 = tpu.vector_load %arg8[%get3A_1543, %get3A_1544] {strides = array<i32>} : memref<768x128xi32, #tpu.memory_space<vmem>>, vector<16xi32>,
        %bitcast3A_1546 = vector.bitcast %get3A_1545 : vector<16xi32> to vector<32xbf16>
        %unpack3A_1547 = tpu.unpack_subelements %bitcast3A_1546, 0 {pack_format = #tpu.pack_format<interleaved>} : vector<32xbf16> -> vector<16xf32>
        %unpack3A_1548 = tpu.unpack_subelements %bitcast3A_1546, 1 {pack_format = #tpu.pack_format<interleaved>} : vector<32xbf16> -> vector<16xf32>
        %mul3A_1549 = arith.mulf %gather3A_1467, %unpack3A_1547 : vector<16xf32>
        %add3A_1550 = arith.addf %broadcast_in_dim3A_1446, %mul3A_1549 : vector<16xf32>
        %mul3A_1551 = arith.mulf %gather3A_1467, %unpack3A_1548 : vector<16xf32>
        %add3A_1552 = arith.addf %broadcast_in_dim3A_1462, %mul3A_1551 : vector<16xf32>
        %add3A_1553 = arith.constant 16 : i32
        %add3A_1554 = arith.addi %add3A_1553, %scan3A_1429 : i32
        %add3A_1555 = arith.addi %mul3A_1363, %add3A_1554 : i32
        %broadcast_in_dim3A_1556 = vector.broadcast %add3A_1555 : i32 to vector<16xi32>
        %gather3A_1557 = tpu.vector_load_idx %arg7[%broadcast_in_dim3A_1556] : memref<1024xf32, #tpu.memory_space<vmem>>[vector<16xi32>], vector<16xf32>,
        %add3A_1558 = arith.addi %mul3A_1367, %add3A_1554 : i32
        %get3A_1559 = arith.index_cast %add3A_1558 : i32 to index
        %get3A_1560 = arith.constant 0 : index
        %get3A_1561 = tpu.vector_load %arg8[%get3A_1559, %get3A_1560] {strides = array<i32>} : memref<768x128xi32, #tpu.memory_space<vmem>>, vector<16xi32>,
        %bitcast3A_1562 = vector.bitcast %get3A_1561 : vector<16xi32> to vector<32xbf16>
        %unpack3A_1563 = tpu.unpack_subelements %bitcast3A_1562, 0 {pack_format = #tpu.pack_format<interleaved>} : vector<32xbf16> -> vector<16xf32>
        %unpack3A_1564 = tpu.unpack_subelements %bitcast3A_1562, 1 {pack_format = #tpu.pack_format<interleaved>} : vector<32xbf16> -> vector<16xf32>
        %mul3A_1565 = arith.mulf %gather3A_1557, %unpack3A_1563 : vector<16xf32>
        %add3A_1566 = arith.addf %add3A_1473, %mul3A_1565 : vector<16xf32>
        %mul3A_1567 = arith.mulf %gather3A_1557, %unpack3A_1564 : vector<16xf32>
        %add3A_1568 = arith.addf %add3A_1475, %mul3A_1567 : vector<16xf32>
        %add3A_1569 = arith.addi %mul3A_1367, %add3A_1554 : i32
        %get3A_1570 = arith.index_cast %add3A_1569 : i32 to index
        %get3A_1571 = arith.constant 16 : index
        %get3A_1572 = tpu.vector_load %arg8[%get3A_1570, %get3A_1571] {strides = array<i32>} : memref<768x128xi32, #tpu.memory_space<vmem>>, vector<16xi32>,
        %bitcast3A_1573 = vector.bitcast %get3A_1572 : vector<16xi32> to vector<32xbf16>
        %unpack3A_1574 = tpu.unpack_subelements %bitcast3A_1573, 0 {pack_format = #tpu.pack_format<interleaved>} : vector<32xbf16> -> vector<16xf32>
        %unpack3A_1575 = tpu.unpack_subelements %bitcast3A_1573, 1 {pack_format = #tpu.pack_format<interleaved>} : vector<32xbf16> -> vector<16xf32>
        %mul3A_1576 = arith.mulf %gather3A_1557, %unpack3A_1574 : vector<16xf32>
        %add3A_1577 = arith.addf %add3A_1484, %mul3A_1576 : vector<16xf32>
        %mul3A_1578 = arith.mulf %gather3A_1557, %unpack3A_1575 : vector<16xf32>
        %add3A_1579 = arith.addf %add3A_1486, %mul3A_1578 : vector<16xf32>
        %add3A_1580 = arith.addi %mul3A_1367, %add3A_1554 : i32
        %get3A_1581 = arith.index_cast %add3A_1580 : i32 to index
        %get3A_1582 = arith.constant 32 : index
        %get3A_1583 = tpu.vector_load %arg8[%get3A_1581, %get3A_1582] {strides = array<i32>} : memref<768x128xi32, #tpu.memory_space<vmem>>, vector<16xi32>,
        %bitcast3A_1584 = vector.bitcast %get3A_1583 : vector<16xi32> to vector<32xbf16>
        %unpack3A_1585 = tpu.unpack_subelements %bitcast3A_1584, 0 {pack_format = #tpu.pack_format<interleaved>} : vector<32xbf16> -> vector<16xf32>
        %unpack3A_1586 = tpu.unpack_subelements %bitcast3A_1584, 1 {pack_format = #tpu.pack_format<interleaved>} : vector<32xbf16> -> vector<16xf32>
        %mul3A_1587 = arith.mulf %gather3A_1557, %unpack3A_1585 : vector<16xf32>
        %add3A_1588 = arith.addf %add3A_1495, %mul3A_1587 : vector<16xf32>
        %mul3A_1589 = arith.mulf %gather3A_1557, %unpack3A_1586 : vector<16xf32>
        %add3A_1590 = arith.addf %add3A_1497, %mul3A_1589 : vector<16xf32>
        %add3A_1591 = arith.addi %mul3A_1367, %add3A_1554 : i32
        %get3A_1592 = arith.index_cast %add3A_1591 : i32 to index
        %get3A_1593 = arith.constant 48 : index
        %get3A_1594 = tpu.vector_load %arg8[%get3A_1592, %get3A_1593] {strides = array<i32>} : memref<768x128xi32, #tpu.memory_space<vmem>>, vector<16xi32>,
        %bitcast3A_1595 = vector.bitcast %get3A_1594 : vector<16xi32> to vector<32xbf16>
        %unpack3A_1596 = tpu.unpack_subelements %bitcast3A_1595, 0 {pack_format = #tpu.pack_format<interleaved>} : vector<32xbf16> -> vector<16xf32>
        %unpack3A_1597 = tpu.unpack_subelements %bitcast3A_1595, 1 {pack_format = #tpu.pack_format<interleaved>} : vector<32xbf16> -> vector<16xf32>
        %mul3A_1598 = arith.mulf %gather3A_1557, %unpack3A_1596 : vector<16xf32>
        %add3A_1599 = arith.addf %add3A_1506, %mul3A_1598 : vector<16xf32>
        %mul3A_1600 = arith.mulf %gather3A_1557, %unpack3A_1597 : vector<16xf32>
        %add3A_1601 = arith.addf %add3A_1508, %mul3A_1600 : vector<16xf32>
        %add3A_1602 = arith.addi %mul3A_1367, %add3A_1554 : i32
        %get3A_1603 = arith.index_cast %add3A_1602 : i32 to index
        %get3A_1604 = arith.constant 64 : index
        %get3A_1605 = tpu.vector_load %arg8[%get3A_1603, %get3A_1604] {strides = array<i32>} : memref<768x128xi32, #tpu.memory_space<vmem>>, vector<16xi32>,
        %bitcast3A_1606 = vector.bitcast %get3A_1605 : vector<16xi32> to vector<32xbf16>
        %unpack3A_1607 = tpu.unpack_subelements %bitcast3A_1606, 0 {pack_format = #tpu.pack_format<interleaved>} : vector<32xbf16> -> vector<16xf32>
        %unpack3A_1608 = tpu.unpack_subelements %bitcast3A_1606, 1 {pack_format = #tpu.pack_format<interleaved>} : vector<32xbf16> -> vector<16xf32>
        %mul3A_1609 = arith.mulf %gather3A_1557, %unpack3A_1607 : vector<16xf32>
        %add3A_1610 = arith.addf %add3A_1517, %mul3A_1609 : vector<16xf32>
        %mul3A_1611 = arith.mulf %gather3A_1557, %unpack3A_1608 : vector<16xf32>
        %add3A_1612 = arith.addf %add3A_1519, %mul3A_1611 : vector<16xf32>
        %add3A_1613 = arith.addi %mul3A_1367, %add3A_1554 : i32
        %get3A_1614 = arith.index_cast %add3A_1613 : i32 to index
        %get3A_1615 = arith.constant 80 : index
        %get3A_1616 = tpu.vector_load %arg8[%get3A_1614, %get3A_1615] {strides = array<i32>} : memref<768x128xi32, #tpu.memory_space<vmem>>, vector<16xi32>,
        %bitcast3A_1617 = vector.bitcast %get3A_1616 : vector<16xi32> to vector<32xbf16>
        %unpack3A_1618 = tpu.unpack_subelements %bitcast3A_1617, 0 {pack_format = #tpu.pack_format<interleaved>} : vector<32xbf16> -> vector<16xf32>
        %unpack3A_1619 = tpu.unpack_subelements %bitcast3A_1617, 1 {pack_format = #tpu.pack_format<interleaved>} : vector<32xbf16> -> vector<16xf32>
        %mul3A_1620 = arith.mulf %gather3A_1557, %unpack3A_1618 : vector<16xf32>
        %add3A_1621 = arith.addf %add3A_1528, %mul3A_1620 : vector<16xf32>
        %mul3A_1622 = arith.mulf %gather3A_1557, %unpack3A_1619 : vector<16xf32>
        %add3A_1623 = arith.addf %add3A_1530, %mul3A_1622 : vector<16xf32>
        %add3A_1624 = arith.addi %mul3A_1367, %add3A_1554 : i32
        %get3A_1625 = arith.index_cast %add3A_1624 : i32 to index
        %get3A_1626 = arith.constant 96 : index
        %get3A_1627 = tpu.vector_load %arg8[%get3A_1625, %get3A_1626] {strides = array<i32>} : memref<768x128xi32, #tpu.memory_space<vmem>>, vector<16xi32>,
        %bitcast3A_1628 = vector.bitcast %get3A_1627 : vector<16xi32> to vector<32xbf16>
        %unpack3A_1629 = tpu.unpack_subelements %bitcast3A_1628, 0 {pack_format = #tpu.pack_format<interleaved>} : vector<32xbf16> -> vector<16xf32>
        %unpack3A_1630 = tpu.unpack_subelements %bitcast3A_1628, 1 {pack_format = #tpu.pack_format<interleaved>} : vector<32xbf16> -> vector<16xf32>
        %mul3A_1631 = arith.mulf %gather3A_1557, %unpack3A_1629 : vector<16xf32>
        %add3A_1632 = arith.addf %add3A_1539, %mul3A_1631 : vector<16xf32>
        %mul3A_1633 = arith.mulf %gather3A_1557, %unpack3A_1630 : vector<16xf32>
        %add3A_1634 = arith.addf %add3A_1541, %mul3A_1633 : vector<16xf32>
        %add3A_1635 = arith.addi %mul3A_1367, %add3A_1554 : i32
        %get3A_1636 = arith.index_cast %add3A_1635 : i32 to index
        %get3A_1637 = arith.constant 112 : index
        %get3A_1638 = tpu.vector_load %arg8[%get3A_1636, %get3A_1637] {strides = array<i32>} : memref<768x128xi32, #tpu.memory_space<vmem>>, vector<16xi32>,
        %bitcast3A_1639 = vector.bitcast %get3A_1638 : vector<16xi32> to vector<32xbf16>
        %unpack3A_1640 = tpu.unpack_subelements %bitcast3A_1639, 0 {pack_format = #tpu.pack_format<interleaved>} : vector<32xbf16> -> vector<16xf32>
        %unpack3A_1641 = tpu.unpack_subelements %bitcast3A_1639, 1 {pack_format = #tpu.pack_format<interleaved>} : vector<32xbf16> -> vector<16xf32>
        %mul3A_1642 = arith.mulf %gather3A_1557, %unpack3A_1640 : vector<16xf32>
        %add3A_1643 = arith.addf %add3A_1550, %mul3A_1642 : vector<16xf32>
        %mul3A_1644 = arith.mulf %gather3A_1557, %unpack3A_1641 : vector<16xf32>
        %add3A_1645 = arith.addf %add3A_1552, %mul3A_1644 : vector<16xf32>
        %add3A_1646 = arith.constant 32 : i32
        %add3A_1647 = arith.addi %add3A_1646, %scan3A_1429 : i32
        %add3A_1648 = arith.addi %mul3A_1363, %add3A_1647 : i32
        %broadcast_in_dim3A_1649 = vector.broadcast %add3A_1648 : i32 to vector<16xi32>
        %gather3A_1650 = tpu.vector_load_idx %arg7[%broadcast_in_dim3A_1649] : memref<1024xf32, #tpu.memory_space<vmem>>[vector<16xi32>], vector<16xf32>,
        %add3A_1651 = arith.addi %mul3A_1367, %add3A_1647 : i32
        %get3A_1652 = arith.index_cast %add3A_1651 : i32 to index
        %get3A_1653 = arith.constant 0 : index
        %get3A_1654 = tpu.vector_load %arg8[%get3A_1652, %get3A_1653] {strides = array<i32>} : memref<768x128xi32, #tpu.memory_space<vmem>>, vector<16xi32>,
        %bitcast3A_1655 = vector.bitcast %get3A_1654 : vector<16xi32> to vector<32xbf16>
        %unpack3A_1656 = tpu.unpack_subelements %bitcast3A_1655, 0 {pack_format = #tpu.pack_format<interleaved>} : vector<32xbf16> -> vector<16xf32>
        %unpack3A_1657 = tpu.unpack_subelements %bitcast3A_1655, 1 {pack_format = #tpu.pack_format<interleaved>} : vector<32xbf16> -> vector<16xf32>
        %mul3A_1658 = arith.mulf %gather3A_1650, %unpack3A_1656 : vector<16xf32>
        %add3A_1659 = arith.addf %add3A_1566, %mul3A_1658 : vector<16xf32>
        %mul3A_1660 = arith.mulf %gather3A_1650, %unpack3A_1657 : vector<16xf32>
        %add3A_1661 = arith.addf %add3A_1568, %mul3A_1660 : vector<16xf32>
        %add3A_1662 = arith.addi %mul3A_1367, %add3A_1647 : i32
        %get3A_1663 = arith.index_cast %add3A_1662 : i32 to index
        %get3A_1664 = arith.constant 16 : index
        %get3A_1665 = tpu.vector_load %arg8[%get3A_1663, %get3A_1664] {strides = array<i32>} : memref<768x128xi32, #tpu.memory_space<vmem>>, vector<16xi32>,
        %bitcast3A_1666 = vector.bitcast %get3A_1665 : vector<16xi32> to vector<32xbf16>
        %unpack3A_1667 = tpu.unpack_subelements %bitcast3A_1666, 0 {pack_format = #tpu.pack_format<interleaved>} : vector<32xbf16> -> vector<16xf32>
        %unpack3A_1668 = tpu.unpack_subelements %bitcast3A_1666, 1 {pack_format = #tpu.pack_format<interleaved>} : vector<32xbf16> -> vector<16xf32>
        %mul3A_1669 = arith.mulf %gather3A_1650, %unpack3A_1667 : vector<16xf32>
        %add3A_1670 = arith.addf %add3A_1577, %mul3A_1669 : vector<16xf32>
        %mul3A_1671 = arith.mulf %gather3A_1650, %unpack3A_1668 : vector<16xf32>
        %add3A_1672 = arith.addf %add3A_1579, %mul3A_1671 : vector<16xf32>
        %add3A_1673 = arith.addi %mul3A_1367, %add3A_1647 : i32
        %get3A_1674 = arith.index_cast %add3A_1673 : i32 to index
        %get3A_1675 = arith.constant 32 : index
        %get3A_1676 = tpu.vector_load %arg8[%get3A_1674, %get3A_1675] {strides = array<i32>} : memref<768x128xi32, #tpu.memory_space<vmem>>, vector<16xi32>,
        %bitcast3A_1677 = vector.bitcast %get3A_1676 : vector<16xi32> to vector<32xbf16>
        %unpack3A_1678 = tpu.unpack_subelements %bitcast3A_1677, 0 {pack_format = #tpu.pack_format<interleaved>} : vector<32xbf16> -> vector<16xf32>
        %unpack3A_1679 = tpu.unpack_subelements %bitcast3A_1677, 1 {pack_format = #tpu.pack_format<interleaved>} : vector<32xbf16> -> vector<16xf32>
        %mul3A_1680 = arith.mulf %gather3A_1650, %unpack3A_1678 : vector<16xf32>
        %add3A_1681 = arith.addf %add3A_1588, %mul3A_1680 : vector<16xf32>
        %mul3A_1682 = arith.mulf %gather3A_1650, %unpack3A_1679 : vector<16xf32>
        %add3A_1683 = arith.addf %add3A_1590, %mul3A_1682 : vector<16xf32>
        %add3A_1684 = arith.addi %mul3A_1367, %add3A_1647 : i32
        %get3A_1685 = arith.index_cast %add3A_1684 : i32 to index
        %get3A_1686 = arith.constant 48 : index
        %get3A_1687 = tpu.vector_load %arg8[%get3A_1685, %get3A_1686] {strides = array<i32>} : memref<768x128xi32, #tpu.memory_space<vmem>>, vector<16xi32>,
        %bitcast3A_1688 = vector.bitcast %get3A_1687 : vector<16xi32> to vector<32xbf16>
        %unpack3A_1689 = tpu.unpack_subelements %bitcast3A_1688, 0 {pack_format = #tpu.pack_format<interleaved>} : vector<32xbf16> -> vector<16xf32>
        %unpack3A_1690 = tpu.unpack_subelements %bitcast3A_1688, 1 {pack_format = #tpu.pack_format<interleaved>} : vector<32xbf16> -> vector<16xf32>
        %mul3A_1691 = arith.mulf %gather3A_1650, %unpack3A_1689 : vector<16xf32>
        %add3A_1692 = arith.addf %add3A_1599, %mul3A_1691 : vector<16xf32>
        %mul3A_1693 = arith.mulf %gather3A_1650, %unpack3A_1690 : vector<16xf32>
        %add3A_1694 = arith.addf %add3A_1601, %mul3A_1693 : vector<16xf32>
        %add3A_1695 = arith.addi %mul3A_1367, %add3A_1647 : i32
        %get3A_1696 = arith.index_cast %add3A_1695 : i32 to index
        %get3A_1697 = arith.constant 64 : index
        %get3A_1698 = tpu.vector_load %arg8[%get3A_1696, %get3A_1697] {strides = array<i32>} : memref<768x128xi32, #tpu.memory_space<vmem>>, vector<16xi32>,
        %bitcast3A_1699 = vector.bitcast %get3A_1698 : vector<16xi32> to vector<32xbf16>
        %unpack3A_1700 = tpu.unpack_subelements %bitcast3A_1699, 0 {pack_format = #tpu.pack_format<interleaved>} : vector<32xbf16> -> vector<16xf32>
        %unpack3A_1701 = tpu.unpack_subelements %bitcast3A_1699, 1 {pack_format = #tpu.pack_format<interleaved>} : vector<32xbf16> -> vector<16xf32>
        %mul3A_1702 = arith.mulf %gather3A_1650, %unpack3A_1700 : vector<16xf32>
        %add3A_1703 = arith.addf %add3A_1610, %mul3A_1702 : vector<16xf32>
        %mul3A_1704 = arith.mulf %gather3A_1650, %unpack3A_1701 : vector<16xf32>
        %add3A_1705 = arith.addf %add3A_1612, %mul3A_1704 : vector<16xf32>
        %add3A_1706 = arith.addi %mul3A_1367, %add3A_1647 : i32
        %get3A_1707 = arith.index_cast %add3A_1706 : i32 to index
        %get3A_1708 = arith.constant 80 : index
        %get3A_1709 = tpu.vector_load %arg8[%get3A_1707, %get3A_1708] {strides = array<i32>} : memref<768x128xi32, #tpu.memory_space<vmem>>, vector<16xi32>,
        %bitcast3A_1710 = vector.bitcast %get3A_1709 : vector<16xi32> to vector<32xbf16>
        %unpack3A_1711 = tpu.unpack_subelements %bitcast3A_1710, 0 {pack_format = #tpu.pack_format<interleaved>} : vector<32xbf16> -> vector<16xf32>
        %unpack3A_1712 = tpu.unpack_subelements %bitcast3A_1710, 1 {pack_format = #tpu.pack_format<interleaved>} : vector<32xbf16> -> vector<16xf32>
        %mul3A_1713 = arith.mulf %gather3A_1650, %unpack3A_1711 : vector<16xf32>
        %add3A_1714 = arith.addf %add3A_1621, %mul3A_1713 : vector<16xf32>
        %mul3A_1715 = arith.mulf %gather3A_1650, %unpack3A_1712 : vector<16xf32>
        %add3A_1716 = arith.addf %add3A_1623, %mul3A_1715 : vector<16xf32>
        %add3A_1717 = arith.addi %mul3A_1367, %add3A_1647 : i32
        %get3A_1718 = arith.index_cast %add3A_1717 : i32 to index
        %get3A_1719 = arith.constant 96 : index
        %get3A_1720 = tpu.vector_load %arg8[%get3A_1718, %get3A_1719] {strides = array<i32>} : memref<768x128xi32, #tpu.memory_space<vmem>>, vector<16xi32>,
        %bitcast3A_1721 = vector.bitcast %get3A_1720 : vector<16xi32> to vector<32xbf16>
        %unpack3A_1722 = tpu.unpack_subelements %bitcast3A_1721, 0 {pack_format = #tpu.pack_format<interleaved>} : vector<32xbf16> -> vector<16xf32>
        %unpack3A_1723 = tpu.unpack_subelements %bitcast3A_1721, 1 {pack_format = #tpu.pack_format<interleaved>} : vector<32xbf16> -> vector<16xf32>
        %mul3A_1724 = arith.mulf %gather3A_1650, %unpack3A_1722 : vector<16xf32>
        %add3A_1725 = arith.addf %add3A_1632, %mul3A_1724 : vector<16xf32>
        %mul3A_1726 = arith.mulf %gather3A_1650, %unpack3A_1723 : vector<16xf32>
        %add3A_1727 = arith.addf %add3A_1634, %mul3A_1726 : vector<16xf32>
        %add3A_1728 = arith.addi %mul3A_1367, %add3A_1647 : i32
        %get3A_1729 = arith.index_cast %add3A_1728 : i32 to index
        %get3A_1730 = arith.constant 112 : index
        %get3A_1731 = tpu.vector_load %arg8[%get3A_1729, %get3A_1730] {strides = array<i32>} : memref<768x128xi32, #tpu.memory_space<vmem>>, vector<16xi32>,
        %bitcast3A_1732 = vector.bitcast %get3A_1731 : vector<16xi32> to vector<32xbf16>
        %unpack3A_1733 = tpu.unpack_subelements %bitcast3A_1732, 0 {pack_format = #tpu.pack_format<interleaved>} : vector<32xbf16> -> vector<16xf32>
        %unpack3A_1734 = tpu.unpack_subelements %bitcast3A_1732, 1 {pack_format = #tpu.pack_format<interleaved>} : vector<32xbf16> -> vector<16xf32>
        %mul3A_1735 = arith.mulf %gather3A_1650, %unpack3A_1733 : vector<16xf32>
        %add3A_1736 = arith.addf %add3A_1643, %mul3A_1735 : vector<16xf32>
        %mul3A_1737 = arith.mulf %gather3A_1650, %unpack3A_1734 : vector<16xf32>
        %add3A_1738 = arith.addf %add3A_1645, %mul3A_1737 : vector<16xf32>
        %add3A_1739 = arith.constant 48 : i32
        %add3A_1740 = arith.addi %add3A_1739, %scan3A_1429 : i32
        %add3A_1741 = arith.addi %mul3A_1363, %add3A_1740 : i32
        %broadcast_in_dim3A_1742 = vector.broadcast %add3A_1741 : i32 to vector<16xi32>
        %gather3A_1743 = tpu.vector_load_idx %arg7[%broadcast_in_dim3A_1742] : memref<1024xf32, #tpu.memory_space<vmem>>[vector<16xi32>], vector<16xf32>,
        %add3A_1744 = arith.addi %mul3A_1367, %add3A_1740 : i32
        %get3A_1745 = arith.index_cast %add3A_1744 : i32 to index
        %get3A_1746 = arith.constant 0 : index
        %get3A_1747 = tpu.vector_load %arg8[%get3A_1745, %get3A_1746] {strides = array<i32>} : memref<768x128xi32, #tpu.memory_space<vmem>>, vector<16xi32>,
        %bitcast3A_1748 = vector.bitcast %get3A_1747 : vector<16xi32> to vector<32xbf16>
        %unpack3A_1749 = tpu.unpack_subelements %bitcast3A_1748, 0 {pack_format = #tpu.pack_format<interleaved>} : vector<32xbf16> -> vector<16xf32>
        %unpack3A_1750 = tpu.unpack_subelements %bitcast3A_1748, 1 {pack_format = #tpu.pack_format<interleaved>} : vector<32xbf16> -> vector<16xf32>
        %mul3A_1751 = arith.mulf %gather3A_1743, %unpack3A_1749 : vector<16xf32>
        %add3A_1752 = arith.addf %add3A_1659, %mul3A_1751 : vector<16xf32>
        %mul3A_1753 = arith.mulf %gather3A_1743, %unpack3A_1750 : vector<16xf32>
        %add3A_1754 = arith.addf %add3A_1661, %mul3A_1753 : vector<16xf32>
        %add3A_1755 = arith.addi %mul3A_1367, %add3A_1740 : i32
        %get3A_1756 = arith.index_cast %add3A_1755 : i32 to index
        %get3A_1757 = arith.constant 16 : index
        %get3A_1758 = tpu.vector_load %arg8[%get3A_1756, %get3A_1757] {strides = array<i32>} : memref<768x128xi32, #tpu.memory_space<vmem>>, vector<16xi32>,
        %bitcast3A_1759 = vector.bitcast %get3A_1758 : vector<16xi32> to vector<32xbf16>
        %unpack3A_1760 = tpu.unpack_subelements %bitcast3A_1759, 0 {pack_format = #tpu.pack_format<interleaved>} : vector<32xbf16> -> vector<16xf32>
        %unpack3A_1761 = tpu.unpack_subelements %bitcast3A_1759, 1 {pack_format = #tpu.pack_format<interleaved>} : vector<32xbf16> -> vector<16xf32>
        %mul3A_1762 = arith.mulf %gather3A_1743, %unpack3A_1760 : vector<16xf32>
        %add3A_1763 = arith.addf %add3A_1670, %mul3A_1762 : vector<16xf32>
        %mul3A_1764 = arith.mulf %gather3A_1743, %unpack3A_1761 : vector<16xf32>
        %add3A_1765 = arith.addf %add3A_1672, %mul3A_1764 : vector<16xf32>
        %add3A_1766 = arith.addi %mul3A_1367, %add3A_1740 : i32
        %get3A_1767 = arith.index_cast %add3A_1766 : i32 to index
        %get3A_1768 = arith.constant 32 : index
        %get3A_1769 = tpu.vector_load %arg8[%get3A_1767, %get3A_1768] {strides = array<i32>} : memref<768x128xi32, #tpu.memory_space<vmem>>, vector<16xi32>,
        %bitcast3A_1770 = vector.bitcast %get3A_1769 : vector<16xi32> to vector<32xbf16>
        %unpack3A_1771 = tpu.unpack_subelements %bitcast3A_1770, 0 {pack_format = #tpu.pack_format<interleaved>} : vector<32xbf16> -> vector<16xf32>
        %unpack3A_1772 = tpu.unpack_subelements %bitcast3A_1770, 1 {pack_format = #tpu.pack_format<interleaved>} : vector<32xbf16> -> vector<16xf32>
        %mul3A_1773 = arith.mulf %gather3A_1743, %unpack3A_1771 : vector<16xf32>
        %add3A_1774 = arith.addf %add3A_1681, %mul3A_1773 : vector<16xf32>
        %mul3A_1775 = arith.mulf %gather3A_1743, %unpack3A_1772 : vector<16xf32>
        %add3A_1776 = arith.addf %add3A_1683, %mul3A_1775 : vector<16xf32>
        %add3A_1777 = arith.addi %mul3A_1367, %add3A_1740 : i32
        %get3A_1778 = arith.index_cast %add3A_1777 : i32 to index
        %get3A_1779 = arith.constant 48 : index
        %get3A_1780 = tpu.vector_load %arg8[%get3A_1778, %get3A_1779] {strides = array<i32>} : memref<768x128xi32, #tpu.memory_space<vmem>>, vector<16xi32>,
        %bitcast3A_1781 = vector.bitcast %get3A_1780 : vector<16xi32> to vector<32xbf16>
        %unpack3A_1782 = tpu.unpack_subelements %bitcast3A_1781, 0 {pack_format = #tpu.pack_format<interleaved>} : vector<32xbf16> -> vector<16xf32>
        %unpack3A_1783 = tpu.unpack_subelements %bitcast3A_1781, 1 {pack_format = #tpu.pack_format<interleaved>} : vector<32xbf16> -> vector<16xf32>
        %mul3A_1784 = arith.mulf %gather3A_1743, %unpack3A_1782 : vector<16xf32>
        %add3A_1785 = arith.addf %add3A_1692, %mul3A_1784 : vector<16xf32>
        %mul3A_1786 = arith.mulf %gather3A_1743, %unpack3A_1783 : vector<16xf32>
        %add3A_1787 = arith.addf %add3A_1694, %mul3A_1786 : vector<16xf32>
        %add3A_1788 = arith.addi %mul3A_1367, %add3A_1740 : i32
        %get3A_1789 = arith.index_cast %add3A_1788 : i32 to index
        %get3A_1790 = arith.constant 64 : index
        %get3A_1791 = tpu.vector_load %arg8[%get3A_1789, %get3A_1790] {strides = array<i32>} : memref<768x128xi32, #tpu.memory_space<vmem>>, vector<16xi32>,
        %bitcast3A_1792 = vector.bitcast %get3A_1791 : vector<16xi32> to vector<32xbf16>
        %unpack3A_1793 = tpu.unpack_subelements %bitcast3A_1792, 0 {pack_format = #tpu.pack_format<interleaved>} : vector<32xbf16> -> vector<16xf32>
        %unpack3A_1794 = tpu.unpack_subelements %bitcast3A_1792, 1 {pack_format = #tpu.pack_format<interleaved>} : vector<32xbf16> -> vector<16xf32>
        %mul3A_1795 = arith.mulf %gather3A_1743, %unpack3A_1793 : vector<16xf32>
        %add3A_1796 = arith.addf %add3A_1703, %mul3A_1795 : vector<16xf32>
        %mul3A_1797 = arith.mulf %gather3A_1743, %unpack3A_1794 : vector<16xf32>
        %add3A_1798 = arith.addf %add3A_1705, %mul3A_1797 : vector<16xf32>
        %add3A_1799 = arith.addi %mul3A_1367, %add3A_1740 : i32
        %get3A_1800 = arith.index_cast %add3A_1799 : i32 to index
        %get3A_1801 = arith.constant 80 : index
        %get3A_1802 = tpu.vector_load %arg8[%get3A_1800, %get3A_1801] {strides = array<i32>} : memref<768x128xi32, #tpu.memory_space<vmem>>, vector<16xi32>,
        %bitcast3A_1803 = vector.bitcast %get3A_1802 : vector<16xi32> to vector<32xbf16>
        %unpack3A_1804 = tpu.unpack_subelements %bitcast3A_1803, 0 {pack_format = #tpu.pack_format<interleaved>} : vector<32xbf16> -> vector<16xf32>
        %unpack3A_1805 = tpu.unpack_subelements %bitcast3A_1803, 1 {pack_format = #tpu.pack_format<interleaved>} : vector<32xbf16> -> vector<16xf32>
        %mul3A_1806 = arith.mulf %gather3A_1743, %unpack3A_1804 : vector<16xf32>
        %add3A_1807 = arith.addf %add3A_1714, %mul3A_1806 : vector<16xf32>
        %mul3A_1808 = arith.mulf %gather3A_1743, %unpack3A_1805 : vector<16xf32>
        %add3A_1809 = arith.addf %add3A_1716, %mul3A_1808 : vector<16xf32>
        %add3A_1810 = arith.addi %mul3A_1367, %add3A_1740 : i32
        %get3A_1811 = arith.index_cast %add3A_1810 : i32 to index
        %get3A_1812 = arith.constant 96 : index
        %get3A_1813 = tpu.vector_load %arg8[%get3A_1811, %get3A_1812] {strides = array<i32>} : memref<768x128xi32, #tpu.memory_space<vmem>>, vector<16xi32>,
        %bitcast3A_1814 = vector.bitcast %get3A_1813 : vector<16xi32> to vector<32xbf16>
        %unpack3A_1815 = tpu.unpack_subelements %bitcast3A_1814, 0 {pack_format = #tpu.pack_format<interleaved>} : vector<32xbf16> -> vector<16xf32>
        %unpack3A_1816 = tpu.unpack_subelements %bitcast3A_1814, 1 {pack_format = #tpu.pack_format<interleaved>} : vector<32xbf16> -> vector<16xf32>
        %mul3A_1817 = arith.mulf %gather3A_1743, %unpack3A_1815 : vector<16xf32>
        %add3A_1818 = arith.addf %add3A_1725, %mul3A_1817 : vector<16xf32>
        %mul3A_1819 = arith.mulf %gather3A_1743, %unpack3A_1816 : vector<16xf32>
        %add3A_1820 = arith.addf %add3A_1727, %mul3A_1819 : vector<16xf32>
        %add3A_1821 = arith.addi %mul3A_1367, %add3A_1740 : i32
        %get3A_1822 = arith.index_cast %add3A_1821 : i32 to index
        %get3A_1823 = arith.constant 112 : index
        %get3A_1824 = tpu.vector_load %arg8[%get3A_1822, %get3A_1823] {strides = array<i32>} : memref<768x128xi32, #tpu.memory_space<vmem>>, vector<16xi32>,
        %bitcast3A_1825 = vector.bitcast %get3A_1824 : vector<16xi32> to vector<32xbf16>
        %unpack3A_1826 = tpu.unpack_subelements %bitcast3A_1825, 0 {pack_format = #tpu.pack_format<interleaved>} : vector<32xbf16> -> vector<16xf32>
        %unpack3A_1827 = tpu.unpack_subelements %bitcast3A_1825, 1 {pack_format = #tpu.pack_format<interleaved>} : vector<32xbf16> -> vector<16xf32>
        %mul3A_1828 = arith.mulf %gather3A_1743, %unpack3A_1826 : vector<16xf32>
        %add3A_1829 = arith.addf %add3A_1736, %mul3A_1828 : vector<16xf32>
        %mul3A_1830 = arith.mulf %gather3A_1743, %unpack3A_1827 : vector<16xf32>
        %add3A_1831 = arith.addf %add3A_1738, %mul3A_1830 : vector<16xf32>
        %add3A_1832 = arith.constant 64 : i32
        %add3A_1833 = arith.addi %add3A_1832, %scan3A_1429 : i32
        %add3A_1834 = arith.addi %mul3A_1363, %add3A_1833 : i32
        %broadcast_in_dim3A_1835 = vector.broadcast %add3A_1834 : i32 to vector<16xi32>
        %gather3A_1836 = tpu.vector_load_idx %arg7[%broadcast_in_dim3A_1835] : memref<1024xf32, #tpu.memory_space<vmem>>[vector<16xi32>], vector<16xf32>,
        %add3A_1837 = arith.addi %mul3A_1367, %add3A_1833 : i32
        %get3A_1838 = arith.index_cast %add3A_1837 : i32 to index
        %get3A_1839 = arith.constant 0 : index
        %get3A_1840 = tpu.vector_load %arg8[%get3A_1838, %get3A_1839] {strides = array<i32>} : memref<768x128xi32, #tpu.memory_space<vmem>>, vector<16xi32>,
        %bitcast3A_1841 = vector.bitcast %get3A_1840 : vector<16xi32> to vector<32xbf16>
        %unpack3A_1842 = tpu.unpack_subelements %bitcast3A_1841, 0 {pack_format = #tpu.pack_format<interleaved>} : vector<32xbf16> -> vector<16xf32>
        %unpack3A_1843 = tpu.unpack_subelements %bitcast3A_1841, 1 {pack_format = #tpu.pack_format<interleaved>} : vector<32xbf16> -> vector<16xf32>
        %mul3A_1844 = arith.mulf %gather3A_1836, %unpack3A_1842 : vector<16xf32>
        %add3A_1845 = arith.addf %add3A_1752, %mul3A_1844 : vector<16xf32>
        %mul3A_1846 = arith.mulf %gather3A_1836, %unpack3A_1843 : vector<16xf32>
        %add3A_1847 = arith.addf %add3A_1754, %mul3A_1846 : vector<16xf32>
        %add3A_1848 = arith.addi %mul3A_1367, %add3A_1833 : i32
        %get3A_1849 = arith.index_cast %add3A_1848 : i32 to index
        %get3A_1850 = arith.constant 16 : index
        %get3A_1851 = tpu.vector_load %arg8[%get3A_1849, %get3A_1850] {strides = array<i32>} : memref<768x128xi32, #tpu.memory_space<vmem>>, vector<16xi32>,
        %bitcast3A_1852 = vector.bitcast %get3A_1851 : vector<16xi32> to vector<32xbf16>
        %unpack3A_1853 = tpu.unpack_subelements %bitcast3A_1852, 0 {pack_format = #tpu.pack_format<interleaved>} : vector<32xbf16> -> vector<16xf32>
        %unpack3A_1854 = tpu.unpack_subelements %bitcast3A_1852, 1 {pack_format = #tpu.pack_format<interleaved>} : vector<32xbf16> -> vector<16xf32>
        %mul3A_1855 = arith.mulf %gather3A_1836, %unpack3A_1853 : vector<16xf32>
        %add3A_1856 = arith.addf %add3A_1763, %mul3A_1855 : vector<16xf32>
        %mul3A_1857 = arith.mulf %gather3A_1836, %unpack3A_1854 : vector<16xf32>
        %add3A_1858 = arith.addf %add3A_1765, %mul3A_1857 : vector<16xf32>
        %add3A_1859 = arith.addi %mul3A_1367, %add3A_1833 : i32
        %get3A_1860 = arith.index_cast %add3A_1859 : i32 to index
        %get3A_1861 = arith.constant 32 : index
        %get3A_1862 = tpu.vector_load %arg8[%get3A_1860, %get3A_1861] {strides = array<i32>} : memref<768x128xi32, #tpu.memory_space<vmem>>, vector<16xi32>,
        %bitcast3A_1863 = vector.bitcast %get3A_1862 : vector<16xi32> to vector<32xbf16>
        %unpack3A_1864 = tpu.unpack_subelements %bitcast3A_1863, 0 {pack_format = #tpu.pack_format<interleaved>} : vector<32xbf16> -> vector<16xf32>
        %unpack3A_1865 = tpu.unpack_subelements %bitcast3A_1863, 1 {pack_format = #tpu.pack_format<interleaved>} : vector<32xbf16> -> vector<16xf32>
        %mul3A_1866 = arith.mulf %gather3A_1836, %unpack3A_1864 : vector<16xf32>
        %add3A_1867 = arith.addf %add3A_1774, %mul3A_1866 : vector<16xf32>
        %mul3A_1868 = arith.mulf %gather3A_1836, %unpack3A_1865 : vector<16xf32>
        %add3A_1869 = arith.addf %add3A_1776, %mul3A_1868 : vector<16xf32>
        %add3A_1870 = arith.addi %mul3A_1367, %add3A_1833 : i32
        %get3A_1871 = arith.index_cast %add3A_1870 : i32 to index
        %get3A_1872 = arith.constant 48 : index
        %get3A_1873 = tpu.vector_load %arg8[%get3A_1871, %get3A_1872] {strides = array<i32>} : memref<768x128xi32, #tpu.memory_space<vmem>>, vector<16xi32>,
        %bitcast3A_1874 = vector.bitcast %get3A_1873 : vector<16xi32> to vector<32xbf16>
        %unpack3A_1875 = tpu.unpack_subelements %bitcast3A_1874, 0 {pack_format = #tpu.pack_format<interleaved>} : vector<32xbf16> -> vector<16xf32>
        %unpack3A_1876 = tpu.unpack_subelements %bitcast3A_1874, 1 {pack_format = #tpu.pack_format<interleaved>} : vector<32xbf16> -> vector<16xf32>
        %mul3A_1877 = arith.mulf %gather3A_1836, %unpack3A_1875 : vector<16xf32>
        %add3A_1878 = arith.addf %add3A_1785, %mul3A_1877 : vector<16xf32>
        %mul3A_1879 = arith.mulf %gather3A_1836, %unpack3A_1876 : vector<16xf32>
        %add3A_1880 = arith.addf %add3A_1787, %mul3A_1879 : vector<16xf32>
        %add3A_1881 = arith.addi %mul3A_1367, %add3A_1833 : i32
        %get3A_1882 = arith.index_cast %add3A_1881 : i32 to index
        %get3A_1883 = arith.constant 64 : index
        %get3A_1884 = tpu.vector_load %arg8[%get3A_1882, %get3A_1883] {strides = array<i32>} : memref<768x128xi32, #tpu.memory_space<vmem>>, vector<16xi32>,
        %bitcast3A_1885 = vector.bitcast %get3A_1884 : vector<16xi32> to vector<32xbf16>
        %unpack3A_1886 = tpu.unpack_subelements %bitcast3A_1885, 0 {pack_format = #tpu.pack_format<interleaved>} : vector<32xbf16> -> vector<16xf32>
        %unpack3A_1887 = tpu.unpack_subelements %bitcast3A_1885, 1 {pack_format = #tpu.pack_format<interleaved>} : vector<32xbf16> -> vector<16xf32>
        %mul3A_1888 = arith.mulf %gather3A_1836, %unpack3A_1886 : vector<16xf32>
        %add3A_1889 = arith.addf %add3A_1796, %mul3A_1888 : vector<16xf32>
        %mul3A_1890 = arith.mulf %gather3A_1836, %unpack3A_1887 : vector<16xf32>
        %add3A_1891 = arith.addf %add3A_1798, %mul3A_1890 : vector<16xf32>
        %add3A_1892 = arith.addi %mul3A_1367, %add3A_1833 : i32
        %get3A_1893 = arith.index_cast %add3A_1892 : i32 to index
        %get3A_1894 = arith.constant 80 : index
        %get3A_1895 = tpu.vector_load %arg8[%get3A_1893, %get3A_1894] {strides = array<i32>} : memref<768x128xi32, #tpu.memory_space<vmem>>, vector<16xi32>,
        %bitcast3A_1896 = vector.bitcast %get3A_1895 : vector<16xi32> to vector<32xbf16>
        %unpack3A_1897 = tpu.unpack_subelements %bitcast3A_1896, 0 {pack_format = #tpu.pack_format<interleaved>} : vector<32xbf16> -> vector<16xf32>
        %unpack3A_1898 = tpu.unpack_subelements %bitcast3A_1896, 1 {pack_format = #tpu.pack_format<interleaved>} : vector<32xbf16> -> vector<16xf32>
        %mul3A_1899 = arith.mulf %gather3A_1836, %unpack3A_1897 : vector<16xf32>
        %add3A_1900 = arith.addf %add3A_1807, %mul3A_1899 : vector<16xf32>
        %mul3A_1901 = arith.mulf %gather3A_1836, %unpack3A_1898 : vector<16xf32>
        %add3A_1902 = arith.addf %add3A_1809, %mul3A_1901 : vector<16xf32>
        %add3A_1903 = arith.addi %mul3A_1367, %add3A_1833 : i32
        %get3A_1904 = arith.index_cast %add3A_1903 : i32 to index
        %get3A_1905 = arith.constant 96 : index
        %get3A_1906 = tpu.vector_load %arg8[%get3A_1904, %get3A_1905] {strides = array<i32>} : memref<768x128xi32, #tpu.memory_space<vmem>>, vector<16xi32>,
        %bitcast3A_1907 = vector.bitcast %get3A_1906 : vector<16xi32> to vector<32xbf16>
        %unpack3A_1908 = tpu.unpack_subelements %bitcast3A_1907, 0 {pack_format = #tpu.pack_format<interleaved>} : vector<32xbf16> -> vector<16xf32>
        %unpack3A_1909 = tpu.unpack_subelements %bitcast3A_1907, 1 {pack_format = #tpu.pack_format<interleaved>} : vector<32xbf16> -> vector<16xf32>
        %mul3A_1910 = arith.mulf %gather3A_1836, %unpack3A_1908 : vector<16xf32>
        %add3A_1911 = arith.addf %add3A_1818, %mul3A_1910 : vector<16xf32>
        %mul3A_1912 = arith.mulf %gather3A_1836, %unpack3A_1909 : vector<16xf32>
        %add3A_1913 = arith.addf %add3A_1820, %mul3A_1912 : vector<16xf32>
        %add3A_1914 = arith.addi %mul3A_1367, %add3A_1833 : i32
        %get3A_1915 = arith.index_cast %add3A_1914 : i32 to index
        %get3A_1916 = arith.constant 112 : index
        %get3A_1917 = tpu.vector_load %arg8[%get3A_1915, %get3A_1916] {strides = array<i32>} : memref<768x128xi32, #tpu.memory_space<vmem>>, vector<16xi32>,
        %bitcast3A_1918 = vector.bitcast %get3A_1917 : vector<16xi32> to vector<32xbf16>
        %unpack3A_1919 = tpu.unpack_subelements %bitcast3A_1918, 0 {pack_format = #tpu.pack_format<interleaved>} : vector<32xbf16> -> vector<16xf32>
        %unpack3A_1920 = tpu.unpack_subelements %bitcast3A_1918, 1 {pack_format = #tpu.pack_format<interleaved>} : vector<32xbf16> -> vector<16xf32>
        %mul3A_1921 = arith.mulf %gather3A_1836, %unpack3A_1919 : vector<16xf32>
        %add3A_1922 = arith.addf %add3A_1829, %mul3A_1921 : vector<16xf32>
        %mul3A_1923 = arith.mulf %gather3A_1836, %unpack3A_1920 : vector<16xf32>
        %add3A_1924 = arith.addf %add3A_1831, %mul3A_1923 : vector<16xf32>
        %add3A_1925 = arith.constant 80 : i32
        %add3A_1926 = arith.addi %add3A_1925, %scan3A_1429 : i32
        %add3A_1927 = arith.addi %mul3A_1363, %add3A_1926 : i32
        %broadcast_in_dim3A_1928 = vector.broadcast %add3A_1927 : i32 to vector<16xi32>
        %gather3A_1929 = tpu.vector_load_idx %arg7[%broadcast_in_dim3A_1928] : memref<1024xf32, #tpu.memory_space<vmem>>[vector<16xi32>], vector<16xf32>,
        %add3A_1930 = arith.addi %mul3A_1367, %add3A_1926 : i32
        %get3A_1931 = arith.index_cast %add3A_1930 : i32 to index
        %get3A_1932 = arith.constant 0 : index
        %get3A_1933 = tpu.vector_load %arg8[%get3A_1931, %get3A_1932] {strides = array<i32>} : memref<768x128xi32, #tpu.memory_space<vmem>>, vector<16xi32>,
        %bitcast3A_1934 = vector.bitcast %get3A_1933 : vector<16xi32> to vector<32xbf16>
        %unpack3A_1935 = tpu.unpack_subelements %bitcast3A_1934, 0 {pack_format = #tpu.pack_format<interleaved>} : vector<32xbf16> -> vector<16xf32>
        %unpack3A_1936 = tpu.unpack_subelements %bitcast3A_1934, 1 {pack_format = #tpu.pack_format<interleaved>} : vector<32xbf16> -> vector<16xf32>
        %mul3A_1937 = arith.mulf %gather3A_1929, %unpack3A_1935 : vector<16xf32>
        %add3A_1938 = arith.addf %add3A_1845, %mul3A_1937 : vector<16xf32>
        %mul3A_1939 = arith.mulf %gather3A_1929, %unpack3A_1936 : vector<16xf32>
        %add3A_1940 = arith.addf %add3A_1847, %mul3A_1939 : vector<16xf32>
        %add3A_1941 = arith.addi %mul3A_1367, %add3A_1926 : i32
        %get3A_1942 = arith.index_cast %add3A_1941 : i32 to index
        %get3A_1943 = arith.constant 16 : index
        %get3A_1944 = tpu.vector_load %arg8[%get3A_1942, %get3A_1943] {strides = array<i32>} : memref<768x128xi32, #tpu.memory_space<vmem>>, vector<16xi32>,
        %bitcast3A_1945 = vector.bitcast %get3A_1944 : vector<16xi32> to vector<32xbf16>
        %unpack3A_1946 = tpu.unpack_subelements %bitcast3A_1945, 0 {pack_format = #tpu.pack_format<interleaved>} : vector<32xbf16> -> vector<16xf32>
        %unpack3A_1947 = tpu.unpack_subelements %bitcast3A_1945, 1 {pack_format = #tpu.pack_format<interleaved>} : vector<32xbf16> -> vector<16xf32>
        %mul3A_1948 = arith.mulf %gather3A_1929, %unpack3A_1946 : vector<16xf32>
        %add3A_1949 = arith.addf %add3A_1856, %mul3A_1948 : vector<16xf32>
        %mul3A_1950 = arith.mulf %gather3A_1929, %unpack3A_1947 : vector<16xf32>
        %add3A_1951 = arith.addf %add3A_1858, %mul3A_1950 : vector<16xf32>
        %add3A_1952 = arith.addi %mul3A_1367, %add3A_1926 : i32
        %get3A_1953 = arith.index_cast %add3A_1952 : i32 to index
        %get3A_1954 = arith.constant 32 : index
        %get3A_1955 = tpu.vector_load %arg8[%get3A_1953, %get3A_1954] {strides = array<i32>} : memref<768x128xi32, #tpu.memory_space<vmem>>, vector<16xi32>,
        %bitcast3A_1956 = vector.bitcast %get3A_1955 : vector<16xi32> to vector<32xbf16>
        %unpack3A_1957 = tpu.unpack_subelements %bitcast3A_1956, 0 {pack_format = #tpu.pack_format<interleaved>} : vector<32xbf16> -> vector<16xf32>
        %unpack3A_1958 = tpu.unpack_subelements %bitcast3A_1956, 1 {pack_format = #tpu.pack_format<interleaved>} : vector<32xbf16> -> vector<16xf32>
        %mul3A_1959 = arith.mulf %gather3A_1929, %unpack3A_1957 : vector<16xf32>
        %add3A_1960 = arith.addf %add3A_1867, %mul3A_1959 : vector<16xf32>
        %mul3A_1961 = arith.mulf %gather3A_1929, %unpack3A_1958 : vector<16xf32>
        %add3A_1962 = arith.addf %add3A_1869, %mul3A_1961 : vector<16xf32>
        %add3A_1963 = arith.addi %mul3A_1367, %add3A_1926 : i32
        %get3A_1964 = arith.index_cast %add3A_1963 : i32 to index
        %get3A_1965 = arith.constant 48 : index
        %get3A_1966 = tpu.vector_load %arg8[%get3A_1964, %get3A_1965] {strides = array<i32>} : memref<768x128xi32, #tpu.memory_space<vmem>>, vector<16xi32>,
        %bitcast3A_1967 = vector.bitcast %get3A_1966 : vector<16xi32> to vector<32xbf16>
        %unpack3A_1968 = tpu.unpack_subelements %bitcast3A_1967, 0 {pack_format = #tpu.pack_format<interleaved>} : vector<32xbf16> -> vector<16xf32>
        %unpack3A_1969 = tpu.unpack_subelements %bitcast3A_1967, 1 {pack_format = #tpu.pack_format<interleaved>} : vector<32xbf16> -> vector<16xf32>
        %mul3A_1970 = arith.mulf %gather3A_1929, %unpack3A_1968 : vector<16xf32>
        %add3A_1971 = arith.addf %add3A_1878, %mul3A_1970 : vector<16xf32>
        %mul3A_1972 = arith.mulf %gather3A_1929, %unpack3A_1969 : vector<16xf32>
        %add3A_1973 = arith.addf %add3A_1880, %mul3A_1972 : vector<16xf32>
        %add3A_1974 = arith.addi %mul3A_1367, %add3A_1926 : i32
        %get3A_1975 = arith.index_cast %add3A_1974 : i32 to index
        %get3A_1976 = arith.constant 64 : index
        %get3A_1977 = tpu.vector_load %arg8[%get3A_1975, %get3A_1976] {strides = array<i32>} : memref<768x128xi32, #tpu.memory_space<vmem>>, vector<16xi32>,
        %bitcast3A_1978 = vector.bitcast %get3A_1977 : vector<16xi32> to vector<32xbf16>
        %unpack3A_1979 = tpu.unpack_subelements %bitcast3A_1978, 0 {pack_format = #tpu.pack_format<interleaved>} : vector<32xbf16> -> vector<16xf32>
        %unpack3A_1980 = tpu.unpack_subelements %bitcast3A_1978, 1 {pack_format = #tpu.pack_format<interleaved>} : vector<32xbf16> -> vector<16xf32>
        %mul3A_1981 = arith.mulf %gather3A_1929, %unpack3A_1979 : vector<16xf32>
        %add3A_1982 = arith.addf %add3A_1889, %mul3A_1981 : vector<16xf32>
        %mul3A_1983 = arith.mulf %gather3A_1929, %unpack3A_1980 : vector<16xf32>
        %add3A_1984 = arith.addf %add3A_1891, %mul3A_1983 : vector<16xf32>
        %add3A_1985 = arith.addi %mul3A_1367, %add3A_1926 : i32
        %get3A_1986 = arith.index_cast %add3A_1985 : i32 to index
        %get3A_1987 = arith.constant 80 : index
        %get3A_1988 = tpu.vector_load %arg8[%get3A_1986, %get3A_1987] {strides = array<i32>} : memref<768x128xi32, #tpu.memory_space<vmem>>, vector<16xi32>,
        %bitcast3A_1989 = vector.bitcast %get3A_1988 : vector<16xi32> to vector<32xbf16>
        %unpack3A_1990 = tpu.unpack_subelements %bitcast3A_1989, 0 {pack_format = #tpu.pack_format<interleaved>} : vector<32xbf16> -> vector<16xf32>
        %unpack3A_1991 = tpu.unpack_subelements %bitcast3A_1989, 1 {pack_format = #tpu.pack_format<interleaved>} : vector<32xbf16> -> vector<16xf32>
        %mul3A_1992 = arith.mulf %gather3A_1929, %unpack3A_1990 : vector<16xf32>
        %add3A_1993 = arith.addf %add3A_1900, %mul3A_1992 : vector<16xf32>
        %mul3A_1994 = arith.mulf %gather3A_1929, %unpack3A_1991 : vector<16xf32>
        %add3A_1995 = arith.addf %add3A_1902, %mul3A_1994 : vector<16xf32>
        %add3A_1996 = arith.addi %mul3A_1367, %add3A_1926 : i32
        %get3A_1997 = arith.index_cast %add3A_1996 : i32 to index
        %get3A_1998 = arith.constant 96 : index
        %get3A_1999 = tpu.vector_load %arg8[%get3A_1997, %get3A_1998] {strides = array<i32>} : memref<768x128xi32, #tpu.memory_space<vmem>>, vector<16xi32>,
        %bitcast3A_2000 = vector.bitcast %get3A_1999 : vector<16xi32> to vector<32xbf16>
        %unpack3A_2001 = tpu.unpack_subelements %bitcast3A_2000, 0 {pack_format = #tpu.pack_format<interleaved>} : vector<32xbf16> -> vector<16xf32>
        %unpack3A_2002 = tpu.unpack_subelements %bitcast3A_2000, 1 {pack_format = #tpu.pack_format<interleaved>} : vector<32xbf16> -> vector<16xf32>
        %mul3A_2003 = arith.mulf %gather3A_1929, %unpack3A_2001 : vector<16xf32>
        %add3A_2004 = arith.addf %add3A_1911, %mul3A_2003 : vector<16xf32>
        %mul3A_2005 = arith.mulf %gather3A_1929, %unpack3A_2002 : vector<16xf32>
        %add3A_2006 = arith.addf %add3A_1913, %mul3A_2005 : vector<16xf32>
        %add3A_2007 = arith.addi %mul3A_1367, %add3A_1926 : i32
        %get3A_2008 = arith.index_cast %add3A_2007 : i32 to index
        %get3A_2009 = arith.constant 112 : index
        %get3A_2010 = tpu.vector_load %arg8[%get3A_2008, %get3A_2009] {strides = array<i32>} : memref<768x128xi32, #tpu.memory_space<vmem>>, vector<16xi32>,
        %bitcast3A_2011 = vector.bitcast %get3A_2010 : vector<16xi32> to vector<32xbf16>
        %unpack3A_2012 = tpu.unpack_subelements %bitcast3A_2011, 0 {pack_format = #tpu.pack_format<interleaved>} : vector<32xbf16> -> vector<16xf32>
        %unpack3A_2013 = tpu.unpack_subelements %bitcast3A_2011, 1 {pack_format = #tpu.pack_format<interleaved>} : vector<32xbf16> -> vector<16xf32>
        %mul3A_2014 = arith.mulf %gather3A_1929, %unpack3A_2012 : vector<16xf32>
        %add3A_2015 = arith.addf %add3A_1922, %mul3A_2014 : vector<16xf32>
        %mul3A_2016 = arith.mulf %gather3A_1929, %unpack3A_2013 : vector<16xf32>
        %add3A_2017 = arith.addf %add3A_1924, %mul3A_2016 : vector<16xf32>
        %add3A_2018 = arith.constant 96 : i32
        %add3A_2019 = arith.addi %add3A_2018, %scan3A_1429 : i32
        %add3A_2020 = arith.addi %mul3A_1363, %add3A_2019 : i32
        %broadcast_in_dim3A_2021 = vector.broadcast %add3A_2020 : i32 to vector<16xi32>
        %gather3A_2022 = tpu.vector_load_idx %arg7[%broadcast_in_dim3A_2021] : memref<1024xf32, #tpu.memory_space<vmem>>[vector<16xi32>], vector<16xf32>,
        %add3A_2023 = arith.addi %mul3A_1367, %add3A_2019 : i32
        %get3A_2024 = arith.index_cast %add3A_2023 : i32 to index
        %get3A_2025 = arith.constant 0 : index
        %get3A_2026 = tpu.vector_load %arg8[%get3A_2024, %get3A_2025] {strides = array<i32>} : memref<768x128xi32, #tpu.memory_space<vmem>>, vector<16xi32>,
        %bitcast3A_2027 = vector.bitcast %get3A_2026 : vector<16xi32> to vector<32xbf16>
        %unpack3A_2028 = tpu.unpack_subelements %bitcast3A_2027, 0 {pack_format = #tpu.pack_format<interleaved>} : vector<32xbf16> -> vector<16xf32>
        %unpack3A_2029 = tpu.unpack_subelements %bitcast3A_2027, 1 {pack_format = #tpu.pack_format<interleaved>} : vector<32xbf16> -> vector<16xf32>
        %mul3A_2030 = arith.mulf %gather3A_2022, %unpack3A_2028 : vector<16xf32>
        %add3A_2031 = arith.addf %add3A_1938, %mul3A_2030 : vector<16xf32>
        %mul3A_2032 = arith.mulf %gather3A_2022, %unpack3A_2029 : vector<16xf32>
        %add3A_2033 = arith.addf %add3A_1940, %mul3A_2032 : vector<16xf32>
        %add3A_2034 = arith.addi %mul3A_1367, %add3A_2019 : i32
        %get3A_2035 = arith.index_cast %add3A_2034 : i32 to index
        %get3A_2036 = arith.constant 16 : index
        %get3A_2037 = tpu.vector_load %arg8[%get3A_2035, %get3A_2036] {strides = array<i32>} : memref<768x128xi32, #tpu.memory_space<vmem>>, vector<16xi32>,
        %bitcast3A_2038 = vector.bitcast %get3A_2037 : vector<16xi32> to vector<32xbf16>
        %unpack3A_2039 = tpu.unpack_subelements %bitcast3A_2038, 0 {pack_format = #tpu.pack_format<interleaved>} : vector<32xbf16> -> vector<16xf32>
        %unpack3A_2040 = tpu.unpack_subelements %bitcast3A_2038, 1 {pack_format = #tpu.pack_format<interleaved>} : vector<32xbf16> -> vector<16xf32>
        %mul3A_2041 = arith.mulf %gather3A_2022, %unpack3A_2039 : vector<16xf32>
        %add3A_2042 = arith.addf %add3A_1949, %mul3A_2041 : vector<16xf32>
        %mul3A_2043 = arith.mulf %gather3A_2022, %unpack3A_2040 : vector<16xf32>
        %add3A_2044 = arith.addf %add3A_1951, %mul3A_2043 : vector<16xf32>
        %add3A_2045 = arith.addi %mul3A_1367, %add3A_2019 : i32
        %get3A_2046 = arith.index_cast %add3A_2045 : i32 to index
        %get3A_2047 = arith.constant 32 : index
        %get3A_2048 = tpu.vector_load %arg8[%get3A_2046, %get3A_2047] {strides = array<i32>} : memref<768x128xi32, #tpu.memory_space<vmem>>, vector<16xi32>,
        %bitcast3A_2049 = vector.bitcast %get3A_2048 : vector<16xi32> to vector<32xbf16>
        %unpack3A_2050 = tpu.unpack_subelements %bitcast3A_2049, 0 {pack_format = #tpu.pack_format<interleaved>} : vector<32xbf16> -> vector<16xf32>
        %unpack3A_2051 = tpu.unpack_subelements %bitcast3A_2049, 1 {pack_format = #tpu.pack_format<interleaved>} : vector<32xbf16> -> vector<16xf32>
        %mul3A_2052 = arith.mulf %gather3A_2022, %unpack3A_2050 : vector<16xf32>
        %add3A_2053 = arith.addf %add3A_1960, %mul3A_2052 : vector<16xf32>
        %mul3A_2054 = arith.mulf %gather3A_2022, %unpack3A_2051 : vector<16xf32>
        %add3A_2055 = arith.addf %add3A_1962, %mul3A_2054 : vector<16xf32>
        %add3A_2056 = arith.addi %mul3A_1367, %add3A_2019 : i32
        %get3A_2057 = arith.index_cast %add3A_2056 : i32 to index
        %get3A_2058 = arith.constant 48 : index
        %get3A_2059 = tpu.vector_load %arg8[%get3A_2057, %get3A_2058] {strides = array<i32>} : memref<768x128xi32, #tpu.memory_space<vmem>>, vector<16xi32>,
        %bitcast3A_2060 = vector.bitcast %get3A_2059 : vector<16xi32> to vector<32xbf16>
        %unpack3A_2061 = tpu.unpack_subelements %bitcast3A_2060, 0 {pack_format = #tpu.pack_format<interleaved>} : vector<32xbf16> -> vector<16xf32>
        %unpack3A_2062 = tpu.unpack_subelements %bitcast3A_2060, 1 {pack_format = #tpu.pack_format<interleaved>} : vector<32xbf16> -> vector<16xf32>
        %mul3A_2063 = arith.mulf %gather3A_2022, %unpack3A_2061 : vector<16xf32>
        %add3A_2064 = arith.addf %add3A_1971, %mul3A_2063 : vector<16xf32>
        %mul3A_2065 = arith.mulf %gather3A_2022, %unpack3A_2062 : vector<16xf32>
        %add3A_2066 = arith.addf %add3A_1973, %mul3A_2065 : vector<16xf32>
        %add3A_2067 = arith.addi %mul3A_1367, %add3A_2019 : i32
        %get3A_2068 = arith.index_cast %add3A_2067 : i32 to index
        %get3A_2069 = arith.constant 64 : index
        %get3A_2070 = tpu.vector_load %arg8[%get3A_2068, %get3A_2069] {strides = array<i32>} : memref<768x128xi32, #tpu.memory_space<vmem>>, vector<16xi32>,
        %bitcast3A_2071 = vector.bitcast %get3A_2070 : vector<16xi32> to vector<32xbf16>
        %unpack3A_2072 = tpu.unpack_subelements %bitcast3A_2071, 0 {pack_format = #tpu.pack_format<interleaved>} : vector<32xbf16> -> vector<16xf32>
        %unpack3A_2073 = tpu.unpack_subelements %bitcast3A_2071, 1 {pack_format = #tpu.pack_format<interleaved>} : vector<32xbf16> -> vector<16xf32>
        %mul3A_2074 = arith.mulf %gather3A_2022, %unpack3A_2072 : vector<16xf32>
        %add3A_2075 = arith.addf %add3A_1982, %mul3A_2074 : vector<16xf32>
        %mul3A_2076 = arith.mulf %gather3A_2022, %unpack3A_2073 : vector<16xf32>
        %add3A_2077 = arith.addf %add3A_1984, %mul3A_2076 : vector<16xf32>
        %add3A_2078 = arith.addi %mul3A_1367, %add3A_2019 : i32
        %get3A_2079 = arith.index_cast %add3A_2078 : i32 to index
        %get3A_2080 = arith.constant 80 : index
        %get3A_2081 = tpu.vector_load %arg8[%get3A_2079, %get3A_2080] {strides = array<i32>} : memref<768x128xi32, #tpu.memory_space<vmem>>, vector<16xi32>,
        %bitcast3A_2082 = vector.bitcast %get3A_2081 : vector<16xi32> to vector<32xbf16>
        %unpack3A_2083 = tpu.unpack_subelements %bitcast3A_2082, 0 {pack_format = #tpu.pack_format<interleaved>} : vector<32xbf16> -> vector<16xf32>
        %unpack3A_2084 = tpu.unpack_subelements %bitcast3A_2082, 1 {pack_format = #tpu.pack_format<interleaved>} : vector<32xbf16> -> vector<16xf32>
        %mul3A_2085 = arith.mulf %gather3A_2022, %unpack3A_2083 : vector<16xf32>
        %add3A_2086 = arith.addf %add3A_1993, %mul3A_2085 : vector<16xf32>
        %mul3A_2087 = arith.mulf %gather3A_2022, %unpack3A_2084 : vector<16xf32>
        %add3A_2088 = arith.addf %add3A_1995, %mul3A_2087 : vector<16xf32>
        %add3A_2089 = arith.addi %mul3A_1367, %add3A_2019 : i32
        %get3A_2090 = arith.index_cast %add3A_2089 : i32 to index
        %get3A_2091 = arith.constant 96 : index
        %get3A_2092 = tpu.vector_load %arg8[%get3A_2090, %get3A_2091] {strides = array<i32>} : memref<768x128xi32, #tpu.memory_space<vmem>>, vector<16xi32>,
        %bitcast3A_2093 = vector.bitcast %get3A_2092 : vector<16xi32> to vector<32xbf16>
        %unpack3A_2094 = tpu.unpack_subelements %bitcast3A_2093, 0 {pack_format = #tpu.pack_format<interleaved>} : vector<32xbf16> -> vector<16xf32>
        %unpack3A_2095 = tpu.unpack_subelements %bitcast3A_2093, 1 {pack_format = #tpu.pack_format<interleaved>} : vector<32xbf16> -> vector<16xf32>
        %mul3A_2096 = arith.mulf %gather3A_2022, %unpack3A_2094 : vector<16xf32>
        %add3A_2097 = arith.addf %add3A_2004, %mul3A_2096 : vector<16xf32>
        %mul3A_2098 = arith.mulf %gather3A_2022, %unpack3A_2095 : vector<16xf32>
        %add3A_2099 = arith.addf %add3A_2006, %mul3A_2098 : vector<16xf32>
        %add3A_2100 = arith.addi %mul3A_1367, %add3A_2019 : i32
        %get3A_2101 = arith.index_cast %add3A_2100 : i32 to index
        %get3A_2102 = arith.constant 112 : index
        %get3A_2103 = tpu.vector_load %arg8[%get3A_2101, %get3A_2102] {strides = array<i32>} : memref<768x128xi32, #tpu.memory_space<vmem>>, vector<16xi32>,
        %bitcast3A_2104 = vector.bitcast %get3A_2103 : vector<16xi32> to vector<32xbf16>
        %unpack3A_2105 = tpu.unpack_subelements %bitcast3A_2104, 0 {pack_format = #tpu.pack_format<interleaved>} : vector<32xbf16> -> vector<16xf32>
        %unpack3A_2106 = tpu.unpack_subelements %bitcast3A_2104, 1 {pack_format = #tpu.pack_format<interleaved>} : vector<32xbf16> -> vector<16xf32>
        %mul3A_2107 = arith.mulf %gather3A_2022, %unpack3A_2105 : vector<16xf32>
        %add3A_2108 = arith.addf %add3A_2015, %mul3A_2107 : vector<16xf32>
        %mul3A_2109 = arith.mulf %gather3A_2022, %unpack3A_2106 : vector<16xf32>
        %add3A_2110 = arith.addf %add3A_2017, %mul3A_2109 : vector<16xf32>
        %add3A_2111 = arith.constant 112 : i32
        %add3A_2112 = arith.addi %add3A_2111, %scan3A_1429 : i32
        %add3A_2113 = arith.addi %mul3A_1363, %add3A_2112 : i32
        %broadcast_in_dim3A_2114 = vector.broadcast %add3A_2113 : i32 to vector<16xi32>
        %gather3A_2115 = tpu.vector_load_idx %arg7[%broadcast_in_dim3A_2114] : memref<1024xf32, #tpu.memory_space<vmem>>[vector<16xi32>], vector<16xf32>,
        %add3A_2116 = arith.addi %mul3A_1367, %add3A_2112 : i32
        %get3A_2117 = arith.index_cast %add3A_2116 : i32 to index
        %get3A_2118 = arith.constant 0 : index
        %get3A_2119 = tpu.vector_load %arg8[%get3A_2117, %get3A_2118] {strides = array<i32>} : memref<768x128xi32, #tpu.memory_space<vmem>>, vector<16xi32>,
        %bitcast3A_2120 = vector.bitcast %get3A_2119 : vector<16xi32> to vector<32xbf16>
        %unpack3A_2121 = tpu.unpack_subelements %bitcast3A_2120, 0 {pack_format = #tpu.pack_format<interleaved>} : vector<32xbf16> -> vector<16xf32>
        %unpack3A_2122 = tpu.unpack_subelements %bitcast3A_2120, 1 {pack_format = #tpu.pack_format<interleaved>} : vector<32xbf16> -> vector<16xf32>
        %mul3A_2123 = arith.mulf %gather3A_2115, %unpack3A_2121 : vector<16xf32>
        %add3A_2124 = arith.addf %add3A_2031, %mul3A_2123 : vector<16xf32>
        %mul3A_2125 = arith.mulf %gather3A_2115, %unpack3A_2122 : vector<16xf32>
        %add3A_2126 = arith.addf %add3A_2033, %mul3A_2125 : vector<16xf32>
        %add3A_2127 = arith.addi %mul3A_1367, %add3A_2112 : i32
        %get3A_2128 = arith.index_cast %add3A_2127 : i32 to index
        %get3A_2129 = arith.constant 16 : index
        %get3A_2130 = tpu.vector_load %arg8[%get3A_2128, %get3A_2129] {strides = array<i32>} : memref<768x128xi32, #tpu.memory_space<vmem>>, vector<16xi32>,
        %bitcast3A_2131 = vector.bitcast %get3A_2130 : vector<16xi32> to vector<32xbf16>
        %unpack3A_2132 = tpu.unpack_subelements %bitcast3A_2131, 0 {pack_format = #tpu.pack_format<interleaved>} : vector<32xbf16> -> vector<16xf32>
        %unpack3A_2133 = tpu.unpack_subelements %bitcast3A_2131, 1 {pack_format = #tpu.pack_format<interleaved>} : vector<32xbf16> -> vector<16xf32>
        %mul3A_2134 = arith.mulf %gather3A_2115, %unpack3A_2132 : vector<16xf32>
        %add3A_2135 = arith.addf %add3A_2042, %mul3A_2134 : vector<16xf32>
        %mul3A_2136 = arith.mulf %gather3A_2115, %unpack3A_2133 : vector<16xf32>
        %add3A_2137 = arith.addf %add3A_2044, %mul3A_2136 : vector<16xf32>
        %add3A_2138 = arith.addi %mul3A_1367, %add3A_2112 : i32
        %get3A_2139 = arith.index_cast %add3A_2138 : i32 to index
        %get3A_2140 = arith.constant 32 : index
        %get3A_2141 = tpu.vector_load %arg8[%get3A_2139, %get3A_2140] {strides = array<i32>} : memref<768x128xi32, #tpu.memory_space<vmem>>, vector<16xi32>,
        %bitcast3A_2142 = vector.bitcast %get3A_2141 : vector<16xi32> to vector<32xbf16>
        %unpack3A_2143 = tpu.unpack_subelements %bitcast3A_2142, 0 {pack_format = #tpu.pack_format<interleaved>} : vector<32xbf16> -> vector<16xf32>
        %unpack3A_2144 = tpu.unpack_subelements %bitcast3A_2142, 1 {pack_format = #tpu.pack_format<interleaved>} : vector<32xbf16> -> vector<16xf32>
        %mul3A_2145 = arith.mulf %gather3A_2115, %unpack3A_2143 : vector<16xf32>
        %add3A_2146 = arith.addf %add3A_2053, %mul3A_2145 : vector<16xf32>
        %mul3A_2147 = arith.mulf %gather3A_2115, %unpack3A_2144 : vector<16xf32>
        %add3A_2148 = arith.addf %add3A_2055, %mul3A_2147 : vector<16xf32>
        %add3A_2149 = arith.addi %mul3A_1367, %add3A_2112 : i32
        %get3A_2150 = arith.index_cast %add3A_2149 : i32 to index
        %get3A_2151 = arith.constant 48 : index
        %get3A_2152 = tpu.vector_load %arg8[%get3A_2150, %get3A_2151] {strides = array<i32>} : memref<768x128xi32, #tpu.memory_space<vmem>>, vector<16xi32>,
        %bitcast3A_2153 = vector.bitcast %get3A_2152 : vector<16xi32> to vector<32xbf16>
        %unpack3A_2154 = tpu.unpack_subelements %bitcast3A_2153, 0 {pack_format = #tpu.pack_format<interleaved>} : vector<32xbf16> -> vector<16xf32>
        %unpack3A_2155 = tpu.unpack_subelements %bitcast3A_2153, 1 {pack_format = #tpu.pack_format<interleaved>} : vector<32xbf16> -> vector<16xf32>
        %mul3A_2156 = arith.mulf %gather3A_2115, %unpack3A_2154 : vector<16xf32>
        %add3A_2157 = arith.addf %add3A_2064, %mul3A_2156 : vector<16xf32>
        %mul3A_2158 = arith.mulf %gather3A_2115, %unpack3A_2155 : vector<16xf32>
        %add3A_2159 = arith.addf %add3A_2066, %mul3A_2158 : vector<16xf32>
        %add3A_2160 = arith.addi %mul3A_1367, %add3A_2112 : i32
        %get3A_2161 = arith.index_cast %add3A_2160 : i32 to index
        %get3A_2162 = arith.constant 64 : index
        %get3A_2163 = tpu.vector_load %arg8[%get3A_2161, %get3A_2162] {strides = array<i32>} : memref<768x128xi32, #tpu.memory_space<vmem>>, vector<16xi32>,
        %bitcast3A_2164 = vector.bitcast %get3A_2163 : vector<16xi32> to vector<32xbf16>
        %unpack3A_2165 = tpu.unpack_subelements %bitcast3A_2164, 0 {pack_format = #tpu.pack_format<interleaved>} : vector<32xbf16> -> vector<16xf32>
        %unpack3A_2166 = tpu.unpack_subelements %bitcast3A_2164, 1 {pack_format = #tpu.pack_format<interleaved>} : vector<32xbf16> -> vector<16xf32>
        %mul3A_2167 = arith.mulf %gather3A_2115, %unpack3A_2165 : vector<16xf32>
        %add3A_2168 = arith.addf %add3A_2075, %mul3A_2167 : vector<16xf32>
        %mul3A_2169 = arith.mulf %gather3A_2115, %unpack3A_2166 : vector<16xf32>
        %add3A_2170 = arith.addf %add3A_2077, %mul3A_2169 : vector<16xf32>
        %add3A_2171 = arith.addi %mul3A_1367, %add3A_2112 : i32
        %get3A_2172 = arith.index_cast %add3A_2171 : i32 to index
        %get3A_2173 = arith.constant 80 : index
        %get3A_2174 = tpu.vector_load %arg8[%get3A_2172, %get3A_2173] {strides = array<i32>} : memref<768x128xi32, #tpu.memory_space<vmem>>, vector<16xi32>,
        %bitcast3A_2175 = vector.bitcast %get3A_2174 : vector<16xi32> to vector<32xbf16>
        %unpack3A_2176 = tpu.unpack_subelements %bitcast3A_2175, 0 {pack_format = #tpu.pack_format<interleaved>} : vector<32xbf16> -> vector<16xf32>
        %unpack3A_2177 = tpu.unpack_subelements %bitcast3A_2175, 1 {pack_format = #tpu.pack_format<interleaved>} : vector<32xbf16> -> vector<16xf32>
        %mul3A_2178 = arith.mulf %gather3A_2115, %unpack3A_2176 : vector<16xf32>
        %add3A_2179 = arith.addf %add3A_2086, %mul3A_2178 : vector<16xf32>
        %mul3A_2180 = arith.mulf %gather3A_2115, %unpack3A_2177 : vector<16xf32>
        %add3A_2181 = arith.addf %add3A_2088, %mul3A_2180 : vector<16xf32>
        %add3A_2182 = arith.addi %mul3A_1367, %add3A_2112 : i32
        %get3A_2183 = arith.index_cast %add3A_2182 : i32 to index
        %get3A_2184 = arith.constant 96 : index
        %get3A_2185 = tpu.vector_load %arg8[%get3A_2183, %get3A_2184] {strides = array<i32>} : memref<768x128xi32, #tpu.memory_space<vmem>>, vector<16xi32>,
        %bitcast3A_2186 = vector.bitcast %get3A_2185 : vector<16xi32> to vector<32xbf16>
        %unpack3A_2187 = tpu.unpack_subelements %bitcast3A_2186, 0 {pack_format = #tpu.pack_format<interleaved>} : vector<32xbf16> -> vector<16xf32>
        %unpack3A_2188 = tpu.unpack_subelements %bitcast3A_2186, 1 {pack_format = #tpu.pack_format<interleaved>} : vector<32xbf16> -> vector<16xf32>
        %mul3A_2189 = arith.mulf %gather3A_2115, %unpack3A_2187 : vector<16xf32>
        %add3A_2190 = arith.addf %add3A_2097, %mul3A_2189 : vector<16xf32>
        %mul3A_2191 = arith.mulf %gather3A_2115, %unpack3A_2188 : vector<16xf32>
        %add3A_2192 = arith.addf %add3A_2099, %mul3A_2191 : vector<16xf32>
        %add3A_2193 = arith.addi %mul3A_1367, %add3A_2112 : i32
        %get3A_2194 = arith.index_cast %add3A_2193 : i32 to index
        %get3A_2195 = arith.constant 112 : index
        %get3A_2196 = tpu.vector_load %arg8[%get3A_2194, %get3A_2195] {strides = array<i32>} : memref<768x128xi32, #tpu.memory_space<vmem>>, vector<16xi32>,
        %bitcast3A_2197 = vector.bitcast %get3A_2196 : vector<16xi32> to vector<32xbf16>
        %unpack3A_2198 = tpu.unpack_subelements %bitcast3A_2197, 0 {pack_format = #tpu.pack_format<interleaved>} : vector<32xbf16> -> vector<16xf32>
        %unpack3A_2199 = tpu.unpack_subelements %bitcast3A_2197, 1 {pack_format = #tpu.pack_format<interleaved>} : vector<32xbf16> -> vector<16xf32>
        %mul3A_2200 = arith.mulf %gather3A_2115, %unpack3A_2198 : vector<16xf32>
        %add3A_2201 = arith.addf %add3A_2108, %mul3A_2200 : vector<16xf32>
        %mul3A_2202 = arith.mulf %gather3A_2115, %unpack3A_2199 : vector<16xf32>
        %add3A_2203 = arith.addf %add3A_2110, %mul3A_2202 : vector<16xf32>
        %add3A_2204 = arith.constant 128 : i32
        %add3A_2205 = arith.addi %add3A_2204, %scan3A_1429 : i32
        %add3A_2206 = arith.addi %mul3A_1363, %add3A_2205 : i32
        %broadcast_in_dim3A_2207 = vector.broadcast %add3A_2206 : i32 to vector<16xi32>
        %gather3A_2208 = tpu.vector_load_idx %arg7[%broadcast_in_dim3A_2207] : memref<1024xf32, #tpu.memory_space<vmem>>[vector<16xi32>], vector<16xf32>,
        %add3A_2209 = arith.addi %mul3A_1367, %add3A_2205 : i32
        %get3A_2210 = arith.index_cast %add3A_2209 : i32 to index
        %get3A_2211 = arith.constant 0 : index
        %get3A_2212 = tpu.vector_load %arg8[%get3A_2210, %get3A_2211] {strides = array<i32>} : memref<768x128xi32, #tpu.memory_space<vmem>>, vector<16xi32>,
        %bitcast3A_2213 = vector.bitcast %get3A_2212 : vector<16xi32> to vector<32xbf16>
        %unpack3A_2214 = tpu.unpack_subelements %bitcast3A_2213, 0 {pack_format = #tpu.pack_format<interleaved>} : vector<32xbf16> -> vector<16xf32>
        %unpack3A_2215 = tpu.unpack_subelements %bitcast3A_2213, 1 {pack_format = #tpu.pack_format<interleaved>} : vector<32xbf16> -> vector<16xf32>
        %mul3A_2216 = arith.mulf %gather3A_2208, %unpack3A_2214 : vector<16xf32>
        %add3A_2217 = arith.addf %add3A_2124, %mul3A_2216 : vector<16xf32>
        %mul3A_2218 = arith.mulf %gather3A_2208, %unpack3A_2215 : vector<16xf32>
        %add3A_2219 = arith.addf %add3A_2126, %mul3A_2218 : vector<16xf32>
        %add3A_2220 = arith.addi %mul3A_1367, %add3A_2205 : i32
        %get3A_2221 = arith.index_cast %add3A_2220 : i32 to index
        %get3A_2222 = arith.constant 16 : index
        %get3A_2223 = tpu.vector_load %arg8[%get3A_2221, %get3A_2222] {strides = array<i32>} : memref<768x128xi32, #tpu.memory_space<vmem>>, vector<16xi32>,
        %bitcast3A_2224 = vector.bitcast %get3A_2223 : vector<16xi32> to vector<32xbf16>
        %unpack3A_2225 = tpu.unpack_subelements %bitcast3A_2224, 0 {pack_format = #tpu.pack_format<interleaved>} : vector<32xbf16> -> vector<16xf32>
        %unpack3A_2226 = tpu.unpack_subelements %bitcast3A_2224, 1 {pack_format = #tpu.pack_format<interleaved>} : vector<32xbf16> -> vector<16xf32>
        %mul3A_2227 = arith.mulf %gather3A_2208, %unpack3A_2225 : vector<16xf32>
        %add3A_2228 = arith.addf %add3A_2135, %mul3A_2227 : vector<16xf32>
        %mul3A_2229 = arith.mulf %gather3A_2208, %unpack3A_2226 : vector<16xf32>
        %add3A_2230 = arith.addf %add3A_2137, %mul3A_2229 : vector<16xf32>
        %add3A_2231 = arith.addi %mul3A_1367, %add3A_2205 : i32
        %get3A_2232 = arith.index_cast %add3A_2231 : i32 to index
        %get3A_2233 = arith.constant 32 : index
        %get3A_2234 = tpu.vector_load %arg8[%get3A_2232, %get3A_2233] {strides = array<i32>} : memref<768x128xi32, #tpu.memory_space<vmem>>, vector<16xi32>,
        %bitcast3A_2235 = vector.bitcast %get3A_2234 : vector<16xi32> to vector<32xbf16>
        %unpack3A_2236 = tpu.unpack_subelements %bitcast3A_2235, 0 {pack_format = #tpu.pack_format<interleaved>} : vector<32xbf16> -> vector<16xf32>
        %unpack3A_2237 = tpu.unpack_subelements %bitcast3A_2235, 1 {pack_format = #tpu.pack_format<interleaved>} : vector<32xbf16> -> vector<16xf32>
        %mul3A_2238 = arith.mulf %gather3A_2208, %unpack3A_2236 : vector<16xf32>
        %add3A_2239 = arith.addf %add3A_2146, %mul3A_2238 : vector<16xf32>
        %mul3A_2240 = arith.mulf %gather3A_2208, %unpack3A_2237 : vector<16xf32>
        %add3A_2241 = arith.addf %add3A_2148, %mul3A_2240 : vector<16xf32>
        %add3A_2242 = arith.addi %mul3A_1367, %add3A_2205 : i32
        %get3A_2243 = arith.index_cast %add3A_2242 : i32 to index
        %get3A_2244 = arith.constant 48 : index
        %get3A_2245 = tpu.vector_load %arg8[%get3A_2243, %get3A_2244] {strides = array<i32>} : memref<768x128xi32, #tpu.memory_space<vmem>>, vector<16xi32>,
        %bitcast3A_2246 = vector.bitcast %get3A_2245 : vector<16xi32> to vector<32xbf16>
        %unpack3A_2247 = tpu.unpack_subelements %bitcast3A_2246, 0 {pack_format = #tpu.pack_format<interleaved>} : vector<32xbf16> -> vector<16xf32>
        %unpack3A_2248 = tpu.unpack_subelements %bitcast3A_2246, 1 {pack_format = #tpu.pack_format<interleaved>} : vector<32xbf16> -> vector<16xf32>
        %mul3A_2249 = arith.mulf %gather3A_2208, %unpack3A_2247 : vector<16xf32>
        %add3A_2250 = arith.addf %add3A_2157, %mul3A_2249 : vector<16xf32>
        %mul3A_2251 = arith.mulf %gather3A_2208, %unpack3A_2248 : vector<16xf32>
        %add3A_2252 = arith.addf %add3A_2159, %mul3A_2251 : vector<16xf32>
        %add3A_2253 = arith.addi %mul3A_1367, %add3A_2205 : i32
        %get3A_2254 = arith.index_cast %add3A_2253 : i32 to index
        %get3A_2255 = arith.constant 64 : index
        %get3A_2256 = tpu.vector_load %arg8[%get3A_2254, %get3A_2255] {strides = array<i32>} : memref<768x128xi32, #tpu.memory_space<vmem>>, vector<16xi32>,
        %bitcast3A_2257 = vector.bitcast %get3A_2256 : vector<16xi32> to vector<32xbf16>
        %unpack3A_2258 = tpu.unpack_subelements %bitcast3A_2257, 0 {pack_format = #tpu.pack_format<interleaved>} : vector<32xbf16> -> vector<16xf32>
        %unpack3A_2259 = tpu.unpack_subelements %bitcast3A_2257, 1 {pack_format = #tpu.pack_format<interleaved>} : vector<32xbf16> -> vector<16xf32>
        %mul3A_2260 = arith.mulf %gather3A_2208, %unpack3A_2258 : vector<16xf32>
        %add3A_2261 = arith.addf %add3A_2168, %mul3A_2260 : vector<16xf32>
        %mul3A_2262 = arith.mulf %gather3A_2208, %unpack3A_2259 : vector<16xf32>
        %add3A_2263 = arith.addf %add3A_2170, %mul3A_2262 : vector<16xf32>
        %add3A_2264 = arith.addi %mul3A_1367, %add3A_2205 : i32
        %get3A_2265 = arith.index_cast %add3A_2264 : i32 to index
        %get3A_2266 = arith.constant 80 : index
        %get3A_2267 = tpu.vector_load %arg8[%get3A_2265, %get3A_2266] {strides = array<i32>} : memref<768x128xi32, #tpu.memory_space<vmem>>, vector<16xi32>,
        %bitcast3A_2268 = vector.bitcast %get3A_2267 : vector<16xi32> to vector<32xbf16>
        %unpack3A_2269 = tpu.unpack_subelements %bitcast3A_2268, 0 {pack_format = #tpu.pack_format<interleaved>} : vector<32xbf16> -> vector<16xf32>
        %unpack3A_2270 = tpu.unpack_subelements %bitcast3A_2268, 1 {pack_format = #tpu.pack_format<interleaved>} : vector<32xbf16> -> vector<16xf32>
        %mul3A_2271 = arith.mulf %gather3A_2208, %unpack3A_2269 : vector<16xf32>
        %add3A_2272 = arith.addf %add3A_2179, %mul3A_2271 : vector<16xf32>
        %mul3A_2273 = arith.mulf %gather3A_2208, %unpack3A_2270 : vector<16xf32>
        %add3A_2274 = arith.addf %add3A_2181, %mul3A_2273 : vector<16xf32>
        %add3A_2275 = arith.addi %mul3A_1367, %add3A_2205 : i32
        %get3A_2276 = arith.index_cast %add3A_2275 : i32 to index
        %get3A_2277 = arith.constant 96 : index
        %get3A_2278 = tpu.vector_load %arg8[%get3A_2276, %get3A_2277] {strides = array<i32>} : memref<768x128xi32, #tpu.memory_space<vmem>>, vector<16xi32>,
        %bitcast3A_2279 = vector.bitcast %get3A_2278 : vector<16xi32> to vector<32xbf16>
        %unpack3A_2280 = tpu.unpack_subelements %bitcast3A_2279, 0 {pack_format = #tpu.pack_format<interleaved>} : vector<32xbf16> -> vector<16xf32>
        %unpack3A_2281 = tpu.unpack_subelements %bitcast3A_2279, 1 {pack_format = #tpu.pack_format<interleaved>} : vector<32xbf16> -> vector<16xf32>
        %mul3A_2282 = arith.mulf %gather3A_2208, %unpack3A_2280 : vector<16xf32>
        %add3A_2283 = arith.addf %add3A_2190, %mul3A_2282 : vector<16xf32>
        %mul3A_2284 = arith.mulf %gather3A_2208, %unpack3A_2281 : vector<16xf32>
        %add3A_2285 = arith.addf %add3A_2192, %mul3A_2284 : vector<16xf32>
        %add3A_2286 = arith.addi %mul3A_1367, %add3A_2205 : i32
        %get3A_2287 = arith.index_cast %add3A_2286 : i32 to index
        %get3A_2288 = arith.constant 112 : index
        %get3A_2289 = tpu.vector_load %arg8[%get3A_2287, %get3A_2288] {strides = array<i32>} : memref<768x128xi32, #tpu.memory_space<vmem>>, vector<16xi32>,
        %bitcast3A_2290 = vector.bitcast %get3A_2289 : vector<16xi32> to vector<32xbf16>
        %unpack3A_2291 = tpu.unpack_subelements %bitcast3A_2290, 0 {pack_format = #tpu.pack_format<interleaved>} : vector<32xbf16> -> vector<16xf32>
        %unpack3A_2292 = tpu.unpack_subelements %bitcast3A_2290, 1 {pack_format = #tpu.pack_format<interleaved>} : vector<32xbf16> -> vector<16xf32>
        %mul3A_2293 = arith.mulf %gather3A_2208, %unpack3A_2291 : vector<16xf32>
        %add3A_2294 = arith.addf %add3A_2201, %mul3A_2293 : vector<16xf32>
        %mul3A_2295 = arith.mulf %gather3A_2208, %unpack3A_2292 : vector<16xf32>
        %add3A_2296 = arith.addf %add3A_2203, %mul3A_2295 : vector<16xf32>
        %add3A_2297 = arith.constant 144 : i32
        %add3A_2298 = arith.addi %add3A_2297, %scan3A_1429 : i32
        %add3A_2299 = arith.addi %mul3A_1363, %add3A_2298 : i32
        %broadcast_in_dim3A_2300 = vector.broadcast %add3A_2299 : i32 to vector<16xi32>
        %gather3A_2301 = tpu.vector_load_idx %arg7[%broadcast_in_dim3A_2300] : memref<1024xf32, #tpu.memory_space<vmem>>[vector<16xi32>], vector<16xf32>,
        %add3A_2302 = arith.addi %mul3A_1367, %add3A_2298 : i32
        %get3A_2303 = arith.index_cast %add3A_2302 : i32 to index
        %get3A_2304 = arith.constant 0 : index
        %get3A_2305 = tpu.vector_load %arg8[%get3A_2303, %get3A_2304] {strides = array<i32>} : memref<768x128xi32, #tpu.memory_space<vmem>>, vector<16xi32>,
        %bitcast3A_2306 = vector.bitcast %get3A_2305 : vector<16xi32> to vector<32xbf16>
        %unpack3A_2307 = tpu.unpack_subelements %bitcast3A_2306, 0 {pack_format = #tpu.pack_format<interleaved>} : vector<32xbf16> -> vector<16xf32>
        %unpack3A_2308 = tpu.unpack_subelements %bitcast3A_2306, 1 {pack_format = #tpu.pack_format<interleaved>} : vector<32xbf16> -> vector<16xf32>
        %mul3A_2309 = arith.mulf %gather3A_2301, %unpack3A_2307 : vector<16xf32>
        %add3A_2310 = arith.addf %add3A_2217, %mul3A_2309 : vector<16xf32>
        %mul3A_2311 = arith.mulf %gather3A_2301, %unpack3A_2308 : vector<16xf32>
        %add3A_2312 = arith.addf %add3A_2219, %mul3A_2311 : vector<16xf32>
        %add3A_2313 = arith.addi %mul3A_1367, %add3A_2298 : i32
        %get3A_2314 = arith.index_cast %add3A_2313 : i32 to index
        %get3A_2315 = arith.constant 16 : index
        %get3A_2316 = tpu.vector_load %arg8[%get3A_2314, %get3A_2315] {strides = array<i32>} : memref<768x128xi32, #tpu.memory_space<vmem>>, vector<16xi32>,
        %bitcast3A_2317 = vector.bitcast %get3A_2316 : vector<16xi32> to vector<32xbf16>
        %unpack3A_2318 = tpu.unpack_subelements %bitcast3A_2317, 0 {pack_format = #tpu.pack_format<interleaved>} : vector<32xbf16> -> vector<16xf32>
        %unpack3A_2319 = tpu.unpack_subelements %bitcast3A_2317, 1 {pack_format = #tpu.pack_format<interleaved>} : vector<32xbf16> -> vector<16xf32>
        %mul3A_2320 = arith.mulf %gather3A_2301, %unpack3A_2318 : vector<16xf32>
        %add3A_2321 = arith.addf %add3A_2228, %mul3A_2320 : vector<16xf32>
        %mul3A_2322 = arith.mulf %gather3A_2301, %unpack3A_2319 : vector<16xf32>
        %add3A_2323 = arith.addf %add3A_2230, %mul3A_2322 : vector<16xf32>
        %add3A_2324 = arith.addi %mul3A_1367, %add3A_2298 : i32
        %get3A_2325 = arith.index_cast %add3A_2324 : i32 to index
        %get3A_2326 = arith.constant 32 : index
        %get3A_2327 = tpu.vector_load %arg8[%get3A_2325, %get3A_2326] {strides = array<i32>} : memref<768x128xi32, #tpu.memory_space<vmem>>, vector<16xi32>,
        %bitcast3A_2328 = vector.bitcast %get3A_2327 : vector<16xi32> to vector<32xbf16>
        %unpack3A_2329 = tpu.unpack_subelements %bitcast3A_2328, 0 {pack_format = #tpu.pack_format<interleaved>} : vector<32xbf16> -> vector<16xf32>
        %unpack3A_2330 = tpu.unpack_subelements %bitcast3A_2328, 1 {pack_format = #tpu.pack_format<interleaved>} : vector<32xbf16> -> vector<16xf32>
        %mul3A_2331 = arith.mulf %gather3A_2301, %unpack3A_2329 : vector<16xf32>
        %add3A_2332 = arith.addf %add3A_2239, %mul3A_2331 : vector<16xf32>
        %mul3A_2333 = arith.mulf %gather3A_2301, %unpack3A_2330 : vector<16xf32>
        %add3A_2334 = arith.addf %add3A_2241, %mul3A_2333 : vector<16xf32>
        %add3A_2335 = arith.addi %mul3A_1367, %add3A_2298 : i32
        %get3A_2336 = arith.index_cast %add3A_2335 : i32 to index
        %get3A_2337 = arith.constant 48 : index
        %get3A_2338 = tpu.vector_load %arg8[%get3A_2336, %get3A_2337] {strides = array<i32>} : memref<768x128xi32, #tpu.memory_space<vmem>>, vector<16xi32>,
        %bitcast3A_2339 = vector.bitcast %get3A_2338 : vector<16xi32> to vector<32xbf16>
        %unpack3A_2340 = tpu.unpack_subelements %bitcast3A_2339, 0 {pack_format = #tpu.pack_format<interleaved>} : vector<32xbf16> -> vector<16xf32>
        %unpack3A_2341 = tpu.unpack_subelements %bitcast3A_2339, 1 {pack_format = #tpu.pack_format<interleaved>} : vector<32xbf16> -> vector<16xf32>
        %mul3A_2342 = arith.mulf %gather3A_2301, %unpack3A_2340 : vector<16xf32>
        %add3A_2343 = arith.addf %add3A_2250, %mul3A_2342 : vector<16xf32>
        %mul3A_2344 = arith.mulf %gather3A_2301, %unpack3A_2341 : vector<16xf32>
        %add3A_2345 = arith.addf %add3A_2252, %mul3A_2344 : vector<16xf32>
        %add3A_2346 = arith.addi %mul3A_1367, %add3A_2298 : i32
        %get3A_2347 = arith.index_cast %add3A_2346 : i32 to index
        %get3A_2348 = arith.constant 64 : index
        %get3A_2349 = tpu.vector_load %arg8[%get3A_2347, %get3A_2348] {strides = array<i32>} : memref<768x128xi32, #tpu.memory_space<vmem>>, vector<16xi32>,
        %bitcast3A_2350 = vector.bitcast %get3A_2349 : vector<16xi32> to vector<32xbf16>
        %unpack3A_2351 = tpu.unpack_subelements %bitcast3A_2350, 0 {pack_format = #tpu.pack_format<interleaved>} : vector<32xbf16> -> vector<16xf32>
        %unpack3A_2352 = tpu.unpack_subelements %bitcast3A_2350, 1 {pack_format = #tpu.pack_format<interleaved>} : vector<32xbf16> -> vector<16xf32>
        %mul3A_2353 = arith.mulf %gather3A_2301, %unpack3A_2351 : vector<16xf32>
        %add3A_2354 = arith.addf %add3A_2261, %mul3A_2353 : vector<16xf32>
        %mul3A_2355 = arith.mulf %gather3A_2301, %unpack3A_2352 : vector<16xf32>
        %add3A_2356 = arith.addf %add3A_2263, %mul3A_2355 : vector<16xf32>
        %add3A_2357 = arith.addi %mul3A_1367, %add3A_2298 : i32
        %get3A_2358 = arith.index_cast %add3A_2357 : i32 to index
        %get3A_2359 = arith.constant 80 : index
        %get3A_2360 = tpu.vector_load %arg8[%get3A_2358, %get3A_2359] {strides = array<i32>} : memref<768x128xi32, #tpu.memory_space<vmem>>, vector<16xi32>,
        %bitcast3A_2361 = vector.bitcast %get3A_2360 : vector<16xi32> to vector<32xbf16>
        %unpack3A_2362 = tpu.unpack_subelements %bitcast3A_2361, 0 {pack_format = #tpu.pack_format<interleaved>} : vector<32xbf16> -> vector<16xf32>
        %unpack3A_2363 = tpu.unpack_subelements %bitcast3A_2361, 1 {pack_format = #tpu.pack_format<interleaved>} : vector<32xbf16> -> vector<16xf32>
        %mul3A_2364 = arith.mulf %gather3A_2301, %unpack3A_2362 : vector<16xf32>
        %add3A_2365 = arith.addf %add3A_2272, %mul3A_2364 : vector<16xf32>
        %mul3A_2366 = arith.mulf %gather3A_2301, %unpack3A_2363 : vector<16xf32>
        %add3A_2367 = arith.addf %add3A_2274, %mul3A_2366 : vector<16xf32>
        %add3A_2368 = arith.addi %mul3A_1367, %add3A_2298 : i32
        %get3A_2369 = arith.index_cast %add3A_2368 : i32 to index
        %get3A_2370 = arith.constant 96 : index
        %get3A_2371 = tpu.vector_load %arg8[%get3A_2369, %get3A_2370] {strides = array<i32>} : memref<768x128xi32, #tpu.memory_space<vmem>>, vector<16xi32>,
        %bitcast3A_2372 = vector.bitcast %get3A_2371 : vector<16xi32> to vector<32xbf16>
        %unpack3A_2373 = tpu.unpack_subelements %bitcast3A_2372, 0 {pack_format = #tpu.pack_format<interleaved>} : vector<32xbf16> -> vector<16xf32>
        %unpack3A_2374 = tpu.unpack_subelements %bitcast3A_2372, 1 {pack_format = #tpu.pack_format<interleaved>} : vector<32xbf16> -> vector<16xf32>
        %mul3A_2375 = arith.mulf %gather3A_2301, %unpack3A_2373 : vector<16xf32>
        %add3A_2376 = arith.addf %add3A_2283, %mul3A_2375 : vector<16xf32>
        %mul3A_2377 = arith.mulf %gather3A_2301, %unpack3A_2374 : vector<16xf32>
        %add3A_2378 = arith.addf %add3A_2285, %mul3A_2377 : vector<16xf32>
        %add3A_2379 = arith.addi %mul3A_1367, %add3A_2298 : i32
        %get3A_2380 = arith.index_cast %add3A_2379 : i32 to index
        %get3A_2381 = arith.constant 112 : index
        %get3A_2382 = tpu.vector_load %arg8[%get3A_2380, %get3A_2381] {strides = array<i32>} : memref<768x128xi32, #tpu.memory_space<vmem>>, vector<16xi32>,
        %bitcast3A_2383 = vector.bitcast %get3A_2382 : vector<16xi32> to vector<32xbf16>
        %unpack3A_2384 = tpu.unpack_subelements %bitcast3A_2383, 0 {pack_format = #tpu.pack_format<interleaved>} : vector<32xbf16> -> vector<16xf32>
        %unpack3A_2385 = tpu.unpack_subelements %bitcast3A_2383, 1 {pack_format = #tpu.pack_format<interleaved>} : vector<32xbf16> -> vector<16xf32>
        %mul3A_2386 = arith.mulf %gather3A_2301, %unpack3A_2384 : vector<16xf32>
        %add3A_2387 = arith.addf %add3A_2294, %mul3A_2386 : vector<16xf32>
        %mul3A_2388 = arith.mulf %gather3A_2301, %unpack3A_2385 : vector<16xf32>
        %add3A_2389 = arith.addf %add3A_2296, %mul3A_2388 : vector<16xf32>
        %add3A_2390 = arith.constant 160 : i32
        %add3A_2391 = arith.addi %add3A_2390, %scan3A_1429 : i32
        %add3A_2392 = arith.addi %mul3A_1363, %add3A_2391 : i32
        %broadcast_in_dim3A_2393 = vector.broadcast %add3A_2392 : i32 to vector<16xi32>
        %gather3A_2394 = tpu.vector_load_idx %arg7[%broadcast_in_dim3A_2393] : memref<1024xf32, #tpu.memory_space<vmem>>[vector<16xi32>], vector<16xf32>,
        %add3A_2395 = arith.addi %mul3A_1367, %add3A_2391 : i32
        %get3A_2396 = arith.index_cast %add3A_2395 : i32 to index
        %get3A_2397 = arith.constant 0 : index
        %get3A_2398 = tpu.vector_load %arg8[%get3A_2396, %get3A_2397] {strides = array<i32>} : memref<768x128xi32, #tpu.memory_space<vmem>>, vector<16xi32>,
        %bitcast3A_2399 = vector.bitcast %get3A_2398 : vector<16xi32> to vector<32xbf16>
        %unpack3A_2400 = tpu.unpack_subelements %bitcast3A_2399, 0 {pack_format = #tpu.pack_format<interleaved>} : vector<32xbf16> -> vector<16xf32>
        %unpack3A_2401 = tpu.unpack_subelements %bitcast3A_2399, 1 {pack_format = #tpu.pack_format<interleaved>} : vector<32xbf16> -> vector<16xf32>
        %mul3A_2402 = arith.mulf %gather3A_2394, %unpack3A_2400 : vector<16xf32>
        %add3A_2403 = arith.addf %add3A_2310, %mul3A_2402 : vector<16xf32>
        %mul3A_2404 = arith.mulf %gather3A_2394, %unpack3A_2401 : vector<16xf32>
        %add3A_2405 = arith.addf %add3A_2312, %mul3A_2404 : vector<16xf32>
        %add3A_2406 = arith.addi %mul3A_1367, %add3A_2391 : i32
        %get3A_2407 = arith.index_cast %add3A_2406 : i32 to index
        %get3A_2408 = arith.constant 16 : index
        %get3A_2409 = tpu.vector_load %arg8[%get3A_2407, %get3A_2408] {strides = array<i32>} : memref<768x128xi32, #tpu.memory_space<vmem>>, vector<16xi32>,
        %bitcast3A_2410 = vector.bitcast %get3A_2409 : vector<16xi32> to vector<32xbf16>
        %unpack3A_2411 = tpu.unpack_subelements %bitcast3A_2410, 0 {pack_format = #tpu.pack_format<interleaved>} : vector<32xbf16> -> vector<16xf32>
        %unpack3A_2412 = tpu.unpack_subelements %bitcast3A_2410, 1 {pack_format = #tpu.pack_format<interleaved>} : vector<32xbf16> -> vector<16xf32>
        %mul3A_2413 = arith.mulf %gather3A_2394, %unpack3A_2411 : vector<16xf32>
        %add3A_2414 = arith.addf %add3A_2321, %mul3A_2413 : vector<16xf32>
        %mul3A_2415 = arith.mulf %gather3A_2394, %unpack3A_2412 : vector<16xf32>
        %add3A_2416 = arith.addf %add3A_2323, %mul3A_2415 : vector<16xf32>
        %add3A_2417 = arith.addi %mul3A_1367, %add3A_2391 : i32
        %get3A_2418 = arith.index_cast %add3A_2417 : i32 to index
        %get3A_2419 = arith.constant 32 : index
        %get3A_2420 = tpu.vector_load %arg8[%get3A_2418, %get3A_2419] {strides = array<i32>} : memref<768x128xi32, #tpu.memory_space<vmem>>, vector<16xi32>,
        %bitcast3A_2421 = vector.bitcast %get3A_2420 : vector<16xi32> to vector<32xbf16>
        %unpack3A_2422 = tpu.unpack_subelements %bitcast3A_2421, 0 {pack_format = #tpu.pack_format<interleaved>} : vector<32xbf16> -> vector<16xf32>
        %unpack3A_2423 = tpu.unpack_subelements %bitcast3A_2421, 1 {pack_format = #tpu.pack_format<interleaved>} : vector<32xbf16> -> vector<16xf32>
        %mul3A_2424 = arith.mulf %gather3A_2394, %unpack3A_2422 : vector<16xf32>
        %add3A_2425 = arith.addf %add3A_2332, %mul3A_2424 : vector<16xf32>
        %mul3A_2426 = arith.mulf %gather3A_2394, %unpack3A_2423 : vector<16xf32>
        %add3A_2427 = arith.addf %add3A_2334, %mul3A_2426 : vector<16xf32>
        %add3A_2428 = arith.addi %mul3A_1367, %add3A_2391 : i32
        %get3A_2429 = arith.index_cast %add3A_2428 : i32 to index
        %get3A_2430 = arith.constant 48 : index
        %get3A_2431 = tpu.vector_load %arg8[%get3A_2429, %get3A_2430] {strides = array<i32>} : memref<768x128xi32, #tpu.memory_space<vmem>>, vector<16xi32>,
        %bitcast3A_2432 = vector.bitcast %get3A_2431 : vector<16xi32> to vector<32xbf16>
        %unpack3A_2433 = tpu.unpack_subelements %bitcast3A_2432, 0 {pack_format = #tpu.pack_format<interleaved>} : vector<32xbf16> -> vector<16xf32>
        %unpack3A_2434 = tpu.unpack_subelements %bitcast3A_2432, 1 {pack_format = #tpu.pack_format<interleaved>} : vector<32xbf16> -> vector<16xf32>
        %mul3A_2435 = arith.mulf %gather3A_2394, %unpack3A_2433 : vector<16xf32>
        %add3A_2436 = arith.addf %add3A_2343, %mul3A_2435 : vector<16xf32>
        %mul3A_2437 = arith.mulf %gather3A_2394, %unpack3A_2434 : vector<16xf32>
        %add3A_2438 = arith.addf %add3A_2345, %mul3A_2437 : vector<16xf32>
        %add3A_2439 = arith.addi %mul3A_1367, %add3A_2391 : i32
        %get3A_2440 = arith.index_cast %add3A_2439 : i32 to index
        %get3A_2441 = arith.constant 64 : index
        %get3A_2442 = tpu.vector_load %arg8[%get3A_2440, %get3A_2441] {strides = array<i32>} : memref<768x128xi32, #tpu.memory_space<vmem>>, vector<16xi32>,
        %bitcast3A_2443 = vector.bitcast %get3A_2442 : vector<16xi32> to vector<32xbf16>
        %unpack3A_2444 = tpu.unpack_subelements %bitcast3A_2443, 0 {pack_format = #tpu.pack_format<interleaved>} : vector<32xbf16> -> vector<16xf32>
        %unpack3A_2445 = tpu.unpack_subelements %bitcast3A_2443, 1 {pack_format = #tpu.pack_format<interleaved>} : vector<32xbf16> -> vector<16xf32>
        %mul3A_2446 = arith.mulf %gather3A_2394, %unpack3A_2444 : vector<16xf32>
        %add3A_2447 = arith.addf %add3A_2354, %mul3A_2446 : vector<16xf32>
        %mul3A_2448 = arith.mulf %gather3A_2394, %unpack3A_2445 : vector<16xf32>
        %add3A_2449 = arith.addf %add3A_2356, %mul3A_2448 : vector<16xf32>
        %add3A_2450 = arith.addi %mul3A_1367, %add3A_2391 : i32
        %get3A_2451 = arith.index_cast %add3A_2450 : i32 to index
        %get3A_2452 = arith.constant 80 : index
        %get3A_2453 = tpu.vector_load %arg8[%get3A_2451, %get3A_2452] {strides = array<i32>} : memref<768x128xi32, #tpu.memory_space<vmem>>, vector<16xi32>,
        %bitcast3A_2454 = vector.bitcast %get3A_2453 : vector<16xi32> to vector<32xbf16>
        %unpack3A_2455 = tpu.unpack_subelements %bitcast3A_2454, 0 {pack_format = #tpu.pack_format<interleaved>} : vector<32xbf16> -> vector<16xf32>
        %unpack3A_2456 = tpu.unpack_subelements %bitcast3A_2454, 1 {pack_format = #tpu.pack_format<interleaved>} : vector<32xbf16> -> vector<16xf32>
        %mul3A_2457 = arith.mulf %gather3A_2394, %unpack3A_2455 : vector<16xf32>
        %add3A_2458 = arith.addf %add3A_2365, %mul3A_2457 : vector<16xf32>
        %mul3A_2459 = arith.mulf %gather3A_2394, %unpack3A_2456 : vector<16xf32>
        %add3A_2460 = arith.addf %add3A_2367, %mul3A_2459 : vector<16xf32>
        %add3A_2461 = arith.addi %mul3A_1367, %add3A_2391 : i32
        %get3A_2462 = arith.index_cast %add3A_2461 : i32 to index
        %get3A_2463 = arith.constant 96 : index
        %get3A_2464 = tpu.vector_load %arg8[%get3A_2462, %get3A_2463] {strides = array<i32>} : memref<768x128xi32, #tpu.memory_space<vmem>>, vector<16xi32>,
        %bitcast3A_2465 = vector.bitcast %get3A_2464 : vector<16xi32> to vector<32xbf16>
        %unpack3A_2466 = tpu.unpack_subelements %bitcast3A_2465, 0 {pack_format = #tpu.pack_format<interleaved>} : vector<32xbf16> -> vector<16xf32>
        %unpack3A_2467 = tpu.unpack_subelements %bitcast3A_2465, 1 {pack_format = #tpu.pack_format<interleaved>} : vector<32xbf16> -> vector<16xf32>
        %mul3A_2468 = arith.mulf %gather3A_2394, %unpack3A_2466 : vector<16xf32>
        %add3A_2469 = arith.addf %add3A_2376, %mul3A_2468 : vector<16xf32>
        %mul3A_2470 = arith.mulf %gather3A_2394, %unpack3A_2467 : vector<16xf32>
        %add3A_2471 = arith.addf %add3A_2378, %mul3A_2470 : vector<16xf32>
        %add3A_2472 = arith.addi %mul3A_1367, %add3A_2391 : i32
        %get3A_2473 = arith.index_cast %add3A_2472 : i32 to index
        %get3A_2474 = arith.constant 112 : index
        %get3A_2475 = tpu.vector_load %arg8[%get3A_2473, %get3A_2474] {strides = array<i32>} : memref<768x128xi32, #tpu.memory_space<vmem>>, vector<16xi32>,
        %bitcast3A_2476 = vector.bitcast %get3A_2475 : vector<16xi32> to vector<32xbf16>
        %unpack3A_2477 = tpu.unpack_subelements %bitcast3A_2476, 0 {pack_format = #tpu.pack_format<interleaved>} : vector<32xbf16> -> vector<16xf32>
        %unpack3A_2478 = tpu.unpack_subelements %bitcast3A_2476, 1 {pack_format = #tpu.pack_format<interleaved>} : vector<32xbf16> -> vector<16xf32>
        %mul3A_2479 = arith.mulf %gather3A_2394, %unpack3A_2477 : vector<16xf32>
        %add3A_2480 = arith.addf %add3A_2387, %mul3A_2479 : vector<16xf32>
        %mul3A_2481 = arith.mulf %gather3A_2394, %unpack3A_2478 : vector<16xf32>
        %add3A_2482 = arith.addf %add3A_2389, %mul3A_2481 : vector<16xf32>
        %add3A_2483 = arith.constant 176 : i32
        %add3A_2484 = arith.addi %add3A_2483, %scan3A_1429 : i32
        %add3A_2485 = arith.addi %mul3A_1363, %add3A_2484 : i32
        %broadcast_in_dim3A_2486 = vector.broadcast %add3A_2485 : i32 to vector<16xi32>
        %gather3A_2487 = tpu.vector_load_idx %arg7[%broadcast_in_dim3A_2486] : memref<1024xf32, #tpu.memory_space<vmem>>[vector<16xi32>], vector<16xf32>,
        %add3A_2488 = arith.addi %mul3A_1367, %add3A_2484 : i32
        %get3A_2489 = arith.index_cast %add3A_2488 : i32 to index
        %get3A_2490 = arith.constant 0 : index
        %get3A_2491 = tpu.vector_load %arg8[%get3A_2489, %get3A_2490] {strides = array<i32>} : memref<768x128xi32, #tpu.memory_space<vmem>>, vector<16xi32>,
        %bitcast3A_2492 = vector.bitcast %get3A_2491 : vector<16xi32> to vector<32xbf16>
        %unpack3A_2493 = tpu.unpack_subelements %bitcast3A_2492, 0 {pack_format = #tpu.pack_format<interleaved>} : vector<32xbf16> -> vector<16xf32>
        %unpack3A_2494 = tpu.unpack_subelements %bitcast3A_2492, 1 {pack_format = #tpu.pack_format<interleaved>} : vector<32xbf16> -> vector<16xf32>
        %mul3A_2495 = arith.mulf %gather3A_2487, %unpack3A_2493 : vector<16xf32>
        %add3A_2496 = arith.addf %add3A_2403, %mul3A_2495 : vector<16xf32>
        %mul3A_2497 = arith.mulf %gather3A_2487, %unpack3A_2494 : vector<16xf32>
        %add3A_2498 = arith.addf %add3A_2405, %mul3A_2497 : vector<16xf32>
        %add3A_2499 = arith.addi %mul3A_1367, %add3A_2484 : i32
        %get3A_2500 = arith.index_cast %add3A_2499 : i32 to index
        %get3A_2501 = arith.constant 16 : index
        %get3A_2502 = tpu.vector_load %arg8[%get3A_2500, %get3A_2501] {strides = array<i32>} : memref<768x128xi32, #tpu.memory_space<vmem>>, vector<16xi32>,
        %bitcast3A_2503 = vector.bitcast %get3A_2502 : vector<16xi32> to vector<32xbf16>
        %unpack3A_2504 = tpu.unpack_subelements %bitcast3A_2503, 0 {pack_format = #tpu.pack_format<interleaved>} : vector<32xbf16> -> vector<16xf32>
        %unpack3A_2505 = tpu.unpack_subelements %bitcast3A_2503, 1 {pack_format = #tpu.pack_format<interleaved>} : vector<32xbf16> -> vector<16xf32>
        %mul3A_2506 = arith.mulf %gather3A_2487, %unpack3A_2504 : vector<16xf32>
        %add3A_2507 = arith.addf %add3A_2414, %mul3A_2506 : vector<16xf32>
        %mul3A_2508 = arith.mulf %gather3A_2487, %unpack3A_2505 : vector<16xf32>
        %add3A_2509 = arith.addf %add3A_2416, %mul3A_2508 : vector<16xf32>
        %add3A_2510 = arith.addi %mul3A_1367, %add3A_2484 : i32
        %get3A_2511 = arith.index_cast %add3A_2510 : i32 to index
        %get3A_2512 = arith.constant 32 : index
        %get3A_2513 = tpu.vector_load %arg8[%get3A_2511, %get3A_2512] {strides = array<i32>} : memref<768x128xi32, #tpu.memory_space<vmem>>, vector<16xi32>,
        %bitcast3A_2514 = vector.bitcast %get3A_2513 : vector<16xi32> to vector<32xbf16>
        %unpack3A_2515 = tpu.unpack_subelements %bitcast3A_2514, 0 {pack_format = #tpu.pack_format<interleaved>} : vector<32xbf16> -> vector<16xf32>
        %unpack3A_2516 = tpu.unpack_subelements %bitcast3A_2514, 1 {pack_format = #tpu.pack_format<interleaved>} : vector<32xbf16> -> vector<16xf32>
        %mul3A_2517 = arith.mulf %gather3A_2487, %unpack3A_2515 : vector<16xf32>
        %add3A_2518 = arith.addf %add3A_2425, %mul3A_2517 : vector<16xf32>
        %mul3A_2519 = arith.mulf %gather3A_2487, %unpack3A_2516 : vector<16xf32>
        %add3A_2520 = arith.addf %add3A_2427, %mul3A_2519 : vector<16xf32>
        %add3A_2521 = arith.addi %mul3A_1367, %add3A_2484 : i32
        %get3A_2522 = arith.index_cast %add3A_2521 : i32 to index
        %get3A_2523 = arith.constant 48 : index
        %get3A_2524 = tpu.vector_load %arg8[%get3A_2522, %get3A_2523] {strides = array<i32>} : memref<768x128xi32, #tpu.memory_space<vmem>>, vector<16xi32>,
        %bitcast3A_2525 = vector.bitcast %get3A_2524 : vector<16xi32> to vector<32xbf16>
        %unpack3A_2526 = tpu.unpack_subelements %bitcast3A_2525, 0 {pack_format = #tpu.pack_format<interleaved>} : vector<32xbf16> -> vector<16xf32>
        %unpack3A_2527 = tpu.unpack_subelements %bitcast3A_2525, 1 {pack_format = #tpu.pack_format<interleaved>} : vector<32xbf16> -> vector<16xf32>
        %mul3A_2528 = arith.mulf %gather3A_2487, %unpack3A_2526 : vector<16xf32>
        %add3A_2529 = arith.addf %add3A_2436, %mul3A_2528 : vector<16xf32>
        %mul3A_2530 = arith.mulf %gather3A_2487, %unpack3A_2527 : vector<16xf32>
        %add3A_2531 = arith.addf %add3A_2438, %mul3A_2530 : vector<16xf32>
        %add3A_2532 = arith.addi %mul3A_1367, %add3A_2484 : i32
        %get3A_2533 = arith.index_cast %add3A_2532 : i32 to index
        %get3A_2534 = arith.constant 64 : index
        %get3A_2535 = tpu.vector_load %arg8[%get3A_2533, %get3A_2534] {strides = array<i32>} : memref<768x128xi32, #tpu.memory_space<vmem>>, vector<16xi32>,
        %bitcast3A_2536 = vector.bitcast %get3A_2535 : vector<16xi32> to vector<32xbf16>
        %unpack3A_2537 = tpu.unpack_subelements %bitcast3A_2536, 0 {pack_format = #tpu.pack_format<interleaved>} : vector<32xbf16> -> vector<16xf32>
        %unpack3A_2538 = tpu.unpack_subelements %bitcast3A_2536, 1 {pack_format = #tpu.pack_format<interleaved>} : vector<32xbf16> -> vector<16xf32>
        %mul3A_2539 = arith.mulf %gather3A_2487, %unpack3A_2537 : vector<16xf32>
        %add3A_2540 = arith.addf %add3A_2447, %mul3A_2539 : vector<16xf32>
        %mul3A_2541 = arith.mulf %gather3A_2487, %unpack3A_2538 : vector<16xf32>
        %add3A_2542 = arith.addf %add3A_2449, %mul3A_2541 : vector<16xf32>
        %add3A_2543 = arith.addi %mul3A_1367, %add3A_2484 : i32
        %get3A_2544 = arith.index_cast %add3A_2543 : i32 to index
        %get3A_2545 = arith.constant 80 : index
        %get3A_2546 = tpu.vector_load %arg8[%get3A_2544, %get3A_2545] {strides = array<i32>} : memref<768x128xi32, #tpu.memory_space<vmem>>, vector<16xi32>,
        %bitcast3A_2547 = vector.bitcast %get3A_2546 : vector<16xi32> to vector<32xbf16>
        %unpack3A_2548 = tpu.unpack_subelements %bitcast3A_2547, 0 {pack_format = #tpu.pack_format<interleaved>} : vector<32xbf16> -> vector<16xf32>
        %unpack3A_2549 = tpu.unpack_subelements %bitcast3A_2547, 1 {pack_format = #tpu.pack_format<interleaved>} : vector<32xbf16> -> vector<16xf32>
        %mul3A_2550 = arith.mulf %gather3A_2487, %unpack3A_2548 : vector<16xf32>
        %add3A_2551 = arith.addf %add3A_2458, %mul3A_2550 : vector<16xf32>
        %mul3A_2552 = arith.mulf %gather3A_2487, %unpack3A_2549 : vector<16xf32>
        %add3A_2553 = arith.addf %add3A_2460, %mul3A_2552 : vector<16xf32>
        %add3A_2554 = arith.addi %mul3A_1367, %add3A_2484 : i32
        %get3A_2555 = arith.index_cast %add3A_2554 : i32 to index
        %get3A_2556 = arith.constant 96 : index
        %get3A_2557 = tpu.vector_load %arg8[%get3A_2555, %get3A_2556] {strides = array<i32>} : memref<768x128xi32, #tpu.memory_space<vmem>>, vector<16xi32>,
        %bitcast3A_2558 = vector.bitcast %get3A_2557 : vector<16xi32> to vector<32xbf16>
        %unpack3A_2559 = tpu.unpack_subelements %bitcast3A_2558, 0 {pack_format = #tpu.pack_format<interleaved>} : vector<32xbf16> -> vector<16xf32>
        %unpack3A_2560 = tpu.unpack_subelements %bitcast3A_2558, 1 {pack_format = #tpu.pack_format<interleaved>} : vector<32xbf16> -> vector<16xf32>
        %mul3A_2561 = arith.mulf %gather3A_2487, %unpack3A_2559 : vector<16xf32>
        %add3A_2562 = arith.addf %add3A_2469, %mul3A_2561 : vector<16xf32>
        %mul3A_2563 = arith.mulf %gather3A_2487, %unpack3A_2560 : vector<16xf32>
        %add3A_2564 = arith.addf %add3A_2471, %mul3A_2563 : vector<16xf32>
        %add3A_2565 = arith.addi %mul3A_1367, %add3A_2484 : i32
        %get3A_2566 = arith.index_cast %add3A_2565 : i32 to index
        %get3A_2567 = arith.constant 112 : index
        %get3A_2568 = tpu.vector_load %arg8[%get3A_2566, %get3A_2567] {strides = array<i32>} : memref<768x128xi32, #tpu.memory_space<vmem>>, vector<16xi32>,
        %bitcast3A_2569 = vector.bitcast %get3A_2568 : vector<16xi32> to vector<32xbf16>
        %unpack3A_2570 = tpu.unpack_subelements %bitcast3A_2569, 0 {pack_format = #tpu.pack_format<interleaved>} : vector<32xbf16> -> vector<16xf32>
        %unpack3A_2571 = tpu.unpack_subelements %bitcast3A_2569, 1 {pack_format = #tpu.pack_format<interleaved>} : vector<32xbf16> -> vector<16xf32>
        %mul3A_2572 = arith.mulf %gather3A_2487, %unpack3A_2570 : vector<16xf32>
        %add3A_2573 = arith.addf %add3A_2480, %mul3A_2572 : vector<16xf32>
        %mul3A_2574 = arith.mulf %gather3A_2487, %unpack3A_2571 : vector<16xf32>
        %add3A_2575 = arith.addf %add3A_2482, %mul3A_2574 : vector<16xf32>
        %add3A_2576 = arith.constant 192 : i32
        %add3A_2577 = arith.addi %add3A_2576, %scan3A_1429 : i32
        %add3A_2578 = arith.addi %mul3A_1363, %add3A_2577 : i32
        %broadcast_in_dim3A_2579 = vector.broadcast %add3A_2578 : i32 to vector<16xi32>
        %gather3A_2580 = tpu.vector_load_idx %arg7[%broadcast_in_dim3A_2579] : memref<1024xf32, #tpu.memory_space<vmem>>[vector<16xi32>], vector<16xf32>,
        %add3A_2581 = arith.addi %mul3A_1367, %add3A_2577 : i32
        %get3A_2582 = arith.index_cast %add3A_2581 : i32 to index
        %get3A_2583 = arith.constant 0 : index
        %get3A_2584 = tpu.vector_load %arg8[%get3A_2582, %get3A_2583] {strides = array<i32>} : memref<768x128xi32, #tpu.memory_space<vmem>>, vector<16xi32>,
        %bitcast3A_2585 = vector.bitcast %get3A_2584 : vector<16xi32> to vector<32xbf16>
        %unpack3A_2586 = tpu.unpack_subelements %bitcast3A_2585, 0 {pack_format = #tpu.pack_format<interleaved>} : vector<32xbf16> -> vector<16xf32>
        %unpack3A_2587 = tpu.unpack_subelements %bitcast3A_2585, 1 {pack_format = #tpu.pack_format<interleaved>} : vector<32xbf16> -> vector<16xf32>
        %mul3A_2588 = arith.mulf %gather3A_2580, %unpack3A_2586 : vector<16xf32>
        %add3A_2589 = arith.addf %add3A_2496, %mul3A_2588 : vector<16xf32>
        %mul3A_2590 = arith.mulf %gather3A_2580, %unpack3A_2587 : vector<16xf32>
        %add3A_2591 = arith.addf %add3A_2498, %mul3A_2590 : vector<16xf32>
        %add3A_2592 = arith.addi %mul3A_1367, %add3A_2577 : i32
        %get3A_2593 = arith.index_cast %add3A_2592 : i32 to index
        %get3A_2594 = arith.constant 16 : index
        %get3A_2595 = tpu.vector_load %arg8[%get3A_2593, %get3A_2594] {strides = array<i32>} : memref<768x128xi32, #tpu.memory_space<vmem>>, vector<16xi32>,
        %bitcast3A_2596 = vector.bitcast %get3A_2595 : vector<16xi32> to vector<32xbf16>
        %unpack3A_2597 = tpu.unpack_subelements %bitcast3A_2596, 0 {pack_format = #tpu.pack_format<interleaved>} : vector<32xbf16> -> vector<16xf32>
        %unpack3A_2598 = tpu.unpack_subelements %bitcast3A_2596, 1 {pack_format = #tpu.pack_format<interleaved>} : vector<32xbf16> -> vector<16xf32>
        %mul3A_2599 = arith.mulf %gather3A_2580, %unpack3A_2597 : vector<16xf32>
        %add3A_2600 = arith.addf %add3A_2507, %mul3A_2599 : vector<16xf32>
        %mul3A_2601 = arith.mulf %gather3A_2580, %unpack3A_2598 : vector<16xf32>
        %add3A_2602 = arith.addf %add3A_2509, %mul3A_2601 : vector<16xf32>
        %add3A_2603 = arith.addi %mul3A_1367, %add3A_2577 : i32
        %get3A_2604 = arith.index_cast %add3A_2603 : i32 to index
        %get3A_2605 = arith.constant 32 : index
        %get3A_2606 = tpu.vector_load %arg8[%get3A_2604, %get3A_2605] {strides = array<i32>} : memref<768x128xi32, #tpu.memory_space<vmem>>, vector<16xi32>,
        %bitcast3A_2607 = vector.bitcast %get3A_2606 : vector<16xi32> to vector<32xbf16>
        %unpack3A_2608 = tpu.unpack_subelements %bitcast3A_2607, 0 {pack_format = #tpu.pack_format<interleaved>} : vector<32xbf16> -> vector<16xf32>
        %unpack3A_2609 = tpu.unpack_subelements %bitcast3A_2607, 1 {pack_format = #tpu.pack_format<interleaved>} : vector<32xbf16> -> vector<16xf32>
        %mul3A_2610 = arith.mulf %gather3A_2580, %unpack3A_2608 : vector<16xf32>
        %add3A_2611 = arith.addf %add3A_2518, %mul3A_2610 : vector<16xf32>
        %mul3A_2612 = arith.mulf %gather3A_2580, %unpack3A_2609 : vector<16xf32>
        %add3A_2613 = arith.addf %add3A_2520, %mul3A_2612 : vector<16xf32>
        %add3A_2614 = arith.addi %mul3A_1367, %add3A_2577 : i32
        %get3A_2615 = arith.index_cast %add3A_2614 : i32 to index
        %get3A_2616 = arith.constant 48 : index
        %get3A_2617 = tpu.vector_load %arg8[%get3A_2615, %get3A_2616] {strides = array<i32>} : memref<768x128xi32, #tpu.memory_space<vmem>>, vector<16xi32>,
        %bitcast3A_2618 = vector.bitcast %get3A_2617 : vector<16xi32> to vector<32xbf16>
        %unpack3A_2619 = tpu.unpack_subelements %bitcast3A_2618, 0 {pack_format = #tpu.pack_format<interleaved>} : vector<32xbf16> -> vector<16xf32>
        %unpack3A_2620 = tpu.unpack_subelements %bitcast3A_2618, 1 {pack_format = #tpu.pack_format<interleaved>} : vector<32xbf16> -> vector<16xf32>
        %mul3A_2621 = arith.mulf %gather3A_2580, %unpack3A_2619 : vector<16xf32>
        %add3A_2622 = arith.addf %add3A_2529, %mul3A_2621 : vector<16xf32>
        %mul3A_2623 = arith.mulf %gather3A_2580, %unpack3A_2620 : vector<16xf32>
        %add3A_2624 = arith.addf %add3A_2531, %mul3A_2623 : vector<16xf32>
        %add3A_2625 = arith.addi %mul3A_1367, %add3A_2577 : i32
        %get3A_2626 = arith.index_cast %add3A_2625 : i32 to index
        %get3A_2627 = arith.constant 64 : index
        %get3A_2628 = tpu.vector_load %arg8[%get3A_2626, %get3A_2627] {strides = array<i32>} : memref<768x128xi32, #tpu.memory_space<vmem>>, vector<16xi32>,
        %bitcast3A_2629 = vector.bitcast %get3A_2628 : vector<16xi32> to vector<32xbf16>
        %unpack3A_2630 = tpu.unpack_subelements %bitcast3A_2629, 0 {pack_format = #tpu.pack_format<interleaved>} : vector<32xbf16> -> vector<16xf32>
        %unpack3A_2631 = tpu.unpack_subelements %bitcast3A_2629, 1 {pack_format = #tpu.pack_format<interleaved>} : vector<32xbf16> -> vector<16xf32>
        %mul3A_2632 = arith.mulf %gather3A_2580, %unpack3A_2630 : vector<16xf32>
        %add3A_2633 = arith.addf %add3A_2540, %mul3A_2632 : vector<16xf32>
        %mul3A_2634 = arith.mulf %gather3A_2580, %unpack3A_2631 : vector<16xf32>
        %add3A_2635 = arith.addf %add3A_2542, %mul3A_2634 : vector<16xf32>
        %add3A_2636 = arith.addi %mul3A_1367, %add3A_2577 : i32
        %get3A_2637 = arith.index_cast %add3A_2636 : i32 to index
        %get3A_2638 = arith.constant 80 : index
        %get3A_2639 = tpu.vector_load %arg8[%get3A_2637, %get3A_2638] {strides = array<i32>} : memref<768x128xi32, #tpu.memory_space<vmem>>, vector<16xi32>,
        %bitcast3A_2640 = vector.bitcast %get3A_2639 : vector<16xi32> to vector<32xbf16>
        %unpack3A_2641 = tpu.unpack_subelements %bitcast3A_2640, 0 {pack_format = #tpu.pack_format<interleaved>} : vector<32xbf16> -> vector<16xf32>
        %unpack3A_2642 = tpu.unpack_subelements %bitcast3A_2640, 1 {pack_format = #tpu.pack_format<interleaved>} : vector<32xbf16> -> vector<16xf32>
        %mul3A_2643 = arith.mulf %gather3A_2580, %unpack3A_2641 : vector<16xf32>
        %add3A_2644 = arith.addf %add3A_2551, %mul3A_2643 : vector<16xf32>
        %mul3A_2645 = arith.mulf %gather3A_2580, %unpack3A_2642 : vector<16xf32>
        %add3A_2646 = arith.addf %add3A_2553, %mul3A_2645 : vector<16xf32>
        %add3A_2647 = arith.addi %mul3A_1367, %add3A_2577 : i32
        %get3A_2648 = arith.index_cast %add3A_2647 : i32 to index
        %get3A_2649 = arith.constant 96 : index
        %get3A_2650 = tpu.vector_load %arg8[%get3A_2648, %get3A_2649] {strides = array<i32>} : memref<768x128xi32, #tpu.memory_space<vmem>>, vector<16xi32>,
        %bitcast3A_2651 = vector.bitcast %get3A_2650 : vector<16xi32> to vector<32xbf16>
        %unpack3A_2652 = tpu.unpack_subelements %bitcast3A_2651, 0 {pack_format = #tpu.pack_format<interleaved>} : vector<32xbf16> -> vector<16xf32>
        %unpack3A_2653 = tpu.unpack_subelements %bitcast3A_2651, 1 {pack_format = #tpu.pack_format<interleaved>} : vector<32xbf16> -> vector<16xf32>
        %mul3A_2654 = arith.mulf %gather3A_2580, %unpack3A_2652 : vector<16xf32>
        %add3A_2655 = arith.addf %add3A_2562, %mul3A_2654 : vector<16xf32>
        %mul3A_2656 = arith.mulf %gather3A_2580, %unpack3A_2653 : vector<16xf32>
        %add3A_2657 = arith.addf %add3A_2564, %mul3A_2656 : vector<16xf32>
        %add3A_2658 = arith.addi %mul3A_1367, %add3A_2577 : i32
        %get3A_2659 = arith.index_cast %add3A_2658 : i32 to index
        %get3A_2660 = arith.constant 112 : index
        %get3A_2661 = tpu.vector_load %arg8[%get3A_2659, %get3A_2660] {strides = array<i32>} : memref<768x128xi32, #tpu.memory_space<vmem>>, vector<16xi32>,
        %bitcast3A_2662 = vector.bitcast %get3A_2661 : vector<16xi32> to vector<32xbf16>
        %unpack3A_2663 = tpu.unpack_subelements %bitcast3A_2662, 0 {pack_format = #tpu.pack_format<interleaved>} : vector<32xbf16> -> vector<16xf32>
        %unpack3A_2664 = tpu.unpack_subelements %bitcast3A_2662, 1 {pack_format = #tpu.pack_format<interleaved>} : vector<32xbf16> -> vector<16xf32>
        %mul3A_2665 = arith.mulf %gather3A_2580, %unpack3A_2663 : vector<16xf32>
        %add3A_2666 = arith.addf %add3A_2573, %mul3A_2665 : vector<16xf32>
        %mul3A_2667 = arith.mulf %gather3A_2580, %unpack3A_2664 : vector<16xf32>
        %add3A_2668 = arith.addf %add3A_2575, %mul3A_2667 : vector<16xf32>
        %add3A_2669 = arith.constant 208 : i32
        %add3A_2670 = arith.addi %add3A_2669, %scan3A_1429 : i32
        %add3A_2671 = arith.addi %mul3A_1363, %add3A_2670 : i32
        %broadcast_in_dim3A_2672 = vector.broadcast %add3A_2671 : i32 to vector<16xi32>
        %gather3A_2673 = tpu.vector_load_idx %arg7[%broadcast_in_dim3A_2672] : memref<1024xf32, #tpu.memory_space<vmem>>[vector<16xi32>], vector<16xf32>,
        %add3A_2674 = arith.addi %mul3A_1367, %add3A_2670 : i32
        %get3A_2675 = arith.index_cast %add3A_2674 : i32 to index
        %get3A_2676 = arith.constant 0 : index
        %get3A_2677 = tpu.vector_load %arg8[%get3A_2675, %get3A_2676] {strides = array<i32>} : memref<768x128xi32, #tpu.memory_space<vmem>>, vector<16xi32>,
        %bitcast3A_2678 = vector.bitcast %get3A_2677 : vector<16xi32> to vector<32xbf16>
        %unpack3A_2679 = tpu.unpack_subelements %bitcast3A_2678, 0 {pack_format = #tpu.pack_format<interleaved>} : vector<32xbf16> -> vector<16xf32>
        %unpack3A_2680 = tpu.unpack_subelements %bitcast3A_2678, 1 {pack_format = #tpu.pack_format<interleaved>} : vector<32xbf16> -> vector<16xf32>
        %mul3A_2681 = arith.mulf %gather3A_2673, %unpack3A_2679 : vector<16xf32>
        %add3A_2682 = arith.addf %add3A_2589, %mul3A_2681 : vector<16xf32>
        %mul3A_2683 = arith.mulf %gather3A_2673, %unpack3A_2680 : vector<16xf32>
        %add3A_2684 = arith.addf %add3A_2591, %mul3A_2683 : vector<16xf32>
        %add3A_2685 = arith.addi %mul3A_1367, %add3A_2670 : i32
        %get3A_2686 = arith.index_cast %add3A_2685 : i32 to index
        %get3A_2687 = arith.constant 16 : index
        %get3A_2688 = tpu.vector_load %arg8[%get3A_2686, %get3A_2687] {strides = array<i32>} : memref<768x128xi32, #tpu.memory_space<vmem>>, vector<16xi32>,
        %bitcast3A_2689 = vector.bitcast %get3A_2688 : vector<16xi32> to vector<32xbf16>
        %unpack3A_2690 = tpu.unpack_subelements %bitcast3A_2689, 0 {pack_format = #tpu.pack_format<interleaved>} : vector<32xbf16> -> vector<16xf32>
        %unpack3A_2691 = tpu.unpack_subelements %bitcast3A_2689, 1 {pack_format = #tpu.pack_format<interleaved>} : vector<32xbf16> -> vector<16xf32>
        %mul3A_2692 = arith.mulf %gather3A_2673, %unpack3A_2690 : vector<16xf32>
        %add3A_2693 = arith.addf %add3A_2600, %mul3A_2692 : vector<16xf32>
        %mul3A_2694 = arith.mulf %gather3A_2673, %unpack3A_2691 : vector<16xf32>
        %add3A_2695 = arith.addf %add3A_2602, %mul3A_2694 : vector<16xf32>
        %add3A_2696 = arith.addi %mul3A_1367, %add3A_2670 : i32
        %get3A_2697 = arith.index_cast %add3A_2696 : i32 to index
        %get3A_2698 = arith.constant 32 : index
        %get3A_2699 = tpu.vector_load %arg8[%get3A_2697, %get3A_2698] {strides = array<i32>} : memref<768x128xi32, #tpu.memory_space<vmem>>, vector<16xi32>,
        %bitcast3A_2700 = vector.bitcast %get3A_2699 : vector<16xi32> to vector<32xbf16>
        %unpack3A_2701 = tpu.unpack_subelements %bitcast3A_2700, 0 {pack_format = #tpu.pack_format<interleaved>} : vector<32xbf16> -> vector<16xf32>
        %unpack3A_2702 = tpu.unpack_subelements %bitcast3A_2700, 1 {pack_format = #tpu.pack_format<interleaved>} : vector<32xbf16> -> vector<16xf32>
        %mul3A_2703 = arith.mulf %gather3A_2673, %unpack3A_2701 : vector<16xf32>
        %add3A_2704 = arith.addf %add3A_2611, %mul3A_2703 : vector<16xf32>
        %mul3A_2705 = arith.mulf %gather3A_2673, %unpack3A_2702 : vector<16xf32>
        %add3A_2706 = arith.addf %add3A_2613, %mul3A_2705 : vector<16xf32>
        %add3A_2707 = arith.addi %mul3A_1367, %add3A_2670 : i32
        %get3A_2708 = arith.index_cast %add3A_2707 : i32 to index
        %get3A_2709 = arith.constant 48 : index
        %get3A_2710 = tpu.vector_load %arg8[%get3A_2708, %get3A_2709] {strides = array<i32>} : memref<768x128xi32, #tpu.memory_space<vmem>>, vector<16xi32>,
        %bitcast3A_2711 = vector.bitcast %get3A_2710 : vector<16xi32> to vector<32xbf16>
        %unpack3A_2712 = tpu.unpack_subelements %bitcast3A_2711, 0 {pack_format = #tpu.pack_format<interleaved>} : vector<32xbf16> -> vector<16xf32>
        %unpack3A_2713 = tpu.unpack_subelements %bitcast3A_2711, 1 {pack_format = #tpu.pack_format<interleaved>} : vector<32xbf16> -> vector<16xf32>
        %mul3A_2714 = arith.mulf %gather3A_2673, %unpack3A_2712 : vector<16xf32>
        %add3A_2715 = arith.addf %add3A_2622, %mul3A_2714 : vector<16xf32>
        %mul3A_2716 = arith.mulf %gather3A_2673, %unpack3A_2713 : vector<16xf32>
        %add3A_2717 = arith.addf %add3A_2624, %mul3A_2716 : vector<16xf32>
        %add3A_2718 = arith.addi %mul3A_1367, %add3A_2670 : i32
        %get3A_2719 = arith.index_cast %add3A_2718 : i32 to index
        %get3A_2720 = arith.constant 64 : index
        %get3A_2721 = tpu.vector_load %arg8[%get3A_2719, %get3A_2720] {strides = array<i32>} : memref<768x128xi32, #tpu.memory_space<vmem>>, vector<16xi32>,
        %bitcast3A_2722 = vector.bitcast %get3A_2721 : vector<16xi32> to vector<32xbf16>
        %unpack3A_2723 = tpu.unpack_subelements %bitcast3A_2722, 0 {pack_format = #tpu.pack_format<interleaved>} : vector<32xbf16> -> vector<16xf32>
        %unpack3A_2724 = tpu.unpack_subelements %bitcast3A_2722, 1 {pack_format = #tpu.pack_format<interleaved>} : vector<32xbf16> -> vector<16xf32>
        %mul3A_2725 = arith.mulf %gather3A_2673, %unpack3A_2723 : vector<16xf32>
        %add3A_2726 = arith.addf %add3A_2633, %mul3A_2725 : vector<16xf32>
        %mul3A_2727 = arith.mulf %gather3A_2673, %unpack3A_2724 : vector<16xf32>
        %add3A_2728 = arith.addf %add3A_2635, %mul3A_2727 : vector<16xf32>
        %add3A_2729 = arith.addi %mul3A_1367, %add3A_2670 : i32
        %get3A_2730 = arith.index_cast %add3A_2729 : i32 to index
        %get3A_2731 = arith.constant 80 : index
        %get3A_2732 = tpu.vector_load %arg8[%get3A_2730, %get3A_2731] {strides = array<i32>} : memref<768x128xi32, #tpu.memory_space<vmem>>, vector<16xi32>,
        %bitcast3A_2733 = vector.bitcast %get3A_2732 : vector<16xi32> to vector<32xbf16>
        %unpack3A_2734 = tpu.unpack_subelements %bitcast3A_2733, 0 {pack_format = #tpu.pack_format<interleaved>} : vector<32xbf16> -> vector<16xf32>
        %unpack3A_2735 = tpu.unpack_subelements %bitcast3A_2733, 1 {pack_format = #tpu.pack_format<interleaved>} : vector<32xbf16> -> vector<16xf32>
        %mul3A_2736 = arith.mulf %gather3A_2673, %unpack3A_2734 : vector<16xf32>
        %add3A_2737 = arith.addf %add3A_2644, %mul3A_2736 : vector<16xf32>
        %mul3A_2738 = arith.mulf %gather3A_2673, %unpack3A_2735 : vector<16xf32>
        %add3A_2739 = arith.addf %add3A_2646, %mul3A_2738 : vector<16xf32>
        %add3A_2740 = arith.addi %mul3A_1367, %add3A_2670 : i32
        %get3A_2741 = arith.index_cast %add3A_2740 : i32 to index
        %get3A_2742 = arith.constant 96 : index
        %get3A_2743 = tpu.vector_load %arg8[%get3A_2741, %get3A_2742] {strides = array<i32>} : memref<768x128xi32, #tpu.memory_space<vmem>>, vector<16xi32>,
        %bitcast3A_2744 = vector.bitcast %get3A_2743 : vector<16xi32> to vector<32xbf16>
        %unpack3A_2745 = tpu.unpack_subelements %bitcast3A_2744, 0 {pack_format = #tpu.pack_format<interleaved>} : vector<32xbf16> -> vector<16xf32>
        %unpack3A_2746 = tpu.unpack_subelements %bitcast3A_2744, 1 {pack_format = #tpu.pack_format<interleaved>} : vector<32xbf16> -> vector<16xf32>
        %mul3A_2747 = arith.mulf %gather3A_2673, %unpack3A_2745 : vector<16xf32>
        %add3A_2748 = arith.addf %add3A_2655, %mul3A_2747 : vector<16xf32>
        %mul3A_2749 = arith.mulf %gather3A_2673, %unpack3A_2746 : vector<16xf32>
        %add3A_2750 = arith.addf %add3A_2657, %mul3A_2749 : vector<16xf32>
        %add3A_2751 = arith.addi %mul3A_1367, %add3A_2670 : i32
        %get3A_2752 = arith.index_cast %add3A_2751 : i32 to index
        %get3A_2753 = arith.constant 112 : index
        %get3A_2754 = tpu.vector_load %arg8[%get3A_2752, %get3A_2753] {strides = array<i32>} : memref<768x128xi32, #tpu.memory_space<vmem>>, vector<16xi32>,
        %bitcast3A_2755 = vector.bitcast %get3A_2754 : vector<16xi32> to vector<32xbf16>
        %unpack3A_2756 = tpu.unpack_subelements %bitcast3A_2755, 0 {pack_format = #tpu.pack_format<interleaved>} : vector<32xbf16> -> vector<16xf32>
        %unpack3A_2757 = tpu.unpack_subelements %bitcast3A_2755, 1 {pack_format = #tpu.pack_format<interleaved>} : vector<32xbf16> -> vector<16xf32>
        %mul3A_2758 = arith.mulf %gather3A_2673, %unpack3A_2756 : vector<16xf32>
        %add3A_2759 = arith.addf %add3A_2666, %mul3A_2758 : vector<16xf32>
        %mul3A_2760 = arith.mulf %gather3A_2673, %unpack3A_2757 : vector<16xf32>
        %add3A_2761 = arith.addf %add3A_2668, %mul3A_2760 : vector<16xf32>
        %add3A_2762 = arith.constant 224 : i32
        %add3A_2763 = arith.addi %add3A_2762, %scan3A_1429 : i32
        %add3A_2764 = arith.addi %mul3A_1363, %add3A_2763 : i32
        %broadcast_in_dim3A_2765 = vector.broadcast %add3A_2764 : i32 to vector<16xi32>
        %gather3A_2766 = tpu.vector_load_idx %arg7[%broadcast_in_dim3A_2765] : memref<1024xf32, #tpu.memory_space<vmem>>[vector<16xi32>], vector<16xf32>,
        %add3A_2767 = arith.addi %mul3A_1367, %add3A_2763 : i32
        %get3A_2768 = arith.index_cast %add3A_2767 : i32 to index
        %get3A_2769 = arith.constant 0 : index
        %get3A_2770 = tpu.vector_load %arg8[%get3A_2768, %get3A_2769] {strides = array<i32>} : memref<768x128xi32, #tpu.memory_space<vmem>>, vector<16xi32>,
        %bitcast3A_2771 = vector.bitcast %get3A_2770 : vector<16xi32> to vector<32xbf16>
        %unpack3A_2772 = tpu.unpack_subelements %bitcast3A_2771, 0 {pack_format = #tpu.pack_format<interleaved>} : vector<32xbf16> -> vector<16xf32>
        %unpack3A_2773 = tpu.unpack_subelements %bitcast3A_2771, 1 {pack_format = #tpu.pack_format<interleaved>} : vector<32xbf16> -> vector<16xf32>
        %mul3A_2774 = arith.mulf %gather3A_2766, %unpack3A_2772 : vector<16xf32>
        %add3A_2775 = arith.addf %add3A_2682, %mul3A_2774 : vector<16xf32>
        %mul3A_2776 = arith.mulf %gather3A_2766, %unpack3A_2773 : vector<16xf32>
        %add3A_2777 = arith.addf %add3A_2684, %mul3A_2776 : vector<16xf32>
        %add3A_2778 = arith.addi %mul3A_1367, %add3A_2763 : i32
        %get3A_2779 = arith.index_cast %add3A_2778 : i32 to index
        %get3A_2780 = arith.constant 16 : index
        %get3A_2781 = tpu.vector_load %arg8[%get3A_2779, %get3A_2780] {strides = array<i32>} : memref<768x128xi32, #tpu.memory_space<vmem>>, vector<16xi32>,
        %bitcast3A_2782 = vector.bitcast %get3A_2781 : vector<16xi32> to vector<32xbf16>
        %unpack3A_2783 = tpu.unpack_subelements %bitcast3A_2782, 0 {pack_format = #tpu.pack_format<interleaved>} : vector<32xbf16> -> vector<16xf32>
        %unpack3A_2784 = tpu.unpack_subelements %bitcast3A_2782, 1 {pack_format = #tpu.pack_format<interleaved>} : vector<32xbf16> -> vector<16xf32>
        %mul3A_2785 = arith.mulf %gather3A_2766, %unpack3A_2783 : vector<16xf32>
        %add3A_2786 = arith.addf %add3A_2693, %mul3A_2785 : vector<16xf32>
        %mul3A_2787 = arith.mulf %gather3A_2766, %unpack3A_2784 : vector<16xf32>
        %add3A_2788 = arith.addf %add3A_2695, %mul3A_2787 : vector<16xf32>
        %add3A_2789 = arith.addi %mul3A_1367, %add3A_2763 : i32
        %get3A_2790 = arith.index_cast %add3A_2789 : i32 to index
        %get3A_2791 = arith.constant 32 : index
        %get3A_2792 = tpu.vector_load %arg8[%get3A_2790, %get3A_2791] {strides = array<i32>} : memref<768x128xi32, #tpu.memory_space<vmem>>, vector<16xi32>,
        %bitcast3A_2793 = vector.bitcast %get3A_2792 : vector<16xi32> to vector<32xbf16>
        %unpack3A_2794 = tpu.unpack_subelements %bitcast3A_2793, 0 {pack_format = #tpu.pack_format<interleaved>} : vector<32xbf16> -> vector<16xf32>
        %unpack3A_2795 = tpu.unpack_subelements %bitcast3A_2793, 1 {pack_format = #tpu.pack_format<interleaved>} : vector<32xbf16> -> vector<16xf32>
        %mul3A_2796 = arith.mulf %gather3A_2766, %unpack3A_2794 : vector<16xf32>
        %add3A_2797 = arith.addf %add3A_2704, %mul3A_2796 : vector<16xf32>
        %mul3A_2798 = arith.mulf %gather3A_2766, %unpack3A_2795 : vector<16xf32>
        %add3A_2799 = arith.addf %add3A_2706, %mul3A_2798 : vector<16xf32>
        %add3A_2800 = arith.addi %mul3A_1367, %add3A_2763 : i32
        %get3A_2801 = arith.index_cast %add3A_2800 : i32 to index
        %get3A_2802 = arith.constant 48 : index
        %get3A_2803 = tpu.vector_load %arg8[%get3A_2801, %get3A_2802] {strides = array<i32>} : memref<768x128xi32, #tpu.memory_space<vmem>>, vector<16xi32>,
        %bitcast3A_2804 = vector.bitcast %get3A_2803 : vector<16xi32> to vector<32xbf16>
        %unpack3A_2805 = tpu.unpack_subelements %bitcast3A_2804, 0 {pack_format = #tpu.pack_format<interleaved>} : vector<32xbf16> -> vector<16xf32>
        %unpack3A_2806 = tpu.unpack_subelements %bitcast3A_2804, 1 {pack_format = #tpu.pack_format<interleaved>} : vector<32xbf16> -> vector<16xf32>
        %mul3A_2807 = arith.mulf %gather3A_2766, %unpack3A_2805 : vector<16xf32>
        %add3A_2808 = arith.addf %add3A_2715, %mul3A_2807 : vector<16xf32>
        %mul3A_2809 = arith.mulf %gather3A_2766, %unpack3A_2806 : vector<16xf32>
        %add3A_2810 = arith.addf %add3A_2717, %mul3A_2809 : vector<16xf32>
        %add3A_2811 = arith.addi %mul3A_1367, %add3A_2763 : i32
        %get3A_2812 = arith.index_cast %add3A_2811 : i32 to index
        %get3A_2813 = arith.constant 64 : index
        %get3A_2814 = tpu.vector_load %arg8[%get3A_2812, %get3A_2813] {strides = array<i32>} : memref<768x128xi32, #tpu.memory_space<vmem>>, vector<16xi32>,
        %bitcast3A_2815 = vector.bitcast %get3A_2814 : vector<16xi32> to vector<32xbf16>
        %unpack3A_2816 = tpu.unpack_subelements %bitcast3A_2815, 0 {pack_format = #tpu.pack_format<interleaved>} : vector<32xbf16> -> vector<16xf32>
        %unpack3A_2817 = tpu.unpack_subelements %bitcast3A_2815, 1 {pack_format = #tpu.pack_format<interleaved>} : vector<32xbf16> -> vector<16xf32>
        %mul3A_2818 = arith.mulf %gather3A_2766, %unpack3A_2816 : vector<16xf32>
        %add3A_2819 = arith.addf %add3A_2726, %mul3A_2818 : vector<16xf32>
        %mul3A_2820 = arith.mulf %gather3A_2766, %unpack3A_2817 : vector<16xf32>
        %add3A_2821 = arith.addf %add3A_2728, %mul3A_2820 : vector<16xf32>
        %add3A_2822 = arith.addi %mul3A_1367, %add3A_2763 : i32
        %get3A_2823 = arith.index_cast %add3A_2822 : i32 to index
        %get3A_2824 = arith.constant 80 : index
        %get3A_2825 = tpu.vector_load %arg8[%get3A_2823, %get3A_2824] {strides = array<i32>} : memref<768x128xi32, #tpu.memory_space<vmem>>, vector<16xi32>,
        %bitcast3A_2826 = vector.bitcast %get3A_2825 : vector<16xi32> to vector<32xbf16>
        %unpack3A_2827 = tpu.unpack_subelements %bitcast3A_2826, 0 {pack_format = #tpu.pack_format<interleaved>} : vector<32xbf16> -> vector<16xf32>
        %unpack3A_2828 = tpu.unpack_subelements %bitcast3A_2826, 1 {pack_format = #tpu.pack_format<interleaved>} : vector<32xbf16> -> vector<16xf32>
        %mul3A_2829 = arith.mulf %gather3A_2766, %unpack3A_2827 : vector<16xf32>
        %add3A_2830 = arith.addf %add3A_2737, %mul3A_2829 : vector<16xf32>
        %mul3A_2831 = arith.mulf %gather3A_2766, %unpack3A_2828 : vector<16xf32>
        %add3A_2832 = arith.addf %add3A_2739, %mul3A_2831 : vector<16xf32>
        %add3A_2833 = arith.addi %mul3A_1367, %add3A_2763 : i32
        %get3A_2834 = arith.index_cast %add3A_2833 : i32 to index
        %get3A_2835 = arith.constant 96 : index
        %get3A_2836 = tpu.vector_load %arg8[%get3A_2834, %get3A_2835] {strides = array<i32>} : memref<768x128xi32, #tpu.memory_space<vmem>>, vector<16xi32>,
        %bitcast3A_2837 = vector.bitcast %get3A_2836 : vector<16xi32> to vector<32xbf16>
        %unpack3A_2838 = tpu.unpack_subelements %bitcast3A_2837, 0 {pack_format = #tpu.pack_format<interleaved>} : vector<32xbf16> -> vector<16xf32>
        %unpack3A_2839 = tpu.unpack_subelements %bitcast3A_2837, 1 {pack_format = #tpu.pack_format<interleaved>} : vector<32xbf16> -> vector<16xf32>
        %mul3A_2840 = arith.mulf %gather3A_2766, %unpack3A_2838 : vector<16xf32>
        %add3A_2841 = arith.addf %add3A_2748, %mul3A_2840 : vector<16xf32>
        %mul3A_2842 = arith.mulf %gather3A_2766, %unpack3A_2839 : vector<16xf32>
        %add3A_2843 = arith.addf %add3A_2750, %mul3A_2842 : vector<16xf32>
        %add3A_2844 = arith.addi %mul3A_1367, %add3A_2763 : i32
        %get3A_2845 = arith.index_cast %add3A_2844 : i32 to index
        %get3A_2846 = arith.constant 112 : index
        %get3A_2847 = tpu.vector_load %arg8[%get3A_2845, %get3A_2846] {strides = array<i32>} : memref<768x128xi32, #tpu.memory_space<vmem>>, vector<16xi32>,
        %bitcast3A_2848 = vector.bitcast %get3A_2847 : vector<16xi32> to vector<32xbf16>
        %unpack3A_2849 = tpu.unpack_subelements %bitcast3A_2848, 0 {pack_format = #tpu.pack_format<interleaved>} : vector<32xbf16> -> vector<16xf32>
        %unpack3A_2850 = tpu.unpack_subelements %bitcast3A_2848, 1 {pack_format = #tpu.pack_format<interleaved>} : vector<32xbf16> -> vector<16xf32>
        %mul3A_2851 = arith.mulf %gather3A_2766, %unpack3A_2849 : vector<16xf32>
        %add3A_2852 = arith.addf %add3A_2759, %mul3A_2851 : vector<16xf32>
        %mul3A_2853 = arith.mulf %gather3A_2766, %unpack3A_2850 : vector<16xf32>
        %add3A_2854 = arith.addf %add3A_2761, %mul3A_2853 : vector<16xf32>
        %add3A_2855 = arith.constant 240 : i32
        %add3A_2856 = arith.addi %add3A_2855, %scan3A_1429 : i32
        %add3A_2857 = arith.addi %mul3A_1363, %add3A_2856 : i32
        %broadcast_in_dim3A_2858 = vector.broadcast %add3A_2857 : i32 to vector<16xi32>
        %gather3A_2859 = tpu.vector_load_idx %arg7[%broadcast_in_dim3A_2858] : memref<1024xf32, #tpu.memory_space<vmem>>[vector<16xi32>], vector<16xf32>,
        %add3A_2860 = arith.addi %mul3A_1367, %add3A_2856 : i32
        %get3A_2861 = arith.index_cast %add3A_2860 : i32 to index
        %get3A_2862 = arith.constant 0 : index
        %get3A_2863 = tpu.vector_load %arg8[%get3A_2861, %get3A_2862] {strides = array<i32>} : memref<768x128xi32, #tpu.memory_space<vmem>>, vector<16xi32>,
        %bitcast3A_2864 = vector.bitcast %get3A_2863 : vector<16xi32> to vector<32xbf16>
        %unpack3A_2865 = tpu.unpack_subelements %bitcast3A_2864, 0 {pack_format = #tpu.pack_format<interleaved>} : vector<32xbf16> -> vector<16xf32>
        %unpack3A_2866 = tpu.unpack_subelements %bitcast3A_2864, 1 {pack_format = #tpu.pack_format<interleaved>} : vector<32xbf16> -> vector<16xf32>
        %mul3A_2867 = arith.mulf %gather3A_2859, %unpack3A_2865 : vector<16xf32>
        %add3A_2868 = arith.addf %add3A_2775, %mul3A_2867 : vector<16xf32>
        %mul3A_2869 = arith.mulf %gather3A_2859, %unpack3A_2866 : vector<16xf32>
        %add3A_2870 = arith.addf %add3A_2777, %mul3A_2869 : vector<16xf32>
        %add3A_2871 = arith.addi %mul3A_1367, %add3A_2856 : i32
        %get3A_2872 = arith.index_cast %add3A_2871 : i32 to index
        %get3A_2873 = arith.constant 16 : index
        %get3A_2874 = tpu.vector_load %arg8[%get3A_2872, %get3A_2873] {strides = array<i32>} : memref<768x128xi32, #tpu.memory_space<vmem>>, vector<16xi32>,
        %bitcast3A_2875 = vector.bitcast %get3A_2874 : vector<16xi32> to vector<32xbf16>
        %unpack3A_2876 = tpu.unpack_subelements %bitcast3A_2875, 0 {pack_format = #tpu.pack_format<interleaved>} : vector<32xbf16> -> vector<16xf32>
        %unpack3A_2877 = tpu.unpack_subelements %bitcast3A_2875, 1 {pack_format = #tpu.pack_format<interleaved>} : vector<32xbf16> -> vector<16xf32>
        %mul3A_2878 = arith.mulf %gather3A_2859, %unpack3A_2876 : vector<16xf32>
        %add3A_2879 = arith.addf %add3A_2786, %mul3A_2878 : vector<16xf32>
        %mul3A_2880 = arith.mulf %gather3A_2859, %unpack3A_2877 : vector<16xf32>
        %add3A_2881 = arith.addf %add3A_2788, %mul3A_2880 : vector<16xf32>
        %add3A_2882 = arith.addi %mul3A_1367, %add3A_2856 : i32
        %get3A_2883 = arith.index_cast %add3A_2882 : i32 to index
        %get3A_2884 = arith.constant 32 : index
        %get3A_2885 = tpu.vector_load %arg8[%get3A_2883, %get3A_2884] {strides = array<i32>} : memref<768x128xi32, #tpu.memory_space<vmem>>, vector<16xi32>,
        %bitcast3A_2886 = vector.bitcast %get3A_2885 : vector<16xi32> to vector<32xbf16>
        %unpack3A_2887 = tpu.unpack_subelements %bitcast3A_2886, 0 {pack_format = #tpu.pack_format<interleaved>} : vector<32xbf16> -> vector<16xf32>
        %unpack3A_2888 = tpu.unpack_subelements %bitcast3A_2886, 1 {pack_format = #tpu.pack_format<interleaved>} : vector<32xbf16> -> vector<16xf32>
        %mul3A_2889 = arith.mulf %gather3A_2859, %unpack3A_2887 : vector<16xf32>
        %add3A_2890 = arith.addf %add3A_2797, %mul3A_2889 : vector<16xf32>
        %mul3A_2891 = arith.mulf %gather3A_2859, %unpack3A_2888 : vector<16xf32>
        %add3A_2892 = arith.addf %add3A_2799, %mul3A_2891 : vector<16xf32>
        %add3A_2893 = arith.addi %mul3A_1367, %add3A_2856 : i32
        %get3A_2894 = arith.index_cast %add3A_2893 : i32 to index
        %get3A_2895 = arith.constant 48 : index
        %get3A_2896 = tpu.vector_load %arg8[%get3A_2894, %get3A_2895] {strides = array<i32>} : memref<768x128xi32, #tpu.memory_space<vmem>>, vector<16xi32>,
        %bitcast3A_2897 = vector.bitcast %get3A_2896 : vector<16xi32> to vector<32xbf16>
        %unpack3A_2898 = tpu.unpack_subelements %bitcast3A_2897, 0 {pack_format = #tpu.pack_format<interleaved>} : vector<32xbf16> -> vector<16xf32>
        %unpack3A_2899 = tpu.unpack_subelements %bitcast3A_2897, 1 {pack_format = #tpu.pack_format<interleaved>} : vector<32xbf16> -> vector<16xf32>
        %mul3A_2900 = arith.mulf %gather3A_2859, %unpack3A_2898 : vector<16xf32>
        %add3A_2901 = arith.addf %add3A_2808, %mul3A_2900 : vector<16xf32>
        %mul3A_2902 = arith.mulf %gather3A_2859, %unpack3A_2899 : vector<16xf32>
        %add3A_2903 = arith.addf %add3A_2810, %mul3A_2902 : vector<16xf32>
        %add3A_2904 = arith.addi %mul3A_1367, %add3A_2856 : i32
        %get3A_2905 = arith.index_cast %add3A_2904 : i32 to index
        %get3A_2906 = arith.constant 64 : index
        %get3A_2907 = tpu.vector_load %arg8[%get3A_2905, %get3A_2906] {strides = array<i32>} : memref<768x128xi32, #tpu.memory_space<vmem>>, vector<16xi32>,
        %bitcast3A_2908 = vector.bitcast %get3A_2907 : vector<16xi32> to vector<32xbf16>
        %unpack3A_2909 = tpu.unpack_subelements %bitcast3A_2908, 0 {pack_format = #tpu.pack_format<interleaved>} : vector<32xbf16> -> vector<16xf32>
        %unpack3A_2910 = tpu.unpack_subelements %bitcast3A_2908, 1 {pack_format = #tpu.pack_format<interleaved>} : vector<32xbf16> -> vector<16xf32>
        %mul3A_2911 = arith.mulf %gather3A_2859, %unpack3A_2909 : vector<16xf32>
        %add3A_2912 = arith.addf %add3A_2819, %mul3A_2911 : vector<16xf32>
        %mul3A_2913 = arith.mulf %gather3A_2859, %unpack3A_2910 : vector<16xf32>
        %add3A_2914 = arith.addf %add3A_2821, %mul3A_2913 : vector<16xf32>
        %add3A_2915 = arith.addi %mul3A_1367, %add3A_2856 : i32
        %get3A_2916 = arith.index_cast %add3A_2915 : i32 to index
        %get3A_2917 = arith.constant 80 : index
        %get3A_2918 = tpu.vector_load %arg8[%get3A_2916, %get3A_2917] {strides = array<i32>} : memref<768x128xi32, #tpu.memory_space<vmem>>, vector<16xi32>,
        %bitcast3A_2919 = vector.bitcast %get3A_2918 : vector<16xi32> to vector<32xbf16>
        %unpack3A_2920 = tpu.unpack_subelements %bitcast3A_2919, 0 {pack_format = #tpu.pack_format<interleaved>} : vector<32xbf16> -> vector<16xf32>
        %unpack3A_2921 = tpu.unpack_subelements %bitcast3A_2919, 1 {pack_format = #tpu.pack_format<interleaved>} : vector<32xbf16> -> vector<16xf32>
        %mul3A_2922 = arith.mulf %gather3A_2859, %unpack3A_2920 : vector<16xf32>
        %add3A_2923 = arith.addf %add3A_2830, %mul3A_2922 : vector<16xf32>
        %mul3A_2924 = arith.mulf %gather3A_2859, %unpack3A_2921 : vector<16xf32>
        %add3A_2925 = arith.addf %add3A_2832, %mul3A_2924 : vector<16xf32>
        %add3A_2926 = arith.addi %mul3A_1367, %add3A_2856 : i32
        %get3A_2927 = arith.index_cast %add3A_2926 : i32 to index
        %get3A_2928 = arith.constant 96 : index
        %get3A_2929 = tpu.vector_load %arg8[%get3A_2927, %get3A_2928] {strides = array<i32>} : memref<768x128xi32, #tpu.memory_space<vmem>>, vector<16xi32>,
        %bitcast3A_2930 = vector.bitcast %get3A_2929 : vector<16xi32> to vector<32xbf16>
        %unpack3A_2931 = tpu.unpack_subelements %bitcast3A_2930, 0 {pack_format = #tpu.pack_format<interleaved>} : vector<32xbf16> -> vector<16xf32>
        %unpack3A_2932 = tpu.unpack_subelements %bitcast3A_2930, 1 {pack_format = #tpu.pack_format<interleaved>} : vector<32xbf16> -> vector<16xf32>
        %mul3A_2933 = arith.mulf %gather3A_2859, %unpack3A_2931 : vector<16xf32>
        %add3A_2934 = arith.addf %add3A_2841, %mul3A_2933 : vector<16xf32>
        %mul3A_2935 = arith.mulf %gather3A_2859, %unpack3A_2932 : vector<16xf32>
        %add3A_2936 = arith.addf %add3A_2843, %mul3A_2935 : vector<16xf32>
        %add3A_2937 = arith.addi %mul3A_1367, %add3A_2856 : i32
        %get3A_2938 = arith.index_cast %add3A_2937 : i32 to index
        %get3A_2939 = arith.constant 112 : index
        %get3A_2940 = tpu.vector_load %arg8[%get3A_2938, %get3A_2939] {strides = array<i32>} : memref<768x128xi32, #tpu.memory_space<vmem>>, vector<16xi32>,
        %bitcast3A_2941 = vector.bitcast %get3A_2940 : vector<16xi32> to vector<32xbf16>
        %unpack3A_2942 = tpu.unpack_subelements %bitcast3A_2941, 0 {pack_format = #tpu.pack_format<interleaved>} : vector<32xbf16> -> vector<16xf32>
        %unpack3A_2943 = tpu.unpack_subelements %bitcast3A_2941, 1 {pack_format = #tpu.pack_format<interleaved>} : vector<32xbf16> -> vector<16xf32>
        %mul3A_2944 = arith.mulf %gather3A_2859, %unpack3A_2942 : vector<16xf32>
        %add3A_2945 = arith.addf %add3A_2852, %mul3A_2944 : vector<16xf32>
        %mul3A_2946 = arith.mulf %gather3A_2859, %unpack3A_2943 : vector<16xf32>
        %add3A_2947 = arith.addf %add3A_2854, %mul3A_2946 : vector<16xf32>
        %add3A_2948 = arith.addi %mul3A_1371, %scan3A_1429 : i32
        %swap3A_2949 = arith.index_cast %add3A_2948 : i32 to index
        %swap3A_2950 = arith.constant 0 : index
        %swap3A_2951 = tpu.vector_load %arg9[%swap3A_2949, %swap3A_2950] {strides = array<i32>} : memref<32x256xf32, #tpu.memory_space<vmem>>, vector<16xf32>,
        tpu.vector_store %arg9[%swap3A_2949, %swap3A_2950], %add3A_2868 {strides = array<i32>} : memref<32x256xf32, #tpu.memory_space<vmem>>, vector<16xf32>,
        %add3A_2952 = arith.addi %mul3A_1371, %scan3A_1429 : i32
        %swap3A_2953 = arith.index_cast %add3A_2952 : i32 to index
        %swap3A_2954 = arith.constant 128 : index
        %swap3A_2955 = tpu.vector_load %arg9[%swap3A_2953, %swap3A_2954] {strides = array<i32>} : memref<32x256xf32, #tpu.memory_space<vmem>>, vector<16xf32>,
        tpu.vector_store %arg9[%swap3A_2953, %swap3A_2954], %add3A_2870 {strides = array<i32>} : memref<32x256xf32, #tpu.memory_space<vmem>>, vector<16xf32>,
        %add3A_2956 = arith.addi %mul3A_1371, %scan3A_1429 : i32
        %swap3A_2957 = arith.index_cast %add3A_2956 : i32 to index
        %swap3A_2958 = arith.constant 16 : index
        %swap3A_2959 = tpu.vector_load %arg9[%swap3A_2957, %swap3A_2958] {strides = array<i32>} : memref<32x256xf32, #tpu.memory_space<vmem>>, vector<16xf32>,
        tpu.vector_store %arg9[%swap3A_2957, %swap3A_2958], %add3A_2879 {strides = array<i32>} : memref<32x256xf32, #tpu.memory_space<vmem>>, vector<16xf32>,
        %add3A_2960 = arith.addi %mul3A_1371, %scan3A_1429 : i32
        %swap3A_2961 = arith.index_cast %add3A_2960 : i32 to index
        %swap3A_2962 = arith.constant 144 : index
        %swap3A_2963 = tpu.vector_load %arg9[%swap3A_2961, %swap3A_2962] {strides = array<i32>} : memref<32x256xf32, #tpu.memory_space<vmem>>, vector<16xf32>,
        tpu.vector_store %arg9[%swap3A_2961, %swap3A_2962], %add3A_2881 {strides = array<i32>} : memref<32x256xf32, #tpu.memory_space<vmem>>, vector<16xf32>,
        %add3A_2964 = arith.addi %mul3A_1371, %scan3A_1429 : i32
        %swap3A_2965 = arith.index_cast %add3A_2964 : i32 to index
        %swap3A_2966 = arith.constant 32 : index
        %swap3A_2967 = tpu.vector_load %arg9[%swap3A_2965, %swap3A_2966] {strides = array<i32>} : memref<32x256xf32, #tpu.memory_space<vmem>>, vector<16xf32>,
        tpu.vector_store %arg9[%swap3A_2965, %swap3A_2966], %add3A_2890 {strides = array<i32>} : memref<32x256xf32, #tpu.memory_space<vmem>>, vector<16xf32>,
        %add3A_2968 = arith.addi %mul3A_1371, %scan3A_1429 : i32
        %swap3A_2969 = arith.index_cast %add3A_2968 : i32 to index
        %swap3A_2970 = arith.constant 160 : index
        %swap3A_2971 = tpu.vector_load %arg9[%swap3A_2969, %swap3A_2970] {strides = array<i32>} : memref<32x256xf32, #tpu.memory_space<vmem>>, vector<16xf32>,
        tpu.vector_store %arg9[%swap3A_2969, %swap3A_2970], %add3A_2892 {strides = array<i32>} : memref<32x256xf32, #tpu.memory_space<vmem>>, vector<16xf32>,
        %add3A_2972 = arith.addi %mul3A_1371, %scan3A_1429 : i32
        %swap3A_2973 = arith.index_cast %add3A_2972 : i32 to index
        %swap3A_2974 = arith.constant 48 : index
        %swap3A_2975 = tpu.vector_load %arg9[%swap3A_2973, %swap3A_2974] {strides = array<i32>} : memref<32x256xf32, #tpu.memory_space<vmem>>, vector<16xf32>,
        tpu.vector_store %arg9[%swap3A_2973, %swap3A_2974], %add3A_2901 {strides = array<i32>} : memref<32x256xf32, #tpu.memory_space<vmem>>, vector<16xf32>,
        %add3A_2976 = arith.addi %mul3A_1371, %scan3A_1429 : i32
        %swap3A_2977 = arith.index_cast %add3A_2976 : i32 to index
        %swap3A_2978 = arith.constant 176 : index
        %swap3A_2979 = tpu.vector_load %arg9[%swap3A_2977, %swap3A_2978] {strides = array<i32>} : memref<32x256xf32, #tpu.memory_space<vmem>>, vector<16xf32>,
        tpu.vector_store %arg9[%swap3A_2977, %swap3A_2978], %add3A_2903 {strides = array<i32>} : memref<32x256xf32, #tpu.memory_space<vmem>>, vector<16xf32>,
        %add3A_2980 = arith.addi %mul3A_1371, %scan3A_1429 : i32
        %swap3A_2981 = arith.index_cast %add3A_2980 : i32 to index
        %swap3A_2982 = arith.constant 64 : index
        %swap3A_2983 = tpu.vector_load %arg9[%swap3A_2981, %swap3A_2982] {strides = array<i32>} : memref<32x256xf32, #tpu.memory_space<vmem>>, vector<16xf32>,
        tpu.vector_store %arg9[%swap3A_2981, %swap3A_2982], %add3A_2912 {strides = array<i32>} : memref<32x256xf32, #tpu.memory_space<vmem>>, vector<16xf32>,
        %add3A_2984 = arith.addi %mul3A_1371, %scan3A_1429 : i32
        %swap3A_2985 = arith.index_cast %add3A_2984 : i32 to index
        %swap3A_2986 = arith.constant 192 : index
        %swap3A_2987 = tpu.vector_load %arg9[%swap3A_2985, %swap3A_2986] {strides = array<i32>} : memref<32x256xf32, #tpu.memory_space<vmem>>, vector<16xf32>,
        tpu.vector_store %arg9[%swap3A_2985, %swap3A_2986], %add3A_2914 {strides = array<i32>} : memref<32x256xf32, #tpu.memory_space<vmem>>, vector<16xf32>,
        %add3A_2988 = arith.addi %mul3A_1371, %scan3A_1429 : i32
        %swap3A_2989 = arith.index_cast %add3A_2988 : i32 to index
        %swap3A_2990 = arith.constant 80 : index
        %swap3A_2991 = tpu.vector_load %arg9[%swap3A_2989, %swap3A_2990] {strides = array<i32>} : memref<32x256xf32, #tpu.memory_space<vmem>>, vector<16xf32>,
        tpu.vector_store %arg9[%swap3A_2989, %swap3A_2990], %add3A_2923 {strides = array<i32>} : memref<32x256xf32, #tpu.memory_space<vmem>>, vector<16xf32>,
        %add3A_2992 = arith.addi %mul3A_1371, %scan3A_1429 : i32
        %swap3A_2993 = arith.index_cast %add3A_2992 : i32 to index
        %swap3A_2994 = arith.constant 208 : index
        %swap3A_2995 = tpu.vector_load %arg9[%swap3A_2993, %swap3A_2994] {strides = array<i32>} : memref<32x256xf32, #tpu.memory_space<vmem>>, vector<16xf32>,
        tpu.vector_store %arg9[%swap3A_2993, %swap3A_2994], %add3A_2925 {strides = array<i32>} : memref<32x256xf32, #tpu.memory_space<vmem>>, vector<16xf32>,
        %add3A_2996 = arith.addi %mul3A_1371, %scan3A_1429 : i32
        %swap3A_2997 = arith.index_cast %add3A_2996 : i32 to index
        %swap3A_2998 = arith.constant 96 : index
        %swap3A_2999 = tpu.vector_load %arg9[%swap3A_2997, %swap3A_2998] {strides = array<i32>} : memref<32x256xf32, #tpu.memory_space<vmem>>, vector<16xf32>,
        tpu.vector_store %arg9[%swap3A_2997, %swap3A_2998], %add3A_2934 {strides = array<i32>} : memref<32x256xf32, #tpu.memory_space<vmem>>, vector<16xf32>,
        %add3A_3000 = arith.addi %mul3A_1371, %scan3A_1429 : i32
        %swap3A_3001 = arith.index_cast %add3A_3000 : i32 to index
        %swap3A_3002 = arith.constant 224 : index
        %swap3A_3003 = tpu.vector_load %arg9[%swap3A_3001, %swap3A_3002] {strides = array<i32>} : memref<32x256xf32, #tpu.memory_space<vmem>>, vector<16xf32>,
        tpu.vector_store %arg9[%swap3A_3001, %swap3A_3002], %add3A_2936 {strides = array<i32>} : memref<32x256xf32, #tpu.memory_space<vmem>>, vector<16xf32>,
        %add3A_3004 = arith.addi %mul3A_1371, %scan3A_1429 : i32
        %swap3A_3005 = arith.index_cast %add3A_3004 : i32 to index
        %swap3A_3006 = arith.constant 112 : index
        %swap3A_3007 = tpu.vector_load %arg9[%swap3A_3005, %swap3A_3006] {strides = array<i32>} : memref<32x256xf32, #tpu.memory_space<vmem>>, vector<16xf32>,
        tpu.vector_store %arg9[%swap3A_3005, %swap3A_3006], %add3A_2945 {strides = array<i32>} : memref<32x256xf32, #tpu.memory_space<vmem>>, vector<16xf32>,
        %add3A_3008 = arith.addi %mul3A_1371, %scan3A_1429 : i32
        %swap3A_3009 = arith.index_cast %add3A_3008 : i32 to index
        %swap3A_3010 = arith.constant 240 : index
        %swap3A_3011 = tpu.vector_load %arg9[%swap3A_3009, %swap3A_3010] {strides = array<i32>} : memref<32x256xf32, #tpu.memory_space<vmem>>, vector<16xf32>,
        tpu.vector_store %arg9[%swap3A_3009, %swap3A_3010], %add3A_2947 {strides = array<i32>} : memref<32x256xf32, #tpu.memory_space<vmem>>, vector<16xf32>,
        %scan3A_3012 = arith.constant 0 : i32
        scf.yield %scan3A_3012 : i32
      }
      %scan3A_1396 = arith.constant 16 : i32
      %iota3A_1397 = tpu.iota {dimensions = array<i32: 0>} : vector<16xi32>
      %add3A_1398 = vector.broadcast %add3A_1376 : i32 to vector<16xi32>
      %add3A_1399 = arith.addi %add3A_1398, %iota3A_1397 : vector<16xi32>
      %div3A_1400 = arith.constant 49 : i32
      %div3A_1401 = vector.broadcast %div3A_1400 : i32 to vector<16xi32>
      %div3A_1402 = arith.divsi %add3A_1399, %div3A_1401 : vector<16xi32>
      %rem3A_1403 = arith.constant 49 : i32
      %rem3A_1404 = vector.broadcast %rem3A_1403 : i32 to vector<16xi32>
      %rem3A_1405 = arith.remsi %add3A_1399, %rem3A_1404 : vector<16xi32>
      %mul3A_1406 = arith.constant 512 : i32
      %mul3A_1407 = vector.broadcast %mul3A_1406 : i32 to vector<16xi32>
      %mul3A_1408 = arith.muli %rem3A_1405, %mul3A_1407 : vector<16xi32>
      %add3A_1409 = arith.addi %mul3A_1408, %div3A_1402 : vector<16xi32>
      %swap3A_1410 = arith.index_cast %rem3A_1369 : i32 to index
      %swap3A_1411 = arith.constant 0 : index
      %swap3A_1412 = tpu.vector_load %arg10[%swap3A_1410, %swap3A_1411] {strides = array<i32>} : memref<2x16xi32, #tpu.memory_space<vmem>>, vector<16xi32>,
      tpu.vector_store %arg10[%swap3A_1410, %swap3A_1411], %add3A_1409 {strides = array<i32>} : memref<2x16xi32, #tpu.memory_space<vmem>>, vector<16xi32>,
      %dma_start3A_1413 = arith.constant 0 : i32
      %dma_start3A_1414 = tpu.memref_slice %arg9[%mul3A_1371, %dma_start3A_1413] : memref<32x256xf32, #tpu.memory_space<vmem>> -> memref<16x256xf32, #tpu.memory_space<vmem>>
      %dma_start3A_1415 = arith.constant 0 : i32
      %dma_start3A_1416 = tpu.memref_slice %arg10[%rem3A_1369, %dma_start3A_1415] : memref<2x16xi32, #tpu.memory_space<vmem>> -> memref<1x16xi32, #tpu.memory_space<vmem>>
      %dma_start3A_1417 = tpu.memref_squeeze %dma_start3A_1416 : memref<1x16xi32, #tpu.memory_space<vmem>> -> memref<16xi32, #tpu.memory_space<vmem>>
      %dma_start3A_1418 = arith.constant 0 : i32
      %dma_start3A_1419 = arith.constant 0 : i32
      %dma_start3A_1420 = tpu.memref_slice %arg4[%dma_start3A_1418, %dma_start3A_1419] : memref<25088x256xf32, #tpu.memory_space<hbm>> -> memref<25088x256xf32, #tpu.memory_space<hbm>>
      tpu.enqueue_indirect_dma source(%dma_start3A_1414 : memref<16x256xf32, #tpu.memory_space<vmem>>) target(%dma_start3A_1420 : memref<25088x256xf32, #tpu.memory_space<hbm>>) offsets(%dma_start3A_1417 : memref<16xi32, #tpu.memory_space<vmem>>) semaphore(%arg12 : memref<!tpu.dma_semaphore, #tpu.memory_space<semaphore_mem>>)
      %add3A_1421 = arith.constant 3 : i32
      %add3A_1422 = arith.addi %scan3A_1358, %add3A_1421 : i32
      %lt3A_1423 = arith.constant 49 : i32
      %lt3A_1424 = arith.cmpi slt, %add3A_1422, %lt3A_1423 : i32
      %convert_element_type3A_1425 = arith.extui %lt3A_1424 : i1 to i32
      %cond3A_1426 = arith.constant 0 : i32
      %cond3A_1427 = arith.cmpi ne, %convert_element_type3A_1425, %cond3A_1426 : i32
      scf.if %cond3A_1427 {
        %add3A_1429 = arith.constant 3 : i32
        %add3A_1430 = arith.addi %scan3A_1358, %add3A_1429 : i32
        %rem3A_1431 = arith.constant 4 : i32
        %rem3A_1432 = arith.remsi %add3A_1430, %rem3A_1431 : i32
        %mul3A_1433 = arith.constant 256 : i32
        %mul3A_1434 = arith.muli %rem3A_1432, %mul3A_1433 : i32
        %rem3A_1435 = arith.constant 3 : i32
        %rem3A_1436 = arith.remsi %add3A_1430, %rem3A_1435 : i32
        %mul3A_1437 = arith.constant 256 : i32
        %mul3A_1438 = arith.muli %rem3A_1436, %mul3A_1437 : i32
        %mul3A_1439 = arith.constant 784 : i32
        %mul3A_1440 = arith.muli %add3A, %mul3A_1439 : i32
        %mul3A_1441 = arith.constant 16 : i32
        %mul3A_1442 = arith.muli %add3A_1430, %mul3A_1441 : i32
        %add3A_1443 = arith.addi %mul3A_1440, %mul3A_1442 : i32
        %iota3A_1444 = tpu.iota {dimensions = array<i32: 0>} : vector<16xi32>
        %add3A_1445 = vector.broadcast %add3A_1443 : i32 to vector<16xi32>
        %add3A_1446 = arith.addi %add3A_1445, %iota3A_1444 : vector<16xi32>
        %div3A_1447 = arith.constant 49 : i32
        %div3A_1448 = vector.broadcast %div3A_1447 : i32 to vector<16xi32>
        %div3A_1449 = arith.divsi %add3A_1446, %div3A_1448 : vector<16xi32>
        %rem3A_1450 = arith.constant 49 : i32
        %rem3A_1451 = vector.broadcast %rem3A_1450 : i32 to vector<16xi32>
        %rem3A_1452 = arith.remsi %add3A_1446, %rem3A_1451 : vector<16xi32>
        %div3A_1453 = arith.constant 7 : i32
        %div3A_1454 = vector.broadcast %div3A_1453 : i32 to vector<16xi32>
        %div3A_1455 = arith.divsi %rem3A_1452, %div3A_1454 : vector<16xi32>
        %rem3A_1456 = arith.constant 7 : i32
        %rem3A_1457 = vector.broadcast %rem3A_1456 : i32 to vector<16xi32>
        %rem3A_1458 = arith.remsi %rem3A_1452, %rem3A_1457 : vector<16xi32>
        %mul3A_1459 = arith.constant 5 : i32
        %mul3A_1460 = vector.broadcast %mul3A_1459 : i32 to vector<16xi32>
        %mul3A_1461 = arith.muli %div3A_1449, %mul3A_1460 : vector<16xi32>
        %add3A_1462 = arith.constant 0 : i32
        %add3A_1463 = vector.broadcast %add3A_1462 : i32 to vector<16xi32>
        %add3A_1464 = arith.addi %mul3A_1461, %add3A_1463 : vector<16xi32>
        %gather3A_1465 = tpu.vector_load_idx %arg5[%add3A_1464] : memref<2560xf32, #tpu.memory_space<vmem>>[vector<16xi32>], vector<16xf32>,
        %convert_element_type3A_1466 = arith.fptosi %gather3A_1465 : vector<16xf32> to vector<16xi32>
        %add3A_1467 = arith.constant 1 : i32
        %add3A_1468 = vector.broadcast %add3A_1467 : i32 to vector<16xi32>
        %add3A_1469 = arith.addi %mul3A_1461, %add3A_1468 : vector<16xi32>
        %gather3A_1470 = tpu.vector_load_idx %arg5[%add3A_1469] : memref<2560xf32, #tpu.memory_space<vmem>>[vector<16xi32>], vector<16xf32>,
        %mul3A_1471 = arith.constant 1.250000e-01 : f32
        %mul3A_1472 = vector.broadcast %mul3A_1471 : f32 to vector<16xf32>
        %mul3A_1473 = arith.mulf %gather3A_1470, %mul3A_1472 : vector<16xf32>
        %sub3A_1474 = arith.constant 5.000000e-01 : f32
        %sub3A_1475 = vector.broadcast %sub3A_1474 : f32 to vector<16xf32>
        %sub3A_1476 = arith.subf %mul3A_1473, %sub3A_1475 : vector<16xf32>
        %add3A_1477 = arith.constant 2 : i32
        %add3A_1478 = vector.broadcast %add3A_1477 : i32 to vector<16xi32>
        %add3A_1479 = arith.addi %mul3A_1461, %add3A_1478 : vector<16xi32>
        %gather3A_1480 = tpu.vector_load_idx %arg5[%add3A_1479] : memref<2560xf32, #tpu.memory_space<vmem>>[vector<16xi32>], vector<16xf32>,
        %mul3A_1481 = arith.constant 1.250000e-01 : f32
        %mul3A_1482 = vector.broadcast %mul3A_1481 : f32 to vector<16xf32>
        %mul3A_1483 = arith.mulf %gather3A_1480, %mul3A_1482 : vector<16xf32>
        %sub3A_1484 = arith.constant 5.000000e-01 : f32
        %sub3A_1485 = vector.broadcast %sub3A_1484 : f32 to vector<16xf32>
        %sub3A_1486 = arith.subf %mul3A_1483, %sub3A_1485 : vector<16xf32>
        %add3A_1487 = arith.constant 3 : i32
        %add3A_1488 = vector.broadcast %add3A_1487 : i32 to vector<16xi32>
        %add3A_1489 = arith.addi %mul3A_1461, %add3A_1488 : vector<16xi32>
        %gather3A_1490 = tpu.vector_load_idx %arg5[%add3A_1489] : memref<2560xf32, #tpu.memory_space<vmem>>[vector<16xi32>], vector<16xf32>,
        %mul3A_1491 = arith.constant 1.250000e-01 : f32
        %mul3A_1492 = vector.broadcast %mul3A_1491 : f32 to vector<16xf32>
        %mul3A_1493 = arith.mulf %gather3A_1490, %mul3A_1492 : vector<16xf32>
        %sub3A_1494 = arith.constant 5.000000e-01 : f32
        %sub3A_1495 = vector.broadcast %sub3A_1494 : f32 to vector<16xf32>
        %sub3A_1496 = arith.subf %mul3A_1493, %sub3A_1495 : vector<16xf32>
        %add3A_1497 = arith.constant 4 : i32
        %add3A_1498 = vector.broadcast %add3A_1497 : i32 to vector<16xi32>
        %add3A_1499 = arith.addi %mul3A_1461, %add3A_1498 : vector<16xi32>
        %gather3A_1500 = tpu.vector_load_idx %arg5[%add3A_1499] : memref<2560xf32, #tpu.memory_space<vmem>>[vector<16xi32>], vector<16xf32>,
        %mul3A_1501 = arith.constant 1.250000e-01 : f32
        %mul3A_1502 = vector.broadcast %mul3A_1501 : f32 to vector<16xf32>
        %mul3A_1503 = arith.mulf %gather3A_1500, %mul3A_1502 : vector<16xf32>
        %sub3A_1504 = arith.constant 5.000000e-01 : f32
        %sub3A_1505 = vector.broadcast %sub3A_1504 : f32 to vector<16xf32>
        %sub3A_1506 = arith.subf %mul3A_1503, %sub3A_1505 : vector<16xf32>
        %sub3A_1507 = arith.subf %sub3A_1496, %sub3A_1476 : vector<16xf32>
        %max3A_1508 = arith.constant 1.000000e+00 : f32
        %max3A_1509 = vector.broadcast %max3A_1508 : f32 to vector<16xf32>
        %max3A_1510 = arith.maximumf %sub3A_1507, %max3A_1509 : vector<16xf32>
        %mul3A_1511 = arith.constant 0.142857149 : f32
        %mul3A_1512 = vector.broadcast %mul3A_1511 : f32 to vector<16xf32>
        %mul3A_1513 = arith.mulf %max3A_1510, %mul3A_1512 : vector<16xf32>
        %sub3A_1514 = arith.subf %sub3A_1506, %sub3A_1486 : vector<16xf32>
        %max3A_1515 = arith.constant 1.000000e+00 : f32
        %max3A_1516 = vector.broadcast %max3A_1515 : f32 to vector<16xf32>
        %max3A_1517 = arith.maximumf %sub3A_1514, %max3A_1516 : vector<16xf32>
        %mul3A_1518 = arith.constant 0.142857149 : f32
        %mul3A_1519 = vector.broadcast %mul3A_1518 : f32 to vector<16xf32>
        %mul3A_1520 = arith.mulf %max3A_1517, %mul3A_1519 : vector<16xf32>
        %mul3A_1521 = arith.constant 15200 : i32
        %mul3A_1522 = vector.broadcast %mul3A_1521 : i32 to vector<16xi32>
        %mul3A_1523 = arith.muli %convert_element_type3A_1466, %mul3A_1522 : vector<16xi32>
        %convert_element_type3A_1524 = arith.sitofp %div3A_1455 : vector<16xi32> to vector<16xf32>
        %convert_element_type3A_1525 = arith.sitofp %rem3A_1458 : vector<16xi32> to vector<16xf32>
        %add3A_1526 = arith.constant 2.500000e-01 : f32
        %add3A_1527 = vector.broadcast %add3A_1526 : f32 to vector<16xf32>
        %add3A_1528 = arith.addf %convert_element_type3A_1524, %add3A_1527 : vector<16xf32>
        %mul3A_1529 = arith.mulf %add3A_1528, %mul3A_1520 : vector<16xf32>
        %add3A_1530 = arith.addf %sub3A_1486, %mul3A_1529 : vector<16xf32>
        %gt3A_1531 = arith.constant -1.000000e+00 : f32
        %gt3A_1532 = vector.broadcast %gt3A_1531 : f32 to vector<16xf32>
        %gt3A_1533 = arith.cmpf ogt, %add3A_1530, %gt3A_1532 : vector<16xf32>
        %lt3A_1534 = arith.constant 1.000000e+02 : f32
        %lt3A_1535 = vector.broadcast %lt3A_1534 : f32 to vector<16xf32>
        %lt3A_1536 = arith.cmpf olt, %add3A_1530, %lt3A_1535 : vector<16xf32>
        %and3A_1537 = arith.andi %gt3A_1533, %lt3A_1536 : vector<16xi1>
        %jit3A_1538 = arith.constant 5.000000e-01 : f32
        %jit3A_1539 = arith.constant 0.000000e+00 : f32
        %broadcast_in_dim3A_1540 = vector.broadcast %jit3A_1538 : f32 to vector<16xf32>
        %broadcast_in_dim3A_1541 = vector.broadcast %jit3A_1539 : f32 to vector<16xf32>
        %select_n3A_1542 = arith.select %and3A_1537, %broadcast_in_dim3A_1540, %broadcast_in_dim3A_1541 : vector<16xi1>, vector<16xf32>
        %jit3A_1543 = arith.constant 0.000000e+00 : f32
        %jit3A_1544 = arith.constant 9.900000e+01 : f32
        %max3A_1545 = vector.broadcast %jit3A_1543 : f32 to vector<16xf32>
        %max3A_1546 = arith.maximumf %max3A_1545, %add3A_1530 : vector<16xf32>
        %min3A_1547 = vector.broadcast %jit3A_1544 : f32 to vector<16xf32>
        %min3A_1548 = arith.minimumf %min3A_1547, %max3A_1546 : vector<16xf32>
        %convert_element_type3A_1549 = arith.fptosi %min3A_1548 : vector<16xf32> to vector<16xi32>
        %convert_element_type3A_1550 = arith.sitofp %convert_element_type3A_1549 : vector<16xi32> to vector<16xf32>
        %sub3A_1551 = arith.subf %min3A_1548, %convert_element_type3A_1550 : vector<16xf32>
        %sub3A_1552 = arith.constant 1.000000e+00 : f32
        %sub3A_1553 = vector.broadcast %sub3A_1552 : f32 to vector<16xf32>
        %sub3A_1554 = arith.subf %sub3A_1553, %sub3A_1551 : vector<16xf32>
        %mul3A_1555 = arith.mulf %sub3A_1554, %select_n3A_1542 : vector<16xf32>
        %mul3A_1556 = arith.mulf %sub3A_1551, %select_n3A_1542 : vector<16xf32>
        %mul3A_1557 = arith.constant 152 : i32
        %mul3A_1558 = vector.broadcast %mul3A_1557 : i32 to vector<16xi32>
        %mul3A_1559 = arith.muli %convert_element_type3A_1549, %mul3A_1558 : vector<16xi32>
        %add3A_1560 = arith.constant 1 : i32
        %add3A_1561 = vector.broadcast %add3A_1560 : i32 to vector<16xi32>
        %add3A_1562 = arith.addi %convert_element_type3A_1549, %add3A_1561 : vector<16xi32>
        %min3A_1563 = arith.constant 99 : i32
        %min3A_1564 = vector.broadcast %min3A_1563 : i32 to vector<16xi32>
        %min3A_1565 = arith.minsi %add3A_1562, %min3A_1564 : vector<16xi32>
        %mul3A_1566 = arith.constant 152 : i32
        %mul3A_1567 = vector.broadcast %mul3A_1566 : i32 to vector<16xi32>
        %mul3A_1568 = arith.muli %min3A_1565, %mul3A_1567 : vector<16xi32>
        %add3A_1569 = arith.constant 7.500000e-01 : f32
        %add3A_1570 = vector.broadcast %add3A_1569 : f32 to vector<16xf32>
        %add3A_1571 = arith.addf %convert_element_type3A_1524, %add3A_1570 : vector<16xf32>
        %mul3A_1572 = arith.mulf %add3A_1571, %mul3A_1520 : vector<16xf32>
        %add3A_1573 = arith.addf %sub3A_1486, %mul3A_1572 : vector<16xf32>
        %gt3A_1574 = arith.constant -1.000000e+00 : f32
        %gt3A_1575 = vector.broadcast %gt3A_1574 : f32 to vector<16xf32>
        %gt3A_1576 = arith.cmpf ogt, %add3A_1573, %gt3A_1575 : vector<16xf32>
        %lt3A_1577 = arith.constant 1.000000e+02 : f32
        %lt3A_1578 = vector.broadcast %lt3A_1577 : f32 to vector<16xf32>
        %lt3A_1579 = arith.cmpf olt, %add3A_1573, %lt3A_1578 : vector<16xf32>
        %and3A_1580 = arith.andi %gt3A_1576, %lt3A_1579 : vector<16xi1>
        %jit3A_1581 = arith.constant 5.000000e-01 : f32
        %jit3A_1582 = arith.constant 0.000000e+00 : f32
        %broadcast_in_dim3A_1583 = vector.broadcast %jit3A_1581 : f32 to vector<16xf32>
        %broadcast_in_dim3A_1584 = vector.broadcast %jit3A_1582 : f32 to vector<16xf32>
        %select_n3A_1585 = arith.select %and3A_1580, %broadcast_in_dim3A_1583, %broadcast_in_dim3A_1584 : vector<16xi1>, vector<16xf32>
        %jit3A_1586 = arith.constant 0.000000e+00 : f32
        %jit3A_1587 = arith.constant 9.900000e+01 : f32
        %max3A_1588 = vector.broadcast %jit3A_1586 : f32 to vector<16xf32>
        %max3A_1589 = arith.maximumf %max3A_1588, %add3A_1573 : vector<16xf32>
        %min3A_1590 = vector.broadcast %jit3A_1587 : f32 to vector<16xf32>
        %min3A_1591 = arith.minimumf %min3A_1590, %max3A_1589 : vector<16xf32>
        %convert_element_type3A_1592 = arith.fptosi %min3A_1591 : vector<16xf32> to vector<16xi32>
        %convert_element_type3A_1593 = arith.sitofp %convert_element_type3A_1592 : vector<16xi32> to vector<16xf32>
        %sub3A_1594 = arith.subf %min3A_1591, %convert_element_type3A_1593 : vector<16xf32>
        %sub3A_1595 = arith.constant 1.000000e+00 : f32
        %sub3A_1596 = vector.broadcast %sub3A_1595 : f32 to vector<16xf32>
        %sub3A_1597 = arith.subf %sub3A_1596, %sub3A_1594 : vector<16xf32>
        %mul3A_1598 = arith.mulf %sub3A_1597, %select_n3A_1585 : vector<16xf32>
        %mul3A_1599 = arith.mulf %sub3A_1594, %select_n3A_1585 : vector<16xf32>
        %mul3A_1600 = arith.constant 152 : i32
        %mul3A_1601 = vector.broadcast %mul3A_1600 : i32 to vector<16xi32>
        %mul3A_1602 = arith.muli %convert_element_type3A_1592, %mul3A_1601 : vector<16xi32>
        %add3A_1603 = arith.constant 1 : i32
        %add3A_1604 = vector.broadcast %add3A_1603 : i32 to vector<16xi32>
        %add3A_1605 = arith.addi %convert_element_type3A_1592, %add3A_1604 : vector<16xi32>
        %min3A_1606 = arith.constant 99 : i32
        %min3A_1607 = vector.broadcast %min3A_1606 : i32 to vector<16xi32>
        %min3A_1608 = arith.minsi %add3A_1605, %min3A_1607 : vector<16xi32>
        %mul3A_1609 = arith.constant 152 : i32
        %mul3A_1610 = vector.broadcast %mul3A_1609 : i32 to vector<16xi32>
        %mul3A_1611 = arith.muli %min3A_1608, %mul3A_1610 : vector<16xi32>
        %add3A_1612 = arith.constant 2.500000e-01 : f32
        %add3A_1613 = vector.broadcast %add3A_1612 : f32 to vector<16xf32>
        %add3A_1614 = arith.addf %convert_element_type3A_1525, %add3A_1613 : vector<16xf32>
        %mul3A_1615 = arith.mulf %add3A_1614, %mul3A_1513 : vector<16xf32>
        %add3A_1616 = arith.addf %sub3A_1476, %mul3A_1615 : vector<16xf32>
        %gt3A_1617 = arith.constant -1.000000e+00 : f32
        %gt3A_1618 = vector.broadcast %gt3A_1617 : f32 to vector<16xf32>
        %gt3A_1619 = arith.cmpf ogt, %add3A_1616, %gt3A_1618 : vector<16xf32>
        %lt3A_1620 = arith.constant 1.520000e+02 : f32
        %lt3A_1621 = vector.broadcast %lt3A_1620 : f32 to vector<16xf32>
        %lt3A_1622 = arith.cmpf olt, %add3A_1616, %lt3A_1621 : vector<16xf32>
        %and3A_1623 = arith.andi %gt3A_1619, %lt3A_1622 : vector<16xi1>
        %jit3A_1624 = arith.constant 5.000000e-01 : f32
        %jit3A_1625 = arith.constant 0.000000e+00 : f32
        %broadcast_in_dim3A_1626 = vector.broadcast %jit3A_1624 : f32 to vector<16xf32>
        %broadcast_in_dim3A_1627 = vector.broadcast %jit3A_1625 : f32 to vector<16xf32>
        %select_n3A_1628 = arith.select %and3A_1623, %broadcast_in_dim3A_1626, %broadcast_in_dim3A_1627 : vector<16xi1>, vector<16xf32>
        %jit3A_1629 = arith.constant 0.000000e+00 : f32
        %jit3A_1630 = arith.constant 1.510000e+02 : f32
        %max3A_1631 = vector.broadcast %jit3A_1629 : f32 to vector<16xf32>
        %max3A_1632 = arith.maximumf %max3A_1631, %add3A_1616 : vector<16xf32>
        %min3A_1633 = vector.broadcast %jit3A_1630 : f32 to vector<16xf32>
        %min3A_1634 = arith.minimumf %min3A_1633, %max3A_1632 : vector<16xf32>
        %convert_element_type3A_1635 = arith.fptosi %min3A_1634 : vector<16xf32> to vector<16xi32>
        %convert_element_type3A_1636 = arith.sitofp %convert_element_type3A_1635 : vector<16xi32> to vector<16xf32>
        %sub3A_1637 = arith.subf %min3A_1634, %convert_element_type3A_1636 : vector<16xf32>
        %sub3A_1638 = arith.constant 1.000000e+00 : f32
        %sub3A_1639 = vector.broadcast %sub3A_1638 : f32 to vector<16xf32>
        %sub3A_1640 = arith.subf %sub3A_1639, %sub3A_1637 : vector<16xf32>
        %mul3A_1641 = arith.mulf %sub3A_1640, %select_n3A_1628 : vector<16xf32>
        %mul3A_1642 = arith.mulf %sub3A_1637, %select_n3A_1628 : vector<16xf32>
        %add3A_1643 = arith.constant 1 : i32
        %add3A_1644 = vector.broadcast %add3A_1643 : i32 to vector<16xi32>
        %add3A_1645 = arith.addi %convert_element_type3A_1635, %add3A_1644 : vector<16xi32>
        %min3A_1646 = arith.constant 151 : i32
        %min3A_1647 = vector.broadcast %min3A_1646 : i32 to vector<16xi32>
        %min3A_1648 = arith.minsi %add3A_1645, %min3A_1647 : vector<16xi32>
        %add3A_1649 = arith.constant 7.500000e-01 : f32
        %add3A_1650 = vector.broadcast %add3A_1649 : f32 to vector<16xf32>
        %add3A_1651 = arith.addf %convert_element_type3A_1525, %add3A_1650 : vector<16xf32>
        %mul3A_1652 = arith.mulf %add3A_1651, %mul3A_1513 : vector<16xf32>
        %add3A_1653 = arith.addf %sub3A_1476, %mul3A_1652 : vector<16xf32>
        %gt3A_1654 = arith.constant -1.000000e+00 : f32
        %gt3A_1655 = vector.broadcast %gt3A_1654 : f32 to vector<16xf32>
        %gt3A_1656 = arith.cmpf ogt, %add3A_1653, %gt3A_1655 : vector<16xf32>
        %lt3A_1657 = arith.constant 1.520000e+02 : f32
        %lt3A_1658 = vector.broadcast %lt3A_1657 : f32 to vector<16xf32>
        %lt3A_1659 = arith.cmpf olt, %add3A_1653, %lt3A_1658 : vector<16xf32>
        %and3A_1660 = arith.andi %gt3A_1656, %lt3A_1659 : vector<16xi1>
        %jit3A_1661 = arith.constant 5.000000e-01 : f32
        %jit3A_1662 = arith.constant 0.000000e+00 : f32
        %broadcast_in_dim3A_1663 = vector.broadcast %jit3A_1661 : f32 to vector<16xf32>
        %broadcast_in_dim3A_1664 = vector.broadcast %jit3A_1662 : f32 to vector<16xf32>
        %select_n3A_1665 = arith.select %and3A_1660, %broadcast_in_dim3A_1663, %broadcast_in_dim3A_1664 : vector<16xi1>, vector<16xf32>
        %jit3A_1666 = arith.constant 0.000000e+00 : f32
        %jit3A_1667 = arith.constant 1.510000e+02 : f32
        %max3A_1668 = vector.broadcast %jit3A_1666 : f32 to vector<16xf32>
        %max3A_1669 = arith.maximumf %max3A_1668, %add3A_1653 : vector<16xf32>
        %min3A_1670 = vector.broadcast %jit3A_1667 : f32 to vector<16xf32>
        %min3A_1671 = arith.minimumf %min3A_1670, %max3A_1669 : vector<16xf32>
        %convert_element_type3A_1672 = arith.fptosi %min3A_1671 : vector<16xf32> to vector<16xi32>
        %convert_element_type3A_1673 = arith.sitofp %convert_element_type3A_1672 : vector<16xi32> to vector<16xf32>
        %sub3A_1674 = arith.subf %min3A_1671, %convert_element_type3A_1673 : vector<16xf32>
        %sub3A_1675 = arith.constant 1.000000e+00 : f32
        %sub3A_1676 = vector.broadcast %sub3A_1675 : f32 to vector<16xf32>
        %sub3A_1677 = arith.subf %sub3A_1676, %sub3A_1674 : vector<16xf32>
        %mul3A_1678 = arith.mulf %sub3A_1677, %select_n3A_1665 : vector<16xf32>
        %mul3A_1679 = arith.mulf %sub3A_1674, %select_n3A_1665 : vector<16xf32>
        %add3A_1680 = arith.constant 1 : i32
        %add3A_1681 = vector.broadcast %add3A_1680 : i32 to vector<16xi32>
        %add3A_1682 = arith.addi %convert_element_type3A_1672, %add3A_1681 : vector<16xi32>
        %min3A_1683 = arith.constant 151 : i32
        %min3A_1684 = vector.broadcast %min3A_1683 : i32 to vector<16xi32>
        %min3A_1685 = arith.minsi %add3A_1682, %min3A_1684 : vector<16xi32>
        %add3A_1686 = arith.addi %mul3A_1523, %mul3A_1559 : vector<16xi32>
        %add3A_1687 = arith.addi %add3A_1686, %convert_element_type3A_1635 : vector<16xi32>
        %add3A_1688 = arith.constant 0 : i32
        %add3A_1689 = arith.addi %mul3A_1434, %add3A_1688 : i32
        %swap3A_1690 = arith.index_cast %add3A_1689 : i32 to index
        %swap3A_1691 = tpu.vector_load %arg6[%swap3A_1690] {strides = array<i32>} : memref<1024xi32, #tpu.memory_space<vmem>>, vector<16xi32>,
        tpu.vector_store %arg6[%swap3A_1690], %add3A_1687 {strides = array<i32>} : memref<1024xi32, #tpu.memory_space<vmem>>, vector<16xi32>,
        %mul3A_1692 = arith.mulf %mul3A_1555, %mul3A_1641 : vector<16xf32>
        %add3A_1693 = arith.constant 0 : i32
        %add3A_1694 = arith.addi %mul3A_1434, %add3A_1693 : i32
        %swap3A_1695 = arith.index_cast %add3A_1694 : i32 to index
        %swap3A_1696 = tpu.vector_load %arg7[%swap3A_1695] {strides = array<i32>} : memref<1024xf32, #tpu.memory_space<vmem>>, vector<16xf32>,
        tpu.vector_store %arg7[%swap3A_1695], %mul3A_1692 {strides = array<i32>} : memref<1024xf32, #tpu.memory_space<vmem>>, vector<16xf32>,
        %add3A_1697 = arith.addi %mul3A_1523, %mul3A_1559 : vector<16xi32>
        %add3A_1698 = arith.addi %add3A_1697, %min3A_1648 : vector<16xi32>
        %add3A_1699 = arith.constant 16 : i32
        %add3A_1700 = arith.addi %mul3A_1434, %add3A_1699 : i32
        %swap3A_1701 = arith.index_cast %add3A_1700 : i32 to index
        %swap3A_1702 = tpu.vector_load %arg6[%swap3A_1701] {strides = array<i32>} : memref<1024xi32, #tpu.memory_space<vmem>>, vector<16xi32>,
        tpu.vector_store %arg6[%swap3A_1701], %add3A_1698 {strides = array<i32>} : memref<1024xi32, #tpu.memory_space<vmem>>, vector<16xi32>,
        %mul3A_1703 = arith.mulf %mul3A_1555, %mul3A_1642 : vector<16xf32>
        %add3A_1704 = arith.constant 16 : i32
        %add3A_1705 = arith.addi %mul3A_1434, %add3A_1704 : i32
        %swap3A_1706 = arith.index_cast %add3A_1705 : i32 to index
        %swap3A_1707 = tpu.vector_load %arg7[%swap3A_1706] {strides = array<i32>} : memref<1024xf32, #tpu.memory_space<vmem>>, vector<16xf32>,
        tpu.vector_store %arg7[%swap3A_1706], %mul3A_1703 {strides = array<i32>} : memref<1024xf32, #tpu.memory_space<vmem>>, vector<16xf32>,
        %add3A_1708 = arith.addi %mul3A_1523, %mul3A_1568 : vector<16xi32>
        %add3A_1709 = arith.addi %add3A_1708, %convert_element_type3A_1635 : vector<16xi32>
        %add3A_1710 = arith.constant 32 : i32
        %add3A_1711 = arith.addi %mul3A_1434, %add3A_1710 : i32
        %swap3A_1712 = arith.index_cast %add3A_1711 : i32 to index
        %swap3A_1713 = tpu.vector_load %arg6[%swap3A_1712] {strides = array<i32>} : memref<1024xi32, #tpu.memory_space<vmem>>, vector<16xi32>,
        tpu.vector_store %arg6[%swap3A_1712], %add3A_1709 {strides = array<i32>} : memref<1024xi32, #tpu.memory_space<vmem>>, vector<16xi32>,
        %mul3A_1714 = arith.mulf %mul3A_1556, %mul3A_1641 : vector<16xf32>
        %add3A_1715 = arith.constant 32 : i32
        %add3A_1716 = arith.addi %mul3A_1434, %add3A_1715 : i32
        %swap3A_1717 = arith.index_cast %add3A_1716 : i32 to index
        %swap3A_1718 = tpu.vector_load %arg7[%swap3A_1717] {strides = array<i32>} : memref<1024xf32, #tpu.memory_space<vmem>>, vector<16xf32>,
        tpu.vector_store %arg7[%swap3A_1717], %mul3A_1714 {strides = array<i32>} : memref<1024xf32, #tpu.memory_space<vmem>>, vector<16xf32>,
        %add3A_1719 = arith.addi %mul3A_1523, %mul3A_1568 : vector<16xi32>
        %add3A_1720 = arith.addi %add3A_1719, %min3A_1648 : vector<16xi32>
        %add3A_1721 = arith.constant 48 : i32
        %add3A_1722 = arith.addi %mul3A_1434, %add3A_1721 : i32
        %swap3A_1723 = arith.index_cast %add3A_1722 : i32 to index
        %swap3A_1724 = tpu.vector_load %arg6[%swap3A_1723] {strides = array<i32>} : memref<1024xi32, #tpu.memory_space<vmem>>, vector<16xi32>,
        tpu.vector_store %arg6[%swap3A_1723], %add3A_1720 {strides = array<i32>} : memref<1024xi32, #tpu.memory_space<vmem>>, vector<16xi32>,
        %mul3A_1725 = arith.mulf %mul3A_1556, %mul3A_1642 : vector<16xf32>
        %add3A_1726 = arith.constant 48 : i32
        %add3A_1727 = arith.addi %mul3A_1434, %add3A_1726 : i32
        %swap3A_1728 = arith.index_cast %add3A_1727 : i32 to index
        %swap3A_1729 = tpu.vector_load %arg7[%swap3A_1728] {strides = array<i32>} : memref<1024xf32, #tpu.memory_space<vmem>>, vector<16xf32>,
        tpu.vector_store %arg7[%swap3A_1728], %mul3A_1725 {strides = array<i32>} : memref<1024xf32, #tpu.memory_space<vmem>>, vector<16xf32>,
        %add3A_1730 = arith.addi %mul3A_1523, %mul3A_1559 : vector<16xi32>
        %add3A_1731 = arith.addi %add3A_1730, %convert_element_type3A_1672 : vector<16xi32>
        %add3A_1732 = arith.constant 64 : i32
        %add3A_1733 = arith.addi %mul3A_1434, %add3A_1732 : i32
        %swap3A_1734 = arith.index_cast %add3A_1733 : i32 to index
        %swap3A_1735 = tpu.vector_load %arg6[%swap3A_1734] {strides = array<i32>} : memref<1024xi32, #tpu.memory_space<vmem>>, vector<16xi32>,
        tpu.vector_store %arg6[%swap3A_1734], %add3A_1731 {strides = array<i32>} : memref<1024xi32, #tpu.memory_space<vmem>>, vector<16xi32>,
        %mul3A_1736 = arith.mulf %mul3A_1555, %mul3A_1678 : vector<16xf32>
        %add3A_1737 = arith.constant 64 : i32
        %add3A_1738 = arith.addi %mul3A_1434, %add3A_1737 : i32
        %swap3A_1739 = arith.index_cast %add3A_1738 : i32 to index
        %swap3A_1740 = tpu.vector_load %arg7[%swap3A_1739] {strides = array<i32>} : memref<1024xf32, #tpu.memory_space<vmem>>, vector<16xf32>,
        tpu.vector_store %arg7[%swap3A_1739], %mul3A_1736 {strides = array<i32>} : memref<1024xf32, #tpu.memory_space<vmem>>, vector<16xf32>,
        %add3A_1741 = arith.addi %mul3A_1523, %mul3A_1559 : vector<16xi32>
        %add3A_1742 = arith.addi %add3A_1741, %min3A_1685 : vector<16xi32>
        %add3A_1743 = arith.constant 80 : i32
        %add3A_1744 = arith.addi %mul3A_1434, %add3A_1743 : i32
        %swap3A_1745 = arith.index_cast %add3A_1744 : i32 to index
        %swap3A_1746 = tpu.vector_load %arg6[%swap3A_1745] {strides = array<i32>} : memref<1024xi32, #tpu.memory_space<vmem>>, vector<16xi32>,
        tpu.vector_store %arg6[%swap3A_1745], %add3A_1742 {strides = array<i32>} : memref<1024xi32, #tpu.memory_space<vmem>>, vector<16xi32>,
        %mul3A_1747 = arith.mulf %mul3A_1555, %mul3A_1679 : vector<16xf32>
        %add3A_1748 = arith.constant 80 : i32
        %add3A_1749 = arith.addi %mul3A_1434, %add3A_1748 : i32
        %swap3A_1750 = arith.index_cast %add3A_1749 : i32 to index
        %swap3A_1751 = tpu.vector_load %arg7[%swap3A_1750] {strides = array<i32>} : memref<1024xf32, #tpu.memory_space<vmem>>, vector<16xf32>,
        tpu.vector_store %arg7[%swap3A_1750], %mul3A_1747 {strides = array<i32>} : memref<1024xf32, #tpu.memory_space<vmem>>, vector<16xf32>,
        %add3A_1752 = arith.addi %mul3A_1523, %mul3A_1568 : vector<16xi32>
        %add3A_1753 = arith.addi %add3A_1752, %convert_element_type3A_1672 : vector<16xi32>
        %add3A_1754 = arith.constant 96 : i32
        %add3A_1755 = arith.addi %mul3A_1434, %add3A_1754 : i32
        %swap3A_1756 = arith.index_cast %add3A_1755 : i32 to index
        %swap3A_1757 = tpu.vector_load %arg6[%swap3A_1756] {strides = array<i32>} : memref<1024xi32, #tpu.memory_space<vmem>>, vector<16xi32>,
        tpu.vector_store %arg6[%swap3A_1756], %add3A_1753 {strides = array<i32>} : memref<1024xi32, #tpu.memory_space<vmem>>, vector<16xi32>,
        %mul3A_1758 = arith.mulf %mul3A_1556, %mul3A_1678 : vector<16xf32>
        %add3A_1759 = arith.constant 96 : i32
        %add3A_1760 = arith.addi %mul3A_1434, %add3A_1759 : i32
        %swap3A_1761 = arith.index_cast %add3A_1760 : i32 to index
        %swap3A_1762 = tpu.vector_load %arg7[%swap3A_1761] {strides = array<i32>} : memref<1024xf32, #tpu.memory_space<vmem>>, vector<16xf32>,
        tpu.vector_store %arg7[%swap3A_1761], %mul3A_1758 {strides = array<i32>} : memref<1024xf32, #tpu.memory_space<vmem>>, vector<16xf32>,
        %add3A_1763 = arith.addi %mul3A_1523, %mul3A_1568 : vector<16xi32>
        %add3A_1764 = arith.addi %add3A_1763, %min3A_1685 : vector<16xi32>
        %add3A_1765 = arith.constant 112 : i32
        %add3A_1766 = arith.addi %mul3A_1434, %add3A_1765 : i32
        %swap3A_1767 = arith.index_cast %add3A_1766 : i32 to index
        %swap3A_1768 = tpu.vector_load %arg6[%swap3A_1767] {strides = array<i32>} : memref<1024xi32, #tpu.memory_space<vmem>>, vector<16xi32>,
        tpu.vector_store %arg6[%swap3A_1767], %add3A_1764 {strides = array<i32>} : memref<1024xi32, #tpu.memory_space<vmem>>, vector<16xi32>,
        %mul3A_1769 = arith.mulf %mul3A_1556, %mul3A_1679 : vector<16xf32>
        %add3A_1770 = arith.constant 112 : i32
        %add3A_1771 = arith.addi %mul3A_1434, %add3A_1770 : i32
        %swap3A_1772 = arith.index_cast %add3A_1771 : i32 to index
        %swap3A_1773 = tpu.vector_load %arg7[%swap3A_1772] {strides = array<i32>} : memref<1024xf32, #tpu.memory_space<vmem>>, vector<16xf32>,
        tpu.vector_store %arg7[%swap3A_1772], %mul3A_1769 {strides = array<i32>} : memref<1024xf32, #tpu.memory_space<vmem>>, vector<16xf32>,
        %add3A_1774 = arith.addi %mul3A_1523, %mul3A_1602 : vector<16xi32>
        %add3A_1775 = arith.addi %add3A_1774, %convert_element_type3A_1635 : vector<16xi32>
        %add3A_1776 = arith.constant 128 : i32
        %add3A_1777 = arith.addi %mul3A_1434, %add3A_1776 : i32
        %swap3A_1778 = arith.index_cast %add3A_1777 : i32 to index
        %swap3A_1779 = tpu.vector_load %arg6[%swap3A_1778] {strides = array<i32>} : memref<1024xi32, #tpu.memory_space<vmem>>, vector<16xi32>,
        tpu.vector_store %arg6[%swap3A_1778], %add3A_1775 {strides = array<i32>} : memref<1024xi32, #tpu.memory_space<vmem>>, vector<16xi32>,
        %mul3A_1780 = arith.mulf %mul3A_1598, %mul3A_1641 : vector<16xf32>
        %add3A_1781 = arith.constant 128 : i32
        %add3A_1782 = arith.addi %mul3A_1434, %add3A_1781 : i32
        %swap3A_1783 = arith.index_cast %add3A_1782 : i32 to index
        %swap3A_1784 = tpu.vector_load %arg7[%swap3A_1783] {strides = array<i32>} : memref<1024xf32, #tpu.memory_space<vmem>>, vector<16xf32>,
        tpu.vector_store %arg7[%swap3A_1783], %mul3A_1780 {strides = array<i32>} : memref<1024xf32, #tpu.memory_space<vmem>>, vector<16xf32>,
        %add3A_1785 = arith.addi %mul3A_1523, %mul3A_1602 : vector<16xi32>
        %add3A_1786 = arith.addi %add3A_1785, %min3A_1648 : vector<16xi32>
        %add3A_1787 = arith.constant 144 : i32
        %add3A_1788 = arith.addi %mul3A_1434, %add3A_1787 : i32
        %swap3A_1789 = arith.index_cast %add3A_1788 : i32 to index
        %swap3A_1790 = tpu.vector_load %arg6[%swap3A_1789] {strides = array<i32>} : memref<1024xi32, #tpu.memory_space<vmem>>, vector<16xi32>,
        tpu.vector_store %arg6[%swap3A_1789], %add3A_1786 {strides = array<i32>} : memref<1024xi32, #tpu.memory_space<vmem>>, vector<16xi32>,
        %mul3A_1791 = arith.mulf %mul3A_1598, %mul3A_1642 : vector<16xf32>
        %add3A_1792 = arith.constant 144 : i32
        %add3A_1793 = arith.addi %mul3A_1434, %add3A_1792 : i32
        %swap3A_1794 = arith.index_cast %add3A_1793 : i32 to index
        %swap3A_1795 = tpu.vector_load %arg7[%swap3A_1794] {strides = array<i32>} : memref<1024xf32, #tpu.memory_space<vmem>>, vector<16xf32>,
        tpu.vector_store %arg7[%swap3A_1794], %mul3A_1791 {strides = array<i32>} : memref<1024xf32, #tpu.memory_space<vmem>>, vector<16xf32>,
        %add3A_1796 = arith.addi %mul3A_1523, %mul3A_1611 : vector<16xi32>
        %add3A_1797 = arith.addi %add3A_1796, %convert_element_type3A_1635 : vector<16xi32>
        %add3A_1798 = arith.constant 160 : i32
        %add3A_1799 = arith.addi %mul3A_1434, %add3A_1798 : i32
        %swap3A_1800 = arith.index_cast %add3A_1799 : i32 to index
        %swap3A_1801 = tpu.vector_load %arg6[%swap3A_1800] {strides = array<i32>} : memref<1024xi32, #tpu.memory_space<vmem>>, vector<16xi32>,
        tpu.vector_store %arg6[%swap3A_1800], %add3A_1797 {strides = array<i32>} : memref<1024xi32, #tpu.memory_space<vmem>>, vector<16xi32>,
        %mul3A_1802 = arith.mulf %mul3A_1599, %mul3A_1641 : vector<16xf32>
        %add3A_1803 = arith.constant 160 : i32
        %add3A_1804 = arith.addi %mul3A_1434, %add3A_1803 : i32
        %swap3A_1805 = arith.index_cast %add3A_1804 : i32 to index
        %swap3A_1806 = tpu.vector_load %arg7[%swap3A_1805] {strides = array<i32>} : memref<1024xf32, #tpu.memory_space<vmem>>, vector<16xf32>,
        tpu.vector_store %arg7[%swap3A_1805], %mul3A_1802 {strides = array<i32>} : memref<1024xf32, #tpu.memory_space<vmem>>, vector<16xf32>,
        %add3A_1807 = arith.addi %mul3A_1523, %mul3A_1611 : vector<16xi32>
        %add3A_1808 = arith.addi %add3A_1807, %min3A_1648 : vector<16xi32>
        %add3A_1809 = arith.constant 176 : i32
        %add3A_1810 = arith.addi %mul3A_1434, %add3A_1809 : i32
        %swap3A_1811 = arith.index_cast %add3A_1810 : i32 to index
        %swap3A_1812 = tpu.vector_load %arg6[%swap3A_1811] {strides = array<i32>} : memref<1024xi32, #tpu.memory_space<vmem>>, vector<16xi32>,
        tpu.vector_store %arg6[%swap3A_1811], %add3A_1808 {strides = array<i32>} : memref<1024xi32, #tpu.memory_space<vmem>>, vector<16xi32>,
        %mul3A_1813 = arith.mulf %mul3A_1599, %mul3A_1642 : vector<16xf32>
        %add3A_1814 = arith.constant 176 : i32
        %add3A_1815 = arith.addi %mul3A_1434, %add3A_1814 : i32
        %swap3A_1816 = arith.index_cast %add3A_1815 : i32 to index
        %swap3A_1817 = tpu.vector_load %arg7[%swap3A_1816] {strides = array<i32>} : memref<1024xf32, #tpu.memory_space<vmem>>, vector<16xf32>,
        tpu.vector_store %arg7[%swap3A_1816], %mul3A_1813 {strides = array<i32>} : memref<1024xf32, #tpu.memory_space<vmem>>, vector<16xf32>,
        %add3A_1818 = arith.addi %mul3A_1523, %mul3A_1602 : vector<16xi32>
        %add3A_1819 = arith.addi %add3A_1818, %convert_element_type3A_1672 : vector<16xi32>
        %add3A_1820 = arith.constant 192 : i32
        %add3A_1821 = arith.addi %mul3A_1434, %add3A_1820 : i32
        %swap3A_1822 = arith.index_cast %add3A_1821 : i32 to index
        %swap3A_1823 = tpu.vector_load %arg6[%swap3A_1822] {strides = array<i32>} : memref<1024xi32, #tpu.memory_space<vmem>>, vector<16xi32>,
        tpu.vector_store %arg6[%swap3A_1822], %add3A_1819 {strides = array<i32>} : memref<1024xi32, #tpu.memory_space<vmem>>, vector<16xi32>,
        %mul3A_1824 = arith.mulf %mul3A_1598, %mul3A_1678 : vector<16xf32>
        %add3A_1825 = arith.constant 192 : i32
        %add3A_1826 = arith.addi %mul3A_1434, %add3A_1825 : i32
        %swap3A_1827 = arith.index_cast %add3A_1826 : i32 to index
        %swap3A_1828 = tpu.vector_load %arg7[%swap3A_1827] {strides = array<i32>} : memref<1024xf32, #tpu.memory_space<vmem>>, vector<16xf32>,
        tpu.vector_store %arg7[%swap3A_1827], %mul3A_1824 {strides = array<i32>} : memref<1024xf32, #tpu.memory_space<vmem>>, vector<16xf32>,
        %add3A_1829 = arith.addi %mul3A_1523, %mul3A_1602 : vector<16xi32>
        %add3A_1830 = arith.addi %add3A_1829, %min3A_1685 : vector<16xi32>
        %add3A_1831 = arith.constant 208 : i32
        %add3A_1832 = arith.addi %mul3A_1434, %add3A_1831 : i32
        %swap3A_1833 = arith.index_cast %add3A_1832 : i32 to index
        %swap3A_1834 = tpu.vector_load %arg6[%swap3A_1833] {strides = array<i32>} : memref<1024xi32, #tpu.memory_space<vmem>>, vector<16xi32>,
        tpu.vector_store %arg6[%swap3A_1833], %add3A_1830 {strides = array<i32>} : memref<1024xi32, #tpu.memory_space<vmem>>, vector<16xi32>,
        %mul3A_1835 = arith.mulf %mul3A_1598, %mul3A_1679 : vector<16xf32>
        %add3A_1836 = arith.constant 208 : i32
        %add3A_1837 = arith.addi %mul3A_1434, %add3A_1836 : i32
        %swap3A_1838 = arith.index_cast %add3A_1837 : i32 to index
        %swap3A_1839 = tpu.vector_load %arg7[%swap3A_1838] {strides = array<i32>} : memref<1024xf32, #tpu.memory_space<vmem>>, vector<16xf32>,
        tpu.vector_store %arg7[%swap3A_1838], %mul3A_1835 {strides = array<i32>} : memref<1024xf32, #tpu.memory_space<vmem>>, vector<16xf32>,
        %add3A_1840 = arith.addi %mul3A_1523, %mul3A_1611 : vector<16xi32>
        %add3A_1841 = arith.addi %add3A_1840, %convert_element_type3A_1672 : vector<16xi32>
        %add3A_1842 = arith.constant 224 : i32
        %add3A_1843 = arith.addi %mul3A_1434, %add3A_1842 : i32
        %swap3A_1844 = arith.index_cast %add3A_1843 : i32 to index
        %swap3A_1845 = tpu.vector_load %arg6[%swap3A_1844] {strides = array<i32>} : memref<1024xi32, #tpu.memory_space<vmem>>, vector<16xi32>,
        tpu.vector_store %arg6[%swap3A_1844], %add3A_1841 {strides = array<i32>} : memref<1024xi32, #tpu.memory_space<vmem>>, vector<16xi32>,
        %mul3A_1846 = arith.mulf %mul3A_1599, %mul3A_1678 : vector<16xf32>
        %add3A_1847 = arith.constant 224 : i32
        %add3A_1848 = arith.addi %mul3A_1434, %add3A_1847 : i32
        %swap3A_1849 = arith.index_cast %add3A_1848 : i32 to index
        %swap3A_1850 = tpu.vector_load %arg7[%swap3A_1849] {strides = array<i32>} : memref<1024xf32, #tpu.memory_space<vmem>>, vector<16xf32>,
        tpu.vector_store %arg7[%swap3A_1849], %mul3A_1846 {strides = array<i32>} : memref<1024xf32, #tpu.memory_space<vmem>>, vector<16xf32>,
        %add3A_1851 = arith.addi %mul3A_1523, %mul3A_1611 : vector<16xi32>
        %add3A_1852 = arith.addi %add3A_1851, %min3A_1685 : vector<16xi32>
        %add3A_1853 = arith.constant 240 : i32
        %add3A_1854 = arith.addi %mul3A_1434, %add3A_1853 : i32
        %swap3A_1855 = arith.index_cast %add3A_1854 : i32 to index
        %swap3A_1856 = tpu.vector_load %arg6[%swap3A_1855] {strides = array<i32>} : memref<1024xi32, #tpu.memory_space<vmem>>, vector<16xi32>,
        tpu.vector_store %arg6[%swap3A_1855], %add3A_1852 {strides = array<i32>} : memref<1024xi32, #tpu.memory_space<vmem>>, vector<16xi32>,
        %mul3A_1857 = arith.mulf %mul3A_1599, %mul3A_1679 : vector<16xf32>
        %add3A_1858 = arith.constant 240 : i32
        %add3A_1859 = arith.addi %mul3A_1434, %add3A_1858 : i32
        %swap3A_1860 = arith.index_cast %add3A_1859 : i32 to index
        %swap3A_1861 = tpu.vector_load %arg7[%swap3A_1860] {strides = array<i32>} : memref<1024xf32, #tpu.memory_space<vmem>>, vector<16xf32>,
        tpu.vector_store %arg7[%swap3A_1860], %mul3A_1857 {strides = array<i32>} : memref<1024xf32, #tpu.memory_space<vmem>>, vector<16xf32>,
        %dma_start3A_1862 = arith.constant 0 : i32
        %dma_start3A_1863 = tpu.memref_slice %arg8[%mul3A_1438, %dma_start3A_1862] : memref<768x128xi32, #tpu.memory_space<vmem>> -> memref<128x128xi32, #tpu.memory_space<vmem>>
        %dma_start3A_1864 = tpu.memref_slice %arg6[%mul3A_1434] : memref<1024xi32, #tpu.memory_space<vmem>> -> memref<128xi32, #tpu.memory_space<vmem>>
        %dma_start3A_1865 = arith.constant 0 : i32
        %dma_start3A_1866 = arith.constant 0 : i32
        %dma_start3A_1867 = tpu.memref_slice %arg2[%dma_start3A_1865, %dma_start3A_1866] : memref<30400x128xi32, #tpu.memory_space<hbm>> -> memref<30400x128xi32, #tpu.memory_space<hbm>>
        tpu.enqueue_indirect_dma source(%dma_start3A_1867 : memref<30400x128xi32, #tpu.memory_space<hbm>>) target(%dma_start3A_1863 : memref<128x128xi32, #tpu.memory_space<vmem>>) offsets(%dma_start3A_1864 : memref<128xi32, #tpu.memory_space<vmem>>) semaphore(%arg11 : memref<!tpu.dma_semaphore, #tpu.memory_space<semaphore_mem>>)
        %add3A_1868 = arith.constant 128 : i32
        %add3A_1869 = arith.addi %mul3A_1434, %add3A_1868 : i32
        %add3A_1870 = arith.constant 128 : i32
        %add3A_1871 = arith.addi %mul3A_1438, %add3A_1870 : i32
        %dma_start3A_1872 = arith.constant 0 : i32
        %dma_start3A_1873 = tpu.memref_slice %arg8[%add3A_1871, %dma_start3A_1872] : memref<768x128xi32, #tpu.memory_space<vmem>> -> memref<128x128xi32, #tpu.memory_space<vmem>>
        %dma_start3A_1874 = tpu.memref_slice %arg6[%add3A_1869] : memref<1024xi32, #tpu.memory_space<vmem>> -> memref<128xi32, #tpu.memory_space<vmem>>
        %dma_start3A_1875 = arith.constant 0 : i32
        %dma_start3A_1876 = arith.constant 0 : i32
        %dma_start3A_1877 = tpu.memref_slice %arg2[%dma_start3A_1875, %dma_start3A_1876] : memref<30400x128xi32, #tpu.memory_space<hbm>> -> memref<30400x128xi32, #tpu.memory_space<hbm>>
        tpu.enqueue_indirect_dma source(%dma_start3A_1877 : memref<30400x128xi32, #tpu.memory_space<hbm>>) target(%dma_start3A_1873 : memref<128x128xi32, #tpu.memory_space<vmem>>) offsets(%dma_start3A_1874 : memref<128xi32, #tpu.memory_space<vmem>>) semaphore(%arg11 : memref<!tpu.dma_semaphore, #tpu.memory_space<semaphore_mem>>)
      } else {
      }
      %scan3A_1428 = arith.constant 0 : i32
      scf.yield %scan3A_1428 : i32
    }
    %scan3A_1334 = arith.constant 49 : i32
    %dma_wait3A = arith.constant 0 : i32
    %dma_wait3A_1335 = arith.constant 0 : i32
    %dma_wait3A_1336 = tpu.memref_slice %arg9[%dma_wait3A, %dma_wait3A_1335] : memref<32x256xf32, #tpu.memory_space<vmem>> -> memref<16x256xf32, #tpu.memory_space<vmem>>
    %dma_wait3A_1337 = arith.constant 0 : i32
    %dma_wait3A_1338 = arith.constant 0 : i32
    %dma_wait3A_1339 = tpu.memref_slice %arg4[%dma_wait3A_1337, %dma_wait3A_1338] : memref<25088x256xf32, #tpu.memory_space<hbm>> -> memref<16x256xf32, #tpu.memory_space<hbm>>
    %dma_wait3A_1340 = arith.constant 0 : i32
    %dma_wait3A_1341 = arith.constant 0 : i32
    %dma_wait3A_1342 = tpu.memref_slice %arg9[%dma_wait3A_1340, %dma_wait3A_1341] : memref<32x256xf32, #tpu.memory_space<vmem>> -> memref<16x256xf32, #tpu.memory_space<vmem>>
    %dma_wait3A_1343 = arith.constant 0 : i32
    %dma_wait3A_1344 = arith.constant 0 : i32
    %dma_wait3A_1345 = tpu.memref_slice %arg4[%dma_wait3A_1343, %dma_wait3A_1344] : memref<25088x256xf32, #tpu.memory_space<hbm>> -> memref<16x256xf32, #tpu.memory_space<hbm>>
    tpu.wait_dma2 semaphore(%arg12 : memref<!tpu.dma_semaphore, #tpu.memory_space<semaphore_mem>>) src(%dma_wait3A_1345 : memref<16x256xf32, #tpu.memory_space<hbm>>) dst(%dma_wait3A_1342 : memref<16x256xf32, #tpu.memory_space<vmem>>)
    %dma_wait3A_1346 = arith.constant 0 : i32
    %dma_wait3A_1347 = arith.constant 0 : i32
    %dma_wait3A_1348 = tpu.memref_slice %arg9[%dma_wait3A_1346, %dma_wait3A_1347] : memref<32x256xf32, #tpu.memory_space<vmem>> -> memref<16x256xf32, #tpu.memory_space<vmem>>
    %dma_wait3A_1349 = arith.constant 0 : i32
    %dma_wait3A_1350 = arith.constant 0 : i32
    %dma_wait3A_1351 = tpu.memref_slice %arg4[%dma_wait3A_1349, %dma_wait3A_1350] : memref<25088x256xf32, #tpu.memory_space<hbm>> -> memref<16x256xf32, #tpu.memory_space<hbm>>
    %dma_wait3A_1352 = arith.constant 0 : i32
    %dma_wait3A_1353 = arith.constant 0 : i32
    %dma_wait3A_1354 = tpu.memref_slice %arg9[%dma_wait3A_1352, %dma_wait3A_1353] : memref<32x256xf32, #tpu.memory_space<vmem>> -> memref<16x256xf32, #tpu.memory_space<vmem>>
    %dma_wait3A_1355 = arith.constant 0 : i32
    %dma_wait3A_1356 = arith.constant 0 : i32
    %dma_wait3A_1357 = tpu.memref_slice %arg4[%dma_wait3A_1355, %dma_wait3A_1356] : memref<25088x256xf32, #tpu.memory_space<hbm>> -> memref<16x256xf32, #tpu.memory_space<hbm>>
    tpu.wait_dma2 semaphore(%arg12 : memref<!tpu.dma_semaphore, #tpu.memory_space<semaphore_mem>>) src(%dma_wait3A_1357 : memref<16x256xf32, #tpu.memory_space<hbm>>) dst(%dma_wait3A_1354 : memref<16x256xf32, #tpu.memory_space<vmem>>)
    return
  }
}

</mosaic_0001>

<sc_bundles>
// kernel: kernel.3.cloned.1.call-start
scs
__scs_entry_jumppad:
0x0: {  	(pc) =	sbr.rel $0x88, $3  }
0x1: {  	(tag) =	ssettag $0x0;
	lr =	simm.s32 $0x1  }
0x2: {  	[smem:$0x3F9F] =	sst lr;
	_ =	strace $0xD0000000  }
0x3: {  	_ = 	snop  }
0x4: {  	_ = 	snop  }
0x5: {  	_ = 	snop  }
0x6: {  	_ = 	snop  }
0x7: {  	_ = 	snop  }
__scs_overlays_trampoline_lowered:
0x8: {  	[smem:$0x3FAE] =	sst s0  }
0x9: {  	[smem:$0x3FAF] =	sst s1  }
0xa: {  	[smem:$0x3FB0] =	sst s2  }
0xb: {  	[smem:$0x3FB1] =	sst s3  }
0xc: {  	[smem:$0x3FB2] =	sst s4  }
0xd: {  	[smem:$0x3FB3] =	sst s5  }
0xe: {  	[smem:$0x3FB4] =	sst s6  }
0xf: {  	[smem:$0x3FB5] =	sst s7  }
0x10: {  	[smem:$0x3FB6] =	sst s8  }
0x11: {  	[smem:$0x3FB7] =	sst s9;
	s0 =	simm.s32 @!p0 $0x0  }
0x12: {  	s1 =	sld [smem:$0x3F9D];
	s0 =	simm.s32 @p0 $0x1  }
0x13: {  	[smem:$0x3FB8] =	sst s0;
	s0 =	simm.s32 @!p1 $0x0  }
0x14: {  	s2 =	sld [smem:$0x3F9C];
	s0 =	simm.s32 @p1 $0x1  }
0x15: {  	[smem:$0x3FB9] =	sst s0;
	s0 =	simm.s32 @!p2 $0x0  }
0x16: {  	s3 =	sld [smem:$0x3FDB];
	s0 =	simm.s32 @p2 $0x1  }
0x17: {  	s4 =	simm.s32 $0x1BF5;
	[smem:$0x3FBB] =	sst s0  }
0x18: {  	s0 =	sld [smem:$0x3F9E];
	_ =	swait.ge [sflag:s4], $0x0  }
0x19: {  	s7 =	sld [smem:$0x3F9F]  }
0x1a: {  	s8 =	sadd.s32 $0xFFFFE003, lr  }
0x1b: {  	s9 =	sadd.s32 $0xFFFFFEF7, lr;
	s5 =	simm.s32 $0xFFFFFFFF;
	p2 =	slt.u32 s8, $0xFFFFF086  }
0x1c: {  	p1 =	slt.u32 s9, $0xF7A;
	s5 =	simm.s32 @!p2 $0x0  }
0x1d: {  	s5 =	simm.s32 @p1 $0x1;
	p0 =	seq.s32 s7, s2  }
0x1e: {  	s7 =	smul.u32 @!p0 $0xF7A, s2;
	p2 =	seq.s32 @!p0 s5, $0x0  }
0x1f: {  	s9 =	smul.u32 $0xF7A, s1;
	s8 =	simm.s32 @!p0 $0x1BF5;
	p2 =	por !p2, p0  }
0x20: {  	[sflag:s8] =	ssyncset.s32 @!p0 $0xFFFFF086;
	s6 =	sadd.s32 @!p0 s3, s7;
	s7 =	simm.s32 @!p0 $0x108  }
0x21: {  	s3 =	sadd.s32 s3, s9;
	s6 =	sadd.s32 @!p0 $0x88, s6;
	s7 =	simm.s32 @p2 $0x1082  }
0x22: {  	[simem:s7], [sflag:s8] =	dma.local @!p0 [hbm:s6], $0xF7A  }
0x23: {  	s9 =	sor.u32 $0xD0000000, s2;
	s6 =	simm.s32 $0x108;
	_ =	swait.ge @!p0 [sflag:s8], $0x0  }
0x24: {  	s3 =	sadd.s32 $0x88, s3;
	s6 =	simm.s32 @!p1 $0x1082;
	[sflag:s4] =	ssyncset.s32 $0xFFFFF086  }
0x25: {  	[simem:s6], [sflag:s4] =	dma.local [hbm:s3], $0xF7A  }
0x26: {  	[smem:$0x3F9F] =	sst s1;
	(tag) =	ssettag s2;
	_ =	strace s9  }
0x27: {  	s1 =	sld [smem:$0x3FAF]  }
0x28: {  	s2 =	sld [smem:$0x3FB0]  }
0x29: {  	s4 =	sld [smem:$0x3FB2]  }
0x2a: {  	p0 =	seq.s32 s5, $0x0;
	s5 =	sld [smem:$0x3FB3]  }
0x2b: {  	s6 =	sld [smem:$0x3FB4]  }
0x2c: {  	s7 =	sld [smem:$0x3FB5]  }
0x2d: {  	s3 =	simm.s32 $0x108;
	s8 =	sld [smem:$0x3FB6]  }
0x2e: {  	s3 =	simm.s32 @!p0 $0x1082;
	s9 =	sld [smem:$0x3FB7]  }
0x2f: {  	lr =	sadd.s32 s0, s3;
	s0 =	sld [smem:$0x3FAE]  }
0x30: {  	s3 =	sld [smem:$0x3FB1]  }
0x31: {  	[smem:$0x3FBA] =	sst s10  }
0x32: {  	s10 =	sld [smem:$0x3FB8];
	_ =	sdelay $0x3  }
0x33: {  	p0 =	seq.s32 s10, $0x1;
	s10 =	sld [smem:$0x3FBA];
	_ =	sdelay $0x3  }
0x34: {  	[smem:$0x3FBA] =	sst s10  }
0x35: {  	s10 =	sld [smem:$0x3FB9];
	_ =	sdelay $0x3  }
0x36: {  	p1 =	seq.s32 s10, $0x1;
	s10 =	sld [smem:$0x3FBA];
	_ =	sdelay $0x3  }
0x37: {  	[smem:$0x3FBA] =	sst s10  }
0x38: {  	s10 =	sld [smem:$0x3FBB]  }
0x39: {  	_ = 	snop;
	(pc) =	sbr.ind lr, $3  }
0x3a: {  	_ = 	snop  }
0x3b: {  	_ = 	snop  }
0x3c: {  	p2 =	seq.s32 s10, $0x1;
	s10 =	sld [smem:$0x3FBA]  }
0x3d: {  	_ =	shalt  }
0x3e: {  	_ =	shalt  }
0x3f: {  	_ =	shalt  }
0x40: {  	_ =	shalt  }
0x41: {  	_ =	shalt  }
0x42: {  	_ =	shalt  }
0x43: {  	_ =	shalt  }
0x44: {  	_ =	shalt  }
0x45: {  	_ =	shalt  }
0x46: {  	_ =	shalt  }
0x47: {  	_ =	shalt  }
0x48: {  	_ =	shalt  }
0x49: {  	_ =	shalt  }
0x4a: {  	_ =	shalt  }
0x4b: {  	_ =	shalt  }
0x4c: {  	_ =	shalt  }
0x4d: {  	_ =	shalt  }
0x4e: {  	_ =	shalt  }
0x4f: {  	_ =	shalt  }
0x50: {  	_ =	shalt  }
0x51: {  	_ =	shalt  }
0x52: {  	_ =	shalt  }
0x53: {  	_ =	shalt  }
0x54: {  	_ =	shalt  }
0x55: {  	_ =	shalt  }
0x56: {  	_ =	shalt  }
0x57: {  	_ =	shalt  }
0x58: {  	_ =	shalt  }
0x59: {  	_ =	shalt  }
0x5a: {  	_ =	shalt  }
0x5b: {  	_ =	shalt  }
0x5c: {  	_ =	shalt  }
0x5d: {  	_ =	shalt  }
0x5e: {  	_ =	shalt  }
0x5f: {  	_ =	shalt  }
0x60: {  	_ =	shalt  }
0x61: {  	_ =	shalt  }
0x62: {  	_ =	shalt  }
0x63: {  	_ =	shalt  }
0x64: {  	_ =	shalt  }
0x65: {  	_ =	shalt  }
0x66: {  	_ =	shalt  }
0x67: {  	_ =	shalt  }
0x68: {  	_ =	shalt  }
0x69: {  	_ =	shalt  }
0x6a: {  	_ =	shalt  }
0x6b: {  	_ =	shalt  }
0x6c: {  	_ =	shalt  }
0x6d: {  	_ =	shalt  }
0x6e: {  	_ =	shalt  }
0x6f: {  	_ =	shalt  }
0x70: {  	_ =	shalt  }
0x71: {  	_ =	shalt  }
0x72: {  	_ =	shalt  }
0x73: {  	_ =	shalt  }
0x74: {  	_ =	shalt  }
0x75: {  	_ =	shalt  }
0x76: {  	_ =	shalt  }
0x77: {  	_ =	shalt  }
0x78: {  	_ =	shalt  }
0x79: {  	_ =	shalt  }
0x7a: {  	_ =	shalt  }
0x7b: {  	_ =	shalt  }
0x7c: {  	_ =	shalt  }
0x7d: {  	_ =	shalt  }
0x7e: {  	_ =	shalt  }
0x7f: {  	_ =	shalt  }
0x80: {  	_ =	shalt  }
0x81: {  	_ =	shalt  }
0x82: {  	_ =	shalt  }
0x83: {  	_ =	shalt  }
0x84: {  	_ =	shalt  }
0x85: {  	_ =	shalt  }
0x86: {  	_ =	shalt  }
0x87: {  	_ =	shalt  }
.Lfunc_end0:
.L_simem_size_0:
called_computation_lowered:
.L_overlay_start_0:
0x88: {  	s2 =	sld [smem:$0x3FD9]  }
0x89: {  	s3 =	sld [smem:$0x3FFE];
	_ =	sdelay $0x1  }
0x8a: {  	s1 =	srdreg.scid  }
0x8b: {  	s0 =	sand.u32 $0x1, s1  }
0x8c: {  	s17 =	sshll.u32 s0, $0xA;
	s2 =	sadd.s32 s3, s2  }
0x8d: {  	s2 =	sadd.s32 s2, s17  }
0x8e: {  	[smem:$0x3FC6] =	sst s2  }
0x8f: {  	_ = 	snop  }
0x90: {  	s2 =	sld [smem:$0x3FD0];
	(tm) =	ssettm $0x1  }
0x91: {  	s18 =	sld [smem:$0x3FFB];
	_ =	sdelay $0x3  }
0x92: {  	_ =	strace s18  }
0x93: {  	s3 =	sld [smem:$0x3FFC];
	_ =	sdelay $0x3  }
0x94: {  	_ =	strace s3  }
0x95: {  	s3 =	sld [smem:$0x3FFD];
	_ =	sdelay $0x3  }
0x96: {  	_ =	strace s3  }
0x97: {  	_ =	strace $0x8FFFFFFF  }
0x98: {  	s19 =	sld [smem:$0x3FDB];
	_ =	sdelay $0x1  }
0x99: {  	s4 =	simm.s32 $_scs_section_size  }
0x9a: {  	s5 =	simm.s32 $_size__tile_overlayer_lowered;
	s6 =	simm.s32 $_tile_overlayer_lowered  }
0x9b: {  	s22 =	simm.s32 $0x1BFF;
	s21 =	sshll.u32 s6, $0x1;
	s3 =	sadd.s32 s4, s19  }
0x9c: {  	s7 =	simm.s32 $0x0;
	s20 =	sshll.u32 s5, $0x1;
	s5 =	sadd.s32 s21, s3  }
0x9d: {  	[timem:s7], [sflag:s22] =	dma.local [hbm:s5], s20  }
0x9e: {  	_ =	swait.ge [sflag:s22], s20  }
0x9f: {  	s4 =	ssub.s32 $0x0, s20;
	[sflag:s22] =	ssyncset.done $0x0  }
0xa0: {  	[sflag:s22] =	ssyncadd.s32 s4;
	_ =	sdelay $0x1  }
0xa1: {  	s23 =	simm.s32 $0x1B8B  }
0xa2: {  	_ =	swait.ge [sflag:s23], $0x1  }
0xa3: {  	[sflag:s23] =	ssyncset.done $0x0  }
0xa4: {  	s25 =	simm.s32 $0x1B8E;
	s24 =	sld [smem:$0x3FFE];
	[sflag:s23] =	ssyncadd.s32 $0xFFFFFFFF  }
0xa5: {  	s26 =	simm.s32 $execute0_lowered;
	[smem:$0x3FD2] =	sst s25  }
0xa6: {  	s5 =	sshll.u32 s26, $0x1;
	_ =	strace $0x80000046;
	[dreg:$0x1] =	wrdreg $0xFFFFFFFF  }
0xa7: {  	s28 =	simm.s32 $_size_execute0_lowered;
	s3 =	sadd.s32 s3, s5;
	[dreg:$0x0] =	wrdreg $0x0  }
0xa8: {  	s5 =	sshll.u32 s28, $0x1;
	[dreg:$0x2] =	wrdreg s3  }
0xa9: {  	[dreg:$0x3] =	wrdreg s5  }
0xaa: {  	[dreg:$0x4] =	wrdreg $0xC0  }
0xab: {  	_ =	task [dreg:s7], $0x5FFFF  }
0xac: {  	[dreg:$0x1] =	wrdreg $0xFFFFFFFF  }
0xad: {  	[dreg:$0x0] =	wrdreg $0x60  }
0xae: {  	[dreg:$0x2] =	wrdreg s24  }
0xaf: {  	[dreg:$0x3] =	wrdreg s2  }
0xb0: {  	[dreg:$0x4] =	wrdreg $0x9  }
0xb1: {  	_ =	task.clear_ibuf [dreg:s7], $0x5FFFF;
	_ =	strace $0x90000046  }
0xb2: {  	s29 =	simm.s32 $0x9;
	_ =	strace $0x80000048  }
0xb3: {  	_ =	swait.ge [sflag:s29], $0x1  }
0xb4: {  	[sflag:s29] =	ssyncadd.s32 $0xFFFFFFFF  }
0xb5: {  	_ =	strace $0x90000048  }
0xb6: {  	_ =	sfence  }
0xb7: {  	s30 =	sld [smem:$0x0];
	_ =	sdelay $0x2  }
0xb8: {  	s31 =	sshll.u32 s1, $0xD;
	s1 =	sshrl.u32 s1, $0x2  }
0xb9: {  	s3 =	sand.u32 $0x4000, s31;
	s1 =	sadd.s32 s1, s30  }
0xba: {  	s0 =	sor.u32 s3, s0;
	s1 =	sshll.u32 s1, $0x11  }
0xbb: {  	s0 =	sor.u32 s1, s0  }
0xbc: {  	s0 =	sadd.s32 $0x8F2B, s0  }
0xbd: {  	[sflag:s0] =	ssyncadd.remote.s32 $0x1  }
0xbe: {  	_ =	sfence.sel $0xFFFF  }
0xbf: {  	[dreg:$0x0] =	wrdreg $0xFFFFFFFF;
	(pc) =	sbr.abs _section_cstart, $3  }
0xc0: {  	[dreg:$0x1] =	wrdreg $0xFFFFFFFF  }
0xc1: {  	_ =	task.clear_ibuf [dreg:s7], $0x2FFFF;
	_ =	strace $0x9FFFFFFF  }
0xc2: {  	(tm) =	ssettm $0x7FFFFFFF  }
0xc3: {  	_ =	shalt  }
tec
execute0_lowered:
.L_overlay_start_1:
0x0: {  	(tag) =	ssettag $0x1  }
0x1: {  	s0 =	srdreg.scid;
	s1 =	stileid.u32  }
0x2: {  	s0 =	sand.u32 $0x1, s0;
	s1 =	sshll.u32 s1, $0x1  }
0x3: {  	s1 =	sor.u32 s0, s1  }
0x4: {  	s1 =	smul.u32 $0x310, s1;
	_ =	sdelay $0x1  }
0x5: {  	v0 =	vmov s1  }
0x6: {  	v1 =	vbroadcast v0, $0x0  }
0x7: {  	v0 =	vlaneseq.u32  }
0x8: {  	v1 =	vor.u32 v0, v1  }
0x9: {  	v2 =	vmulhi.u32 $0x5397829D, v1;
	_ =	sdelay $0x1  }
0xa: {  	v2 =	vshrl.u32 v2, $0x4  }
0xb: {  	s2 =	sadd.s32 $0x10, s1;
	v3 =	vmul.u32 $0xCF, v2  }
0xc: {  	v4 =	vmov s2  }
0xd: {  	v1 =	vadd.s32 v1, v3;
	v3 =	vbroadcast v4, $0x0  }
0xe: {  	v4 =	vand.u32 $0xFF, v1  }
0xf: {  	v5 =	vmulhi.u32 $0x24924925, v4;
	v3 =	vor.u32 v0, v3  }
0x10: {  	s30 =	sadd.s32 $0x20, s1;
	v4 =	vmulhi.u32 $0x5397829D, v3  }
0x11: {  	v7 =	vmov s30  }
0x12: {  	v6 =	vmul.u32 $0xF9, v5;
	v9 =	vshrl.u32 v4, $0x4;
	v4 =	vbroadcast v7, $0x0  }
0x13: {  	v28 =	vimm.f32 $0.0e+00;
	v7 =	vmul.u32 $0xCF, v9  }
0x14: {  	v12 =	vcvt.s32.f32 v5;
	v6 =	vadd.s32 v1, v6;
	v10 =	vor.u32 v0, v4  }
0x15: {  	v1 =	vmul.u32 $0x5, v2;
	v11 =	vadd.s32 v3, v7;
	v7 =	vmulhi.u32 $0x5397829D, v10  }
0x16: {  	v9 =	vmul.u32 $0x5, v9;
	v6 =	vand.u32 $0xFF, v6;
	v8 =	vand.u32 $0xFF, v11  }
0x17: {  	v2 =	vadd.s32 $0x1, v1;
	v14 =	vmulhi.u32 $0x24924925, v8;
	v17 =	vshrl.u32 v7, $0x4  }
0x18: {  	v3 =	vadd.s32 $0x2, v1;
	v13 =	vcvt.s32.f32 v6;
	v15 =	vmul.u32 $0xCF, v17  }
0x19: {  	v6 =	vadd.f32 $2.500000000e-01, v12;
	v7 =	vadd.f32 $7.500000000e-01, v12;
	v12 =	vmul.u32 $0xF9, v14  }
0x1a: {  	v4 =	vadd.s32 $0x3, v1;
	v5 =	vadd.s32 $0x4, v1;
	v20 =	vadd.s32 v10, v15  }
0x1b: {  	v8 =	vadd.f32 $2.500000000e-01, v13;
	v11 =	vadd.s32 v11, v12;
	v12 =	vand.u32 $0xFF, v20  }
0x1c: {  	s31 =	rddreg [dreg:$0x0];
	v17 =	vmul.u32 $0x5, v17;
	v16 =	vcvt.s32.f32 v14;
	v21 =	vmulhi.u32 $0x24924925, v12  }
0x1d: {  	s3 =	rddreg [dreg:$0x1];
	v14 =	vadd.s32 $0x4, v9;
	v10 =	vadd.f32 $7.500000000e-01, v13;
	v13 =	vadd.s32 $0x3, v9  }
0x1e: {  	_ =	strace $0x80000047;
	s7 =	simm.s32 $0x0;
	s8 =	simm.s32 $0x3;
	v15 =	vand.u32 $0xFF, v11;
	v11 =	vadd.s32 $0x1, v9;
	v22 =	vmul.u32 $0xF9, v21  }
0x1f: {  	s9 =	simm.s32 $0x80;
	s15 =	simm.s32 $0xB80;
	s16 =	simm.s32 $0xD200;
	v12 =	vadd.s32 $0x2, v9;
	v19 =	vcvt.s32.f32 v15;
	v15 =	vadd.f32 $2.500000000e-01, v16  }
.Ltmp0:
0x20: {  	s17 =	simm.s32 $0xC00;
	s18 =	simm.s32 $0x11200;
	v16 =	vadd.f32 $7.500000000e-01, v16;
	v25 =	vcvt.s32.f32 v21;
	v20 =	vadd.s32 v20, v22;
	(pc) =	sbr.rel .LBB2_1-.Ltmp0, $4  }
0x21: {  	s19 =	simm.s32 $0xC80;
	s20 =	simm.s32 $0x15200;
	s0 =	ssub.s32 $0x2, s0;
	v21 =	vadd.s32 $0x2, v17;
	v18 =	vadd.f32 $2.500000000e-01, v19;
	v23 =	vand.u32 $0xFF, v20  }
0x22: {  	s21 =	simm.s32 $0x1;
	s22 =	simm.s32 $0xE00;
	s4 =	sshrl.u32 s0, $0x1;
	v19 =	vadd.f32 $7.500000000e-01, v19;
	v22 =	vadd.s32 $0x3, v17;
	v27 =	vcvt.s32.f32 v23  }
0x23: {  	s23 =	simm.s32 $0x2;
	s24 =	simm.s32 $0x0;
	s0 =	ssub.s32 s0, s4;
	v24 =	vadd.f32 $2.500000000e-01, v25;
	v25 =	vadd.f32 $7.500000000e-01, v25;
	v20 =	vadd.s32 $0x1, v17  }
0x24: {  	s5 =	sadd.s32 $0x400, s31;
	s4 =	sadd.s32 $0x600, s31;
	s6 =	smax.u32 s0, $0x1;
	v23 =	vadd.s32 $0x4, v17;
	v26 =	vadd.f32 $2.500000000e-01, v27;
	v27 =	vadd.f32 $7.500000000e-01, v27  }
.LBB2_7:
0x25: {  	s24 =	sadd.s32 $0x1, s24  }
0x26: {  	_ =	swait.ge [sflag:s23], $0x1000;
	p0 =	sne.s32 s24, s6  }
.Ltmp1:
0x27: {  	[sflag:s23] =	ssyncset.done $0x0;
	(pc) =	sbr.rel @!p0 .LBB2_8-.Ltmp1, $4  }
0x28: {  	[sflag:s23] =	ssyncadd.s32 $0xFFFFF000  }
0x29: {  	_ =	swait.ge [sflag:s23], $0x1000  }
0x2a: {  	[sflag:s23] =	ssyncset.done $0x0  }
0x2b: {  	[sflag:s23] =	ssyncadd.s32 $0xFFFFF000  }
.LBB2_1:
0x2c: {  	[tilespmem:s7], [sflag:$0x3] =	stream.linear.gather [hbm4b:s5+s7], $0xA00, $0x38;
	[tilespmem:$0x1B300] =	vst v63  }
0x2d: {  	_ =	swait.ge [sflag:s8], $0xA00  }
0x2e: {  	[sflag:s8] =	ssyncset.done $0x0  }
0x2f: {  	[sflag:s8] =	ssyncadd.s32 $0xFFFFF600  }
0x30: {  	v29 =	vld.idx.msk [tilespmem:v3+s7+$0x0], $0xffff  }
0x31: {  	v30 =	vld.idx.msk [tilespmem:v5+s7+$0x0], $0xffff  }
0x32: {  	v31 =	vld.idx.msk [tilespmem:v2+s7+$0x0], $0xffff  }
0x33: {  	v32 =	vld.idx.msk [tilespmem:v4+s7+$0x0], $0xffff;
	_ =	sdelay $0x3  }
0x34: {  	v29 =	vmul.f32 $1.250000000e-01, v29;
	v30 =	vmul.f32 $1.250000000e-01, v30  }
0x35: {  	v31 =	vmul.f32 $1.250000000e-01, v31;
	v32 =	vmul.f32 $1.250000000e-01, v32  }
0x36: {  	v29 =	vadd.f32 $-5.000000000e-01, v29;
	v30 =	vadd.f32 $-5.000000000e-01, v30  }
0x37: {  	v36 =	vld.idx.msk [tilespmem:v1+s7+$0x0], $0xffff;
	v31 =	vadd.f32 $-5.000000000e-01, v31;
	v32 =	vadd.f32 $-5.000000000e-01, v32  }
0x38: {  	v30 =	vsub.f32 v30, v29  }
0x39: {  	v32 =	vsub.f32 v32, v31  }
0x3a: {  	v30 =	vmax.f32 v30, $1.000000000e+00  }
0x3b: {  	v32 =	vmax.f32 v32, $1.000000000e+00;
	v30 =	vmul.f32 $1.428571490e-01, v30  }
0x3c: {  	v36 =	vtrunc.f32 v36;
	v32 =	vmul.f32 $1.428571490e-01, v32  }
0x3d: {  	v36 =	vcvt.f32.s32 v36;
	v33 =	vmul.f32 v30, v6  }
0x3e: {  	v38 =	vmul.f32 v32, v8;
	v30 =	vmul.f32 v30, v7  }
0x3f: {  	v32 =	vmul.f32 v32, v10;
	v33 =	vadd.f32 v33, v29  }
0x40: {  	v36 =	vmul.u32 $0x3B60, v36;
	v60 =	vadd.f32 v38, v31;
	v29 =	vadd.f32 v30, v29  }
0x41: {  	v31 =	vadd.f32 v32, v31;
	v34 =	vmax.f32 v33, $0.0e+00;
	vm0 =	vgt.f32 v33, $-1.000000000e+00  }
0x42: {  	vm1 =	vlt.f32 v33, $1.000000000e+02;
	v38 =	vmax.f32 v60, $0.0e+00;
	v46 =	vmax.f32 v29, $0.0e+00  }
0x43: {  	vm7 =	vgt.f32 v60, $-1.000000000e+00;
	vm8 =	vlt.f32 v60, $1.520000000e+02;
	v47 =	vmax.f32 v31, $0.0e+00  }
0x44: {  	vm10 =	vgt.f32 v31, $-1.000000000e+00;
	v34 =	vmin.f32 v34, $9.900000000e+01;
	vm0 =	vmand vm0, vm1  }
0x45: {  	v38 =	vmin.f32 v38, $1.510000000e+02;
	v35 =	vtrunc.f32 v34;
	v39 =	vsel vm0, $0x3F000000, v28  }
0x46: {  	v40 =	vtrunc.f32 v38;
	vm0 =	vmand vm7, vm8;
	v35 =	vcvt.f32.s32 v35  }
0x47: {  	vm11 =	vlt.f32 v31, $1.520000000e+02;
	v40 =	vcvt.f32.s32 v40;
	v41 =	vsel vm0, $0x3F000000, v28  }
0x48: {  	vm0 =	vmand vm10, vm11;
	v37 =	vcvt.s32.f32 v35;
	v62 =	vadd.s32 $0x1, v35  }
0x49: {  	v30 =	vcvt.s32.f32 v40;
	v35 =	vmul.u32 $0x98, v35;
	v43 =	vadd.s32 $0x1, v40  }
0x4a: {  	vm6 =	vlt.s32 v62, $0x63;
	vm9 =	vlt.s32 v43, $0x97;
	v34 =	vsub.f32 v34, v37  }
0x4b: {  	v30 =	vsub.f32 v38, v30;
	v37 =	vmin.f32 v47, $1.510000000e+02;
	v35 =	vadd.s32 v36, v35  }
0x4c: {  	v43 =	vnsel vm9, $0x97, v43;
	v42 =	vtrunc.f32 v37;
	v44 =	vadd.s32 v40, v35  }
0x4d: {  	v61 =	vsub.f32 $1.000000000e+00, v34;
	v34 =	vmul.f32 v34, v39;
	v38 =	vsub.f32 $1.000000000e+00, v30  }
0x4e: {  	v49 =	vadd.s32 v43, v35;
	v42 =	vcvt.f32.s32 v42;
	v30 =	vmul.f32 v30, v41  }
0x4f: {  	[tilespmem:$0xA00] =	vst v44;
	v33 =	vmul.f32 v61, v39;
	v39 =	vnsel vm6, $0x63, v62;
	v38 =	vmul.f32 v38, v41  }
0x50: {  	[tilespmem:$0xA10] =	vst v49;
	v48 =	vcvt.s32.f32 v42;
	v56 =	vmul.f32 v34, v30;
	v58 =	vadd.s32 v42, v35  }
0x51: {  	v57 =	vadd.s32 $0x1, v42;
	v63 =	vmul.u32 $0x98, v39;
	[tilespmem:$0xA40] =	vst v58;
	v45 =	vmul.f32 v33, v38  }
0x52: {  	v39 =	vmin.f32 v46, $9.900000000e+01;
	v46 =	vsel vm0, $0x3F000000, v28;
	v50 =	vmul.f32 v33, v30;
	[tilespmem:$0xE30] =	vst v56  }
0x53: {  	v31 =	vsub.f32 v37, v48;
	v51 =	vtrunc.f32 v39;
	v54 =	vmul.f32 v38, v34;
	[tilespmem:$0xE00] =	vst v45  }
0x54: {  	vm12 =	vlt.s32 v57, $0x97;
	v32 =	vadd.s32 v36, v63;
	v44 =	vcvt.f32.s32 v51;
	[tilespmem:$0xE10] =	vst v50  }
0x55: {  	v52 =	vsub.f32 $1.000000000e+00, v31;
	v53 =	vadd.s32 v40, v32;
	[tilespmem:$0xE20] =	vst v54;
	v55 =	vadd.s32 v43, v32  }
0x56: {  	v31 =	vmul.f32 v31, v46;
	v61 =	vadd.s32 v42, v32;
	[tilespmem:$0xA20] =	vst v53;
	v47 =	vcvt.s32.f32 v44  }
0x57: {  	[tilespmem:$0xA30] =	vst v55;
	v63 =	vmul.u32 $0x98, v44;
	v37 =	vmul.f32 v52, v46;
	v46 =	vnsel vm12, $0x97, v57  }
0x58: {  	vm13 =	vgt.f32 v29, $-1.000000000e+00;
	vm14 =	vlt.f32 v29, $1.000000000e+02;
	[tilespmem:$0xA60] =	vst v61;
	v29 =	vadd.s32 v46, v35  }
0x59: {  	v39 =	vsub.f32 v39, v47;
	v32 =	vadd.s32 v46, v32;
	v47 =	vadd.s32 v36, v63;
	[tilespmem:$0xA50] =	vst v29  }
0x5a: {  	vm0 =	vmand vm13, vm14;
	[tilespmem:$0xA70] =	vst v32;
	v48 =	vadd.s32 v40, v47  }
0x5b: {  	v59 =	vmul.f32 v33, v37;
	v50 =	vadd.s32 v43, v47;
	v60 =	vsub.f32 $1.000000000e+00, v39;
	[tilespmem:$0xA80] =	vst v48  }
0x5c: {  	v44 =	vadd.s32 $0x1, v44;
	v33 =	vmul.f32 v33, v31;
	v29 =	vsel vm0, $0x3F000000, v28;
	[tilespmem:$0xA90] =	vst v50  }
0x5d: {  	vm15 =	vlt.s32 v44, $0x63;
	v62 =	vmul.f32 v37, v34;
	[tilespmem:$0xE40] =	vst v59;
	v35 =	vmul.f32 v60, v29  }
0x5e: {  	v34 =	vmul.f32 v34, v31;
	[tilespmem:$0xE50] =	vst v33;
	v33 =	vnsel vm15, $0x63, v44  }
0x5f: {  	[tilespmem:$0xE60] =	vst v62;
	v33 =	vmul.u32 $0x98, v33;
	v49 =	vmul.f32 v35, v38  }
0x60: {  	[tilespmem:$0xE70] =	vst v34;
	v29 =	vmul.f32 v39, v29;
	v51 =	vmul.f32 v35, v30  }
0x61: {  	v33 =	vadd.s32 v36, v33;
	[tilespmem:$0xE80] =	vst v49  }
0x62: {  	v53 =	vmul.f32 v38, v29;
	v52 =	vadd.s32 v40, v33;
	[tilespmem:$0xE90] =	vst v51  }
0x63: {  	[tilespmem:$0xAA0] =	vst v52  }
0x64: {  	v30 =	vmul.f32 v29, v30;
	v54 =	vadd.s32 v43, v33;
	[tilespmem:$0xEA0] =	vst v53  }
0x65: {  	v55 =	vmul.f32 v35, v37;
	[tilespmem:$0xAB0] =	vst v54  }
0x66: {  	v56 =	vmul.f32 v35, v31;
	[tilespmem:$0xEB0] =	vst v30  }
0x67: {  	v57 =	vmul.f32 v37, v29;
	[tilespmem:$0xEC0] =	vst v55  }
0x68: {  	v29 =	vmul.f32 v29, v31;
	[tilespmem:$0xED0] =	vst v56  }
0x69: {  	[tilespmem:$0xEE0] =	vst v57  }
0x6a: {  	v30 =	vadd.s32 v42, v47;
	[tilespmem:$0xEF0] =	vst v29  }
0x6b: {  	[tilespmem:$0xAC0] =	vst v30;
	v30 =	vadd.s32 v46, v47  }
0x6c: {  	[tilespmem:$0xAD0] =	vst v30;
	v30 =	vadd.s32 v42, v33  }
0x6d: {  	[tilespmem:$0xAE0] =	vst v30;
	v30 =	vadd.s32 v46, v33  }
0x6e: {  	s25 =	simm.s32 $0x1200;
	s0 =	simm.s32 $0xA00;
	[tilespmem:$0xAF0] =	vst v30  }
0x6f: {  	[tilespmem:s25], [sflag:$0x1] =	stream.indirect.gather [hbm4b:s4+s9], $0x80, s0, s9, $0xb8;
	[tilespmem:$0x1B300] =	vst v63  }
0x70: {  	s28 =	simm.s32 $0xA80;
	s2 =	simm.s32 $0x5200  }
0x71: {  	[tilespmem:s2], [sflag:$0x1] =	stream.indirect.gather [hbm4b:s4+s9], $0x80, s28, s9, $0xb8;
	[tilespmem:$0x1B300] =	vst v63  }
0x72: {  	v29 =	vld.idx.msk [tilespmem:v12+s7+$0x0], $0xffff  }
0x73: {  	v30 =	vld.idx.msk [tilespmem:v14+s7+$0x0], $0xffff  }
0x74: {  	v31 =	vld.idx.msk [tilespmem:v11+s7+$0x0], $0xffff  }
0x75: {  	v32 =	vld.idx.msk [tilespmem:v13+s7+$0x0], $0xffff;
	_ =	sdelay $0x3  }
0x76: {  	v29 =	vmul.f32 $1.250000000e-01, v29;
	v30 =	vmul.f32 $1.250000000e-01, v30  }
0x77: {  	v31 =	vmul.f32 $1.250000000e-01, v31;
	v32 =	vmul.f32 $1.250000000e-01, v32  }
0x78: {  	v29 =	vadd.f32 $-5.000000000e-01, v29;
	v30 =	vadd.f32 $-5.000000000e-01, v30  }
0x79: {  	v31 =	vadd.f32 $-5.000000000e-01, v31;
	v32 =	vadd.f32 $-5.000000000e-01, v32  }
0x7a: {  	v36 =	vld.idx.msk [tilespmem:v9+s7+$0x0], $0xffff;
	v30 =	vsub.f32 v30, v29  }
0x7b: {  	v32 =	vsub.f32 v32, v31  }
0x7c: {  	v30 =	vmax.f32 v30, $1.000000000e+00  }
0x7d: {  	v32 =	vmax.f32 v32, $1.000000000e+00;
	v30 =	vmul.f32 $1.428571490e-01, v30  }
0x7e: {  	v32 =	vmul.f32 $1.428571490e-01, v32  }
0x7f: {  	v36 =	vtrunc.f32 v36;
	v58 =	vmul.f32 v30, v15  }
0x80: {  	v36 =	vcvt.f32.s32 v36;
	v62 =	vmul.f32 v32, v18  }
0x81: {  	v30 =	vmul.f32 v30, v16;
	v32 =	vmul.f32 v32, v19;
	v33 =	vadd.f32 v58, v29  }
0x82: {  	v36 =	vmul.u32 $0x3B60, v36;
	v63 =	vadd.f32 v62, v31  }
0x83: {  	v29 =	vadd.f32 v30, v29;
	v31 =	vadd.f32 v32, v31;
	v59 =	vmax.f32 v33, $0.0e+00  }
0x84: {  	vm4 =	vgt.f32 v33, $-1.000000000e+00;
	vm5 =	vlt.f32 v33, $1.000000000e+02;
	v38 =	vmax.f32 v63, $0.0e+00  }
0x85: {  	v49 =	vmax.f32 v29, $0.0e+00;
	vm7 =	vgt.f32 v63, $-1.000000000e+00;
	vm8 =	vlt.f32 v63, $1.520000000e+02  }
0x86: {  	v50 =	vmax.f32 v31, $0.0e+00;
	vm10 =	vgt.f32 v31, $-1.000000000e+00;
	vm11 =	vlt.f32 v31, $1.520000000e+02  }
0x87: {  	v34 =	vmin.f32 v59, $9.900000000e+01;
	vm0 =	vmand vm4, vm5;
	v38 =	vmin.f32 v38, $1.510000000e+02  }
0x88: {  	v37 =	vmin.f32 v50, $1.510000000e+02;
	v60 =	vtrunc.f32 v34;
	v45 =	vsel vm0, $0x3F000000, v28  }
0x89: {  	v46 =	vtrunc.f32 v38;
	vm0 =	vmand vm7, vm8;
	v35 =	vcvt.f32.s32 v60  }
0x8a: {  	v52 =	vtrunc.f32 v37;
	v40 =	vcvt.f32.s32 v46;
	v51 =	vsel vm0, $0x3F000000, v28  }
0x8b: {  	v42 =	vcvt.f32.s32 v52;
	vm0 =	vmand vm10, vm11;
	v61 =	vcvt.s32.f32 v35  }
0x8c: {  	v47 =	vadd.s32 $0x1, v35;
	v30 =	vcvt.s32.f32 v40;
	v35 =	vmul.u32 $0x98, v35  }
0x8d: {  	v53 =	vadd.s32 $0x1, v40;
	v54 =	vcvt.s32.f32 v42;
	vm6 =	vlt.s32 v47, $0x63  }
0x8e: {  	vm9 =	vlt.s32 v53, $0x97;
	v34 =	vsub.f32 v34, v61;
	v39 =	vnsel vm6, $0x63, v47  }
0x8f: {  	v30 =	vsub.f32 v38, v30;
	v35 =	vadd.s32 v36, v35;
	v43 =	vnsel vm9, $0x97, v53  }
0x90: {  	v31 =	vsub.f32 v37, v54;
	v48 =	vmul.u32 $0x98, v39;
	v55 =	vadd.s32 v40, v35  }
0x91: {  	v39 =	vmin.f32 v49, $9.900000000e+01;
	v57 =	vadd.s32 v43, v35;
	v52 =	vadd.s32 v42, v35;
	[tilespmem:$0xB00] =	vst v55  }
0x92: {  	v44 =	vsub.f32 $1.000000000e+00, v34;
	v38 =	vsub.f32 $1.000000000e+00, v30;
	[tilespmem:$0xB10] =	vst v57;
	v32 =	vadd.s32 v36, v48  }
0x93: {  	v34 =	vmul.f32 v34, v45;
	v30 =	vmul.f32 v30, v51;
	[tilespmem:$0xB40] =	vst v52;
	v61 =	vadd.s32 v40, v32  }
0x94: {  	v33 =	vmul.f32 v44, v45;
	v38 =	vmul.f32 v38, v51;
	v48 =	vadd.s32 v43, v32;
	[tilespmem:$0xB20] =	vst v61  }
0x95: {  	v60 =	vsub.f32 $1.000000000e+00, v31;
	v49 =	vmul.f32 v34, v30;
	v55 =	vadd.s32 v42, v32;
	[tilespmem:$0xB30] =	vst v48  }
0x96: {  	v63 =	vsel vm0, $0x3F000000, v28;
	v59 =	vtrunc.f32 v39;
	[tilespmem:$0xB60] =	vst v55;
	v56 =	vmul.f32 v33, v38  }
0x97: {  	v37 =	vmul.f32 v60, v63;
	v58 =	vmul.f32 v33, v30;
	[tilespmem:$0xF30] =	vst v49  }
0x98: {  	v31 =	vmul.f32 v31, v63;
	v51 =	vadd.s32 $0x1, v42;
	v62 =	vmul.f32 v38, v34;
	[tilespmem:$0xF00] =	vst v56  }
0x99: {  	v44 =	vcvt.f32.s32 v59;
	vm12 =	vlt.s32 v51, $0x97;
	v53 =	vmul.f32 v33, v37;
	[tilespmem:$0xF10] =	vst v58  }
0x9a: {  	vm13 =	vgt.f32 v29, $-1.000000000e+00;
	vm14 =	vlt.f32 v29, $1.000000000e+02;
	v46 =	vnsel vm12, $0x97, v51;
	[tilespmem:$0xF20] =	vst v62  }
0x9b: {  	v50 =	vcvt.s32.f32 v44;
	v33 =	vmul.f32 v33, v31;
	v29 =	vadd.s32 v46, v35;
	[tilespmem:$0xF40] =	vst v53  }
0x9c: {  	v57 =	vmul.u32 $0x98, v44;
	v32 =	vadd.s32 v46, v32;
	[tilespmem:$0xB50] =	vst v29;
	v58 =	vadd.s32 $0x1, v44  }
0x9d: {  	v39 =	vsub.f32 v39, v50;
	[tilespmem:$0xF50] =	vst v33;
	v56 =	vmul.f32 v37, v34;
	vm15 =	vlt.s32 v58, $0x63  }
0x9e: {  	vm0 =	vmand vm13, vm14;
	v34 =	vmul.f32 v34, v31;
	[tilespmem:$0xB70] =	vst v32;
	v33 =	vnsel vm15, $0x63, v58  }
0x9f: {  	v59 =	vadd.s32 v36, v57;
	v54 =	vsub.f32 $1.000000000e+00, v39;
	[tilespmem:$0xF60] =	vst v56;
	v33 =	vmul.u32 $0x98, v33  }
0xa0: {  	v29 =	vsel vm0, $0x3F000000, v28;
	v60 =	vadd.s32 v40, v59;
	[tilespmem:$0xF70] =	vst v34  }
0xa1: {  	v62 =	vadd.s32 v43, v59;
	[tilespmem:$0xB80] =	vst v60;
	v35 =	vmul.f32 v54, v29;
	v33 =	vadd.s32 v36, v33  }
0xa2: {  	[tilespmem:$0xB90] =	vst v62;
	v40 =	vadd.s32 v40, v33  }
0xa3: {  	v29 =	vmul.f32 v39, v29;
	v61 =	vmul.f32 v35, v38;
	v43 =	vadd.s32 v43, v33;
	[tilespmem:$0xBA0] =	vst v40  }
0xa4: {  	v63 =	vmul.f32 v35, v30;
	[tilespmem:$0xBB0] =	vst v43  }
0xa5: {  	v41 =	vmul.f32 v38, v29;
	[tilespmem:$0xF80] =	vst v61  }
0xa6: {  	v30 =	vmul.f32 v29, v30;
	[tilespmem:$0xF90] =	vst v63  }
0xa7: {  	v44 =	vmul.f32 v35, v37;
	[tilespmem:$0xFA0] =	vst v41  }
0xa8: {  	v45 =	vmul.f32 v35, v31;
	[tilespmem:$0xFB0] =	vst v30  }
0xa9: {  	v47 =	vmul.f32 v37, v29;
	[tilespmem:$0xFC0] =	vst v44  }
0xaa: {  	v29 =	vmul.f32 v29, v31;
	[tilespmem:$0xFD0] =	vst v45  }
0xab: {  	[tilespmem:$0xFE0] =	vst v47  }
0xac: {  	v30 =	vadd.s32 v42, v59;
	[tilespmem:$0xFF0] =	vst v29  }
0xad: {  	[tilespmem:$0xBC0] =	vst v30;
	v30 =	vadd.s32 v46, v59  }
0xae: {  	[tilespmem:$0xBD0] =	vst v30;
	v30 =	vadd.s32 v42, v33  }
0xaf: {  	[tilespmem:$0xBE0] =	vst v30;
	v30 =	vadd.s32 v46, v33  }
0xb0: {  	s30 =	simm.s32 $0xB00;
	s31 =	simm.s32 $0x9200;
	[tilespmem:$0xBF0] =	vst v30  }
0xb1: {  	[tilespmem:s31], [sflag:$0x1] =	stream.indirect.gather [hbm4b:s4+s9], $0x80, s30, s9, $0xb8;
	[tilespmem:$0x1B300] =	vst v63  }
0xb2: {  	_ = 	snop  }
0xb3: {  	[tilespmem:s16], [sflag:$0x1] =	stream.indirect.gather [hbm4b:s4+s9], $0x80, s15, s9, $0xb8;
	[tilespmem:$0x1B300] =	vst v63  }
0xb4: {  	v29 =	vld.idx.msk [tilespmem:v21+s7+$0x0], $0xffff  }
0xb5: {  	v30 =	vld.idx.msk [tilespmem:v23+s7+$0x0], $0xffff  }
0xb6: {  	v31 =	vld.idx.msk [tilespmem:v20+s7+$0x0], $0xffff  }
0xb7: {  	v32 =	vld.idx.msk [tilespmem:v22+s7+$0x0], $0xffff;
	_ =	sdelay $0x3  }
0xb8: {  	v29 =	vmul.f32 $1.250000000e-01, v29;
	v30 =	vmul.f32 $1.250000000e-01, v30  }
0xb9: {  	v31 =	vmul.f32 $1.250000000e-01, v31;
	v32 =	vmul.f32 $1.250000000e-01, v32  }
0xba: {  	v29 =	vadd.f32 $-5.000000000e-01, v29;
	v30 =	vadd.f32 $-5.000000000e-01, v30  }
0xbb: {  	v31 =	vadd.f32 $-5.000000000e-01, v31;
	v32 =	vadd.f32 $-5.000000000e-01, v32  }
0xbc: {  	v36 =	vld.idx.msk [tilespmem:v17+s7+$0x0], $0xffff;
	v30 =	vsub.f32 v30, v29  }
0xbd: {  	v32 =	vsub.f32 v32, v31  }
0xbe: {  	v30 =	vmax.f32 v30, $1.000000000e+00  }
0xbf: {  	v32 =	vmax.f32 v32, $1.000000000e+00;
	v30 =	vmul.f32 $1.428571490e-01, v30  }
0xc0: {  	v32 =	vmul.f32 $1.428571490e-01, v32  }
0xc1: {  	v36 =	vtrunc.f32 v36;
	v48 =	vmul.f32 v30, v24  }
0xc2: {  	v36 =	vcvt.f32.s32 v36;
	v52 =	vmul.f32 v32, v26  }
0xc3: {  	v30 =	vmul.f32 v30, v25;
	v32 =	vmul.f32 v32, v27;
	v33 =	vadd.f32 v48, v29  }
0xc4: {  	v36 =	vmul.u32 $0x3B60, v36;
	v53 =	vadd.f32 v52, v31  }
0xc5: {  	v29 =	vadd.f32 v30, v29;
	v31 =	vadd.f32 v32, v31;
	v49 =	vmax.f32 v33, $0.0e+00  }
0xc6: {  	vm4 =	vgt.f32 v33, $-1.000000000e+00;
	vm5 =	vlt.f32 v33, $1.000000000e+02;
	v38 =	vmax.f32 v53, $0.0e+00  }
0xc7: {  	v59 =	vmax.f32 v29, $0.0e+00;
	vm7 =	vgt.f32 v53, $-1.000000000e+00;
	vm8 =	vlt.f32 v53, $1.520000000e+02  }
0xc8: {  	v60 =	vmax.f32 v31, $0.0e+00;
	vm10 =	vgt.f32 v31, $-1.000000000e+00;
	vm11 =	vlt.f32 v31, $1.520000000e+02  }
0xc9: {  	vm13 =	vgt.f32 v29, $-1.000000000e+00;
	v34 =	vmin.f32 v49, $9.900000000e+01;
	vm0 =	vmand vm4, vm5  }
0xca: {  	v38 =	vmin.f32 v38, $1.510000000e+02;
	v37 =	vmin.f32 v60, $1.510000000e+02;
	v50 =	vtrunc.f32 v34  }
0xcb: {  	v55 =	vsel vm0, $0x3F000000, v28;
	v56 =	vtrunc.f32 v38;
	v62 =	vtrunc.f32 v37  }
0xcc: {  	vm0 =	vmand vm7, vm8;
	v35 =	vcvt.f32.s32 v50;
	v40 =	vcvt.f32.s32 v56  }
0xcd: {  	v61 =	vsel vm0, $0x3F000000, v28;
	v42 =	vcvt.f32.s32 v62;
	vm0 =	vmand vm10, vm11  }
0xce: {  	v51 =	vcvt.s32.f32 v35;
	v57 =	vadd.s32 $0x1, v35;
	v30 =	vcvt.s32.f32 v40  }
0xcf: {  	v35 =	vmul.u32 $0x98, v35;
	v63 =	vadd.s32 $0x1, v40;
	v48 =	vcvt.s32.f32 v42  }
0xd0: {  	vm6 =	vlt.s32 v57, $0x63;
	vm9 =	vlt.s32 v63, $0x97;
	v34 =	vsub.f32 v34, v51  }
0xd1: {  	v39 =	vnsel vm6, $0x63, v57;
	v30 =	vsub.f32 v38, v30;
	v35 =	vadd.s32 v36, v35  }
0xd2: {  	v43 =	vnsel vm9, $0x97, v63;
	v58 =	vmul.u32 $0x98, v39;
	v49 =	vadd.s32 v40, v35  }
0xd3: {  	v51 =	vadd.s32 v43, v35;
	v62 =	vadd.s32 v42, v35;
	v54 =	vsub.f32 $1.000000000e+00, v34;
	[tilespmem:$0xC00] =	vst v49  }
0xd4: {  	v34 =	vmul.f32 v34, v55;
	v38 =	vsub.f32 $1.000000000e+00, v30;
	[tilespmem:$0xC10] =	vst v51;
	v32 =	vadd.s32 v36, v58  }
0xd5: {  	v30 =	vmul.f32 v30, v61;
	[tilespmem:$0xC40] =	vst v62;
	v33 =	vmul.f32 v54, v55;
	v55 =	vadd.s32 v40, v32  }
0xd6: {  	v31 =	vsub.f32 v37, v48;
	v38 =	vmul.f32 v38, v61;
	v58 =	vadd.s32 v43, v32;
	[tilespmem:$0xC20] =	vst v55  }
0xd7: {  	v39 =	vmin.f32 v59, $9.900000000e+01;
	v59 =	vmul.f32 v34, v30;
	v49 =	vadd.s32 v42, v32;
	[tilespmem:$0xC30] =	vst v58  }
0xd8: {  	v57 =	vsel vm0, $0x3F000000, v28;
	v53 =	vtrunc.f32 v39;
	[tilespmem:$0xC60] =	vst v49;
	v50 =	vmul.f32 v33, v38  }
0xd9: {  	v44 =	vcvt.f32.s32 v53;
	v61 =	vadd.s32 $0x1, v42;
	v52 =	vmul.f32 v33, v30;
	[tilespmem:$0x1030] =	vst v59  }
0xda: {  	v54 =	vsub.f32 $1.000000000e+00, v31;
	vm12 =	vlt.s32 v61, $0x97;
	v56 =	vmul.f32 v38, v34;
	[tilespmem:$0x1000] =	vst v50  }
0xdb: {  	v60 =	vcvt.s32.f32 v44;
	v51 =	vmul.u32 $0x98, v44;
	v46 =	vnsel vm12, $0x97, v61;
	[tilespmem:$0x1010] =	vst v52  }
0xdc: {  	vm14 =	vlt.f32 v29, $1.000000000e+02;
	v37 =	vmul.f32 v54, v57;
	v29 =	vadd.s32 v46, v35;
	[tilespmem:$0x1020] =	vst v56  }
0xdd: {  	v39 =	vsub.f32 v39, v60;
	v32 =	vadd.s32 v46, v32;
	v53 =	vadd.s32 v36, v51;
	[tilespmem:$0xC50] =	vst v29  }
0xde: {  	vm0 =	vmand vm13, vm14;
	v31 =	vmul.f32 v31, v57;
	[tilespmem:$0xC70] =	vst v32;
	v54 =	vadd.s32 v40, v53  }
0xdf: {  	v63 =	vmul.f32 v33, v37;
	v56 =	vadd.s32 v43, v53;
	v48 =	vsub.f32 $1.000000000e+00, v39;
	[tilespmem:$0xC80] =	vst v54  }
0xe0: {  	v33 =	vmul.f32 v33, v31;
	v29 =	vsel vm0, $0x3F000000, v28;
	v52 =	vadd.s32 $0x1, v44;
	[tilespmem:$0xC90] =	vst v56  }
0xe1: {  	v50 =	vmul.f32 v37, v34;
	vm15 =	vlt.s32 v52, $0x63;
	[tilespmem:$0x1040] =	vst v63;
	v35 =	vmul.f32 v48, v29  }
0xe2: {  	v34 =	vmul.f32 v34, v31;
	[tilespmem:$0x1050] =	vst v33;
	v33 =	vnsel vm15, $0x63, v52  }
0xe3: {  	[tilespmem:$0x1060] =	vst v50;
	v33 =	vmul.u32 $0x98, v33;
	v55 =	vmul.f32 v35, v38  }
0xe4: {  	[tilespmem:$0x1070] =	vst v34;
	v29 =	vmul.f32 v39, v29;
	v57 =	vmul.f32 v35, v30  }
0xe5: {  	v33 =	vadd.s32 v36, v33;
	[tilespmem:$0x1080] =	vst v55  }
0xe6: {  	v59 =	vmul.f32 v38, v29;
	v58 =	vadd.s32 v40, v33;
	[tilespmem:$0x1090] =	vst v57  }
0xe7: {  	[tilespmem:$0xCA0] =	vst v58  }
0xe8: {  	v30 =	vmul.f32 v29, v30;
	v60 =	vadd.s32 v43, v33;
	[tilespmem:$0x10A0] =	vst v59  }
0xe9: {  	v61 =	vmul.f32 v35, v37;
	[tilespmem:$0xCB0] =	vst v60  }
0xea: {  	v62 =	vmul.f32 v35, v31;
	[tilespmem:$0x10B0] =	vst v30  }
0xeb: {  	v63 =	vmul.f32 v37, v29;
	[tilespmem:$0x10C0] =	vst v61  }
0xec: {  	v29 =	vmul.f32 v29, v31;
	[tilespmem:$0x10D0] =	vst v62  }
0xed: {  	[tilespmem:$0x10E0] =	vst v63  }
0xee: {  	v30 =	vadd.s32 v42, v53;
	[tilespmem:$0x10F0] =	vst v29  }
0xef: {  	[tilespmem:$0xCC0] =	vst v30;
	v30 =	vadd.s32 v46, v53  }
0xf0: {  	[tilespmem:$0xCD0] =	vst v30;
	v30 =	vadd.s32 v42, v33  }
.Ltmp2:
0xf1: {  	[tilespmem:$0xCE0] =	vst v30;
	v30 =	vadd.s32 v46, v33;
	(pc) =	sbr.rel .LBB2_2-.Ltmp2, $4  }
0xf2: {  	[tilespmem:$0xCF0] =	vst v30  }
0xf3: {  	[tilespmem:s18], [sflag:$0x1] =	stream.indirect.gather [hbm4b:s4+s9], $0x80, s17, s9, $0xb8;
	[tilespmem:$0x1B300] =	vst v63  }
0xf4: {  	s26 =	simm.s32 $0x0;
	s10 =	simm.s32 $0x0;
	s29 =	simm.s32 $0x0  }
0xf5: {  	[tilespmem:s20], [sflag:$0x1] =	stream.indirect.gather [hbm4b:s4+s9], $0x80, s19, s9, $0xb8;
	[tilespmem:$0x1B300] =	vst v63  }
.LBB2_6:
0xf6: {  	s29 =	sadd.s32 $0x1, s29  }
0xf7: {  	p0 =	sne.s32 s29, $0x31  }
.Ltmp3:
0xf8: {  	_ = 	snop;
	(pc) =	sbr.rel @!p0 .LBB2_7-.Ltmp3, $2  }
0xf9: {  	_ =	sdelay $0x2  }
0xfa: {  	s10 =	sadd.s32 $0x1000, s10;
	s26 =	sadd.s32 $0x1, s26;
	s25 =	sadd.s32 $0x8000, s25  }
.LBB2_2:
0xfb: {  	s0 =	smulhi.u32 $0xAAAAAAAB, s29;
	_ =	sdelay $0x1  }
0xfc: {  	s0 =	sshrl.u32 s0, $0x1  }
0xfd: {  	s0 =	smul.u32 $0xFFFA0000, s0;
	_ =	sdelay $0x1  }
0xfe: {  	s2 =	sand.u32 $0x3, s26;
	_ =	swait.ge [sflag:s21], $0x8000;
	s0 =	sshra.s32 s0, $0x2  }
0xff: {  	p0 =	slt.u32 s29, $0x2;
	[sflag:s21] =	ssyncset.done $0x0;
	s12 =	sadd.s32 s0, s25  }
0x100: {  	s14 =	sshll.u32 s29, $0x4;
	s11 =	simm.s32 @!p0 $0x2;
	[sflag:s21] =	ssyncadd.s32 $0xFFFF8000;
	v29 =	vmov s12  }
0x101: {  	s30 =	sand.u32 $0x1, s29;
	s28 =	smov.u32 s10;
	_ =	swait.ge @!p0 [sflag:s11], $0x1000  }
0x102: {  	s31 =	sshll.u32 s2, $0x8;
	s2 =	sadd.s32 s1, s14;
	[sflag:s11] =	ssyncset.done @!p0 $0x0  }
0x103: {  	[sflag:s11] =	ssyncadd.s32 @!p0 $0xFFFFF000;
	s11 =	simm.s32 $0x0;
	s0 =	simm.s32 $0x0  }
.LBB2_3:
0x104: {  	s12 =	sshra.s32 s11, $0x2  }
0x105: {  	v31 =	vld.idx.msk [tilespmem:v29+s12+$0x0 ss:$0x1], $0xffff  }
0x106: {  	v32 =	vld.idx.msk [tilespmem:v29+s12+$0x10 ss:$0x1], $0xffff  }
0x107: {  	v34 =	vld.idx.msk [tilespmem:v29+s12+$0x20 ss:$0x1], $0xffff  }
0x108: {  	v36 =	vld.idx.msk [tilespmem:v29+s12+$0x30 ss:$0x1], $0xffff  }
0x109: {  	v37 =	vld.idx.msk [tilespmem:v29+s12+$0x40 ss:$0x1], $0xffff  }
0x10a: {  	v30 =	vmov s31;
	v39 =	vld.idx.msk [tilespmem:v29+s12+$0x50 ss:$0x1], $0xffff  }
0x10b: {  	v43 =	vld.idx.msk [tilespmem:v29+s12+$0x60 ss:$0x1], $0xffff  }
0x10c: {  	s13 =	sadd.s32 $0x10, s31;
	v45 =	vld.idx.msk [tilespmem:v29+s12+$0x70 ss:$0x1], $0xffff  }
0x10d: {  	s14 =	sadd.s32 $0x20, s31;
	v41 =	vmov s13;
	v46 =	vld.idx.msk [tilespmem:v29+s12+$0x800 ss:$0x1], $0xffff  }
0x10e: {  	v49 =	vld.idx.msk [tilespmem:v29+s12+$0x810 ss:$0x1], $0xffff;
	v61 =	vmov s14;
	v33 =	vunpack.i.l.bf16.f32 v31;
	v31 =	vunpack.i.u.bf16.f32 v31  }
0x10f: {  	v30 =	vld.idx.msk [tilespmem:v30+s22+$0x0], $0xffff;
	v35 =	vunpack.i.l.bf16.f32 v32;
	v32 =	vunpack.i.u.bf16.f32 v32;
	v38 =	vunpack.i.u.bf16.f32 v34  }
0x110: {  	v34 =	vunpack.i.l.bf16.f32 v34;
	v40 =	vunpack.i.l.bf16.f32 v36;
	v36 =	vunpack.i.u.bf16.f32 v36  }
0x111: {  	v51 =	vld.idx.msk [tilespmem:v29+s12+$0x820 ss:$0x1], $0xffff;
	v42 =	vunpack.i.l.bf16.f32 v37;
	v37 =	vunpack.i.u.bf16.f32 v37;
	v44 =	vunpack.i.l.bf16.f32 v39  }
0x112: {  	v39 =	vunpack.i.u.bf16.f32 v39;
	v47 =	vunpack.i.u.bf16.f32 v43;
	v43 =	vunpack.i.l.bf16.f32 v43  }
0x113: {  	v63 =	vld.idx.msk [tilespmem:v29+s12+$0x830 ss:$0x1], $0xffff;
	v48 =	vunpack.i.l.bf16.f32 v45;
	v45 =	vunpack.i.u.bf16.f32 v45;
	v50 =	vunpack.i.l.bf16.f32 v46  }
0x114: {  	v59 =	vld.idx.msk [tilespmem:v29+s12+$0x850 ss:$0x1], $0xffff;
	v46 =	vunpack.i.u.bf16.f32 v46;
	v56 =	vunpack.i.u.bf16.f32 v49;
	v33 =	vmul.f32 v33, v30  }
0x115: {  	v49 =	vunpack.i.l.bf16.f32 v49;
	v31 =	vmul.f32 v31, v30;
	v35 =	vmul.f32 v35, v30  }
0x116: {  	v52 =	vunpack.i.l.bf16.f32 v51;
	v32 =	vmul.f32 v32, v30;
	v34 =	vmul.f32 v34, v30  }
0x117: {  	v57 =	vunpack.i.u.bf16.f32 v51;
	v38 =	vmul.f32 v38, v30;
	v40 =	vmul.f32 v40, v30  }
0x118: {  	v60 =	vunpack.i.l.bf16.f32 v63;
	v36 =	vmul.f32 v36, v30;
	v42 =	vmul.f32 v42, v30  }
0x119: {  	v55 =	vunpack.i.l.bf16.f32 v59;
	v37 =	vmul.f32 v37, v30;
	v44 =	vmul.f32 v44, v30  }
0x11a: {  	v41 =	vld.idx.msk [tilespmem:v41+s22+$0x0], $0xffff;
	v59 =	vunpack.i.u.bf16.f32 v59;
	v39 =	vmul.f32 v39, v30;
	v43 =	vmul.f32 v43, v30  }
0x11b: {  	v47 =	vmul.f32 v47, v30;
	v33 =	vadd.f32 $0.0e+00, v33;
	v31 =	vadd.f32 $0.0e+00, v31  }
0x11c: {  	v48 =	vmul.f32 v48, v30;
	v35 =	vadd.f32 $0.0e+00, v35;
	v32 =	vadd.f32 $0.0e+00, v32  }
0x11d: {  	v30 =	vmul.f32 v45, v30;
	v34 =	vadd.f32 $0.0e+00, v34;
	v38 =	vadd.f32 $0.0e+00, v38  }
0x11e: {  	v45 =	vunpack.i.u.bf16.f32 v63;
	v40 =	vadd.f32 $0.0e+00, v40;
	v36 =	vadd.f32 $0.0e+00, v36  }
0x11f: {  	v62 =	vmul.f32 v50, v41;
	v42 =	vadd.f32 $0.0e+00, v42;
	v37 =	vadd.f32 $0.0e+00, v37  }
0x120: {  	v46 =	vmul.f32 v46, v41;
	v44 =	vadd.f32 $0.0e+00, v44;
	v39 =	vadd.f32 $0.0e+00, v39  }
0x121: {  	v53 =	vld.idx.msk [tilespmem:v29+s12+$0x840 ss:$0x1], $0xffff;
	v49 =	vmul.f32 v49, v41;
	v43 =	vadd.f32 $0.0e+00, v43;
	v47 =	vadd.f32 $0.0e+00, v47  }
0x122: {  	v50 =	vmul.f32 v56, v41;
	v48 =	vadd.f32 $0.0e+00, v48;
	v30 =	vadd.f32 $0.0e+00, v30  }
0x123: {  	v63 =	vld.idx.msk [tilespmem:v29+s12+$0x860 ss:$0x1], $0xffff;
	v58 =	vmul.f32 v52, v41;
	v33 =	vadd.f32 v62, v33;
	v31 =	vadd.f32 v46, v31  }
0x124: {  	v54 =	vld.idx.msk [tilespmem:v29+s12+$0x870 ss:$0x1], $0xffff;
	v45 =	vmul.f32 v45, v41;
	v35 =	vadd.f32 v49, v35;
	v32 =	vadd.f32 v50, v32  }
0x125: {  	v46 =	vmul.f32 v57, v41;
	v34 =	vadd.f32 v58, v34;
	v62 =	vmul.f32 v60, v41  }
0x126: {  	v57 =	vunpack.i.u.bf16.f32 v53;
	v53 =	vunpack.i.l.bf16.f32 v53;
	v58 =	vmul.f32 v55, v41  }
0x127: {  	v36 =	vadd.f32 v45, v36;
	v50 =	vld.idx.msk [tilespmem:v61+s22+$0x0], $0xffff;
	v60 =	vmul.f32 v59, v41;
	v53 =	vmul.f32 v53, v41  }
0x128: {  	v55 =	vld.idx.msk [tilespmem:v29+s12+$0x1020 ss:$0x1], $0xffff;
	v51 =	vmul.f32 v57, v41;
	v61 =	vunpack.i.l.bf16.f32 v63;
	v49 =	vunpack.i.u.bf16.f32 v63  }
0x129: {  	v63 =	vunpack.i.l.bf16.f32 v54;
	v57 =	vld.idx.msk [tilespmem:v29+s12+$0x1010 ss:$0x1], $0xffff;
	v54 =	vunpack.i.u.bf16.f32 v54;
	v38 =	vadd.f32 v46, v38  }
0x12a: {  	v40 =	vadd.f32 v62, v40;
	v44 =	vadd.f32 v58, v44;
	v62 =	vld.idx.msk [tilespmem:v29+s12+$0x1000 ss:$0x1], $0xffff;
	v46 =	vmul.f32 v61, v41  }
0x12b: {  	v49 =	vmul.f32 v49, v41;
	v52 =	vmul.f32 v63, v41;
	v39 =	vadd.f32 v60, v39  }
0x12c: {  	v41 =	vmul.f32 v54, v41;
	v61 =	vld.idx.msk [tilespmem:v29+s12+$0x1030 ss:$0x1], $0xffff;
	v42 =	vadd.f32 v53, v42;
	v37 =	vadd.f32 v51, v37  }
0x12d: {  	v43 =	vadd.f32 v46, v43;
	v45 =	vadd.f32 v49, v47  }
0x12e: {  	v46 =	vadd.f32 v52, v48;
	v30 =	vadd.f32 v41, v30  }
0x12f: {  	v53 =	vld.idx.msk [tilespmem:v29+s12+$0x1040 ss:$0x1], $0xffff;
	v63 =	vunpack.i.l.bf16.f32 v55;
	v60 =	vunpack.i.l.bf16.f32 v57;
	v58 =	vunpack.i.u.bf16.f32 v62  }
0x130: {  	v59 =	vunpack.i.l.bf16.f32 v62;
	v62 =	vunpack.i.u.bf16.f32 v57;
	v48 =	vmul.f32 v60, v50  }
0x131: {  	s14 =	sadd.s32 $0x30, s31;
	v57 =	vmul.f32 v63, v50;
	v60 =	vunpack.i.u.bf16.f32 v61;
	v49 =	vunpack.i.l.bf16.f32 v61  }
0x132: {  	v63 =	vmov s14;
	v47 =	vmul.f32 v59, v50;
	v41 =	vmul.f32 v58, v50  }
0x133: {  	v56 =	vmul.f32 v62, v50;
	v58 =	vunpack.i.u.bf16.f32 v55;
	v49 =	vmul.f32 v49, v50  }
0x134: {  	v59 =	vld.idx.msk [tilespmem:v29+s12+$0x1050 ss:$0x1], $0xffff;
	v61 =	vunpack.i.l.bf16.f32 v53;
	v53 =	vunpack.i.u.bf16.f32 v53;
	v35 =	vadd.f32 v48, v35  }
0x135: {  	v62 =	vld.idx.msk [tilespmem:v29+s12+$0x1060 ss:$0x1], $0xffff;
	v34 =	vadd.f32 v57, v34;
	v48 =	vmul.f32 v60, v50;
	v33 =	vadd.f32 v47, v33  }
0x136: {  	v55 =	vld.idx.msk [tilespmem:v29+s12+$0x1070 ss:$0x1], $0xffff;
	v51 =	vmul.f32 v61, v50;
	v31 =	vadd.f32 v41, v31;
	v32 =	vadd.f32 v56, v32  }
0x137: {  	v41 =	vmul.f32 v58, v50;
	v40 =	vadd.f32 v49, v40;
	v56 =	vmul.f32 v53, v50  }
0x138: {  	v36 =	vadd.f32 v48, v36;
	v42 =	vadd.f32 v51, v42  }
0x139: {  	v48 =	vld.idx.msk [tilespmem:v29+s12+$0x1800 ss:$0x1], $0xffff;
	v38 =	vadd.f32 v41, v38;
	v37 =	vadd.f32 v56, v37;
	v57 =	vunpack.i.l.bf16.f32 v59  }
0x13a: {  	v52 =	vld.idx.msk [tilespmem:v63+s22+$0x0], $0xffff;
	v58 =	vunpack.i.u.bf16.f32 v59;
	v60 =	vunpack.i.u.bf16.f32 v62;
	v61 =	vunpack.i.l.bf16.f32 v62  }
0x13b: {  	v63 =	vld.idx.msk [tilespmem:v29+s12+$0x1810 ss:$0x1], $0xffff;
	v62 =	vunpack.i.l.bf16.f32 v55;
	v59 =	vmul.f32 v57, v50;
	v41 =	vmul.f32 v58, v50  }
0x13c: {  	v51 =	vmul.f32 v61, v50;
	v49 =	vmul.f32 v60, v50;
	v58 =	vunpack.i.u.bf16.f32 v55  }
0x13d: {  	v57 =	vmul.f32 v62, v50;
	v47 =	vmul.f32 v58, v50;
	v44 =	vadd.f32 v59, v44  }
0x13e: {  	v60 =	vld.idx.msk [tilespmem:v29+s12+$0x1820 ss:$0x1], $0xffff;
	v39 =	vadd.f32 v41, v39;
	v43 =	vadd.f32 v51, v43;
	v59 =	vunpack.i.l.bf16.f32 v48  }
0x13f: {  	v41 =	vadd.f32 v57, v46;
	v48 =	vunpack.i.u.bf16.f32 v48;
	v57 =	vld.idx.msk [tilespmem:v29+s12+$0x1840 ss:$0x1], $0xffff;
	v46 =	vmul.f32 v59, v52  }
0x140: {  	v48 =	vmul.f32 v48, v52;
	v61 =	vunpack.i.u.bf16.f32 v63;
	v62 =	vunpack.i.l.bf16.f32 v63;
	v63 =	vld.idx.msk [tilespmem:v29+s12+$0x1830 ss:$0x1], $0xffff  }
0x141: {  	v45 =	vadd.f32 v49, v45;
	v30 =	vadd.f32 v47, v30;
	v56 =	vmul.f32 v62, v52  }
0x142: {  	s14 =	sadd.s32 $0x40, s31;
	v50 =	vmul.f32 v61, v52;
	v33 =	vadd.f32 v46, v33;
	v31 =	vadd.f32 v48, v31  }
0x143: {  	v62 =	vld.idx.msk [tilespmem:v29+s12+$0x1860 ss:$0x1], $0xffff;
	v58 =	vunpack.i.l.bf16.f32 v60;
	v59 =	vunpack.i.u.bf16.f32 v60;
	v60 =	vmov s14  }
0x144: {  	v48 =	vld.idx.msk [tilespmem:v29+s12+$0x1850 ss:$0x1], $0xffff;
	v35 =	vadd.f32 v56, v35;
	v32 =	vadd.f32 v50, v32;
	v46 =	vmul.f32 v58, v52  }
0x145: {  	v47 =	vmul.f32 v59, v52;
	v56 =	vunpack.i.u.bf16.f32 v57;
	v61 =	vunpack.i.u.bf16.f32 v63  }
0x146: {  	v53 =	vunpack.i.l.bf16.f32 v63;
	v63 =	vunpack.i.l.bf16.f32 v57;
	v34 =	vadd.f32 v46, v34  }
0x147: {  	v38 =	vadd.f32 v47, v38;
	v58 =	vmul.f32 v56, v52;
	v53 =	vmul.f32 v53, v52  }
0x148: {  	v57 =	vld.idx.msk [tilespmem:v29+s12+$0x1870 ss:$0x1], $0xffff;
	v50 =	vmul.f32 v61, v52;
	v55 =	vmul.f32 v63, v52;
	v54 =	vunpack.i.u.bf16.f32 v62  }
0x149: {  	v59 =	vunpack.i.l.bf16.f32 v48;
	v49 =	vld.idx.msk [tilespmem:v60+s22+$0x0], $0xffff;
	v48 =	vunpack.i.u.bf16.f32 v48;
	v60 =	vunpack.i.l.bf16.f32 v62  }
0x14a: {  	v61 =	vld.idx.msk [tilespmem:v29+s12+$0x2000 ss:$0x1], $0xffff;
	v37 =	vadd.f32 v58, v37;
	v63 =	vmul.f32 v54, v52;
	v40 =	vadd.f32 v53, v40  }
0x14b: {  	v62 =	vld.idx.msk [tilespmem:v29+s12+$0x2010 ss:$0x1], $0xffff;
	v36 =	vadd.f32 v50, v36;
	v47 =	vmul.f32 v59, v52;
	v48 =	vmul.f32 v48, v52  }
0x14c: {  	v42 =	vadd.f32 v55, v42;
	v51 =	vmul.f32 v60, v52;
	v45 =	vadd.f32 v63, v45  }
0x14d: {  	v50 =	vld.idx.msk [tilespmem:v29+s12+$0x2020 ss:$0x1], $0xffff;
	v44 =	vadd.f32 v47, v44;
	v39 =	vadd.f32 v48, v39;
	v54 =	vunpack.i.l.bf16.f32 v57  }
0x14e: {  	v59 =	vld.idx.msk [tilespmem:v29+s12+$0x2030 ss:$0x1], $0xffff;
	v43 =	vadd.f32 v51, v43;
	v51 =	vunpack.i.u.bf16.f32 v57;
	v47 =	vmul.f32 v54, v52  }
0x14f: {  	s14 =	sadd.s32 $0x50, s31;
	v46 =	vmul.f32 v51, v52;
	v56 =	vunpack.i.l.bf16.f32 v61;
	v57 =	vunpack.i.u.bf16.f32 v61  }
0x150: {  	v52 =	vmov s14;
	v48 =	vmul.f32 v56, v49;
	v58 =	vunpack.i.l.bf16.f32 v62  }
0x151: {  	v63 =	vld.idx.msk [tilespmem:v29+s12+$0x2040 ss:$0x1], $0xffff;
	v60 =	vmul.f32 v57, v49;
	v62 =	vunpack.i.u.bf16.f32 v62;
	v41 =	vadd.f32 v47, v41  }
0x152: {  	v61 =	vmul.f32 v58, v49;
	v30 =	vadd.f32 v46, v30;
	v46 =	vmul.f32 v62, v49  }
0x153: {  	v56 =	vunpack.i.u.bf16.f32 v50;
	v50 =	vunpack.i.l.bf16.f32 v50;
	v57 =	vunpack.i.l.bf16.f32 v59  }
0x154: {  	v51 =	vld.idx.msk [tilespmem:v29+s12+$0x2050 ss:$0x1], $0xffff;
	v59 =	vunpack.i.u.bf16.f32 v59;
	v33 =	vadd.f32 v48, v33;
	v50 =	vmul.f32 v50, v49  }
0x155: {  	v31 =	vadd.f32 v60, v31;
	v48 =	vmul.f32 v56, v49;
	v58 =	vmul.f32 v57, v49  }
0x156: {  	v55 =	vld.idx.msk [tilespmem:v29+s12+$0x2800 ss:$0x1], $0xffff;
	v60 =	vmul.f32 v59, v49;
	v47 =	vunpack.i.u.bf16.f32 v63;
	v35 =	vadd.f32 v61, v35  }
0x157: {  	v62 =	vld.idx.msk [tilespmem:v29+s12+$0x2060 ss:$0x1], $0xffff;
	v32 =	vadd.f32 v46, v32;
	v61 =	vunpack.i.l.bf16.f32 v63;
	v34 =	vadd.f32 v50, v34  }
0x158: {  	v57 =	vld.idx.msk [tilespmem:v29+s12+$0x2070 ss:$0x1], $0xffff;
	v47 =	vmul.f32 v47, v49;
	v38 =	vadd.f32 v48, v38;
	v40 =	vadd.f32 v58, v40  }
0x159: {  	v48 =	vmul.f32 v61, v49;
	v63 =	vunpack.i.l.bf16.f32 v51;
	v51 =	vunpack.i.u.bf16.f32 v51  }
0x15a: {  	v54 =	vld.idx.msk [tilespmem:v29+s12+$0x2820 ss:$0x1], $0xffff;
	v36 =	vadd.f32 v60, v36;
	v53 =	vmul.f32 v63, v49;
	v58 =	vmul.f32 v51, v49  }
0x15b: {  	v56 =	vld.idx.msk [tilespmem:v29+s12+$0x2840 ss:$0x1], $0xffff;
	v37 =	vadd.f32 v47, v37;
	v63 =	vunpack.i.l.bf16.f32 v55;
	v42 =	vadd.f32 v48, v42  }
0x15c: {  	v51 =	vld.idx.msk [tilespmem:v29+s12+$0x2810 ss:$0x1], $0xffff;
	v59 =	vunpack.i.u.bf16.f32 v62;
	v60 =	vunpack.i.l.bf16.f32 v62;
	v44 =	vadd.f32 v53, v44  }
0x15d: {  	v48 =	vld.idx.msk [tilespmem:v52+s22+$0x0], $0xffff;
	v39 =	vadd.f32 v58, v39;
	v47 =	vmul.f32 v60, v49;
	v61 =	vunpack.i.l.bf16.f32 v57  }
0x15e: {  	v46 =	vmul.f32 v59, v49;
	v62 =	vunpack.i.u.bf16.f32 v57;
	v50 =	vmul.f32 v61, v49  }
0x15f: {  	v59 =	vunpack.i.u.bf16.f32 v55;
	v57 =	vmul.f32 v62, v49;
	v43 =	vadd.f32 v47, v43  }
0x160: {  	v52 =	vunpack.i.l.bf16.f32 v56;
	v45 =	vadd.f32 v46, v45;
	v41 =	vadd.f32 v50, v41  }
0x161: {  	v53 =	vld.idx.msk [tilespmem:v29+s12+$0x2850 ss:$0x1], $0xffff;
	v30 =	vadd.f32 v57, v30;
	v61 =	vunpack.i.u.bf16.f32 v51;
	v62 =	vunpack.i.l.bf16.f32 v51  }
0x162: {  	v60 =	vld.idx.msk [tilespmem:v29+s12+$0x2830 ss:$0x1], $0xffff;
	v57 =	vunpack.i.u.bf16.f32 v54;
	v58 =	vmul.f32 v63, v48;
	v46 =	vmul.f32 v59, v48  }
0x163: {  	s14 =	sadd.s32 $0x60, s31;
	v50 =	vmul.f32 v62, v48;
	v49 =	vmul.f32 v61, v48;
	v63 =	vunpack.i.l.bf16.f32 v54  }
0x164: {  	v59 =	vmov s14;
	v62 =	vunpack.i.u.bf16.f32 v56;
	v52 =	vmul.f32 v52, v48  }
0x165: {  	v51 =	vmul.f32 v63, v48;
	v33 =	vadd.f32 v58, v33;
	v31 =	vadd.f32 v46, v31  }
0x166: {  	v63 =	vunpack.i.l.bf16.f32 v53;
	v35 =	vadd.f32 v50, v35;
	v32 =	vadd.f32 v49, v32  }
0x167: {  	v54 =	vld.idx.msk [tilespmem:v29+s12+$0x2870 ss:$0x1], $0xffff;
	v46 =	vmul.f32 v57, v48;
	v58 =	vunpack.i.l.bf16.f32 v60;
	v60 =	vunpack.i.u.bf16.f32 v60  }
0x168: {  	v49 =	vld.idx.msk [tilespmem:v29+s12+$0x2860 ss:$0x1], $0xffff;
	v57 =	vmul.f32 v63, v48;
	v42 =	vadd.f32 v52, v42;
	v34 =	vadd.f32 v51, v34  }
0x169: {  	v63 =	vld.idx.msk [tilespmem:v29+s12+$0x3010 ss:$0x1], $0xffff;
	v61 =	vmul.f32 v58, v48;
	v51 =	vmul.f32 v62, v48;
	v58 =	vunpack.i.u.bf16.f32 v53  }
0x16a: {  	v55 =	vld.idx.msk [tilespmem:v29+s12+$0x3020 ss:$0x1], $0xffff;
	v38 =	vadd.f32 v46, v38;
	v46 =	vmul.f32 v60, v48;
	v44 =	vadd.f32 v57, v44  }
0x16b: {  	v40 =	vadd.f32 v61, v40;
	v37 =	vadd.f32 v51, v37;
	v50 =	vld.idx.msk [tilespmem:v59+s22+$0x0], $0xffff;
	v59 =	vmul.f32 v58, v48  }
0x16c: {  	v61 =	vld.idx.msk [tilespmem:v29+s12+$0x3000 ss:$0x1], $0xffff;
	v62 =	vunpack.i.l.bf16.f32 v54;
	v54 =	vunpack.i.u.bf16.f32 v54;
	v36 =	vadd.f32 v46, v36  }
0x16d: {  	v52 =	vmul.f32 v62, v48;
	v57 =	vmul.f32 v54, v48;
	v60 =	vunpack.i.l.bf16.f32 v49  }
0x16e: {  	v49 =	vunpack.i.u.bf16.f32 v49;
	v39 =	vadd.f32 v59, v39;
	v62 =	vunpack.i.u.bf16.f32 v63  }
0x16f: {  	v47 =	vmul.f32 v60, v48;
	v49 =	vmul.f32 v49, v48;
	v41 =	vadd.f32 v52, v41  }
0x170: {  	v30 =	vadd.f32 v57, v30;
	v60 =	vunpack.i.l.bf16.f32 v63;
	v63 =	vunpack.i.l.bf16.f32 v55  }
0x171: {  	v43 =	vadd.f32 v47, v43;
	v58 =	vunpack.i.u.bf16.f32 v61;
	v59 =	vunpack.i.l.bf16.f32 v61;
	v61 =	vld.idx.msk [tilespmem:v29+s12+$0x3030 ss:$0x1], $0xffff  }
0x172: {  	s14 =	sadd.s32 $0x70, s31;
	v53 =	vld.idx.msk [tilespmem:v29+s12+$0x3040 ss:$0x1], $0xffff;
	v45 =	vadd.f32 v49, v45;
	v48 =	vmul.f32 v60, v50;
	v56 =	vmul.f32 v62, v50  }
0x173: {  	v57 =	vmul.f32 v63, v50;
	v63 =	vmov s14;
	v47 =	vmul.f32 v59, v50  }
0x174: {  	v46 =	vmul.f32 v58, v50;
	v59 =	vld.idx.msk [tilespmem:v29+s12+$0x3050 ss:$0x1], $0xffff;
	v35 =	vadd.f32 v48, v35;
	v32 =	vadd.f32 v56, v32  }
0x175: {  	v62 =	vld.idx.msk [tilespmem:v29+s12+$0x3060 ss:$0x1], $0xffff;
	v58 =	vunpack.i.u.bf16.f32 v55;
	v34 =	vadd.f32 v57, v34;
	v33 =	vadd.f32 v47, v33  }
0x176: {  	v55 =	vld.idx.msk [tilespmem:v29+s12+$0x3070 ss:$0x1], $0xffff;
	v31 =	vadd.f32 v46, v31;
	v46 =	vmul.f32 v58, v50;
	v60 =	vunpack.i.u.bf16.f32 v61  }
0x177: {  	v49 =	vunpack.i.l.bf16.f32 v61;
	v61 =	vunpack.i.l.bf16.f32 v53;
	v53 =	vunpack.i.u.bf16.f32 v53  }
0x178: {  	v38 =	vadd.f32 v46, v38;
	v49 =	vmul.f32 v49, v50;
	v48 =	vmul.f32 v60, v50  }
0x179: {  	v51 =	vmul.f32 v61, v50;
	v56 =	vmul.f32 v53, v50;
	v57 =	vunpack.i.l.bf16.f32 v59  }
0x17a: {  	v52 =	vld.idx.msk [tilespmem:v63+s22+$0x0], $0xffff;
	v58 =	vunpack.i.u.bf16.f32 v59;
	v60 =	vunpack.i.u.bf16.f32 v62;
	v61 =	vunpack.i.l.bf16.f32 v62  }
0x17b: {  	v63 =	vld.idx.msk [tilespmem:v29+s12+$0x3810 ss:$0x1], $0xffff;
	v62 =	vunpack.i.l.bf16.f32 v55;
	v59 =	vmul.f32 v57, v50;
	v46 =	vmul.f32 v58, v50  }
0x17c: {  	v57 =	vmul.f32 v62, v50;
	v40 =	vadd.f32 v49, v40;
	v36 =	vadd.f32 v48, v36  }
0x17d: {  	v58 =	vunpack.i.u.bf16.f32 v55;
	v42 =	vadd.f32 v51, v42;
	v37 =	vadd.f32 v56, v37;
	v48 =	vld.idx.msk [tilespmem:v29+s12+$0x3800 ss:$0x1], $0xffff  }
0x17e: {  	v51 =	vmul.f32 v61, v50;
	v49 =	vmul.f32 v60, v50;
	v60 =	vld.idx.msk [tilespmem:v29+s12+$0x3820 ss:$0x1], $0xffff;
	v44 =	vadd.f32 v59, v44  }
0x17f: {  	v47 =	vmul.f32 v58, v50;
	v39 =	vadd.f32 v46, v39;
	v41 =	vadd.f32 v57, v41  }
0x180: {  	v57 =	vld.idx.msk [tilespmem:v29+s12+$0x3840 ss:$0x1], $0xffff;
	v43 =	vadd.f32 v51, v43;
	v61 =	vunpack.i.u.bf16.f32 v63;
	v62 =	vunpack.i.l.bf16.f32 v63  }
0x181: {  	v45 =	vadd.f32 v49, v45;
	v63 =	vld.idx.msk [tilespmem:v29+s12+$0x3830 ss:$0x1], $0xffff;
	v56 =	vmul.f32 v62, v52;
	v50 =	vmul.f32 v61, v52  }
0x182: {  	v30 =	vadd.f32 v47, v30;
	v59 =	vunpack.i.l.bf16.f32 v48;
	v48 =	vunpack.i.u.bf16.f32 v48  }
0x183: {  	v35 =	vadd.f32 v56, v35;
	v32 =	vadd.f32 v50, v32;
	v58 =	vunpack.i.l.bf16.f32 v60  }
0x184: {  	s14 =	sadd.s32 $0x80, s31;
	v62 =	vld.idx.msk [tilespmem:v29+s12+$0x3860 ss:$0x1], $0xffff;
	v46 =	vmul.f32 v59, v52;
	v48 =	vmul.f32 v48, v52;
	v59 =	vunpack.i.u.bf16.f32 v60  }
0x185: {  	v60 =	vmov s14;
	v56 =	vunpack.i.u.bf16.f32 v57;
	v47 =	vmul.f32 v59, v52  }
0x186: {  	v61 =	vunpack.i.u.bf16.f32 v63;
	v53 =	vunpack.i.l.bf16.f32 v63;
	v63 =	vunpack.i.l.bf16.f32 v57  }
0x187: {  	v57 =	vld.idx.msk [tilespmem:v29+s12+$0x3870 ss:$0x1], $0xffff;
	v33 =	vadd.f32 v46, v33;
	v46 =	vmul.f32 v58, v52;
	v53 =	vmul.f32 v53, v52  }
0x188: {  	v31 =	vadd.f32 v48, v31;
	v48 =	vld.idx.msk [tilespmem:v29+s12+$0x3850 ss:$0x1], $0xffff;
	v50 =	vmul.f32 v61, v52;
	v55 =	vmul.f32 v63, v52  }
0x189: {  	v58 =	vmul.f32 v56, v52;
	v61 =	vld.idx.msk [tilespmem:v29+s12+$0x4000 ss:$0x1], $0xffff;
	v54 =	vunpack.i.u.bf16.f32 v62;
	v38 =	vadd.f32 v47, v38  }
0x18a: {  	v63 =	vmul.f32 v54, v52;
	v34 =	vadd.f32 v46, v34;
	v40 =	vadd.f32 v53, v40  }
0x18b: {  	v36 =	vadd.f32 v50, v36;
	v42 =	vadd.f32 v55, v42;
	v49 =	vld.idx.msk [tilespmem:v60+s22+$0x0], $0xffff;
	v60 =	vunpack.i.l.bf16.f32 v62  }
0x18c: {  	v37 =	vadd.f32 v58, v37;
	v62 =	vld.idx.msk [tilespmem:v29+s12+$0x4010 ss:$0x1], $0xffff;
	v45 =	vadd.f32 v63, v45;
	v51 =	vmul.f32 v60, v52  }
0x18d: {  	v50 =	vld.idx.msk [tilespmem:v29+s12+$0x4020 ss:$0x1], $0xffff;
	v54 =	vunpack.i.l.bf16.f32 v57;
	v59 =	vunpack.i.l.bf16.f32 v48;
	v48 =	vunpack.i.u.bf16.f32 v48  }
0x18e: {  	v56 =	vunpack.i.l.bf16.f32 v61;
	v47 =	vmul.f32 v59, v52;
	v48 =	vmul.f32 v48, v52  }
0x18f: {  	v43 =	vadd.f32 v51, v43;
	v51 =	vunpack.i.u.bf16.f32 v57;
	v57 =	vunpack.i.u.bf16.f32 v61  }
0x190: {  	v46 =	vmul.f32 v51, v52;
	v44 =	vadd.f32 v47, v44;
	v39 =	vadd.f32 v48, v39  }
0x191: {  	v63 =	vld.idx.msk [tilespmem:v29+s12+$0x4040 ss:$0x1], $0xffff;
	v47 =	vmul.f32 v54, v52;
	v48 =	vmul.f32 v56, v49;
	v58 =	vunpack.i.l.bf16.f32 v62  }
0x192: {  	s14 =	sadd.s32 $0x90, s31;
	v59 =	vld.idx.msk [tilespmem:v29+s12+$0x4030 ss:$0x1], $0xffff;
	v60 =	vmul.f32 v57, v49;
	v62 =	vunpack.i.u.bf16.f32 v62;
	v56 =	vunpack.i.u.bf16.f32 v50  }
0x193: {  	v50 =	vunpack.i.l.bf16.f32 v50;
	v52 =	vmov s14;
	v61 =	vmul.f32 v58, v49  }
0x194: {  	v30 =	vadd.f32 v46, v30;
	v46 =	vmul.f32 v62, v49;
	v41 =	vadd.f32 v47, v41  }
0x195: {  	v51 =	vld.idx.msk [tilespmem:v29+s12+$0x4050 ss:$0x1], $0xffff;
	v50 =	vmul.f32 v50, v49;
	v33 =	vadd.f32 v48, v33;
	v31 =	vadd.f32 v60, v31  }
0x196: {  	v48 =	vmul.f32 v56, v49;
	v47 =	vunpack.i.u.bf16.f32 v63;
	v35 =	vadd.f32 v61, v35  }
0x197: {  	v55 =	vld.idx.msk [tilespmem:v29+s12+$0x4800 ss:$0x1], $0xffff;
	v57 =	vunpack.i.l.bf16.f32 v59;
	v32 =	vadd.f32 v46, v32;
	v34 =	vadd.f32 v50, v34  }
0x198: {  	v62 =	vld.idx.msk [tilespmem:v29+s12+$0x4060 ss:$0x1], $0xffff;
	v59 =	vunpack.i.u.bf16.f32 v59;
	v61 =	vunpack.i.l.bf16.f32 v63;
	v47 =	vmul.f32 v47, v49  }
0x199: {  	v58 =	vmul.f32 v57, v49;
	v38 =	vadd.f32 v48, v38;
	v60 =	vmul.f32 v59, v49  }
0x19a: {  	v56 =	vld.idx.msk [tilespmem:v29+s12+$0x4840 ss:$0x1], $0xffff;
	v48 =	vmul.f32 v61, v49;
	v63 =	vunpack.i.l.bf16.f32 v51;
	v51 =	vunpack.i.u.bf16.f32 v51  }
0x19b: {  	v57 =	vld.idx.msk [tilespmem:v29+s12+$0x4070 ss:$0x1], $0xffff;
	v53 =	vmul.f32 v63, v49;
	v37 =	vadd.f32 v47, v37;
	v40 =	vadd.f32 v58, v40  }
0x19c: {  	v63 =	vunpack.i.l.bf16.f32 v55;
	v36 =	vadd.f32 v60, v36;
	v42 =	vadd.f32 v48, v42;
	v48 =	vld.idx.msk [tilespmem:v52+s22+$0x0], $0xffff  }
0x19d: {  	v58 =	vmul.f32 v51, v49;
	v59 =	vunpack.i.u.bf16.f32 v62;
	v60 =	vunpack.i.l.bf16.f32 v62;
	v51 =	vld.idx.msk [tilespmem:v29+s12+$0x4810 ss:$0x1], $0xffff  }
0x19e: {  	v54 =	vld.idx.msk [tilespmem:v29+s12+$0x4820 ss:$0x1], $0xffff;
	v44 =	vadd.f32 v53, v44;
	v47 =	vmul.f32 v60, v49;
	v46 =	vmul.f32 v59, v49  }
0x19f: {  	v59 =	vunpack.i.u.bf16.f32 v55;
	v52 =	vunpack.i.l.bf16.f32 v56;
	v39 =	vadd.f32 v58, v39  }
0x1a0: {  	v61 =	vunpack.i.l.bf16.f32 v57;
	v62 =	vunpack.i.u.bf16.f32 v57;
	v43 =	vadd.f32 v47, v43  }
0x1a1: {  	v53 =	vld.idx.msk [tilespmem:v29+s12+$0x4850 ss:$0x1], $0xffff;
	v45 =	vadd.f32 v46, v45;
	v50 =	vmul.f32 v61, v49;
	v57 =	vmul.f32 v62, v49  }
0x1a2: {  	s14 =	sadd.s32 $0xA0, s31;
	v58 =	vmul.f32 v63, v48;
	v46 =	vmul.f32 v59, v48;
	v61 =	vunpack.i.u.bf16.f32 v51  }
0x1a3: {  	v60 =	vld.idx.msk [tilespmem:v29+s12+$0x4830 ss:$0x1], $0xffff;
	v62 =	vunpack.i.l.bf16.f32 v51;
	v63 =	vunpack.i.l.bf16.f32 v54;
	v59 =	vmov s14  }
0x1a4: {  	v52 =	vmul.f32 v52, v48;
	v41 =	vadd.f32 v50, v41;
	v30 =	vadd.f32 v57, v30  }
0x1a5: {  	v50 =	vmul.f32 v62, v48;
	v49 =	vmul.f32 v61, v48;
	v57 =	vunpack.i.u.bf16.f32 v54  }
0x1a6: {  	v51 =	vmul.f32 v63, v48;
	v62 =	vunpack.i.u.bf16.f32 v56;
	v63 =	vunpack.i.l.bf16.f32 v53  }
0x1a7: {  	v33 =	vadd.f32 v58, v33;
	v31 =	vadd.f32 v46, v31;
	v46 =	vmul.f32 v57, v48  }
0x1a8: {  	v54 =	vld.idx.msk [tilespmem:v29+s12+$0x4870 ss:$0x1], $0xffff;
	v58 =	vunpack.i.l.bf16.f32 v60;
	v60 =	vunpack.i.u.bf16.f32 v60;
	v42 =	vadd.f32 v52, v42  }
0x1a9: {  	v55 =	vld.idx.msk [tilespmem:v29+s12+$0x5020 ss:$0x1], $0xffff;
	v57 =	vmul.f32 v63, v48;
	v35 =	vadd.f32 v50, v35;
	v32 =	vadd.f32 v49, v32  }
0x1aa: {  	v34 =	vadd.f32 v51, v34;
	v61 =	vmul.f32 v58, v48;
	v49 =	vld.idx.msk [tilespmem:v29+s12+$0x4860 ss:$0x1], $0xffff;
	v51 =	vmul.f32 v62, v48  }
0x1ab: {  	v63 =	vld.idx.msk [tilespmem:v29+s12+$0x5010 ss:$0x1], $0xffff;
	v58 =	vunpack.i.u.bf16.f32 v53;
	v38 =	vadd.f32 v46, v38;
	v46 =	vmul.f32 v60, v48  }
0x1ac: {  	v44 =	vadd.f32 v57, v44;
	v40 =	vadd.f32 v61, v40;
	v50 =	vld.idx.msk [tilespmem:v59+s22+$0x0], $0xffff;
	v59 =	vmul.f32 v58, v48  }
0x1ad: {  	v37 =	vadd.f32 v51, v37;
	v61 =	vld.idx.msk [tilespmem:v29+s12+$0x5000 ss:$0x1], $0xffff;
	v36 =	vadd.f32 v46, v36;
	v62 =	vunpack.i.l.bf16.f32 v54  }
0x1ae: {  	v54 =	vunpack.i.u.bf16.f32 v54;
	v52 =	vmul.f32 v62, v48;
	v39 =	vadd.f32 v59, v39  }
0x1af: {  	v57 =	vmul.f32 v54, v48;
	v60 =	vunpack.i.l.bf16.f32 v49;
	v49 =	vunpack.i.u.bf16.f32 v49  }
0x1b0: {  	v62 =	vunpack.i.u.bf16.f32 v63;
	v47 =	vmul.f32 v60, v48;
	v49 =	vmul.f32 v49, v48  }
0x1b1: {  	v41 =	vadd.f32 v52, v41;
	v30 =	vadd.f32 v57, v30;
	v60 =	vunpack.i.l.bf16.f32 v63  }
0x1b2: {  	v53 =	vld.idx.msk [tilespmem:v29+s12+$0x5040 ss:$0x1], $0xffff;
	v63 =	vunpack.i.l.bf16.f32 v55;
	v58 =	vunpack.i.u.bf16.f32 v61;
	v48 =	vmul.f32 v60, v50  }
0x1b3: {  	s14 =	sadd.s32 $0xB0, s31;
	v59 =	vunpack.i.l.bf16.f32 v61;
	v61 =	vld.idx.msk [tilespmem:v29+s12+$0x5030 ss:$0x1], $0xffff;
	v56 =	vmul.f32 v62, v50;
	v57 =	vmul.f32 v63, v50  }
0x1b4: {  	v63 =	vmov s14;
	v43 =	vadd.f32 v47, v43;
	v45 =	vadd.f32 v49, v45  }
0x1b5: {  	v62 =	vld.idx.msk [tilespmem:v29+s12+$0x5060 ss:$0x1], $0xffff;
	v47 =	vmul.f32 v59, v50;
	v46 =	vmul.f32 v58, v50;
	v35 =	vadd.f32 v48, v35  }
0x1b6: {  	v58 =	vunpack.i.u.bf16.f32 v55;
	v59 =	vld.idx.msk [tilespmem:v29+s12+$0x5050 ss:$0x1], $0xffff;
	v32 =	vadd.f32 v56, v32;
	v34 =	vadd.f32 v57, v34  }
0x1b7: {  	v55 =	vld.idx.msk [tilespmem:v29+s12+$0x5070 ss:$0x1], $0xffff;
	v33 =	vadd.f32 v47, v33;
	v31 =	vadd.f32 v46, v31;
	v46 =	vmul.f32 v58, v50  }
0x1b8: {  	v60 =	vunpack.i.u.bf16.f32 v61;
	v49 =	vunpack.i.l.bf16.f32 v61;
	v61 =	vunpack.i.l.bf16.f32 v53  }
0x1b9: {  	v53 =	vunpack.i.u.bf16.f32 v53;
	v49 =	vmul.f32 v49, v50;
	v48 =	vmul.f32 v60, v50  }
0x1ba: {  	v38 =	vadd.f32 v46, v38;
	v51 =	vmul.f32 v61, v50;
	v53 =	vmul.f32 v53, v50  }
0x1bb: {  	v56 =	vunpack.i.l.bf16.f32 v59;
	v57 =	vunpack.i.u.bf16.f32 v59;
	v60 =	vunpack.i.u.bf16.f32 v62  }
0x1bc: {  	v52 =	vld.idx.msk [tilespmem:v63+s22+$0x0], $0xffff;
	v61 =	vunpack.i.l.bf16.f32 v62;
	v62 =	vunpack.i.l.bf16.f32 v55;
	v58 =	vmul.f32 v56, v50  }
0x1bd: {  	v63 =	vld.idx.msk [tilespmem:v29+s12+$0x5810 ss:$0x1], $0xffff;
	v46 =	vmul.f32 v57, v50;
	v56 =	vunpack.i.u.bf16.f32 v55;
	v40 =	vadd.f32 v49, v40  }
0x1be: {  	v59 =	vld.idx.msk [tilespmem:v29+s12+$0x5800 ss:$0x1], $0xffff;
	v36 =	vadd.f32 v48, v36;
	v42 =	vadd.f32 v51, v42;
	v51 =	vmul.f32 v61, v50  }
0x1bf: {  	v37 =	vadd.f32 v53, v37;
	v49 =	vmul.f32 v60, v50;
	v53 =	vmul.f32 v62, v50  }
0x1c0: {  	v47 =	vmul.f32 v56, v50;
	v44 =	vadd.f32 v58, v44;
	v39 =	vadd.f32 v46, v39  }
0x1c1: {  	v61 =	vld.idx.msk [tilespmem:v29+s12+$0x5830 ss:$0x1], $0xffff;
	v43 =	vadd.f32 v51, v43;
	v45 =	vadd.f32 v49, v45  }
0x1c2: {  	v58 =	vld.idx.msk [tilespmem:v29+s12+$0x5820 ss:$0x1], $0xffff;
	v41 =	vadd.f32 v53, v41;
	v60 =	vunpack.i.l.bf16.f32 v63;
	v30 =	vadd.f32 v47, v30  }
0x1c3: {  	v57 =	vunpack.i.l.bf16.f32 v59;
	v48 =	vunpack.i.u.bf16.f32 v59;
	v62 =	vmul.f32 v60, v52  }
0x1c4: {  	s14 =	sadd.s32 $0xC0, s31;
	v59 =	vunpack.i.u.bf16.f32 v63;
	v63 =	vld.idx.msk [tilespmem:v29+s12+$0x5840 ss:$0x1], $0xffff;
	v46 =	vmul.f32 v57, v52;
	v48 =	vmul.f32 v48, v52  }
0x1c5: {  	v50 =	vmul.f32 v59, v52;
	v57 =	vmov s14;
	v35 =	vadd.f32 v62, v35  }
0x1c6: {  	v53 =	vunpack.i.l.bf16.f32 v61;
	v33 =	vadd.f32 v46, v33;
	v31 =	vadd.f32 v48, v31  }
0x1c7: {  	v54 =	vld.idx.msk [tilespmem:v29+s12+$0x5860 ss:$0x1], $0xffff;
	v32 =	vadd.f32 v50, v32;
	v55 =	vunpack.i.l.bf16.f32 v58;
	v56 =	vunpack.i.u.bf16.f32 v58  }
0x1c8: {  	v62 =	vld.idx.msk [tilespmem:v29+s12+$0x5870 ss:$0x1], $0xffff;
	v58 =	vunpack.i.u.bf16.f32 v61;
	v53 =	vmul.f32 v53, v52;
	v46 =	vmul.f32 v55, v52  }
0x1c9: {  	v48 =	vld.idx.msk [tilespmem:v29+s12+$0x5850 ss:$0x1], $0xffff;
	v47 =	vmul.f32 v56, v52;
	v50 =	vmul.f32 v58, v52;
	v59 =	vunpack.i.l.bf16.f32 v63  }
0x1ca: {  	v40 =	vadd.f32 v53, v40;
	v61 =	vunpack.i.u.bf16.f32 v63;
	v34 =	vadd.f32 v46, v34  }
0x1cb: {  	v58 =	vld.idx.msk [tilespmem:v29+s12+$0x6000 ss:$0x1], $0xffff;
	v38 =	vadd.f32 v47, v38;
	v60 =	vmul.f32 v59, v52;
	v36 =	vadd.f32 v50, v36  }
0x1cc: {  	v63 =	vmul.f32 v61, v52;
	v49 =	vld.idx.msk [tilespmem:v57+s22+$0x0], $0xffff;
	v57 =	vunpack.i.l.bf16.f32 v54;
	v54 =	vunpack.i.u.bf16.f32 v54  }
0x1cd: {  	v55 =	vld.idx.msk [tilespmem:v29+s12+$0x6010 ss:$0x1], $0xffff;
	v51 =	vmul.f32 v57, v52;
	v59 =	vmul.f32 v54, v52;
	v61 =	vunpack.i.l.bf16.f32 v62  }
0x1ce: {  	v42 =	vadd.f32 v60, v42;
	v56 =	vunpack.i.l.bf16.f32 v48;
	v48 =	vunpack.i.u.bf16.f32 v48  }
0x1cf: {  	v37 =	vadd.f32 v63, v37;
	v60 =	vunpack.i.u.bf16.f32 v62;
	v47 =	vmul.f32 v56, v52  }
0x1d0: {  	v48 =	vmul.f32 v48, v52;
	v43 =	vadd.f32 v51, v43;
	v45 =	vadd.f32 v59, v45  }
0x1d1: {  	v63 =	vld.idx.msk [tilespmem:v29+s12+$0x6020 ss:$0x1], $0xffff;
	v46 =	vmul.f32 v60, v52;
	v62 =	vunpack.i.l.bf16.f32 v58;
	v56 =	vunpack.i.u.bf16.f32 v58  }
0x1d2: {  	v57 =	vunpack.i.l.bf16.f32 v55;
	v44 =	vadd.f32 v47, v44;
	v47 =	vmul.f32 v61, v52  }
0x1d3: {  	v58 =	vld.idx.msk [tilespmem:v29+s12+$0x6030 ss:$0x1], $0xffff;
	v39 =	vadd.f32 v48, v39;
	v48 =	vmul.f32 v62, v49;
	v59 =	vmul.f32 v56, v49  }
0x1d4: {  	s14 =	sadd.s32 $0xD0, s31;
	v51 =	vld.idx.msk [tilespmem:v29+s12+$0x6050 ss:$0x1], $0xffff;
	v60 =	vmul.f32 v57, v49;
	v30 =	vadd.f32 v46, v30;
	v61 =	vunpack.i.u.bf16.f32 v55  }
0x1d5: {  	v57 =	vmov s14;
	v46 =	vmul.f32 v61, v49;
	v41 =	vadd.f32 v47, v41  }
0x1d6: {  	v33 =	vadd.f32 v48, v33;
	v31 =	vadd.f32 v59, v31;
	v47 =	vld.idx.msk [tilespmem:v29+s12+$0x6040 ss:$0x1], $0xffff;
	v50 =	vunpack.i.l.bf16.f32 v63  }
0x1d7: {  	v35 =	vadd.f32 v60, v35;
	v62 =	vunpack.i.u.bf16.f32 v63;
	v59 =	vld.idx.msk [tilespmem:v29+s12+$0x6060 ss:$0x1], $0xffff;
	v50 =	vmul.f32 v50, v49  }
0x1d8: {  	v48 =	vmul.f32 v62, v49;
	v63 =	vunpack.i.l.bf16.f32 v58;
	v32 =	vadd.f32 v46, v32  }
0x1d9: {  	v58 =	vunpack.i.u.bf16.f32 v58;
	v62 =	vunpack.i.l.bf16.f32 v51;
	v56 =	vmul.f32 v63, v49;
	v63 =	vld.idx.msk [tilespmem:v29+s12+$0x6070 ss:$0x1], $0xffff  }
0x1da: {  	v51 =	vunpack.i.u.bf16.f32 v51;
	v60 =	vmul.f32 v58, v49;
	v34 =	vadd.f32 v50, v34  }
0x1db: {  	v53 =	vmul.f32 v62, v49;
	v38 =	vadd.f32 v48, v38;
	v40 =	vadd.f32 v56, v40  }
0x1dc: {  	v55 =	vld.idx.msk [tilespmem:v29+s12+$0x6800 ss:$0x1], $0xffff;
	v56 =	vmul.f32 v51, v49;
	v61 =	vunpack.i.l.bf16.f32 v47;
	v58 =	vunpack.i.u.bf16.f32 v59  }
0x1dd: {  	v36 =	vadd.f32 v60, v36;
	v48 =	vmul.f32 v61, v49;
	v46 =	vmul.f32 v58, v49;
	v58 =	vld.idx.msk [tilespmem:v29+s12+$0x6830 ss:$0x1], $0xffff  }
0x1de: {  	v47 =	vunpack.i.u.bf16.f32 v47;
	v60 =	vunpack.i.u.bf16.f32 v63;
	v61 =	vunpack.i.l.bf16.f32 v63;
	v63 =	vld.idx.msk [tilespmem:v29+s12+$0x6820 ss:$0x1], $0xffff  }
0x1df: {  	v44 =	vadd.f32 v53, v44;
	v47 =	vmul.f32 v47, v49;
	v42 =	vadd.f32 v48, v42;
	v48 =	vld.idx.msk [tilespmem:v57+s22+$0x0], $0xffff  }
0x1e0: {  	v39 =	vadd.f32 v56, v39;
	v57 =	vunpack.i.l.bf16.f32 v59;
	v59 =	vld.idx.msk [tilespmem:v29+s12+$0x6810 ss:$0x1], $0xffff;
	v52 =	vmul.f32 v61, v49  }
0x1e1: {  	v37 =	vadd.f32 v47, v37;
	v47 =	vmul.f32 v57, v49;
	v49 =	vmul.f32 v60, v49  }
0x1e2: {  	v62 =	vunpack.i.l.bf16.f32 v55;
	v45 =	vadd.f32 v46, v45;
	v61 =	vld.idx.msk [tilespmem:v29+s12+$0x6840 ss:$0x1], $0xffff;
	v41 =	vadd.f32 v52, v41  }
0x1e3: {  	v56 =	vunpack.i.u.bf16.f32 v55;
	v43 =	vadd.f32 v47, v43;
	v30 =	vadd.f32 v49, v30  }
0x1e4: {  	v55 =	vunpack.i.l.bf16.f32 v58;
	v60 =	vunpack.i.l.bf16.f32 v63;
	v54 =	vmul.f32 v62, v48  }
0x1e5: {  	v57 =	vunpack.i.l.bf16.f32 v59;
	v47 =	vmul.f32 v56, v48;
	v50 =	vunpack.i.u.bf16.f32 v59  }
0x1e6: {  	v59 =	vunpack.i.u.bf16.f32 v63;
	v62 =	vmul.f32 v60, v48;
	v56 =	vunpack.i.u.bf16.f32 v58  }
0x1e7: {  	s14 =	sadd.s32 $0xE0, s31;
	v49 =	vld.idx.msk [tilespmem:v29+s12+$0x6860 ss:$0x1], $0xffff;
	v58 =	vunpack.i.u.bf16.f32 v61;
	v53 =	vunpack.i.l.bf16.f32 v61;
	v46 =	vmul.f32 v57, v48  }
0x1e8: {  	v50 =	vmul.f32 v50, v48;
	v51 =	vmul.f32 v59, v48;
	v57 =	vmov s14  }
0x1e9: {  	v63 =	vld.idx.msk [tilespmem:v29+s12+$0x6850 ss:$0x1], $0xffff;
	v53 =	vmul.f32 v53, v48;
	v33 =	vadd.f32 v54, v33;
	v31 =	vadd.f32 v47, v31  }
0x1ea: {  	v34 =	vadd.f32 v62, v34;
	v47 =	vmul.f32 v56, v48;
	v35 =	vadd.f32 v46, v35  }
0x1eb: {  	v54 =	vld.idx.msk [tilespmem:v29+s12+$0x6870 ss:$0x1], $0xffff;
	v32 =	vadd.f32 v50, v32;
	v38 =	vadd.f32 v51, v38;
	v46 =	vmul.f32 v55, v48  }
0x1ec: {  	v62 =	vld.idx.msk [tilespmem:v29+s12+$0x7000 ss:$0x1], $0xffff;
	v51 =	vmul.f32 v58, v48;
	v42 =	vadd.f32 v53, v42;
	v56 =	vunpack.i.l.bf16.f32 v49  }
0x1ed: {  	v49 =	vunpack.i.u.bf16.f32 v49;
	v36 =	vadd.f32 v47, v36;
	v47 =	vmul.f32 v56, v48  }
0x1ee: {  	v58 =	vld.idx.msk [tilespmem:v29+s12+$0x7010 ss:$0x1], $0xffff;
	v49 =	vmul.f32 v49, v48;
	v59 =	vunpack.i.l.bf16.f32 v63;
	v40 =	vadd.f32 v46, v40  }
0x1ef: {  	v37 =	vadd.f32 v51, v37;
	v61 =	vunpack.i.u.bf16.f32 v63;
	v60 =	vmul.f32 v59, v48  }
0x1f0: {  	v63 =	vmul.f32 v61, v48;
	v50 =	vld.idx.msk [tilespmem:v57+s22+$0x0], $0xffff;
	v43 =	vadd.f32 v47, v43;
	v45 =	vadd.f32 v49, v45  }
0x1f1: {  	v59 =	vld.idx.msk [tilespmem:v29+s12+$0x7020 ss:$0x1], $0xffff;
	v57 =	vunpack.i.l.bf16.f32 v54;
	v54 =	vunpack.i.u.bf16.f32 v54;
	v61 =	vunpack.i.l.bf16.f32 v62  }
0x1f2: {  	v44 =	vadd.f32 v60, v44;
	v52 =	vmul.f32 v57, v48;
	v60 =	vmul.f32 v54, v48  }
0x1f3: {  	v62 =	vunpack.i.u.bf16.f32 v62;
	v39 =	vadd.f32 v63, v39;
	v63 =	vunpack.i.u.bf16.f32 v58  }
0x1f4: {  	s14 =	sadd.s32 $0xF0, s31;
	v48 =	vld.idx.msk [tilespmem:v29+s12+$0x7030 ss:$0x1], $0xffff;
	v54 =	vunpack.i.l.bf16.f32 v58;
	v41 =	vadd.f32 v52, v41;
	v30 =	vadd.f32 v60, v30  }
0x1f5: {  	v57 =	vld.idx.msk [tilespmem:v29+s12+$0x7040 ss:$0x1], $0xffff;
	v52 =	vmov s14;
	v47 =	vmul.f32 v61, v50;
	v46 =	vmul.f32 v62, v50  }
0x1f6: {  	v51 =	vmul.f32 v54, v50;
	v49 =	vmul.f32 v63, v50;
	v56 =	vunpack.i.l.bf16.f32 v59  }
0x1f7: {  	v59 =	vunpack.i.u.bf16.f32 v59;
	v58 =	vmul.f32 v56, v50;
	v33 =	vadd.f32 v47, v33  }
0x1f8: {  	v60 =	vmul.f32 v59, v50;
	v31 =	vadd.f32 v46, v31;
	v35 =	vadd.f32 v51, v35  }
0x1f9: {  	v62 =	vld.idx.msk [tilespmem:v29+s12+$0x7050 ss:$0x1], $0xffff;
	v32 =	vadd.f32 v49, v32;
	v61 =	vunpack.i.l.bf16.f32 v48;
	v48 =	vunpack.i.u.bf16.f32 v48  }
0x1fa: {  	v51 =	vld.idx.msk [tilespmem:v29+s12+$0x7060 ss:$0x1], $0xffff;
	v63 =	vunpack.i.u.bf16.f32 v57;
	v53 =	vunpack.i.l.bf16.f32 v57;
	v47 =	vmul.f32 v61, v50  }
0x1fb: {  	v59 =	vld.idx.msk [tilespmem:v29+s12+$0x7070 ss:$0x1], $0xffff;
	v34 =	vadd.f32 v58, v34;
	v48 =	vmul.f32 v48, v50;
	v57 =	vmul.f32 v53, v50  }
0x1fc: {  	v38 =	vadd.f32 v60, v38;
	v58 =	vmul.f32 v63, v50;
	v40 =	vadd.f32 v47, v40  }
0x1fd: {  	v63 =	vld.idx.msk [tilespmem:v29+s12+$0x7810 ss:$0x1], $0xffff;
	v36 =	vadd.f32 v48, v36;
	v42 =	vadd.f32 v57, v42  }
0x1fe: {  	v37 =	vadd.f32 v58, v37;
	v60 =	vunpack.i.l.bf16.f32 v62;
	v47 =	vld.idx.msk [tilespmem:v29+s12+$0x7800 ss:$0x1], $0xffff;
	v61 =	vunpack.i.u.bf16.f32 v62  }
0x1ff: {  	v52 =	vld.idx.msk [tilespmem:v52+s22+$0x0], $0xffff;
	v46 =	vmul.f32 v60, v50;
	v48 =	vmul.f32 v61, v50;
	v62 =	vunpack.i.l.bf16.f32 v51  }
0x200: {  	v57 =	vunpack.i.l.bf16.f32 v59;
	v59 =	vunpack.i.u.bf16.f32 v59;
	v49 =	vmul.f32 v62, v50  }
0x201: {  	v51 =	vunpack.i.u.bf16.f32 v51;
	v58 =	vmul.f32 v57, v50;
	v44 =	vadd.f32 v46, v44  }
0x202: {  	v56 =	vmul.f32 v51, v50;
	v39 =	vadd.f32 v48, v39;
	v43 =	vadd.f32 v49, v43;
	v49 =	vld.idx.msk [tilespmem:v29+s12+$0x7820 ss:$0x1], $0xffff  }
0x203: {  	v51 =	vld.idx.msk [tilespmem:v29+s12+$0x7840 ss:$0x1], $0xffff;
	v46 =	vmul.f32 v59, v50;
	v62 =	vunpack.i.l.bf16.f32 v63;
	v60 =	vunpack.i.l.bf16.f32 v47  }
0x204: {  	v54 =	vld.idx.msk [tilespmem:v29+s12+$0x7830 ss:$0x1], $0xffff;
	v50 =	vmul.f32 v62, v52;
	v47 =	vunpack.i.u.bf16.f32 v47;
	v61 =	vmul.f32 v60, v52  }
0x205: {  	v41 =	vadd.f32 v58, v41;
	v45 =	vadd.f32 v56, v45;
	v47 =	vmul.f32 v47, v52  }
0x206: {  	s13 =	sand.u32 $0x1800, s28;
	v55 =	vld.idx.msk [tilespmem:v29+s12+$0x7850 ss:$0x1], $0xffff;
	s14 =	sand.u32 $0x380, s0;
	v63 =	vunpack.i.u.bf16.f32 v63;
	v35 =	vadd.f32 v50, v35;
	v33 =	vadd.f32 v61, v33  }
0x207: {  	s14 =	sor.u32 s14, s13;
	v56 =	vld.idx.msk [tilespmem:v29+s12+$0x7870 ss:$0x1], $0xffff;
	v31 =	vadd.f32 v47, v31;
	v61 =	vmul.f32 v63, v52;
	v62 =	vunpack.i.l.bf16.f32 v49  }
0x208: {  	v60 =	vld.idx.msk [tilespmem:v29+s12+$0x7860 ss:$0x1], $0xffff;
	s12 =	sadd.s32 $0x19200, s14;
	v50 =	vunpack.i.u.bf16.f32 v51;
	[tilespmem:s14+$0x19200] =	vst v33;
	v63 =	vunpack.i.u.bf16.f32 v49;
	v48 =	vmul.f32 v62, v52  }
0x209: {  	v32 =	vadd.f32 v61, v32;
	[tilespmem:s12+$0x400] =	vst v31;
	v31 =	vunpack.i.l.bf16.f32 v54;
	v33 =	vmul.f32 v63, v52  }
0x20a: {  	v49 =	vunpack.i.l.bf16.f32 v51;
	[tilespmem:s12+$0x10] =	vst v35;
	v31 =	vmul.f32 v31, v52;
	v34 =	vadd.f32 v48, v34  }
0x20b: {  	[tilespmem:s12+$0x410] =	vst v32;
	v32 =	vmul.f32 v49, v52;
	v48 =	vunpack.i.u.bf16.f32 v54;
	v33 =	vadd.f32 v33, v38  }
0x20c: {  	v51 =	vunpack.i.l.bf16.f32 v55;
	v31 =	vadd.f32 v31, v40;
	v35 =	vmul.f32 v48, v52;
	[tilespmem:s12+$0x20] =	vst v34  }
0x20d: {  	v54 =	vunpack.i.u.bf16.f32 v55;
	v32 =	vadd.f32 v32, v42;
	v34 =	vmul.f32 v50, v52;
	[tilespmem:s12+$0x420] =	vst v33  }
0x20e: {  	v58 =	vunpack.i.u.bf16.f32 v60;
	[tilespmem:s12+$0x30] =	vst v31;
	v33 =	vmul.f32 v54, v52;
	v35 =	vadd.f32 v35, v36  }
0x20f: {  	v55 =	vunpack.i.l.bf16.f32 v60;
	v60 =	vmul.f32 v58, v52;
	[tilespmem:s12+$0x40] =	vst v32;
	v31 =	vadd.f32 v34, v37  }
0x210: {  	v36 =	vmul.f32 v51, v52;
	v59 =	vadd.f32 v33, v39;
	[tilespmem:s12+$0x430] =	vst v35  }
0x211: {  	v61 =	vunpack.i.l.bf16.f32 v56;
	v34 =	vmul.f32 v55, v52;
	v33 =	vadd.f32 v60, v45;
	[tilespmem:s12+$0x440] =	vst v31  }
0x212: {  	p0 =	sne.s32 s11, $0x1E00;
	v62 =	vunpack.i.u.bf16.f32 v56;
	v57 =	vadd.f32 v36, v44;
	v36 =	vmul.f32 v61, v52;
	[tilespmem:s12+$0x450] =	vst v59  }
.Ltmp4:
0x213: {  	v30 =	vadd.f32 v46, v30;
	v31 =	vadd.f32 v34, v43;
	v34 =	vmul.f32 v62, v52;
	[tilespmem:s12+$0x460] =	vst v33;
	(pc) =	sbr.rel @p0 .LBB2_3-.Ltmp4, $4  }
0x214: {  	[tilespmem:s12+$0x50] =	vst v57;
	v63 =	vadd.f32 v36, v41  }
0x215: {  	[tilespmem:s12+$0x60] =	vst v31;
	v30 =	vadd.f32 v34, v30  }
0x216: {  	s11 =	sadd.s32 $0x200, s11;
	[tilespmem:s12+$0x70] =	vst v63  }
0x217: {  	s28 =	sadd.s32 $0x100, s28;
	s31 =	sadd.s32 $0x1, s31;
	s0 =	sadd.s32 $0x80, s0;
	[tilespmem:s12+$0x470] =	vst v30  }
0x218: {  	v29 =	vmov s2  }
0x219: {  	v29 =	vbroadcast v29, $0x0;
	_ =	sdelay $0x1  }
0x21a: {  	v29 =	vor.u32 v0, v29  }
0x21b: {  	v30 =	vmulhi.u32 $0x5397829D, v29;
	_ =	sdelay $0x1  }
0x21c: {  	v30 =	vshrl.u32 v30, $0x4  }
0x21d: {  	v31 =	vmul.u32 $0xFFFFFFCF, v30;
	_ =	sdelay $0x1  }
0x21e: {  	v29 =	vadd.s32 v29, v31  }
0x21f: {  	v29 =	vshll.u32 v29, $0x9  }
0x220: {  	v29 =	vadd.s32 v30, v29  }
0x221: {  	v31 =	vshll.u32 v29, $0x1  }
0x222: {  	v30 =	vand.u32 $0x7, v30;
	v31 =	vand.u32 $0x1FFFFFF0, v31  }
0x223: {  	v32 =	vshrl.u32 v0, $0x3;
	v30 =	vor.u32 v30, v31;
	v31 =	vand.u32 $0x7, v0  }
0x224: {  	v32 =	vmul.u32 $0x8, v32;
	v31 =	vperm.xlane v30, v31  }
0x225: {  	v33 =	vor.u32 $0x8, v0  }
0x226: {  	v30 =	vperm.xlane v30, v33;
	v31 =	vadd.s32 v32, v31;
	_ =	sdelay $0x1  }
0x227: {  	p0 =	sgt.u32 s29, $0x2D;
	v30 =	vadd.s32 v32, v30  }
.Ltmp5:
0x228: {  	s0 =	sshll.u32 s30, $0x7;
	s28 =	sshll.u32 s30, $0xC;
	(pc) =	sbr.rel @p0 .LBB2_6-.Ltmp5, $4  }
0x229: {  	vm0 =	vmmov $0xffff;
	s30 =	sadd.s32 $0x19200, s28;
	[tilespmem:s0+$0x1B200] =	vst v29  }
0x22a: {  	[hbm4b:s3+s7] =	stream.indirect_vreg.scatter [tilespmem:s30], [sflag:$0x2], $0x80, v31, vm0, $0xb8;
	[tilespmem:$0x1B300] =	vst v63  }
0x22b: {  	s31 =	sadd.s32 $0x19A00, s28  }
0x22c: {  	[hbm4b:s3+s7] =	stream.indirect_vreg.scatter [tilespmem:s31], [sflag:$0x2], $0x80, v30, vm0, $0xb8;
	[tilespmem:$0x1B300] =	vst v63  }
0x22d: {  	s0 =	sadd.s32 $0x3, s29  }
0x22e: {  	s2 =	sshll.u32 s0, $0x4  }
0x22f: {  	s2 =	sadd.s32 s1, s2  }
0x230: {  	v29 =	vmov s2  }
0x231: {  	v29 =	vbroadcast v29, $0x0;
	_ =	sdelay $0x1  }
0x232: {  	v29 =	vor.u32 v0, v29  }
0x233: {  	v30 =	vmulhi.u32 $0x5397829D, v29;
	_ =	sdelay $0x1  }
0x234: {  	v30 =	vshrl.u32 v30, $0x4  }
0x235: {  	v31 =	vmul.u32 $0x5, v30;
	_ =	sdelay $0x1  }
0x236: {  	v32 =	vadd.s32 $0x2, v31  }
0x237: {  	v33 =	vadd.s32 $0x4, v31  }
0x238: {  	v34 =	vadd.s32 $0x1, v31  }
0x239: {  	v35 =	vadd.s32 $0x3, v31;
	_ =	sdelay $0x1  }
0x23a: {  	v30 =	vmul.u32 $0xCF, v30;
	v32 =	vld.idx.msk [tilespmem:v32+s7+$0x0], $0xffff  }
0x23b: {  	v33 =	vld.idx.msk [tilespmem:v33+s7+$0x0], $0xffff  }
0x23c: {  	v29 =	vadd.s32 v29, v30;
	v34 =	vld.idx.msk [tilespmem:v34+s7+$0x0], $0xffff  }
0x23d: {  	v30 =	vand.u32 $0xFF, v29;
	v35 =	vld.idx.msk [tilespmem:v35+s7+$0x0], $0xffff  }
0x23e: {  	v30 =	vmulhi.u32 $0x24924925, v30;
	_ =	sdelay $0x1  }
0x23f: {  	v36 =	vcvt.s32.f32 v30  }
0x240: {  	v32 =	vmul.f32 $1.250000000e-01, v32;
	v33 =	vmul.f32 $1.250000000e-01, v33  }
0x241: {  	v34 =	vmul.f32 $1.250000000e-01, v34;
	v35 =	vmul.f32 $1.250000000e-01, v35  }
0x242: {  	v30 =	vmul.u32 $0xF9, v30;
	v32 =	vadd.f32 $-5.000000000e-01, v32;
	v33 =	vadd.f32 $-5.000000000e-01, v33  }
0x243: {  	v31 =	vld.idx.msk [tilespmem:v31+s7+$0x0], $0xffff;
	v34 =	vadd.f32 $-5.000000000e-01, v34;
	v35 =	vadd.f32 $-5.000000000e-01, v35  }
0x244: {  	v29 =	vadd.s32 v29, v30;
	v33 =	vsub.f32 v33, v32  }
0x245: {  	v29 =	vand.u32 $0xFF, v29;
	v30 =	vsub.f32 v35, v34  }
0x246: {  	v37 =	vadd.f32 $2.500000000e-01, v36;
	v29 =	vcvt.s32.f32 v29;
	v33 =	vmax.f32 v33, $1.000000000e+00  }
0x247: {  	v36 =	vadd.f32 $7.500000000e-01, v36;
	v30 =	vmax.f32 v30, $1.000000000e+00;
	v33 =	vmul.f32 $1.428571490e-01, v33  }
0x248: {  	v31 =	vtrunc.f32 v31;
	v39 =	vadd.f32 $2.500000000e-01, v29;
	v30 =	vmul.f32 $1.428571490e-01, v30  }
0x249: {  	v31 =	vcvt.f32.s32 v31;
	v29 =	vadd.f32 $7.500000000e-01, v29;
	v37 =	vmul.f32 v33, v37  }
0x24a: {  	v39 =	vmul.f32 v30, v39;
	v33 =	vmul.f32 v33, v36  }
0x24b: {  	v29 =	vmul.f32 v30, v29;
	v37 =	vadd.f32 v37, v32  }
0x24c: {  	v31 =	vmul.u32 $0x3B60, v31;
	v39 =	vadd.f32 v39, v34;
	v30 =	vadd.f32 v33, v32  }
0x24d: {  	v29 =	vadd.f32 v29, v34;
	v56 =	vmax.f32 v37, $0.0e+00;
	vm0 =	vgt.f32 v37, $-1.000000000e+00  }
0x24e: {  	vm1 =	vlt.f32 v37, $1.000000000e+02;
	v58 =	vmax.f32 v39, $0.0e+00;
	v45 =	vmax.f32 v30, $0.0e+00  }
0x24f: {  	vm7 =	vgt.f32 v39, $-1.000000000e+00;
	vm8 =	vlt.f32 v39, $1.520000000e+02;
	v35 =	vmin.f32 v56, $9.900000000e+01  }
0x250: {  	v46 =	vmax.f32 v29, $0.0e+00;
	vm10 =	vgt.f32 v29, $-1.000000000e+00;
	v38 =	vtrunc.f32 v35  }
0x251: {  	vm11 =	vlt.f32 v29, $1.520000000e+02;
	vm0 =	vmand vm0, vm1;
	v38 =	vcvt.f32.s32 v38  }
0x252: {  	vm13 =	vgt.f32 v30, $-1.000000000e+00;
	v39 =	vmin.f32 v46, $1.510000000e+02;
	v41 =	vsel vm0, $0x3F000000, v28  }
0x253: {  	vm0 =	vmand vm7, vm8;
	v48 =	vtrunc.f32 v39;
	v40 =	vcvt.s32.f32 v38  }
0x254: {  	v47 =	vsel vm0, $0x3F000000, v28;
	vm0 =	vmand vm10, vm11;
	v59 =	vadd.s32 $0x1, v38  }
0x255: {  	vm6 =	vlt.s32 v59, $0x63;
	v35 =	vsub.f32 v35, v40;
	v40 =	vmin.f32 v58, $1.510000000e+02  }
0x256: {  	v61 =	vmul.u32 $0x98, v38;
	v62 =	vnsel vm6, $0x63, v59;
	v42 =	vtrunc.f32 v40  }
0x257: {  	v63 =	vmul.u32 $0x98, v62;
	v57 =	vsub.f32 $1.000000000e+00, v35;
	v36 =	vcvt.f32.s32 v42  }
0x258: {  	v46 =	vsel vm0, $0x3F000000, v28;
	v33 =	vadd.s32 v31, v61;
	v42 =	vcvt.f32.s32 v48  }
0x259: {  	s30 =	sshll.u32 s0, $0x8;
	v34 =	vadd.s32 v31, v63;
	v37 =	vmul.f32 v57, v41;
	v60 =	vcvt.s32.f32 v36  }
0x25a: {  	s2 =	sand.u32 $0x300, s30;
	v43 =	vadd.s32 $0x1, v36;
	v49 =	vcvt.s32.f32 v42;
	v44 =	vadd.s32 v36, v33  }
0x25b: {  	v54 =	vadd.s32 v36, v34;
	vm9 =	vlt.s32 v43, $0x97;
	[tilespmem:s2+$0xA00] =	vst v44;
	v32 =	vsub.f32 v40, v60  }
0x25c: {  	v59 =	vadd.s32 v42, v33;
	v63 =	vadd.s32 v42, v34;
	[tilespmem:s2+$0xA20] =	vst v54;
	v43 =	vnsel vm9, $0x97, v43  }
0x25d: {  	[tilespmem:s2+$0xA40] =	vst v59;
	v29 =	vsub.f32 v39, v49;
	v40 =	vsub.f32 $1.000000000e+00, v32;
	v32 =	vmul.f32 v32, v47  }
0x25e: {  	v35 =	vmul.f32 v35, v41;
	v58 =	vadd.s32 $0x1, v42;
	[tilespmem:s2+$0xA60] =	vst v63;
	v50 =	vadd.s32 v43, v33  }
0x25f: {  	v56 =	vadd.s32 v43, v34;
	[tilespmem:s2+$0xA10] =	vst v50;
	v53 =	vsub.f32 $1.000000000e+00, v29;
	v51 =	vmul.f32 v37, v32  }
0x260: {  	vm12 =	vlt.s32 v58, $0x97;
	v29 =	vmul.f32 v29, v46;
	[tilespmem:s2+$0xA30] =	vst v56;
	v57 =	vmul.f32 v35, v32  }
0x261: {  	vm14 =	vlt.f32 v30, $1.000000000e+02;
	v39 =	vmul.f32 v53, v46;
	v46 =	vnsel vm12, $0x97, v58;
	[tilespmem:s2+$0xE10] =	vst v51  }
0x262: {  	v40 =	vmul.f32 v40, v47;
	v61 =	vmul.f32 v37, v29;
	v30 =	vadd.s32 v46, v33;
	[tilespmem:s2+$0xE30] =	vst v57  }
0x263: {  	v38 =	vmin.f32 v45, $9.900000000e+01;
	[tilespmem:s2+$0xA50] =	vst v30  }
0x264: {  	v52 =	vtrunc.f32 v38;
	v34 =	vadd.s32 v46, v34;
	v45 =	vmul.f32 v37, v40;
	[tilespmem:s2+$0xE50] =	vst v61  }
0x265: {  	v44 =	vcvt.f32.s32 v52;
	v55 =	vmul.f32 v40, v35;
	[tilespmem:s2+$0xA70] =	vst v34  }
0x266: {  	v60 =	vmul.f32 v37, v39;
	[tilespmem:s2+$0xE00] =	vst v45  }
0x267: {  	v49 =	vmul.u32 $0x98, v44;
	v48 =	vmul.f32 v39, v35;
	[tilespmem:s2+$0xE20] =	vst v55  }
0x268: {  	v50 =	vadd.s32 $0x1, v44;
	v35 =	vmul.f32 v35, v29;
	[tilespmem:s2+$0xE40] =	vst v60  }
0x269: {  	vm15 =	vlt.s32 v50, $0x63;
	v47 =	vcvt.s32.f32 v44;
	v51 =	vadd.s32 v31, v49;
	[tilespmem:s2+$0xE60] =	vst v48  }
0x26a: {  	v33 =	vnsel vm15, $0x63, v50;
	v52 =	vadd.s32 v36, v51;
	[tilespmem:s2+$0xE70] =	vst v35  }
0x26b: {  	v38 =	vsub.f32 v38, v47;
	v33 =	vmul.u32 $0x98, v33;
	v54 =	vadd.s32 v43, v51;
	[tilespmem:s2+$0xA80] =	vst v52  }
0x26c: {  	vm0 =	vmand vm13, vm14;
	v58 =	vadd.s32 v42, v51;
	[tilespmem:s2+$0xA90] =	vst v54  }
0x26d: {  	v62 =	vsub.f32 $1.000000000e+00, v38;
	v31 =	vadd.s32 v31, v33;
	[tilespmem:s2+$0xAC0] =	vst v58;
	v60 =	vadd.s32 v46, v51  }
0x26e: {  	v30 =	vsel vm0, $0x3F000000, v28;
	v33 =	vadd.s32 v36, v31;
	[tilespmem:s2+$0xAD0] =	vst v60  }
0x26f: {  	v57 =	vadd.s32 v43, v31;
	v37 =	vmul.f32 v62, v30;
	[tilespmem:s2+$0xAA0] =	vst v33  }
0x270: {  	[tilespmem:s2+$0xAB0] =	vst v57;
	v62 =	vadd.s32 v42, v31  }
0x271: {  	s11 =	smul.u32 $0xAB, s0;
	v30 =	vmul.f32 v38, v30;
	v31 =	vadd.s32 v46, v31;
	[tilespmem:s2+$0xAE0] =	vst v62;
	v53 =	vmul.f32 v37, v40  }
0x272: {  	[tilespmem:s2+$0xAF0] =	vst v31;
	v55 =	vmul.f32 v37, v32  }
0x273: {  	s11 =	sshrl.u32 s11, $0x9;
	v56 =	vmul.f32 v40, v30;
	[tilespmem:s2+$0xE80] =	vst v53  }
0x274: {  	s11 =	sand.u32 $0x7F, s11;
	v32 =	vmul.f32 v30, v32;
	[tilespmem:s2+$0xE90] =	vst v55  }
0x275: {  	s11 =	smul.u32 $0x3, s11;
	v59 =	vmul.f32 v37, v39;
	[tilespmem:s2+$0xEA0] =	vst v56  }
0x276: {  	v61 =	vmul.f32 v37, v29;
	[tilespmem:s2+$0xEB0] =	vst v32  }
0x277: {  	s0 =	ssub.s32 s0, s11;
	v63 =	vmul.f32 v39, v30;
	[tilespmem:s2+$0xEC0] =	vst v59  }
0x278: {  	s0 =	sand.u32 $0xFF, s0;
	v29 =	vmul.f32 v30, v29;
	[tilespmem:s2+$0xED0] =	vst v61  }
.Ltmp6:
0x279: {  	s0 =	sshll.u32 s0, $0xF;
	[tilespmem:s2+$0xEE0] =	vst v63;
	(pc) =	sbr.rel .LBB2_6-.Ltmp6, $4  }
0x27a: {  	s31 =	sadd.s32 $0xA00, s2;
	s12 =	sor.u32 $0x1200, s0;
	[tilespmem:s2+$0xEF0] =	vst v29  }
0x27b: {  	[tilespmem:s12], [sflag:$0x1] =	stream.indirect.gather [hbm4b:s4+s9], $0x80, s31, s9, $0xb8;
	[tilespmem:$0x1B300] =	vst v63  }
0x27c: {  	s0 =	sor.u32 $0x5200, s0;
	s2 =	sadd.s32 $0xA80, s2  }
0x27d: {  	[tilespmem:s0], [sflag:$0x1] =	stream.indirect.gather [hbm4b:s4+s9], $0x80, s2, s9, $0xb8;
	[tilespmem:$0x1B300] =	vst v63  }
.LBB2_8:
0x27e: {  	_ =	sfence.sel $0x180000  }
0x27f: {  	[bflag:$0x0] =	sbarrier.arrive $0xFFFF  }
0x280: {  	_ =	strace $0x90000047  }
0x281: {  	s0 =	stileid.u32;
	[bflag:$0x2] =	sbarrier.arrive $0xFFFF  }
0x282: {  	p0 =	sne.s32 s0, $0x0;
	s0 =	rddreg [dreg:$0x2]  }
0x283: {  	s0 =	sadd.s32 @!p0 $0x100000, s0  }
0x284: {  	[sflag:s0] =	ssyncadd.tile.s32 @!p0 $0x1;
	_ =	shalt  }
.Lfunc_end2:
_tile_overlayer_lowered:
.L_overlay_start_2:
0x285: {  	(tag) =	ssettag $0x2  }
0x286: {  	s0 =	rddreg [dreg:$0x0];
	s2 =	stileid.u32  }
0x287: {  	s1 =	rddreg [dreg:$0x1];
	p0 =	sne.s32 s2, $0x0  }
0x288: {  	s3 =	rddreg [dreg:$0x2];
	[bflag:$0x3] =	sbarrier.arrive $0xFFFF;
	s2 =	simm.s32 @!p0 $0x1C03  }
0x289: {  	[timem:s3], [sflag:s2] =	dma.local @!p0 [hbm:s0], s1  }
0x28a: {  	s0 =	simm.s32 @!p0 $0x3  }
0x28b: {  	_ =	swait.ge @!p0 [sflag:s0], s1  }
0x28c: {  	s1 =	ssub.s32 @!p0 $0x0, s1;
	[sflag:s0] =	ssyncset.done @!p0 $0x0  }
0x28d: {  	[sflag:s0] =	ssyncadd.s32 @!p0 s1  }
0x28e: {  	[bflag:$0x3] =	sbarrier.arrive $0xFFFF  }
0x28f: {  	_ =	shalt  }

</sc_bundles>
